<compile_context>
chip_gen: v7x
topology: tpu7x:2x2x1
jax: 0.10.2.dev20260603
libtpu: 0.0.44.dev20260713+nightly
codegen_flags: <defaults>
</compile_context>

<pallas_src>
import jax
import jax.numpy as jnp
from jax import lax
from jax.experimental import pallas as pl
from jax.experimental.pallas import tpu as pltpu
from jax.experimental.pallas import tpu_sc as plsc

M = 1000000
D = 64
B = 16384

NC = 2
NS = 16
NW = NC * NS
R = 31248
TAIL = M - NW * R
L = 16
MAP = R + TAIL
CR = 112
NCH = R // CR
NBUF = 4
CWCAP = CR + L


def _body(voxel, idx, pixels, out, idx_v, map_v, pk_l, cw_l, cbuf,
          csem, wsem, psem):
    wid = lax.axis_index("s") * NC + lax.axis_index("c")
    last = wid == NW - 1
    lo = pl.multiple_of(wid * R, 8)
    hi = jnp.where(last, M, lo + R)

    idx_stage = pltpu.async_copy(idx, idx_v, csem)
    lane = lax.iota(jnp.int32, L)

    def minit(k, carry):
        map_v[pl.ds(k * L, L)] = jnp.full((L,), -1, jnp.int32)
        return carry

    lax.fori_loop(0, MAP // L, minit, jnp.int32(0))
    idx_stage.wait()

    def p1(c, ptr):
        v = idx_v[pl.ds(c * L, L)]
        m = (v >= lo) & (v < hi)
        pk = jnp.where(m, v - lo, 0) * B + (c * L + lane)
        csum = plsc.cumsum(m.astype(jnp.int32))
        plsc.store_scatter(pk_l, [ptr + csum - 1], pk, mask=m)
        return ptr + csum[L - 1]

    n = lax.fori_loop(0, B // L, p1, jnp.int32(0))
    nch = (n + L - 1) // L

    def fix_step(k, carry):
        m = (k * L + lane) < n
        pk = pk_l[pl.ds(k * L, L)]
        loc = jnp.where(m, lax.shift_right_logical(pk, 14), 0)
        plsc.store_scatter(map_v, [loc], pk, mask=m)
        for _ in range(L - 1):
            w = plsc.load_gather(map_v, [loc], mask=m)
            upd = m & (pk > w)
            plsc.store_scatter(map_v, [loc], pk, mask=upd)
        return carry

    lax.fori_loop(0, nch, fix_step, jnp.int32(0))

    def merge_into(off, cstart, crows):
        cnt = jnp.int32(0)
        for k in range(crows // L):
            w = map_v[pl.ds(cstart + k * L, L)]
            inb = w >= 0
            csum = plsc.cumsum(inb.astype(jnp.int32))
            plsc.store_scatter(cw_l, [cnt + csum - 1], w, mask=inb)
            cnt = cnt + csum[L - 1]

        def apply16(b, carry):
            pk = cw_l[pl.ds(b * L, L)]
            rv = lax.shift_right_logical(pk, 14) - cstart
            iv = pk & (B - 1)
            for j in range(L):
                @pl.when(b * L + j < cnt)
                def _get():
                    src = pixels.at[pl.ds(pl.multiple_of(iv[j] * D, 8), D)]
                    pltpu.async_copy(src, cbuf.at[off + rv[j]], psem)
            for j in range(L):
                @pl.when(b * L + j < cnt)
                def _drain():
                    pltpu.make_async_copy(
                        pixels.at[pl.ds(0, D)], cbuf.at[off], psem).wait()
            return carry

        lax.fori_loop(0, (cnt + L - 1) // L, apply16, jnp.int32(0))

    for b in range(NBUF - 1):
        pltpu.async_copy(voxel.at[pl.ds(pl.multiple_of(lo + b * CR, 8), CR)],
                         cbuf.at[pl.ds(b * CR, CR)], csem)

    def cstep(t, carry):
        cur = (t % NBUF) * CR
        base = pl.multiple_of(lo + t * CR, 8)
        pltpu.make_async_copy(voxel.at[pl.ds(base, CR)],
                              cbuf.at[pl.ds(cur, CR)], csem).wait()

        @pl.when(t > 0)
        def _dr():
            pltpu.make_async_copy(cbuf.at[pl.ds(cur, CR)],
                                  out.at[pl.ds(base, CR)], wsem).wait()

        @pl.when(t + NBUF - 1 < NCH)
        def _pref():
            nb = ((t + NBUF - 1) % NBUF) * CR
            src = voxel.at[
                pl.ds(pl.multiple_of(base + (NBUF - 1) * CR, 8), CR)]
            pltpu.async_copy(src, cbuf.at[pl.ds(nb, CR)], csem)

        merge_into(cur, t * CR, CR)

        pltpu.async_copy(cbuf.at[pl.ds(cur, CR)], out.at[pl.ds(base, CR)],
                         wsem)
        return carry

    lax.fori_loop(0, NCH, cstep, jnp.int32(0))
    pltpu.make_async_copy(cbuf.at[pl.ds(0, CR)], out.at[pl.ds(0, CR)],
                          wsem).wait()

    @pl.when(last)
    def _tail():
        pltpu.sync_copy(voxel.at[pl.ds(M - TAIL, TAIL)],
                        cbuf.at[pl.ds(0, TAIL)])
        merge_into(jnp.int32(0), jnp.int32(R), TAIL)
        pltpu.sync_copy(cbuf.at[pl.ds(0, TAIL)], out.at[pl.ds(M - TAIL, TAIL)])


_scatter = pl.kernel(
    _body,
    out_type=jax.ShapeDtypeStruct((M, D), jnp.float32),
    mesh=plsc.VectorSubcoreMesh(core_axis_name="c", subcore_axis_name="s"),
    compiler_params=pltpu.CompilerParams(needs_layout_passes=False),
    scratch_types=[
        pltpu.VMEM((B,), jnp.int32),
        pltpu.VMEM((MAP,), jnp.int32),
        pltpu.VMEM((B,), jnp.int32),
        pltpu.VMEM((CWCAP,), jnp.int32),
        pltpu.VMEM((NBUF * CR, D), jnp.float32),
        pltpu.SemaphoreType.DMA,
        pltpu.SemaphoreType.DMA,
        pltpu.SemaphoreType.DMA,
    ],
)


@jax.jit
def kernel(voxel, scatter_indices, pixels):
    return _scatter(voxel, scatter_indices.reshape(B), pixels.reshape(B * D))

# --- scband reference (transcript-rebuilt; emitter-appended) ---
"""Pipeline reference for scband-scatter-nd-13889924235926 (READ-ONLY COPY).

The authoritative reference and input builder live on the scoring server;
editing this copy changes nothing except your own understanding.
"""

import jax, jax.numpy as jnp
import numpy as np

M = 1000000
D = 64
B = 16384

def setup_inputs(seed: int = 0) -> dict:
    key = jax.random.key(seed)
    k1, k2, k3 = jax.random.split(key, 3)
    voxel = jax.random.normal(k1, (M, D), dtype=jnp.float32)
    scatter_indices = jax.random.randint(k2, (B, 1), 0, M, dtype=jnp.int32)
    pixels = jax.random.normal(k3, (B, D), dtype=jnp.float32)
    return {"voxel": voxel, "scatter_indices": scatter_indices, "pixels": pixels}

def reference(voxel, scatter_indices, pixels):
    # tf.tensor_scatter_nd_update with indices of shape [B, 1] overwrites rows of voxel
    idx = scatter_indices[:, 0]
    return voxel.at[idx].set(pixels)

if __name__ == "__main__":
    import jax
    _d = setup_inputs()
    print(jax.jit(kernel)(*tuple(_d.values())))

</pallas_src>

<mosaic_0001>
#map = affine_map<(d0, d1) -> (0, 0)>
#map1 = affine_map<(d0, d1) -> (0)>
module attributes {stable_mosaic.version = 14 : i64} {
  func.func @_body(%arg0: i32, %arg1: i32, %arg2: memref<1000000x64xf32, #tpu.memory_space<hbm>>, %arg3: memref<16384xi32, #tpu.memory_space<hbm>>, %arg4: memref<1048576xf32, #tpu.memory_space<hbm>>, %arg5: memref<1000000x64xf32, #tpu.memory_space<hbm>>, %arg6: memref<16384xi32, #tpu.memory_space<vmem>>, %arg7: memref<31312xi32, #tpu.memory_space<vmem>>, %arg8: memref<16384xi32, #tpu.memory_space<vmem>>, %arg9: memref<128xi32, #tpu.memory_space<vmem>>, %arg10: memref<448x64xf32, #tpu.memory_space<vmem>>, %arg11: memref<!tpu.dma_semaphore, #tpu.memory_space<semaphore_mem>>, %arg12: memref<!tpu.dma_semaphore, #tpu.memory_space<semaphore_mem>>, %arg13: memref<!tpu.dma_semaphore, #tpu.memory_space<semaphore_mem>>) attributes {dimension_semantics = [#tpu.dimension_semantics<core_parallel>, #tpu.dimension_semantics<subcore_parallel>], iteration_bounds = array<i64: 2, 16>, scalar_prefetch = 0 : i64, scratch_operands = 8 : i64, tpu.core_type = #tpu.core_type<sc_vector_subcore>, window_params = [{transform_indices = #map}, {transform_indices = #map1}, {transform_indices = #map1}, {transform_indices = #map}]} {
    %mul3A = arith.constant 2 : i32
    %mul3A_0 = arith.muli %arg1, %mul3A : i32
    %add3A = arith.addi %mul3A_0, %arg0 : i32
    %eq3A = arith.constant 31 : i32
    %eq3A_1 = arith.cmpi eq, %add3A, %eq3A : i32
    %mul3A_2 = arith.constant 31248 : i32
    %mul3A_3 = arith.muli %add3A, %mul3A_2 : i32
    %multiple_of3A = tpu.assume_multiple %mul3A_3, 8 : i32
    %add3A_4 = arith.constant 31248 : i32
    %add3A_5 = arith.addi %multiple_of3A, %add3A_4 : i32
    %jit3A = arith.constant 1000000 : i32
    %select_n3A = arith.select %eq3A_1, %jit3A, %add3A_5 : i32
    tpu.enqueue_dma source(%arg3 : memref<16384xi32, #tpu.memory_space<hbm>>) target(%arg6 : memref<16384xi32, #tpu.memory_space<vmem>>) target_semaphore(%arg11 : memref<!tpu.dma_semaphore, #tpu.memory_space<semaphore_mem>>)
    %iota3A = tpu.iota {dimensions = array<i32: 0>} : vector<16xi32>
    %scan3A = arith.constant 0 : i32
    %scan3A_6 = arith.constant 0 : i32
    %scan3A_7 = arith.constant 1957 : i32
    %scan3A_8 = arith.addi %scan3A_6, %scan3A_7 : i32
    %scan3A_9 = arith.constant 1 : i32
    scf.for %scan3A_105 = %scan3A_6 to %scan3A_8 step %scan3A_9  : i32 {
      %broadcast_in_dim3A = arith.constant -1 : i32
      %broadcast_in_dim3A_106 = vector.broadcast %broadcast_in_dim3A : i32 to vector<16xi32>
      %mul3A_107 = arith.constant 16 : i32
      %mul3A_108 = arith.muli %scan3A_105, %mul3A_107 : i32
      %swap3A = arith.index_cast %mul3A_108 : i32 to index
      %swap3A_109 = tpu.vector_load %arg7[%swap3A] {strides = array<i32>} : memref<31312xi32, #tpu.memory_space<vmem>>, vector<16xi32>,
      tpu.vector_store %arg7[%swap3A], %broadcast_in_dim3A_106 {strides = array<i32>} : memref<31312xi32, #tpu.memory_space<vmem>>, vector<16xi32>,
    }
    %scan3A_10 = arith.constant 1957 : i32
    tpu.wait_dma2 semaphore(%arg11 : memref<!tpu.dma_semaphore, #tpu.memory_space<semaphore_mem>>) src(%arg3 : memref<16384xi32, #tpu.memory_space<hbm>>) dst(%arg6 : memref<16384xi32, #tpu.memory_space<vmem>>)
    %scan3A_11 = arith.constant 0 : i32
    %scan3A_12 = arith.constant 0 : i32
    %scan3A_13 = arith.constant 1024 : i32
    %scan3A_14 = arith.addi %scan3A_12, %scan3A_13 : i32
    %scan3A_15 = arith.constant 1 : i32
    %scan3A_16 = scf.for %scan3A_105 = %scan3A_12 to %scan3A_14 step %scan3A_15 iter_args(%scan3A_106 = %scan3A_11) -> (i32)  : i32 {
      %mul3A_107 = arith.constant 16 : i32
      %mul3A_108 = arith.muli %scan3A_105, %mul3A_107 : i32
      %get3A = arith.index_cast %mul3A_108 : i32 to index
      %get3A_109 = tpu.vector_load %arg6[%get3A] {strides = array<i32>} : memref<16384xi32, #tpu.memory_space<vmem>>, vector<16xi32>,
      %ge3A = vector.broadcast %multiple_of3A : i32 to vector<16xi32>
      %ge3A_110 = arith.cmpi sge, %get3A_109, %ge3A : vector<16xi32>
      %lt3A = vector.broadcast %select_n3A : i32 to vector<16xi32>
      %lt3A_111 = arith.cmpi slt, %get3A_109, %lt3A : vector<16xi32>
      %and3A_112 = arith.andi %ge3A_110, %lt3A_111 : vector<16xi1>
      %sub3A_113 = vector.broadcast %multiple_of3A : i32 to vector<16xi32>
      %sub3A_114 = arith.subi %get3A_109, %sub3A_113 : vector<16xi32>
      %jit3A_115 = arith.constant 0 : i32
      %broadcast_in_dim3A = vector.broadcast %jit3A_115 : i32 to vector<16xi32>
      %select_n3A_116 = arith.select %and3A_112, %sub3A_114, %broadcast_in_dim3A : vector<16xi1>, vector<16xi32>
      %mul3A_117 = arith.constant 16384 : i32
      %mul3A_118 = vector.broadcast %mul3A_117 : i32 to vector<16xi32>
      %mul3A_119 = arith.muli %select_n3A_116, %mul3A_118 : vector<16xi32>
      %mul3A_120 = arith.constant 16 : i32
      %mul3A_121 = arith.muli %scan3A_105, %mul3A_120 : i32
      %add3A_122 = vector.broadcast %mul3A_121 : i32 to vector<16xi32>
      %add3A_123 = arith.addi %add3A_122, %iota3A : vector<16xi32>
      %add3A_124 = arith.addi %mul3A_119, %add3A_123 : vector<16xi32>
      %convert_element_type3A_125 = arith.extui %and3A_112 : vector<16xi1> to vector<16xi32>
      %broadcast_in_dim3A_126 = arith.constant true
      %broadcast_in_dim3A_127 = vector.broadcast %broadcast_in_dim3A_126 : i1 to vector<16xi1>
      %masked_cumsum3A = tpu.scan <sum>, %convert_element_type3A_125 masked %broadcast_in_dim3A_127 : vector<16xi32>, vector<16xi1> -> vector<16xi32>
      %add3A_128 = vector.broadcast %scan3A_106 : i32 to vector<16xi32>
      %add3A_129 = arith.addi %add3A_128, %masked_cumsum3A : vector<16xi32>
      %sub3A_130 = arith.constant 1 : i32
      %sub3A_131 = vector.broadcast %sub3A_130 : i32 to vector<16xi32>
      %sub3A_132 = arith.subi %add3A_129, %sub3A_131 : vector<16xi32>
      tpu.vector_store_idx %arg8[%sub3A_132], %add3A_124 masked %and3A_112 : memref<16384xi32, #tpu.memory_space<vmem>>[vector<16xi32>], vector<16xi32>, vector<16xi1>
      %slice3A = vector.extract_strided_slice %masked_cumsum3A {offsets = [15], sizes = [1], strides = [1]} : vector<16xi32> to vector<1xi32>
      %squeeze3A = vector.extract %slice3A[0] : i32 from vector<1xi32>
      %add3A_133 = arith.addi %scan3A_106, %squeeze3A : i32
      scf.yield %add3A_133 : i32
    }
    %scan3A_17 = arith.constant 1024 : i32
    %add3A_18 = arith.constant 16 : i32
    %add3A_19 = arith.addi %scan3A_16, %add3A_18 : i32
    %sub3A = arith.constant 1 : i32
    %sub3A_20 = arith.subi %add3A_19, %sub3A : i32
    %jit3A_21 = arith.constant 16 : i32
    %div3A = arith.divsi %sub3A_20, %jit3A_21 : i32
    %sign3A = arith.constant 0 : i32
    %sign3A_22 = arith.cmpi sgt, %sub3A_20, %sign3A : i32
    %sign3A_23 = arith.extui %sign3A_22 : i1 to i32
    %sign3A_24 = arith.constant 0 : i32
    %sign3A_25 = arith.cmpi slt, %sub3A_20, %sign3A_24 : i32
    %sign3A_26 = arith.extui %sign3A_25 : i1 to i32
    %sign3A_27 = arith.subi %sign3A_23, %sign3A_26 : i32
    %sign3A_28 = arith.constant 0 : i32
    %sign3A_29 = arith.cmpi sgt, %jit3A_21, %sign3A_28 : i32
    %sign3A_30 = arith.extui %sign3A_29 : i1 to i32
    %sign3A_31 = arith.constant 0 : i32
    %sign3A_32 = arith.cmpi slt, %jit3A_21, %sign3A_31 : i32
    %sign3A_33 = arith.extui %sign3A_32 : i1 to i32
    %sign3A_34 = arith.subi %sign3A_30, %sign3A_33 : i32
    %ne3A = arith.cmpi ne, %sign3A_27, %sign3A_34 : i32
    %rem3A = arith.remsi %sub3A_20, %jit3A_21 : i32
    %ne3A_35 = arith.constant 0 : i32
    %ne3A_36 = arith.cmpi ne, %rem3A, %ne3A_35 : i32
    %and3A = arith.andi %ne3A, %ne3A_36 : i1
    %sub3A_37 = arith.constant 1 : i32
    %sub3A_38 = arith.subi %div3A, %sub3A_37 : i32
    %select_n3A_39 = arith.select %and3A, %sub3A_38, %div3A : i32
    %while3A = arith.constant 0 : i32
    %while3A_40 = arith.constant 0 : i32
    %while3A_41 = arith.subi %select_n3A_39, %while3A_40 : i32
    %while3A_42 = arith.addi %while3A_40, %while3A_41 : i32
    %while3A_43 = arith.constant 1 : i32
    %while3A_44 = arith.divsi %while3A_41, %while3A_43 : i32
    %while3A_45 = arith.muli %while3A_44, %while3A_43 : i32
    %while3A_46 = arith.addi %while3A_40, %while3A_45 : i32
    %while3A_47 = arith.constant 1 : i32
    scf.for %while3A_105 = %while3A_40 to %while3A_46 step %while3A_47  : i32 {
      %mul3A_106 = arith.constant 16 : i32
      %mul3A_107 = arith.muli %while3A_105, %mul3A_106 : i32
      %add3A_108 = vector.broadcast %mul3A_107 : i32 to vector<16xi32>
      %add3A_109 = arith.addi %add3A_108, %iota3A : vector<16xi32>
      %lt3A = vector.broadcast %scan3A_16 : i32 to vector<16xi32>
      %lt3A_110 = arith.cmpi slt, %add3A_109, %lt3A : vector<16xi32>
      %mul3A_111 = arith.constant 16 : i32
      %mul3A_112 = arith.muli %while3A_105, %mul3A_111 : i32
      %get3A = arith.index_cast %mul3A_112 : i32 to index
      %get3A_113 = tpu.vector_load %arg8[%get3A] {strides = array<i32>} : memref<16384xi32, #tpu.memory_space<vmem>>, vector<16xi32>,
      %shift_right_logical3A = arith.constant 14 : i32
      %shift_right_logical3A_114 = vector.broadcast %shift_right_logical3A : i32 to vector<16xi32>
      %shift_right_logical3A_115 = arith.shrui %get3A_113, %shift_right_logical3A_114 : vector<16xi32>
      %jit3A_116 = arith.constant 0 : i32
      %broadcast_in_dim3A = vector.broadcast %jit3A_116 : i32 to vector<16xi32>
      %select_n3A_117 = arith.select %lt3A_110, %shift_right_logical3A_115, %broadcast_in_dim3A : vector<16xi1>, vector<16xi32>
      tpu.vector_store_idx %arg7[%select_n3A_117], %get3A_113 masked %lt3A_110 : memref<31312xi32, #tpu.memory_space<vmem>>[vector<16xi32>], vector<16xi32>, vector<16xi1>
      %gather3A = tpu.vector_load_idx %arg7[%select_n3A_117] masked %lt3A_110 : memref<31312xi32, #tpu.memory_space<vmem>>[vector<16xi32>], vector<16xi32>, vector<16xi1>
      %gt3A = arith.cmpi sgt, %get3A_113, %gather3A : vector<16xi32>
      %and3A_118 = arith.andi %lt3A_110, %gt3A : vector<16xi1>
      tpu.vector_store_idx %arg7[%select_n3A_117], %get3A_113 masked %and3A_118 : memref<31312xi32, #tpu.memory_space<vmem>>[vector<16xi32>], vector<16xi32>, vector<16xi1>
      %gather3A_119 = tpu.vector_load_idx %arg7[%select_n3A_117] masked %lt3A_110 : memref<31312xi32, #tpu.memory_space<vmem>>[vector<16xi32>], vector<16xi32>, vector<16xi1>
      %gt3A_120 = arith.cmpi sgt, %get3A_113, %gather3A_119 : vector<16xi32>
      %and3A_121 = arith.andi %lt3A_110, %gt3A_120 : vector<16xi1>
      tpu.vector_store_idx %arg7[%select_n3A_117], %get3A_113 masked %and3A_121 : memref<31312xi32, #tpu.memory_space<vmem>>[vector<16xi32>], vector<16xi32>, vector<16xi1>
      %gather3A_122 = tpu.vector_load_idx %arg7[%select_n3A_117] masked %lt3A_110 : memref<31312xi32, #tpu.memory_space<vmem>>[vector<16xi32>], vector<16xi32>, vector<16xi1>
      %gt3A_123 = arith.cmpi sgt, %get3A_113, %gather3A_122 : vector<16xi32>
      %and3A_124 = arith.andi %lt3A_110, %gt3A_123 : vector<16xi1>
      tpu.vector_store_idx %arg7[%select_n3A_117], %get3A_113 masked %and3A_124 : memref<31312xi32, #tpu.memory_space<vmem>>[vector<16xi32>], vector<16xi32>, vector<16xi1>
      %gather3A_125 = tpu.vector_load_idx %arg7[%select_n3A_117] masked %lt3A_110 : memref<31312xi32, #tpu.memory_space<vmem>>[vector<16xi32>], vector<16xi32>, vector<16xi1>
      %gt3A_126 = arith.cmpi sgt, %get3A_113, %gather3A_125 : vector<16xi32>
      %and3A_127 = arith.andi %lt3A_110, %gt3A_126 : vector<16xi1>
      tpu.vector_store_idx %arg7[%select_n3A_117], %get3A_113 masked %and3A_127 : memref<31312xi32, #tpu.memory_space<vmem>>[vector<16xi32>], vector<16xi32>, vector<16xi1>
      %gather3A_128 = tpu.vector_load_idx %arg7[%select_n3A_117] masked %lt3A_110 : memref<31312xi32, #tpu.memory_space<vmem>>[vector<16xi32>], vector<16xi32>, vector<16xi1>
      %gt3A_129 = arith.cmpi sgt, %get3A_113, %gather3A_128 : vector<16xi32>
      %and3A_130 = arith.andi %lt3A_110, %gt3A_129 : vector<16xi1>
      tpu.vector_store_idx %arg7[%select_n3A_117], %get3A_113 masked %and3A_130 : memref<31312xi32, #tpu.memory_space<vmem>>[vector<16xi32>], vector<16xi32>, vector<16xi1>
      %gather3A_131 = tpu.vector_load_idx %arg7[%select_n3A_117] masked %lt3A_110 : memref<31312xi32, #tpu.memory_space<vmem>>[vector<16xi32>], vector<16xi32>, vector<16xi1>
      %gt3A_132 = arith.cmpi sgt, %get3A_113, %gather3A_131 : vector<16xi32>
      %and3A_133 = arith.andi %lt3A_110, %gt3A_132 : vector<16xi1>
      tpu.vector_store_idx %arg7[%select_n3A_117], %get3A_113 masked %and3A_133 : memref<31312xi32, #tpu.memory_space<vmem>>[vector<16xi32>], vector<16xi32>, vector<16xi1>
      %gather3A_134 = tpu.vector_load_idx %arg7[%select_n3A_117] masked %lt3A_110 : memref<31312xi32, #tpu.memory_space<vmem>>[vector<16xi32>], vector<16xi32>, vector<16xi1>
      %gt3A_135 = arith.cmpi sgt, %get3A_113, %gather3A_134 : vector<16xi32>
      %and3A_136 = arith.andi %lt3A_110, %gt3A_135 : vector<16xi1>
      tpu.vector_store_idx %arg7[%select_n3A_117], %get3A_113 masked %and3A_136 : memref<31312xi32, #tpu.memory_space<vmem>>[vector<16xi32>], vector<16xi32>, vector<16xi1>
      %gather3A_137 = tpu.vector_load_idx %arg7[%select_n3A_117] masked %lt3A_110 : memref<31312xi32, #tpu.memory_space<vmem>>[vector<16xi32>], vector<16xi32>, vector<16xi1>
      %gt3A_138 = arith.cmpi sgt, %get3A_113, %gather3A_137 : vector<16xi32>
      %and3A_139 = arith.andi %lt3A_110, %gt3A_138 : vector<16xi1>
      tpu.vector_store_idx %arg7[%select_n3A_117], %get3A_113 masked %and3A_139 : memref<31312xi32, #tpu.memory_space<vmem>>[vector<16xi32>], vector<16xi32>, vector<16xi1>
      %gather3A_140 = tpu.vector_load_idx %arg7[%select_n3A_117] masked %lt3A_110 : memref<31312xi32, #tpu.memory_space<vmem>>[vector<16xi32>], vector<16xi32>, vector<16xi1>
      %gt3A_141 = arith.cmpi sgt, %get3A_113, %gather3A_140 : vector<16xi32>
      %and3A_142 = arith.andi %lt3A_110, %gt3A_141 : vector<16xi1>
      tpu.vector_store_idx %arg7[%select_n3A_117], %get3A_113 masked %and3A_142 : memref<31312xi32, #tpu.memory_space<vmem>>[vector<16xi32>], vector<16xi32>, vector<16xi1>
      %gather3A_143 = tpu.vector_load_idx %arg7[%select_n3A_117] masked %lt3A_110 : memref<31312xi32, #tpu.memory_space<vmem>>[vector<16xi32>], vector<16xi32>, vector<16xi1>
      %gt3A_144 = arith.cmpi sgt, %get3A_113, %gather3A_143 : vector<16xi32>
      %and3A_145 = arith.andi %lt3A_110, %gt3A_144 : vector<16xi1>
      tpu.vector_store_idx %arg7[%select_n3A_117], %get3A_113 masked %and3A_145 : memref<31312xi32, #tpu.memory_space<vmem>>[vector<16xi32>], vector<16xi32>, vector<16xi1>
      %gather3A_146 = tpu.vector_load_idx %arg7[%select_n3A_117] masked %lt3A_110 : memref<31312xi32, #tpu.memory_space<vmem>>[vector<16xi32>], vector<16xi32>, vector<16xi1>
      %gt3A_147 = arith.cmpi sgt, %get3A_113, %gather3A_146 : vector<16xi32>
      %and3A_148 = arith.andi %lt3A_110, %gt3A_147 : vector<16xi1>
      tpu.vector_store_idx %arg7[%select_n3A_117], %get3A_113 masked %and3A_148 : memref<31312xi32, #tpu.memory_space<vmem>>[vector<16xi32>], vector<16xi32>, vector<16xi1>
      %gather3A_149 = tpu.vector_load_idx %arg7[%select_n3A_117] masked %lt3A_110 : memref<31312xi32, #tpu.memory_space<vmem>>[vector<16xi32>], vector<16xi32>, vector<16xi1>
      %gt3A_150 = arith.cmpi sgt, %get3A_113, %gather3A_149 : vector<16xi32>
      %and3A_151 = arith.andi %lt3A_110, %gt3A_150 : vector<16xi1>
      tpu.vector_store_idx %arg7[%select_n3A_117], %get3A_113 masked %and3A_151 : memref<31312xi32, #tpu.memory_space<vmem>>[vector<16xi32>], vector<16xi32>, vector<16xi1>
      %gather3A_152 = tpu.vector_load_idx %arg7[%select_n3A_117] masked %lt3A_110 : memref<31312xi32, #tpu.memory_space<vmem>>[vector<16xi32>], vector<16xi32>, vector<16xi1>
      %gt3A_153 = arith.cmpi sgt, %get3A_113, %gather3A_152 : vector<16xi32>
      %and3A_154 = arith.andi %lt3A_110, %gt3A_153 : vector<16xi1>
      tpu.vector_store_idx %arg7[%select_n3A_117], %get3A_113 masked %and3A_154 : memref<31312xi32, #tpu.memory_space<vmem>>[vector<16xi32>], vector<16xi32>, vector<16xi1>
      %gather3A_155 = tpu.vector_load_idx %arg7[%select_n3A_117] masked %lt3A_110 : memref<31312xi32, #tpu.memory_space<vmem>>[vector<16xi32>], vector<16xi32>, vector<16xi1>
      %gt3A_156 = arith.cmpi sgt, %get3A_113, %gather3A_155 : vector<16xi32>
      %and3A_157 = arith.andi %lt3A_110, %gt3A_156 : vector<16xi1>
      tpu.vector_store_idx %arg7[%select_n3A_117], %get3A_113 masked %and3A_157 : memref<31312xi32, #tpu.memory_space<vmem>>[vector<16xi32>], vector<16xi32>, vector<16xi1>
      %gather3A_158 = tpu.vector_load_idx %arg7[%select_n3A_117] masked %lt3A_110 : memref<31312xi32, #tpu.memory_space<vmem>>[vector<16xi32>], vector<16xi32>, vector<16xi1>
      %gt3A_159 = arith.cmpi sgt, %get3A_113, %gather3A_158 : vector<16xi32>
      %and3A_160 = arith.andi %lt3A_110, %gt3A_159 : vector<16xi1>
      tpu.vector_store_idx %arg7[%select_n3A_117], %get3A_113 masked %and3A_160 : memref<31312xi32, #tpu.memory_space<vmem>>[vector<16xi32>], vector<16xi32>, vector<16xi1>
    }
    %while3A_48 = arith.constant 1 : i32
    scf.for %while3A_105 = %while3A_46 to %while3A_42 step %while3A_48  : i32 {
      %mul3A_106 = arith.constant 16 : i32
      %mul3A_107 = arith.muli %while3A_105, %mul3A_106 : i32
      %add3A_108 = vector.broadcast %mul3A_107 : i32 to vector<16xi32>
      %add3A_109 = arith.addi %add3A_108, %iota3A : vector<16xi32>
      %lt3A = vector.broadcast %scan3A_16 : i32 to vector<16xi32>
      %lt3A_110 = arith.cmpi slt, %add3A_109, %lt3A : vector<16xi32>
      %mul3A_111 = arith.constant 16 : i32
      %mul3A_112 = arith.muli %while3A_105, %mul3A_111 : i32
      %get3A = arith.index_cast %mul3A_112 : i32 to index
      %get3A_113 = tpu.vector_load %arg8[%get3A] {strides = array<i32>} : memref<16384xi32, #tpu.memory_space<vmem>>, vector<16xi32>,
      %shift_right_logical3A = arith.constant 14 : i32
      %shift_right_logical3A_114 = vector.broadcast %shift_right_logical3A : i32 to vector<16xi32>
      %shift_right_logical3A_115 = arith.shrui %get3A_113, %shift_right_logical3A_114 : vector<16xi32>
      %jit3A_116 = arith.constant 0 : i32
      %broadcast_in_dim3A = vector.broadcast %jit3A_116 : i32 to vector<16xi32>
      %select_n3A_117 = arith.select %lt3A_110, %shift_right_logical3A_115, %broadcast_in_dim3A : vector<16xi1>, vector<16xi32>
      tpu.vector_store_idx %arg7[%select_n3A_117], %get3A_113 masked %lt3A_110 : memref<31312xi32, #tpu.memory_space<vmem>>[vector<16xi32>], vector<16xi32>, vector<16xi1>
      %gather3A = tpu.vector_load_idx %arg7[%select_n3A_117] masked %lt3A_110 : memref<31312xi32, #tpu.memory_space<vmem>>[vector<16xi32>], vector<16xi32>, vector<16xi1>
      %gt3A = arith.cmpi sgt, %get3A_113, %gather3A : vector<16xi32>
      %and3A_118 = arith.andi %lt3A_110, %gt3A : vector<16xi1>
      tpu.vector_store_idx %arg7[%select_n3A_117], %get3A_113 masked %and3A_118 : memref<31312xi32, #tpu.memory_space<vmem>>[vector<16xi32>], vector<16xi32>, vector<16xi1>
      %gather3A_119 = tpu.vector_load_idx %arg7[%select_n3A_117] masked %lt3A_110 : memref<31312xi32, #tpu.memory_space<vmem>>[vector<16xi32>], vector<16xi32>, vector<16xi1>
      %gt3A_120 = arith.cmpi sgt, %get3A_113, %gather3A_119 : vector<16xi32>
      %and3A_121 = arith.andi %lt3A_110, %gt3A_120 : vector<16xi1>
      tpu.vector_store_idx %arg7[%select_n3A_117], %get3A_113 masked %and3A_121 : memref<31312xi32, #tpu.memory_space<vmem>>[vector<16xi32>], vector<16xi32>, vector<16xi1>
      %gather3A_122 = tpu.vector_load_idx %arg7[%select_n3A_117] masked %lt3A_110 : memref<31312xi32, #tpu.memory_space<vmem>>[vector<16xi32>], vector<16xi32>, vector<16xi1>
      %gt3A_123 = arith.cmpi sgt, %get3A_113, %gather3A_122 : vector<16xi32>
      %and3A_124 = arith.andi %lt3A_110, %gt3A_123 : vector<16xi1>
      tpu.vector_store_idx %arg7[%select_n3A_117], %get3A_113 masked %and3A_124 : memref<31312xi32, #tpu.memory_space<vmem>>[vector<16xi32>], vector<16xi32>, vector<16xi1>
      %gather3A_125 = tpu.vector_load_idx %arg7[%select_n3A_117] masked %lt3A_110 : memref<31312xi32, #tpu.memory_space<vmem>>[vector<16xi32>], vector<16xi32>, vector<16xi1>
      %gt3A_126 = arith.cmpi sgt, %get3A_113, %gather3A_125 : vector<16xi32>
      %and3A_127 = arith.andi %lt3A_110, %gt3A_126 : vector<16xi1>
      tpu.vector_store_idx %arg7[%select_n3A_117], %get3A_113 masked %and3A_127 : memref<31312xi32, #tpu.memory_space<vmem>>[vector<16xi32>], vector<16xi32>, vector<16xi1>
      %gather3A_128 = tpu.vector_load_idx %arg7[%select_n3A_117] masked %lt3A_110 : memref<31312xi32, #tpu.memory_space<vmem>>[vector<16xi32>], vector<16xi32>, vector<16xi1>
      %gt3A_129 = arith.cmpi sgt, %get3A_113, %gather3A_128 : vector<16xi32>
      %and3A_130 = arith.andi %lt3A_110, %gt3A_129 : vector<16xi1>
      tpu.vector_store_idx %arg7[%select_n3A_117], %get3A_113 masked %and3A_130 : memref<31312xi32, #tpu.memory_space<vmem>>[vector<16xi32>], vector<16xi32>, vector<16xi1>
      %gather3A_131 = tpu.vector_load_idx %arg7[%select_n3A_117] masked %lt3A_110 : memref<31312xi32, #tpu.memory_space<vmem>>[vector<16xi32>], vector<16xi32>, vector<16xi1>
      %gt3A_132 = arith.cmpi sgt, %get3A_113, %gather3A_131 : vector<16xi32>
      %and3A_133 = arith.andi %lt3A_110, %gt3A_132 : vector<16xi1>
      tpu.vector_store_idx %arg7[%select_n3A_117], %get3A_113 masked %and3A_133 : memref<31312xi32, #tpu.memory_space<vmem>>[vector<16xi32>], vector<16xi32>, vector<16xi1>
      %gather3A_134 = tpu.vector_load_idx %arg7[%select_n3A_117] masked %lt3A_110 : memref<31312xi32, #tpu.memory_space<vmem>>[vector<16xi32>], vector<16xi32>, vector<16xi1>
      %gt3A_135 = arith.cmpi sgt, %get3A_113, %gather3A_134 : vector<16xi32>
      %and3A_136 = arith.andi %lt3A_110, %gt3A_135 : vector<16xi1>
      tpu.vector_store_idx %arg7[%select_n3A_117], %get3A_113 masked %and3A_136 : memref<31312xi32, #tpu.memory_space<vmem>>[vector<16xi32>], vector<16xi32>, vector<16xi1>
      %gather3A_137 = tpu.vector_load_idx %arg7[%select_n3A_117] masked %lt3A_110 : memref<31312xi32, #tpu.memory_space<vmem>>[vector<16xi32>], vector<16xi32>, vector<16xi1>
      %gt3A_138 = arith.cmpi sgt, %get3A_113, %gather3A_137 : vector<16xi32>
      %and3A_139 = arith.andi %lt3A_110, %gt3A_138 : vector<16xi1>
      tpu.vector_store_idx %arg7[%select_n3A_117], %get3A_113 masked %and3A_139 : memref<31312xi32, #tpu.memory_space<vmem>>[vector<16xi32>], vector<16xi32>, vector<16xi1>
      %gather3A_140 = tpu.vector_load_idx %arg7[%select_n3A_117] masked %lt3A_110 : memref<31312xi32, #tpu.memory_space<vmem>>[vector<16xi32>], vector<16xi32>, vector<16xi1>
      %gt3A_141 = arith.cmpi sgt, %get3A_113, %gather3A_140 : vector<16xi32>
      %and3A_142 = arith.andi %lt3A_110, %gt3A_141 : vector<16xi1>
      tpu.vector_store_idx %arg7[%select_n3A_117], %get3A_113 masked %and3A_142 : memref<31312xi32, #tpu.memory_space<vmem>>[vector<16xi32>], vector<16xi32>, vector<16xi1>
      %gather3A_143 = tpu.vector_load_idx %arg7[%select_n3A_117] masked %lt3A_110 : memref<31312xi32, #tpu.memory_space<vmem>>[vector<16xi32>], vector<16xi32>, vector<16xi1>
      %gt3A_144 = arith.cmpi sgt, %get3A_113, %gather3A_143 : vector<16xi32>
      %and3A_145 = arith.andi %lt3A_110, %gt3A_144 : vector<16xi1>
      tpu.vector_store_idx %arg7[%select_n3A_117], %get3A_113 masked %and3A_145 : memref<31312xi32, #tpu.memory_space<vmem>>[vector<16xi32>], vector<16xi32>, vector<16xi1>
      %gather3A_146 = tpu.vector_load_idx %arg7[%select_n3A_117] masked %lt3A_110 : memref<31312xi32, #tpu.memory_space<vmem>>[vector<16xi32>], vector<16xi32>, vector<16xi1>
      %gt3A_147 = arith.cmpi sgt, %get3A_113, %gather3A_146 : vector<16xi32>
      %and3A_148 = arith.andi %lt3A_110, %gt3A_147 : vector<16xi1>
      tpu.vector_store_idx %arg7[%select_n3A_117], %get3A_113 masked %and3A_148 : memref<31312xi32, #tpu.memory_space<vmem>>[vector<16xi32>], vector<16xi32>, vector<16xi1>
      %gather3A_149 = tpu.vector_load_idx %arg7[%select_n3A_117] masked %lt3A_110 : memref<31312xi32, #tpu.memory_space<vmem>>[vector<16xi32>], vector<16xi32>, vector<16xi1>
      %gt3A_150 = arith.cmpi sgt, %get3A_113, %gather3A_149 : vector<16xi32>
      %and3A_151 = arith.andi %lt3A_110, %gt3A_150 : vector<16xi1>
      tpu.vector_store_idx %arg7[%select_n3A_117], %get3A_113 masked %and3A_151 : memref<31312xi32, #tpu.memory_space<vmem>>[vector<16xi32>], vector<16xi32>, vector<16xi1>
      %gather3A_152 = tpu.vector_load_idx %arg7[%select_n3A_117] masked %lt3A_110 : memref<31312xi32, #tpu.memory_space<vmem>>[vector<16xi32>], vector<16xi32>, vector<16xi1>
      %gt3A_153 = arith.cmpi sgt, %get3A_113, %gather3A_152 : vector<16xi32>
      %and3A_154 = arith.andi %lt3A_110, %gt3A_153 : vector<16xi1>
      tpu.vector_store_idx %arg7[%select_n3A_117], %get3A_113 masked %and3A_154 : memref<31312xi32, #tpu.memory_space<vmem>>[vector<16xi32>], vector<16xi32>, vector<16xi1>
      %gather3A_155 = tpu.vector_load_idx %arg7[%select_n3A_117] masked %lt3A_110 : memref<31312xi32, #tpu.memory_space<vmem>>[vector<16xi32>], vector<16xi32>, vector<16xi1>
      %gt3A_156 = arith.cmpi sgt, %get3A_113, %gather3A_155 : vector<16xi32>
      %and3A_157 = arith.andi %lt3A_110, %gt3A_156 : vector<16xi1>
      tpu.vector_store_idx %arg7[%select_n3A_117], %get3A_113 masked %and3A_157 : memref<31312xi32, #tpu.memory_space<vmem>>[vector<16xi32>], vector<16xi32>, vector<16xi1>
      %gather3A_158 = tpu.vector_load_idx %arg7[%select_n3A_117] masked %lt3A_110 : memref<31312xi32, #tpu.memory_space<vmem>>[vector<16xi32>], vector<16xi32>, vector<16xi1>
      %gt3A_159 = arith.cmpi sgt, %get3A_113, %gather3A_158 : vector<16xi32>
      %and3A_160 = arith.andi %lt3A_110, %gt3A_159 : vector<16xi1>
      tpu.vector_store_idx %arg7[%select_n3A_117], %get3A_113 masked %and3A_160 : memref<31312xi32, #tpu.memory_space<vmem>>[vector<16xi32>], vector<16xi32>, vector<16xi1>
    }
    %add3A_49 = arith.constant 0 : i32
    %add3A_50 = arith.addi %multiple_of3A, %add3A_49 : i32
    %multiple_of3A_51 = tpu.assume_multiple %add3A_50, 8 : i32
    %dma_start3A = arith.constant 0 : i32
    %dma_start3A_52 = arith.constant 0 : i32
    %dma_start3A_53 = tpu.memref_slice %arg10[%dma_start3A, %dma_start3A_52] : memref<448x64xf32, #tpu.memory_space<vmem>> -> memref<112x64xf32, #tpu.memory_space<vmem>>
    %dma_start3A_54 = arith.constant 0 : i32
    %dma_start3A_55 = tpu.memref_slice %arg2[%multiple_of3A_51, %dma_start3A_54] : memref<1000000x64xf32, #tpu.memory_space<hbm>> -> memref<112x64xf32, #tpu.memory_space<hbm>>
    %dma_start3A_56 = arith.constant 0 : i32
    %dma_start3A_57 = arith.constant 0 : i32
    %dma_start3A_58 = tpu.memref_slice %arg10[%dma_start3A_56, %dma_start3A_57] : memref<448x64xf32, #tpu.memory_space<vmem>> -> memref<112x64xf32, #tpu.memory_space<vmem>>
    %dma_start3A_59 = arith.constant 0 : i32
    %dma_start3A_60 = tpu.memref_slice %arg2[%multiple_of3A_51, %dma_start3A_59] : memref<1000000x64xf32, #tpu.memory_space<hbm>> -> memref<112x64xf32, #tpu.memory_space<hbm>>
    tpu.enqueue_dma source(%dma_start3A_60 : memref<112x64xf32, #tpu.memory_space<hbm>>) target(%dma_start3A_58 : memref<112x64xf32, #tpu.memory_space<vmem>>) target_semaphore(%arg11 : memref<!tpu.dma_semaphore, #tpu.memory_space<semaphore_mem>>)
    %add3A_61 = arith.constant 112 : i32
    %add3A_62 = arith.addi %multiple_of3A, %add3A_61 : i32
    %multiple_of3A_63 = tpu.assume_multiple %add3A_62, 8 : i32
    %dma_start3A_64 = arith.constant 112 : i32
    %dma_start3A_65 = arith.constant 0 : i32
    %dma_start3A_66 = tpu.memref_slice %arg10[%dma_start3A_64, %dma_start3A_65] : memref<448x64xf32, #tpu.memory_space<vmem>> -> memref<112x64xf32, #tpu.memory_space<vmem>>
    %dma_start3A_67 = arith.constant 0 : i32
    %dma_start3A_68 = tpu.memref_slice %arg2[%multiple_of3A_63, %dma_start3A_67] : memref<1000000x64xf32, #tpu.memory_space<hbm>> -> memref<112x64xf32, #tpu.memory_space<hbm>>
    %dma_start3A_69 = arith.constant 112 : i32
    %dma_start3A_70 = arith.constant 0 : i32
    %dma_start3A_71 = tpu.memref_slice %arg10[%dma_start3A_69, %dma_start3A_70] : memref<448x64xf32, #tpu.memory_space<vmem>> -> memref<112x64xf32, #tpu.memory_space<vmem>>
    %dma_start3A_72 = arith.constant 0 : i32
    %dma_start3A_73 = tpu.memref_slice %arg2[%multiple_of3A_63, %dma_start3A_72] : memref<1000000x64xf32, #tpu.memory_space<hbm>> -> memref<112x64xf32, #tpu.memory_space<hbm>>
    tpu.enqueue_dma source(%dma_start3A_73 : memref<112x64xf32, #tpu.memory_space<hbm>>) target(%dma_start3A_71 : memref<112x64xf32, #tpu.memory_space<vmem>>) target_semaphore(%arg11 : memref<!tpu.dma_semaphore, #tpu.memory_space<semaphore_mem>>)
    %add3A_74 = arith.constant 224 : i32
    %add3A_75 = arith.addi %multiple_of3A, %add3A_74 : i32
    %multiple_of3A_76 = tpu.assume_multiple %add3A_75, 8 : i32
    %dma_start3A_77 = arith.constant 224 : i32
    %dma_start3A_78 = arith.constant 0 : i32
    %dma_start3A_79 = tpu.memref_slice %arg10[%dma_start3A_77, %dma_start3A_78] : memref<448x64xf32, #tpu.memory_space<vmem>> -> memref<112x64xf32, #tpu.memory_space<vmem>>
    %dma_start3A_80 = arith.constant 0 : i32
    %dma_start3A_81 = tpu.memref_slice %arg2[%multiple_of3A_76, %dma_start3A_80] : memref<1000000x64xf32, #tpu.memory_space<hbm>> -> memref<112x64xf32, #tpu.memory_space<hbm>>
    %dma_start3A_82 = arith.constant 224 : i32
    %dma_start3A_83 = arith.constant 0 : i32
    %dma_start3A_84 = tpu.memref_slice %arg10[%dma_start3A_82, %dma_start3A_83] : memref<448x64xf32, #tpu.memory_space<vmem>> -> memref<112x64xf32, #tpu.memory_space<vmem>>
    %dma_start3A_85 = arith.constant 0 : i32
    %dma_start3A_86 = tpu.memref_slice %arg2[%multiple_of3A_76, %dma_start3A_85] : memref<1000000x64xf32, #tpu.memory_space<hbm>> -> memref<112x64xf32, #tpu.memory_space<hbm>>
    tpu.enqueue_dma source(%dma_start3A_86 : memref<112x64xf32, #tpu.memory_space<hbm>>) target(%dma_start3A_84 : memref<112x64xf32, #tpu.memory_space<vmem>>) target_semaphore(%arg11 : memref<!tpu.dma_semaphore, #tpu.memory_space<semaphore_mem>>)
    %scan3A_87 = arith.constant 0 : i32
    %scan3A_88 = arith.constant 0 : i32
    %scan3A_89 = arith.constant 279 : i32
    %scan3A_90 = arith.addi %scan3A_88, %scan3A_89 : i32
    %scan3A_91 = arith.constant 1 : i32
    scf.for %scan3A_105 = %scan3A_88 to %scan3A_90 step %scan3A_91  : i32 {
      %jit3A_106 = arith.constant 4 : i32
      %eq3A_107 = arith.constant 0 : i32
      %eq3A_108 = arith.cmpi eq, %jit3A_106, %eq3A_107 : i32
      %jit3A_109 = arith.constant 1 : i32
      %select_n3A_110 = arith.select %eq3A_108, %jit3A_109, %jit3A_106 : i32
      %rem3A_111 = arith.remsi %scan3A_105, %select_n3A_110 : i32
      %ne3A_112 = arith.constant 0 : i32
      %ne3A_113 = arith.cmpi ne, %rem3A_111, %ne3A_112 : i32
      %lt3A = arith.constant 0 : i32
      %lt3A_114 = arith.cmpi slt, %rem3A_111, %lt3A : i32
      %lt3A_115 = arith.constant 0 : i32
      %lt3A_116 = arith.cmpi slt, %select_n3A_110, %lt3A_115 : i32
      %ne3A_117 = arith.xori %lt3A_114, %lt3A_116 : i1
      %and3A_118 = arith.andi %ne3A_117, %ne3A_113 : i1
      %add3A_119 = arith.addi %rem3A_111, %select_n3A_110 : i32
      %select_n3A_120 = arith.select %and3A_118, %add3A_119, %rem3A_111 : i32
      %mul3A_121 = arith.constant 112 : i32
      %mul3A_122 = arith.muli %select_n3A_120, %mul3A_121 : i32
      %mul3A_123 = arith.constant 112 : i32
      %mul3A_124 = arith.muli %scan3A_105, %mul3A_123 : i32
      %add3A_125 = arith.addi %multiple_of3A, %mul3A_124 : i32
      %multiple_of3A_126 = tpu.assume_multiple %add3A_125, 8 : i32
      %dma_wait3A_127 = arith.constant 0 : i32
      %dma_wait3A_128 = tpu.memref_slice %arg10[%mul3A_122, %dma_wait3A_127] : memref<448x64xf32, #tpu.memory_space<vmem>> -> memref<112x64xf32, #tpu.memory_space<vmem>>
      %dma_wait3A_129 = arith.constant 0 : i32
      %dma_wait3A_130 = tpu.memref_slice %arg2[%multiple_of3A_126, %dma_wait3A_129] : memref<1000000x64xf32, #tpu.memory_space<hbm>> -> memref<112x64xf32, #tpu.memory_space<hbm>>
      %dma_wait3A_131 = arith.constant 0 : i32
      %dma_wait3A_132 = tpu.memref_slice %arg10[%mul3A_122, %dma_wait3A_131] : memref<448x64xf32, #tpu.memory_space<vmem>> -> memref<112x64xf32, #tpu.memory_space<vmem>>
      %dma_wait3A_133 = arith.constant 0 : i32
      %dma_wait3A_134 = tpu.memref_slice %arg2[%multiple_of3A_126, %dma_wait3A_133] : memref<1000000x64xf32, #tpu.memory_space<hbm>> -> memref<112x64xf32, #tpu.memory_space<hbm>>
      tpu.wait_dma2 semaphore(%arg11 : memref<!tpu.dma_semaphore, #tpu.memory_space<semaphore_mem>>) src(%dma_wait3A_134 : memref<112x64xf32, #tpu.memory_space<hbm>>) dst(%dma_wait3A_132 : memref<112x64xf32, #tpu.memory_space<vmem>>)
      %gt3A = arith.constant 0 : i32
      %gt3A_135 = arith.cmpi sgt, %scan3A_105, %gt3A : i32
      %convert_element_type3A_136 = arith.extui %gt3A_135 : i1 to i32
      %cond3A_137 = arith.constant 0 : i32
      %cond3A_138 = arith.cmpi ne, %convert_element_type3A_136, %cond3A_137 : i32
      scf.if %cond3A_138 {
        %dma_wait3A_325 = arith.constant 0 : i32
        %dma_wait3A_326 = tpu.memref_slice %arg10[%mul3A_122, %dma_wait3A_325] : memref<448x64xf32, #tpu.memory_space<vmem>> -> memref<112x64xf32, #tpu.memory_space<vmem>>
        %dma_wait3A_327 = arith.constant 0 : i32
        %dma_wait3A_328 = tpu.memref_slice %arg5[%multiple_of3A_126, %dma_wait3A_327] : memref<1000000x64xf32, #tpu.memory_space<hbm>> -> memref<112x64xf32, #tpu.memory_space<hbm>>
        %dma_wait3A_329 = arith.constant 0 : i32
        %dma_wait3A_330 = tpu.memref_slice %arg5[%multiple_of3A_126, %dma_wait3A_329] : memref<1000000x64xf32, #tpu.memory_space<hbm>> -> memref<112x64xf32, #tpu.memory_space<hbm>>
        %dma_wait3A_331 = arith.constant 0 : i32
        %dma_wait3A_332 = tpu.memref_slice %arg10[%mul3A_122, %dma_wait3A_331] : memref<448x64xf32, #tpu.memory_space<vmem>> -> memref<112x64xf32, #tpu.memory_space<vmem>>
        tpu.wait_dma2 semaphore(%arg12 : memref<!tpu.dma_semaphore, #tpu.memory_space<semaphore_mem>>) src(%dma_wait3A_332 : memref<112x64xf32, #tpu.memory_space<vmem>>) dst(%dma_wait3A_330 : memref<112x64xf32, #tpu.memory_space<hbm>>)
      } else {
      }
      %add3A_139 = arith.constant 4 : i32
      %add3A_140 = arith.addi %scan3A_105, %add3A_139 : i32
      %sub3A_141 = arith.constant 1 : i32
      %sub3A_142 = arith.subi %add3A_140, %sub3A_141 : i32
      %lt3A_143 = arith.constant 279 : i32
      %lt3A_144 = arith.cmpi slt, %sub3A_142, %lt3A_143 : i32
      %convert_element_type3A_145 = arith.extui %lt3A_144 : i1 to i32
      %cond3A_146 = arith.constant 0 : i32
      %cond3A_147 = arith.cmpi ne, %convert_element_type3A_145, %cond3A_146 : i32
      scf.if %cond3A_147 {
        %add3A_325 = arith.constant 4 : i32
        %add3A_326 = arith.addi %scan3A_105, %add3A_325 : i32
        %sub3A_327 = arith.constant 1 : i32
        %sub3A_328 = arith.subi %add3A_326, %sub3A_327 : i32
        %jit3A_329 = arith.constant 4 : i32
        %eq3A_330 = arith.constant 0 : i32
        %eq3A_331 = arith.cmpi eq, %jit3A_329, %eq3A_330 : i32
        %jit3A_332 = arith.constant 1 : i32
        %select_n3A_333 = arith.select %eq3A_331, %jit3A_332, %jit3A_329 : i32
        %rem3A_334 = arith.remsi %sub3A_328, %select_n3A_333 : i32
        %ne3A_335 = arith.constant 0 : i32
        %ne3A_336 = arith.cmpi ne, %rem3A_334, %ne3A_335 : i32
        %lt3A_337 = arith.constant 0 : i32
        %lt3A_338 = arith.cmpi slt, %rem3A_334, %lt3A_337 : i32
        %lt3A_339 = arith.constant 0 : i32
        %lt3A_340 = arith.cmpi slt, %select_n3A_333, %lt3A_339 : i32
        %ne3A_341 = arith.xori %lt3A_338, %lt3A_340 : i1
        %and3A_342 = arith.andi %ne3A_341, %ne3A_336 : i1
        %add3A_343 = arith.addi %rem3A_334, %select_n3A_333 : i32
        %select_n3A_344 = arith.select %and3A_342, %add3A_343, %rem3A_334 : i32
        %mul3A_345 = arith.constant 112 : i32
        %mul3A_346 = arith.muli %select_n3A_344, %mul3A_345 : i32
        %add3A_347 = arith.constant 336 : i32
        %add3A_348 = arith.addi %multiple_of3A_126, %add3A_347 : i32
        %multiple_of3A_349 = tpu.assume_multiple %add3A_348, 8 : i32
        %dma_start3A_350 = arith.constant 0 : i32
        %dma_start3A_351 = tpu.memref_slice %arg10[%mul3A_346, %dma_start3A_350] : memref<448x64xf32, #tpu.memory_space<vmem>> -> memref<112x64xf32, #tpu.memory_space<vmem>>
        %dma_start3A_352 = arith.constant 0 : i32
        %dma_start3A_353 = tpu.memref_slice %arg2[%multiple_of3A_349, %dma_start3A_352] : memref<1000000x64xf32, #tpu.memory_space<hbm>> -> memref<112x64xf32, #tpu.memory_space<hbm>>
        %dma_start3A_354 = arith.constant 0 : i32
        %dma_start3A_355 = tpu.memref_slice %arg10[%mul3A_346, %dma_start3A_354] : memref<448x64xf32, #tpu.memory_space<vmem>> -> memref<112x64xf32, #tpu.memory_space<vmem>>
        %dma_start3A_356 = arith.constant 0 : i32
        %dma_start3A_357 = tpu.memref_slice %arg2[%multiple_of3A_349, %dma_start3A_356] : memref<1000000x64xf32, #tpu.memory_space<hbm>> -> memref<112x64xf32, #tpu.memory_space<hbm>>
        tpu.enqueue_dma source(%dma_start3A_357 : memref<112x64xf32, #tpu.memory_space<hbm>>) target(%dma_start3A_355 : memref<112x64xf32, #tpu.memory_space<vmem>>) target_semaphore(%arg11 : memref<!tpu.dma_semaphore, #tpu.memory_space<semaphore_mem>>)
      } else {
      }
      %mul3A_148 = arith.constant 112 : i32
      %mul3A_149 = arith.muli %scan3A_105, %mul3A_148 : i32
      %add3A_150 = arith.constant 0 : i32
      %add3A_151 = arith.addi %mul3A_149, %add3A_150 : i32
      %get3A = arith.index_cast %add3A_151 : i32 to index
      %get3A_152 = tpu.vector_load %arg7[%get3A] {strides = array<i32>} : memref<31312xi32, #tpu.memory_space<vmem>>, vector<16xi32>,
      %ge3A = arith.constant 0 : i32
      %ge3A_153 = vector.broadcast %ge3A : i32 to vector<16xi32>
      %ge3A_154 = arith.cmpi sge, %get3A_152, %ge3A_153 : vector<16xi32>
      %convert_element_type3A_155 = arith.extui %ge3A_154 : vector<16xi1> to vector<16xi32>
      %broadcast_in_dim3A = arith.constant true
      %broadcast_in_dim3A_156 = vector.broadcast %broadcast_in_dim3A : i1 to vector<16xi1>
      %masked_cumsum3A = tpu.scan <sum>, %convert_element_type3A_155 masked %broadcast_in_dim3A_156 : vector<16xi32>, vector<16xi1> -> vector<16xi32>
      %add3A_157 = arith.constant 0 : i32
      %add3A_158 = vector.broadcast %add3A_157 : i32 to vector<16xi32>
      %add3A_159 = arith.addi %add3A_158, %masked_cumsum3A : vector<16xi32>
      %sub3A_160 = arith.constant 1 : i32
      %sub3A_161 = vector.broadcast %sub3A_160 : i32 to vector<16xi32>
      %sub3A_162 = arith.subi %add3A_159, %sub3A_161 : vector<16xi32>
      tpu.vector_store_idx %arg9[%sub3A_162], %get3A_152 masked %ge3A_154 : memref<128xi32, #tpu.memory_space<vmem>>[vector<16xi32>], vector<16xi32>, vector<16xi1>
      %slice3A = vector.extract_strided_slice %masked_cumsum3A {offsets = [15], sizes = [1], strides = [1]} : vector<16xi32> to vector<1xi32>
      %squeeze3A = vector.extract %slice3A[0] : i32 from vector<1xi32>
      %add3A_163 = arith.constant 0 : i32
      %add3A_164 = arith.addi %add3A_163, %squeeze3A : i32
      %add3A_165 = arith.constant 16 : i32
      %add3A_166 = arith.addi %mul3A_149, %add3A_165 : i32
      %get3A_167 = arith.index_cast %add3A_166 : i32 to index
      %get3A_168 = tpu.vector_load %arg7[%get3A_167] {strides = array<i32>} : memref<31312xi32, #tpu.memory_space<vmem>>, vector<16xi32>,
      %ge3A_169 = arith.constant 0 : i32
      %ge3A_170 = vector.broadcast %ge3A_169 : i32 to vector<16xi32>
      %ge3A_171 = arith.cmpi sge, %get3A_168, %ge3A_170 : vector<16xi32>
      %convert_element_type3A_172 = arith.extui %ge3A_171 : vector<16xi1> to vector<16xi32>
      %broadcast_in_dim3A_173 = arith.constant true
      %broadcast_in_dim3A_174 = vector.broadcast %broadcast_in_dim3A_173 : i1 to vector<16xi1>
      %masked_cumsum3A_175 = tpu.scan <sum>, %convert_element_type3A_172 masked %broadcast_in_dim3A_174 : vector<16xi32>, vector<16xi1> -> vector<16xi32>
      %add3A_176 = vector.broadcast %add3A_164 : i32 to vector<16xi32>
      %add3A_177 = arith.addi %add3A_176, %masked_cumsum3A_175 : vector<16xi32>
      %sub3A_178 = arith.constant 1 : i32
      %sub3A_179 = vector.broadcast %sub3A_178 : i32 to vector<16xi32>
      %sub3A_180 = arith.subi %add3A_177, %sub3A_179 : vector<16xi32>
      tpu.vector_store_idx %arg9[%sub3A_180], %get3A_168 masked %ge3A_171 : memref<128xi32, #tpu.memory_space<vmem>>[vector<16xi32>], vector<16xi32>, vector<16xi1>
      %slice3A_181 = vector.extract_strided_slice %masked_cumsum3A_175 {offsets = [15], sizes = [1], strides = [1]} : vector<16xi32> to vector<1xi32>
      %squeeze3A_182 = vector.extract %slice3A_181[0] : i32 from vector<1xi32>
      %add3A_183 = arith.addi %add3A_164, %squeeze3A_182 : i32
      %add3A_184 = arith.constant 32 : i32
      %add3A_185 = arith.addi %mul3A_149, %add3A_184 : i32
      %get3A_186 = arith.index_cast %add3A_185 : i32 to index
      %get3A_187 = tpu.vector_load %arg7[%get3A_186] {strides = array<i32>} : memref<31312xi32, #tpu.memory_space<vmem>>, vector<16xi32>,
      %ge3A_188 = arith.constant 0 : i32
      %ge3A_189 = vector.broadcast %ge3A_188 : i32 to vector<16xi32>
      %ge3A_190 = arith.cmpi sge, %get3A_187, %ge3A_189 : vector<16xi32>
      %convert_element_type3A_191 = arith.extui %ge3A_190 : vector<16xi1> to vector<16xi32>
      %broadcast_in_dim3A_192 = arith.constant true
      %broadcast_in_dim3A_193 = vector.broadcast %broadcast_in_dim3A_192 : i1 to vector<16xi1>
      %masked_cumsum3A_194 = tpu.scan <sum>, %convert_element_type3A_191 masked %broadcast_in_dim3A_193 : vector<16xi32>, vector<16xi1> -> vector<16xi32>
      %add3A_195 = vector.broadcast %add3A_183 : i32 to vector<16xi32>
      %add3A_196 = arith.addi %add3A_195, %masked_cumsum3A_194 : vector<16xi32>
      %sub3A_197 = arith.constant 1 : i32
      %sub3A_198 = vector.broadcast %sub3A_197 : i32 to vector<16xi32>
      %sub3A_199 = arith.subi %add3A_196, %sub3A_198 : vector<16xi32>
      tpu.vector_store_idx %arg9[%sub3A_199], %get3A_187 masked %ge3A_190 : memref<128xi32, #tpu.memory_space<vmem>>[vector<16xi32>], vector<16xi32>, vector<16xi1>
      %slice3A_200 = vector.extract_strided_slice %masked_cumsum3A_194 {offsets = [15], sizes = [1], strides = [1]} : vector<16xi32> to vector<1xi32>
      %squeeze3A_201 = vector.extract %slice3A_200[0] : i32 from vector<1xi32>
      %add3A_202 = arith.addi %add3A_183, %squeeze3A_201 : i32
      %add3A_203 = arith.constant 48 : i32
      %add3A_204 = arith.addi %mul3A_149, %add3A_203 : i32
      %get3A_205 = arith.index_cast %add3A_204 : i32 to index
      %get3A_206 = tpu.vector_load %arg7[%get3A_205] {strides = array<i32>} : memref<31312xi32, #tpu.memory_space<vmem>>, vector<16xi32>,
      %ge3A_207 = arith.constant 0 : i32
      %ge3A_208 = vector.broadcast %ge3A_207 : i32 to vector<16xi32>
      %ge3A_209 = arith.cmpi sge, %get3A_206, %ge3A_208 : vector<16xi32>
      %convert_element_type3A_210 = arith.extui %ge3A_209 : vector<16xi1> to vector<16xi32>
      %broadcast_in_dim3A_211 = arith.constant true
      %broadcast_in_dim3A_212 = vector.broadcast %broadcast_in_dim3A_211 : i1 to vector<16xi1>
      %masked_cumsum3A_213 = tpu.scan <sum>, %convert_element_type3A_210 masked %broadcast_in_dim3A_212 : vector<16xi32>, vector<16xi1> -> vector<16xi32>
      %add3A_214 = vector.broadcast %add3A_202 : i32 to vector<16xi32>
      %add3A_215 = arith.addi %add3A_214, %masked_cumsum3A_213 : vector<16xi32>
      %sub3A_216 = arith.constant 1 : i32
      %sub3A_217 = vector.broadcast %sub3A_216 : i32 to vector<16xi32>
      %sub3A_218 = arith.subi %add3A_215, %sub3A_217 : vector<16xi32>
      tpu.vector_store_idx %arg9[%sub3A_218], %get3A_206 masked %ge3A_209 : memref<128xi32, #tpu.memory_space<vmem>>[vector<16xi32>], vector<16xi32>, vector<16xi1>
      %slice3A_219 = vector.extract_strided_slice %masked_cumsum3A_213 {offsets = [15], sizes = [1], strides = [1]} : vector<16xi32> to vector<1xi32>
      %squeeze3A_220 = vector.extract %slice3A_219[0] : i32 from vector<1xi32>
      %add3A_221 = arith.addi %add3A_202, %squeeze3A_220 : i32
      %add3A_222 = arith.constant 64 : i32
      %add3A_223 = arith.addi %mul3A_149, %add3A_222 : i32
      %get3A_224 = arith.index_cast %add3A_223 : i32 to index
      %get3A_225 = tpu.vector_load %arg7[%get3A_224] {strides = array<i32>} : memref<31312xi32, #tpu.memory_space<vmem>>, vector<16xi32>,
      %ge3A_226 = arith.constant 0 : i32
      %ge3A_227 = vector.broadcast %ge3A_226 : i32 to vector<16xi32>
      %ge3A_228 = arith.cmpi sge, %get3A_225, %ge3A_227 : vector<16xi32>
      %convert_element_type3A_229 = arith.extui %ge3A_228 : vector<16xi1> to vector<16xi32>
      %broadcast_in_dim3A_230 = arith.constant true
      %broadcast_in_dim3A_231 = vector.broadcast %broadcast_in_dim3A_230 : i1 to vector<16xi1>
      %masked_cumsum3A_232 = tpu.scan <sum>, %convert_element_type3A_229 masked %broadcast_in_dim3A_231 : vector<16xi32>, vector<16xi1> -> vector<16xi32>
      %add3A_233 = vector.broadcast %add3A_221 : i32 to vector<16xi32>
      %add3A_234 = arith.addi %add3A_233, %masked_cumsum3A_232 : vector<16xi32>
      %sub3A_235 = arith.constant 1 : i32
      %sub3A_236 = vector.broadcast %sub3A_235 : i32 to vector<16xi32>
      %sub3A_237 = arith.subi %add3A_234, %sub3A_236 : vector<16xi32>
      tpu.vector_store_idx %arg9[%sub3A_237], %get3A_225 masked %ge3A_228 : memref<128xi32, #tpu.memory_space<vmem>>[vector<16xi32>], vector<16xi32>, vector<16xi1>
      %slice3A_238 = vector.extract_strided_slice %masked_cumsum3A_232 {offsets = [15], sizes = [1], strides = [1]} : vector<16xi32> to vector<1xi32>
      %squeeze3A_239 = vector.extract %slice3A_238[0] : i32 from vector<1xi32>
      %add3A_240 = arith.addi %add3A_221, %squeeze3A_239 : i32
      %add3A_241 = arith.constant 80 : i32
      %add3A_242 = arith.addi %mul3A_149, %add3A_241 : i32
      %get3A_243 = arith.index_cast %add3A_242 : i32 to index
      %get3A_244 = tpu.vector_load %arg7[%get3A_243] {strides = array<i32>} : memref<31312xi32, #tpu.memory_space<vmem>>, vector<16xi32>,
      %ge3A_245 = arith.constant 0 : i32
      %ge3A_246 = vector.broadcast %ge3A_245 : i32 to vector<16xi32>
      %ge3A_247 = arith.cmpi sge, %get3A_244, %ge3A_246 : vector<16xi32>
      %convert_element_type3A_248 = arith.extui %ge3A_247 : vector<16xi1> to vector<16xi32>
      %broadcast_in_dim3A_249 = arith.constant true
      %broadcast_in_dim3A_250 = vector.broadcast %broadcast_in_dim3A_249 : i1 to vector<16xi1>
      %masked_cumsum3A_251 = tpu.scan <sum>, %convert_element_type3A_248 masked %broadcast_in_dim3A_250 : vector<16xi32>, vector<16xi1> -> vector<16xi32>
      %add3A_252 = vector.broadcast %add3A_240 : i32 to vector<16xi32>
      %add3A_253 = arith.addi %add3A_252, %masked_cumsum3A_251 : vector<16xi32>
      %sub3A_254 = arith.constant 1 : i32
      %sub3A_255 = vector.broadcast %sub3A_254 : i32 to vector<16xi32>
      %sub3A_256 = arith.subi %add3A_253, %sub3A_255 : vector<16xi32>
      tpu.vector_store_idx %arg9[%sub3A_256], %get3A_244 masked %ge3A_247 : memref<128xi32, #tpu.memory_space<vmem>>[vector<16xi32>], vector<16xi32>, vector<16xi1>
      %slice3A_257 = vector.extract_strided_slice %masked_cumsum3A_251 {offsets = [15], sizes = [1], strides = [1]} : vector<16xi32> to vector<1xi32>
      %squeeze3A_258 = vector.extract %slice3A_257[0] : i32 from vector<1xi32>
      %add3A_259 = arith.addi %add3A_240, %squeeze3A_258 : i32
      %add3A_260 = arith.constant 96 : i32
      %add3A_261 = arith.addi %mul3A_149, %add3A_260 : i32
      %get3A_262 = arith.index_cast %add3A_261 : i32 to index
      %get3A_263 = tpu.vector_load %arg7[%get3A_262] {strides = array<i32>} : memref<31312xi32, #tpu.memory_space<vmem>>, vector<16xi32>,
      %ge3A_264 = arith.constant 0 : i32
      %ge3A_265 = vector.broadcast %ge3A_264 : i32 to vector<16xi32>
      %ge3A_266 = arith.cmpi sge, %get3A_263, %ge3A_265 : vector<16xi32>
      %convert_element_type3A_267 = arith.extui %ge3A_266 : vector<16xi1> to vector<16xi32>
      %broadcast_in_dim3A_268 = arith.constant true
      %broadcast_in_dim3A_269 = vector.broadcast %broadcast_in_dim3A_268 : i1 to vector<16xi1>
      %masked_cumsum3A_270 = tpu.scan <sum>, %convert_element_type3A_267 masked %broadcast_in_dim3A_269 : vector<16xi32>, vector<16xi1> -> vector<16xi32>
      %add3A_271 = vector.broadcast %add3A_259 : i32 to vector<16xi32>
      %add3A_272 = arith.addi %add3A_271, %masked_cumsum3A_270 : vector<16xi32>
      %sub3A_273 = arith.constant 1 : i32
      %sub3A_274 = vector.broadcast %sub3A_273 : i32 to vector<16xi32>
      %sub3A_275 = arith.subi %add3A_272, %sub3A_274 : vector<16xi32>
      tpu.vector_store_idx %arg9[%sub3A_275], %get3A_263 masked %ge3A_266 : memref<128xi32, #tpu.memory_space<vmem>>[vector<16xi32>], vector<16xi32>, vector<16xi1>
      %slice3A_276 = vector.extract_strided_slice %masked_cumsum3A_270 {offsets = [15], sizes = [1], strides = [1]} : vector<16xi32> to vector<1xi32>
      %squeeze3A_277 = vector.extract %slice3A_276[0] : i32 from vector<1xi32>
      %add3A_278 = arith.addi %add3A_259, %squeeze3A_277 : i32
      %add3A_279 = arith.constant 16 : i32
      %add3A_280 = arith.addi %add3A_278, %add3A_279 : i32
      %sub3A_281 = arith.constant 1 : i32
      %sub3A_282 = arith.subi %add3A_280, %sub3A_281 : i32
      %jit3A_283 = arith.constant 16 : i32
      %div3A_284 = arith.divsi %sub3A_282, %jit3A_283 : i32
      %sign3A_285 = arith.constant 0 : i32
      %sign3A_286 = arith.cmpi sgt, %sub3A_282, %sign3A_285 : i32
      %sign3A_287 = arith.extui %sign3A_286 : i1 to i32
      %sign3A_288 = arith.constant 0 : i32
      %sign3A_289 = arith.cmpi slt, %sub3A_282, %sign3A_288 : i32
      %sign3A_290 = arith.extui %sign3A_289 : i1 to i32
      %sign3A_291 = arith.subi %sign3A_287, %sign3A_290 : i32
      %sign3A_292 = arith.constant 0 : i32
      %sign3A_293 = arith.cmpi sgt, %jit3A_283, %sign3A_292 : i32
      %sign3A_294 = arith.extui %sign3A_293 : i1 to i32
      %sign3A_295 = arith.constant 0 : i32
      %sign3A_296 = arith.cmpi slt, %jit3A_283, %sign3A_295 : i32
      %sign3A_297 = arith.extui %sign3A_296 : i1 to i32
      %sign3A_298 = arith.subi %sign3A_294, %sign3A_297 : i32
      %ne3A_299 = arith.cmpi ne, %sign3A_291, %sign3A_298 : i32
      %rem3A_300 = arith.remsi %sub3A_282, %jit3A_283 : i32
      %ne3A_301 = arith.constant 0 : i32
      %ne3A_302 = arith.cmpi ne, %rem3A_300, %ne3A_301 : i32
      %and3A_303 = arith.andi %ne3A_299, %ne3A_302 : i1
      %sub3A_304 = arith.constant 1 : i32
      %sub3A_305 = arith.subi %div3A_284, %sub3A_304 : i32
      %select_n3A_306 = arith.select %and3A_303, %sub3A_305, %div3A_284 : i32
      %while3A_307 = arith.constant 0 : i32
      %while3A_308 = arith.constant 0 : i32
      %while3A_309 = arith.subi %select_n3A_306, %while3A_308 : i32
      %while3A_310 = arith.addi %while3A_308, %while3A_309 : i32
      %while3A_311 = arith.constant 1 : i32
      %while3A_312 = arith.divsi %while3A_309, %while3A_311 : i32
      %while3A_313 = arith.muli %while3A_312, %while3A_311 : i32
      %while3A_314 = arith.addi %while3A_308, %while3A_313 : i32
      %while3A_315 = arith.constant 1 : i32
      scf.for %while3A_325 = %while3A_308 to %while3A_314 step %while3A_315  : i32 {
        %mul3A_326 = arith.constant 16 : i32
        %mul3A_327 = arith.muli %while3A_325, %mul3A_326 : i32
        %get3A_328 = arith.index_cast %mul3A_327 : i32 to index
        %get3A_329 = tpu.vector_load %arg9[%get3A_328] {strides = array<i32>} : memref<128xi32, #tpu.memory_space<vmem>>, vector<16xi32>,
        %shift_right_logical3A = arith.constant 14 : i32
        %shift_right_logical3A_330 = vector.broadcast %shift_right_logical3A : i32 to vector<16xi32>
        %shift_right_logical3A_331 = arith.shrui %get3A_329, %shift_right_logical3A_330 : vector<16xi32>
        %sub3A_332 = vector.broadcast %mul3A_149 : i32 to vector<16xi32>
        %sub3A_333 = arith.subi %shift_right_logical3A_331, %sub3A_332 : vector<16xi32>
        %and3A_334 = arith.constant 16383 : i32
        %and3A_335 = vector.broadcast %and3A_334 : i32 to vector<16xi32>
        %and3A_336 = arith.andi %get3A_329, %and3A_335 : vector<16xi32>
        %mul3A_337 = arith.constant 16 : i32
        %mul3A_338 = arith.muli %while3A_325, %mul3A_337 : i32
        %add3A_339 = arith.constant 0 : i32
        %add3A_340 = arith.addi %mul3A_338, %add3A_339 : i32
        %lt3A_341 = arith.cmpi slt, %add3A_340, %add3A_278 : i32
        %convert_element_type3A_342 = arith.extui %lt3A_341 : i1 to i32
        %cond3A_343 = arith.constant 0 : i32
        %cond3A_344 = arith.cmpi ne, %convert_element_type3A_342, %cond3A_343 : i32
        scf.if %cond3A_344 {
          %slice3A_593 = vector.extract_strided_slice %and3A_336 {offsets = [0], sizes = [1], strides = [1]} : vector<16xi32> to vector<1xi32>
          %squeeze3A_594 = vector.extract %slice3A_593[0] : i32 from vector<1xi32>
          %mul3A_595 = arith.constant 64 : i32
          %mul3A_596 = arith.muli %squeeze3A_594, %mul3A_595 : i32
          %multiple_of3A_597 = tpu.assume_multiple %mul3A_596, 8 : i32
          %slice3A_598 = vector.extract_strided_slice %sub3A_333 {offsets = [0], sizes = [1], strides = [1]} : vector<16xi32> to vector<1xi32>
          %squeeze3A_599 = vector.extract %slice3A_598[0] : i32 from vector<1xi32>
          %add3A_600 = arith.addi %mul3A_122, %squeeze3A_599 : i32
          %dma_start3A_601 = arith.constant 0 : i32
          %dma_start3A_602 = tpu.memref_slice %arg10[%add3A_600, %dma_start3A_601] : memref<448x64xf32, #tpu.memory_space<vmem>> -> memref<1x64xf32, #tpu.memory_space<vmem>>
          %dma_start3A_603 = tpu.memref_squeeze %dma_start3A_602 : memref<1x64xf32, #tpu.memory_space<vmem>> -> memref<64xf32, #tpu.memory_space<vmem>>
          %dma_start3A_604 = tpu.memref_slice %arg4[%multiple_of3A_597] : memref<1048576xf32, #tpu.memory_space<hbm>> -> memref<64xf32, #tpu.memory_space<hbm>>
          %dma_start3A_605 = arith.constant 0 : i32
          %dma_start3A_606 = tpu.memref_slice %arg10[%add3A_600, %dma_start3A_605] : memref<448x64xf32, #tpu.memory_space<vmem>> -> memref<1x64xf32, #tpu.memory_space<vmem>>
          %dma_start3A_607 = tpu.memref_squeeze %dma_start3A_606 : memref<1x64xf32, #tpu.memory_space<vmem>> -> memref<64xf32, #tpu.memory_space<vmem>>
          %dma_start3A_608 = tpu.memref_slice %arg4[%multiple_of3A_597] : memref<1048576xf32, #tpu.memory_space<hbm>> -> memref<64xf32, #tpu.memory_space<hbm>>
          tpu.enqueue_dma source(%dma_start3A_608 : memref<64xf32, #tpu.memory_space<hbm>>) target(%dma_start3A_607 : memref<64xf32, #tpu.memory_space<vmem>>) target_semaphore(%arg13 : memref<!tpu.dma_semaphore, #tpu.memory_space<semaphore_mem>>)
        } else {
        }
        %mul3A_345 = arith.constant 16 : i32
        %mul3A_346 = arith.muli %while3A_325, %mul3A_345 : i32
        %add3A_347 = arith.constant 1 : i32
        %add3A_348 = arith.addi %mul3A_346, %add3A_347 : i32
        %lt3A_349 = arith.cmpi slt, %add3A_348, %add3A_278 : i32
        %convert_element_type3A_350 = arith.extui %lt3A_349 : i1 to i32
        %cond3A_351 = arith.constant 0 : i32
        %cond3A_352 = arith.cmpi ne, %convert_element_type3A_350, %cond3A_351 : i32
        scf.if %cond3A_352 {
          %slice3A_593 = vector.extract_strided_slice %and3A_336 {offsets = [1], sizes = [1], strides = [1]} : vector<16xi32> to vector<1xi32>
          %squeeze3A_594 = vector.extract %slice3A_593[0] : i32 from vector<1xi32>
          %mul3A_595 = arith.constant 64 : i32
          %mul3A_596 = arith.muli %squeeze3A_594, %mul3A_595 : i32
          %multiple_of3A_597 = tpu.assume_multiple %mul3A_596, 8 : i32
          %slice3A_598 = vector.extract_strided_slice %sub3A_333 {offsets = [1], sizes = [1], strides = [1]} : vector<16xi32> to vector<1xi32>
          %squeeze3A_599 = vector.extract %slice3A_598[0] : i32 from vector<1xi32>
          %add3A_600 = arith.addi %mul3A_122, %squeeze3A_599 : i32
          %dma_start3A_601 = arith.constant 0 : i32
          %dma_start3A_602 = tpu.memref_slice %arg10[%add3A_600, %dma_start3A_601] : memref<448x64xf32, #tpu.memory_space<vmem>> -> memref<1x64xf32, #tpu.memory_space<vmem>>
          %dma_start3A_603 = tpu.memref_squeeze %dma_start3A_602 : memref<1x64xf32, #tpu.memory_space<vmem>> -> memref<64xf32, #tpu.memory_space<vmem>>
          %dma_start3A_604 = tpu.memref_slice %arg4[%multiple_of3A_597] : memref<1048576xf32, #tpu.memory_space<hbm>> -> memref<64xf32, #tpu.memory_space<hbm>>
          %dma_start3A_605 = arith.constant 0 : i32
          %dma_start3A_606 = tpu.memref_slice %arg10[%add3A_600, %dma_start3A_605] : memref<448x64xf32, #tpu.memory_space<vmem>> -> memref<1x64xf32, #tpu.memory_space<vmem>>
          %dma_start3A_607 = tpu.memref_squeeze %dma_start3A_606 : memref<1x64xf32, #tpu.memory_space<vmem>> -> memref<64xf32, #tpu.memory_space<vmem>>
          %dma_start3A_608 = tpu.memref_slice %arg4[%multiple_of3A_597] : memref<1048576xf32, #tpu.memory_space<hbm>> -> memref<64xf32, #tpu.memory_space<hbm>>
          tpu.enqueue_dma source(%dma_start3A_608 : memref<64xf32, #tpu.memory_space<hbm>>) target(%dma_start3A_607 : memref<64xf32, #tpu.memory_space<vmem>>) target_semaphore(%arg13 : memref<!tpu.dma_semaphore, #tpu.memory_space<semaphore_mem>>)
        } else {
        }
        %mul3A_353 = arith.constant 16 : i32
        %mul3A_354 = arith.muli %while3A_325, %mul3A_353 : i32
        %add3A_355 = arith.constant 2 : i32
        %add3A_356 = arith.addi %mul3A_354, %add3A_355 : i32
        %lt3A_357 = arith.cmpi slt, %add3A_356, %add3A_278 : i32
        %convert_element_type3A_358 = arith.extui %lt3A_357 : i1 to i32
        %cond3A_359 = arith.constant 0 : i32
        %cond3A_360 = arith.cmpi ne, %convert_element_type3A_358, %cond3A_359 : i32
        scf.if %cond3A_360 {
          %slice3A_593 = vector.extract_strided_slice %and3A_336 {offsets = [2], sizes = [1], strides = [1]} : vector<16xi32> to vector<1xi32>
          %squeeze3A_594 = vector.extract %slice3A_593[0] : i32 from vector<1xi32>
          %mul3A_595 = arith.constant 64 : i32
          %mul3A_596 = arith.muli %squeeze3A_594, %mul3A_595 : i32
          %multiple_of3A_597 = tpu.assume_multiple %mul3A_596, 8 : i32
          %slice3A_598 = vector.extract_strided_slice %sub3A_333 {offsets = [2], sizes = [1], strides = [1]} : vector<16xi32> to vector<1xi32>
          %squeeze3A_599 = vector.extract %slice3A_598[0] : i32 from vector<1xi32>
          %add3A_600 = arith.addi %mul3A_122, %squeeze3A_599 : i32
          %dma_start3A_601 = arith.constant 0 : i32
          %dma_start3A_602 = tpu.memref_slice %arg10[%add3A_600, %dma_start3A_601] : memref<448x64xf32, #tpu.memory_space<vmem>> -> memref<1x64xf32, #tpu.memory_space<vmem>>
          %dma_start3A_603 = tpu.memref_squeeze %dma_start3A_602 : memref<1x64xf32, #tpu.memory_space<vmem>> -> memref<64xf32, #tpu.memory_space<vmem>>
          %dma_start3A_604 = tpu.memref_slice %arg4[%multiple_of3A_597] : memref<1048576xf32, #tpu.memory_space<hbm>> -> memref<64xf32, #tpu.memory_space<hbm>>
          %dma_start3A_605 = arith.constant 0 : i32
          %dma_start3A_606 = tpu.memref_slice %arg10[%add3A_600, %dma_start3A_605] : memref<448x64xf32, #tpu.memory_space<vmem>> -> memref<1x64xf32, #tpu.memory_space<vmem>>
          %dma_start3A_607 = tpu.memref_squeeze %dma_start3A_606 : memref<1x64xf32, #tpu.memory_space<vmem>> -> memref<64xf32, #tpu.memory_space<vmem>>
          %dma_start3A_608 = tpu.memref_slice %arg4[%multiple_of3A_597] : memref<1048576xf32, #tpu.memory_space<hbm>> -> memref<64xf32, #tpu.memory_space<hbm>>
          tpu.enqueue_dma source(%dma_start3A_608 : memref<64xf32, #tpu.memory_space<hbm>>) target(%dma_start3A_607 : memref<64xf32, #tpu.memory_space<vmem>>) target_semaphore(%arg13 : memref<!tpu.dma_semaphore, #tpu.memory_space<semaphore_mem>>)
        } else {
        }
        %mul3A_361 = arith.constant 16 : i32
        %mul3A_362 = arith.muli %while3A_325, %mul3A_361 : i32
        %add3A_363 = arith.constant 3 : i32
        %add3A_364 = arith.addi %mul3A_362, %add3A_363 : i32
        %lt3A_365 = arith.cmpi slt, %add3A_364, %add3A_278 : i32
        %convert_element_type3A_366 = arith.extui %lt3A_365 : i1 to i32
        %cond3A_367 = arith.constant 0 : i32
        %cond3A_368 = arith.cmpi ne, %convert_element_type3A_366, %cond3A_367 : i32
        scf.if %cond3A_368 {
          %slice3A_593 = vector.extract_strided_slice %and3A_336 {offsets = [3], sizes = [1], strides = [1]} : vector<16xi32> to vector<1xi32>
          %squeeze3A_594 = vector.extract %slice3A_593[0] : i32 from vector<1xi32>
          %mul3A_595 = arith.constant 64 : i32
          %mul3A_596 = arith.muli %squeeze3A_594, %mul3A_595 : i32
          %multiple_of3A_597 = tpu.assume_multiple %mul3A_596, 8 : i32
          %slice3A_598 = vector.extract_strided_slice %sub3A_333 {offsets = [3], sizes = [1], strides = [1]} : vector<16xi32> to vector<1xi32>
          %squeeze3A_599 = vector.extract %slice3A_598[0] : i32 from vector<1xi32>
          %add3A_600 = arith.addi %mul3A_122, %squeeze3A_599 : i32
          %dma_start3A_601 = arith.constant 0 : i32
          %dma_start3A_602 = tpu.memref_slice %arg10[%add3A_600, %dma_start3A_601] : memref<448x64xf32, #tpu.memory_space<vmem>> -> memref<1x64xf32, #tpu.memory_space<vmem>>
          %dma_start3A_603 = tpu.memref_squeeze %dma_start3A_602 : memref<1x64xf32, #tpu.memory_space<vmem>> -> memref<64xf32, #tpu.memory_space<vmem>>
          %dma_start3A_604 = tpu.memref_slice %arg4[%multiple_of3A_597] : memref<1048576xf32, #tpu.memory_space<hbm>> -> memref<64xf32, #tpu.memory_space<hbm>>
          %dma_start3A_605 = arith.constant 0 : i32
          %dma_start3A_606 = tpu.memref_slice %arg10[%add3A_600, %dma_start3A_605] : memref<448x64xf32, #tpu.memory_space<vmem>> -> memref<1x64xf32, #tpu.memory_space<vmem>>
          %dma_start3A_607 = tpu.memref_squeeze %dma_start3A_606 : memref<1x64xf32, #tpu.memory_space<vmem>> -> memref<64xf32, #tpu.memory_space<vmem>>
          %dma_start3A_608 = tpu.memref_slice %arg4[%multiple_of3A_597] : memref<1048576xf32, #tpu.memory_space<hbm>> -> memref<64xf32, #tpu.memory_space<hbm>>
          tpu.enqueue_dma source(%dma_start3A_608 : memref<64xf32, #tpu.memory_space<hbm>>) target(%dma_start3A_607 : memref<64xf32, #tpu.memory_space<vmem>>) target_semaphore(%arg13 : memref<!tpu.dma_semaphore, #tpu.memory_space<semaphore_mem>>)
        } else {
        }
        %mul3A_369 = arith.constant 16 : i32
        %mul3A_370 = arith.muli %while3A_325, %mul3A_369 : i32
        %add3A_371 = arith.constant 4 : i32
        %add3A_372 = arith.addi %mul3A_370, %add3A_371 : i32
        %lt3A_373 = arith.cmpi slt, %add3A_372, %add3A_278 : i32
        %convert_element_type3A_374 = arith.extui %lt3A_373 : i1 to i32
        %cond3A_375 = arith.constant 0 : i32
        %cond3A_376 = arith.cmpi ne, %convert_element_type3A_374, %cond3A_375 : i32
        scf.if %cond3A_376 {
          %slice3A_593 = vector.extract_strided_slice %and3A_336 {offsets = [4], sizes = [1], strides = [1]} : vector<16xi32> to vector<1xi32>
          %squeeze3A_594 = vector.extract %slice3A_593[0] : i32 from vector<1xi32>
          %mul3A_595 = arith.constant 64 : i32
          %mul3A_596 = arith.muli %squeeze3A_594, %mul3A_595 : i32
          %multiple_of3A_597 = tpu.assume_multiple %mul3A_596, 8 : i32
          %slice3A_598 = vector.extract_strided_slice %sub3A_333 {offsets = [4], sizes = [1], strides = [1]} : vector<16xi32> to vector<1xi32>
          %squeeze3A_599 = vector.extract %slice3A_598[0] : i32 from vector<1xi32>
          %add3A_600 = arith.addi %mul3A_122, %squeeze3A_599 : i32
          %dma_start3A_601 = arith.constant 0 : i32
          %dma_start3A_602 = tpu.memref_slice %arg10[%add3A_600, %dma_start3A_601] : memref<448x64xf32, #tpu.memory_space<vmem>> -> memref<1x64xf32, #tpu.memory_space<vmem>>
          %dma_start3A_603 = tpu.memref_squeeze %dma_start3A_602 : memref<1x64xf32, #tpu.memory_space<vmem>> -> memref<64xf32, #tpu.memory_space<vmem>>
          %dma_start3A_604 = tpu.memref_slice %arg4[%multiple_of3A_597] : memref<1048576xf32, #tpu.memory_space<hbm>> -> memref<64xf32, #tpu.memory_space<hbm>>
          %dma_start3A_605 = arith.constant 0 : i32
          %dma_start3A_606 = tpu.memref_slice %arg10[%add3A_600, %dma_start3A_605] : memref<448x64xf32, #tpu.memory_space<vmem>> -> memref<1x64xf32, #tpu.memory_space<vmem>>
          %dma_start3A_607 = tpu.memref_squeeze %dma_start3A_606 : memref<1x64xf32, #tpu.memory_space<vmem>> -> memref<64xf32, #tpu.memory_space<vmem>>
          %dma_start3A_608 = tpu.memref_slice %arg4[%multiple_of3A_597] : memref<1048576xf32, #tpu.memory_space<hbm>> -> memref<64xf32, #tpu.memory_space<hbm>>
          tpu.enqueue_dma source(%dma_start3A_608 : memref<64xf32, #tpu.memory_space<hbm>>) target(%dma_start3A_607 : memref<64xf32, #tpu.memory_space<vmem>>) target_semaphore(%arg13 : memref<!tpu.dma_semaphore, #tpu.memory_space<semaphore_mem>>)
        } else {
        }
        %mul3A_377 = arith.constant 16 : i32
        %mul3A_378 = arith.muli %while3A_325, %mul3A_377 : i32
        %add3A_379 = arith.constant 5 : i32
        %add3A_380 = arith.addi %mul3A_378, %add3A_379 : i32
        %lt3A_381 = arith.cmpi slt, %add3A_380, %add3A_278 : i32
        %convert_element_type3A_382 = arith.extui %lt3A_381 : i1 to i32
        %cond3A_383 = arith.constant 0 : i32
        %cond3A_384 = arith.cmpi ne, %convert_element_type3A_382, %cond3A_383 : i32
        scf.if %cond3A_384 {
          %slice3A_593 = vector.extract_strided_slice %and3A_336 {offsets = [5], sizes = [1], strides = [1]} : vector<16xi32> to vector<1xi32>
          %squeeze3A_594 = vector.extract %slice3A_593[0] : i32 from vector<1xi32>
          %mul3A_595 = arith.constant 64 : i32
          %mul3A_596 = arith.muli %squeeze3A_594, %mul3A_595 : i32
          %multiple_of3A_597 = tpu.assume_multiple %mul3A_596, 8 : i32
          %slice3A_598 = vector.extract_strided_slice %sub3A_333 {offsets = [5], sizes = [1], strides = [1]} : vector<16xi32> to vector<1xi32>
          %squeeze3A_599 = vector.extract %slice3A_598[0] : i32 from vector<1xi32>
          %add3A_600 = arith.addi %mul3A_122, %squeeze3A_599 : i32
          %dma_start3A_601 = arith.constant 0 : i32
          %dma_start3A_602 = tpu.memref_slice %arg10[%add3A_600, %dma_start3A_601] : memref<448x64xf32, #tpu.memory_space<vmem>> -> memref<1x64xf32, #tpu.memory_space<vmem>>
          %dma_start3A_603 = tpu.memref_squeeze %dma_start3A_602 : memref<1x64xf32, #tpu.memory_space<vmem>> -> memref<64xf32, #tpu.memory_space<vmem>>
          %dma_start3A_604 = tpu.memref_slice %arg4[%multiple_of3A_597] : memref<1048576xf32, #tpu.memory_space<hbm>> -> memref<64xf32, #tpu.memory_space<hbm>>
          %dma_start3A_605 = arith.constant 0 : i32
          %dma_start3A_606 = tpu.memref_slice %arg10[%add3A_600, %dma_start3A_605] : memref<448x64xf32, #tpu.memory_space<vmem>> -> memref<1x64xf32, #tpu.memory_space<vmem>>
          %dma_start3A_607 = tpu.memref_squeeze %dma_start3A_606 : memref<1x64xf32, #tpu.memory_space<vmem>> -> memref<64xf32, #tpu.memory_space<vmem>>
          %dma_start3A_608 = tpu.memref_slice %arg4[%multiple_of3A_597] : memref<1048576xf32, #tpu.memory_space<hbm>> -> memref<64xf32, #tpu.memory_space<hbm>>
          tpu.enqueue_dma source(%dma_start3A_608 : memref<64xf32, #tpu.memory_space<hbm>>) target(%dma_start3A_607 : memref<64xf32, #tpu.memory_space<vmem>>) target_semaphore(%arg13 : memref<!tpu.dma_semaphore, #tpu.memory_space<semaphore_mem>>)
        } else {
        }
        %mul3A_385 = arith.constant 16 : i32
        %mul3A_386 = arith.muli %while3A_325, %mul3A_385 : i32
        %add3A_387 = arith.constant 6 : i32
        %add3A_388 = arith.addi %mul3A_386, %add3A_387 : i32
        %lt3A_389 = arith.cmpi slt, %add3A_388, %add3A_278 : i32
        %convert_element_type3A_390 = arith.extui %lt3A_389 : i1 to i32
        %cond3A_391 = arith.constant 0 : i32
        %cond3A_392 = arith.cmpi ne, %convert_element_type3A_390, %cond3A_391 : i32
        scf.if %cond3A_392 {
          %slice3A_593 = vector.extract_strided_slice %and3A_336 {offsets = [6], sizes = [1], strides = [1]} : vector<16xi32> to vector<1xi32>
          %squeeze3A_594 = vector.extract %slice3A_593[0] : i32 from vector<1xi32>
          %mul3A_595 = arith.constant 64 : i32
          %mul3A_596 = arith.muli %squeeze3A_594, %mul3A_595 : i32
          %multiple_of3A_597 = tpu.assume_multiple %mul3A_596, 8 : i32
          %slice3A_598 = vector.extract_strided_slice %sub3A_333 {offsets = [6], sizes = [1], strides = [1]} : vector<16xi32> to vector<1xi32>
          %squeeze3A_599 = vector.extract %slice3A_598[0] : i32 from vector<1xi32>
          %add3A_600 = arith.addi %mul3A_122, %squeeze3A_599 : i32
          %dma_start3A_601 = arith.constant 0 : i32
          %dma_start3A_602 = tpu.memref_slice %arg10[%add3A_600, %dma_start3A_601] : memref<448x64xf32, #tpu.memory_space<vmem>> -> memref<1x64xf32, #tpu.memory_space<vmem>>
          %dma_start3A_603 = tpu.memref_squeeze %dma_start3A_602 : memref<1x64xf32, #tpu.memory_space<vmem>> -> memref<64xf32, #tpu.memory_space<vmem>>
          %dma_start3A_604 = tpu.memref_slice %arg4[%multiple_of3A_597] : memref<1048576xf32, #tpu.memory_space<hbm>> -> memref<64xf32, #tpu.memory_space<hbm>>
          %dma_start3A_605 = arith.constant 0 : i32
          %dma_start3A_606 = tpu.memref_slice %arg10[%add3A_600, %dma_start3A_605] : memref<448x64xf32, #tpu.memory_space<vmem>> -> memref<1x64xf32, #tpu.memory_space<vmem>>
          %dma_start3A_607 = tpu.memref_squeeze %dma_start3A_606 : memref<1x64xf32, #tpu.memory_space<vmem>> -> memref<64xf32, #tpu.memory_space<vmem>>
          %dma_start3A_608 = tpu.memref_slice %arg4[%multiple_of3A_597] : memref<1048576xf32, #tpu.memory_space<hbm>> -> memref<64xf32, #tpu.memory_space<hbm>>
          tpu.enqueue_dma source(%dma_start3A_608 : memref<64xf32, #tpu.memory_space<hbm>>) target(%dma_start3A_607 : memref<64xf32, #tpu.memory_space<vmem>>) target_semaphore(%arg13 : memref<!tpu.dma_semaphore, #tpu.memory_space<semaphore_mem>>)
        } else {
        }
        %mul3A_393 = arith.constant 16 : i32
        %mul3A_394 = arith.muli %while3A_325, %mul3A_393 : i32
        %add3A_395 = arith.constant 7 : i32
        %add3A_396 = arith.addi %mul3A_394, %add3A_395 : i32
        %lt3A_397 = arith.cmpi slt, %add3A_396, %add3A_278 : i32
        %convert_element_type3A_398 = arith.extui %lt3A_397 : i1 to i32
        %cond3A_399 = arith.constant 0 : i32
        %cond3A_400 = arith.cmpi ne, %convert_element_type3A_398, %cond3A_399 : i32
        scf.if %cond3A_400 {
          %slice3A_593 = vector.extract_strided_slice %and3A_336 {offsets = [7], sizes = [1], strides = [1]} : vector<16xi32> to vector<1xi32>
          %squeeze3A_594 = vector.extract %slice3A_593[0] : i32 from vector<1xi32>
          %mul3A_595 = arith.constant 64 : i32
          %mul3A_596 = arith.muli %squeeze3A_594, %mul3A_595 : i32
          %multiple_of3A_597 = tpu.assume_multiple %mul3A_596, 8 : i32
          %slice3A_598 = vector.extract_strided_slice %sub3A_333 {offsets = [7], sizes = [1], strides = [1]} : vector<16xi32> to vector<1xi32>
          %squeeze3A_599 = vector.extract %slice3A_598[0] : i32 from vector<1xi32>
          %add3A_600 = arith.addi %mul3A_122, %squeeze3A_599 : i32
          %dma_start3A_601 = arith.constant 0 : i32
          %dma_start3A_602 = tpu.memref_slice %arg10[%add3A_600, %dma_start3A_601] : memref<448x64xf32, #tpu.memory_space<vmem>> -> memref<1x64xf32, #tpu.memory_space<vmem>>
          %dma_start3A_603 = tpu.memref_squeeze %dma_start3A_602 : memref<1x64xf32, #tpu.memory_space<vmem>> -> memref<64xf32, #tpu.memory_space<vmem>>
          %dma_start3A_604 = tpu.memref_slice %arg4[%multiple_of3A_597] : memref<1048576xf32, #tpu.memory_space<hbm>> -> memref<64xf32, #tpu.memory_space<hbm>>
          %dma_start3A_605 = arith.constant 0 : i32
          %dma_start3A_606 = tpu.memref_slice %arg10[%add3A_600, %dma_start3A_605] : memref<448x64xf32, #tpu.memory_space<vmem>> -> memref<1x64xf32, #tpu.memory_space<vmem>>
          %dma_start3A_607 = tpu.memref_squeeze %dma_start3A_606 : memref<1x64xf32, #tpu.memory_space<vmem>> -> memref<64xf32, #tpu.memory_space<vmem>>
          %dma_start3A_608 = tpu.memref_slice %arg4[%multiple_of3A_597] : memref<1048576xf32, #tpu.memory_space<hbm>> -> memref<64xf32, #tpu.memory_space<hbm>>
          tpu.enqueue_dma source(%dma_start3A_608 : memref<64xf32, #tpu.memory_space<hbm>>) target(%dma_start3A_607 : memref<64xf32, #tpu.memory_space<vmem>>) target_semaphore(%arg13 : memref<!tpu.dma_semaphore, #tpu.memory_space<semaphore_mem>>)
        } else {
        }
        %mul3A_401 = arith.constant 16 : i32
        %mul3A_402 = arith.muli %while3A_325, %mul3A_401 : i32
        %add3A_403 = arith.constant 8 : i32
        %add3A_404 = arith.addi %mul3A_402, %add3A_403 : i32
        %lt3A_405 = arith.cmpi slt, %add3A_404, %add3A_278 : i32
        %convert_element_type3A_406 = arith.extui %lt3A_405 : i1 to i32
        %cond3A_407 = arith.constant 0 : i32
        %cond3A_408 = arith.cmpi ne, %convert_element_type3A_406, %cond3A_407 : i32
        scf.if %cond3A_408 {
          %slice3A_593 = vector.extract_strided_slice %and3A_336 {offsets = [8], sizes = [1], strides = [1]} : vector<16xi32> to vector<1xi32>
          %squeeze3A_594 = vector.extract %slice3A_593[0] : i32 from vector<1xi32>
          %mul3A_595 = arith.constant 64 : i32
          %mul3A_596 = arith.muli %squeeze3A_594, %mul3A_595 : i32
          %multiple_of3A_597 = tpu.assume_multiple %mul3A_596, 8 : i32
          %slice3A_598 = vector.extract_strided_slice %sub3A_333 {offsets = [8], sizes = [1], strides = [1]} : vector<16xi32> to vector<1xi32>
          %squeeze3A_599 = vector.extract %slice3A_598[0] : i32 from vector<1xi32>
          %add3A_600 = arith.addi %mul3A_122, %squeeze3A_599 : i32
          %dma_start3A_601 = arith.constant 0 : i32
          %dma_start3A_602 = tpu.memref_slice %arg10[%add3A_600, %dma_start3A_601] : memref<448x64xf32, #tpu.memory_space<vmem>> -> memref<1x64xf32, #tpu.memory_space<vmem>>
          %dma_start3A_603 = tpu.memref_squeeze %dma_start3A_602 : memref<1x64xf32, #tpu.memory_space<vmem>> -> memref<64xf32, #tpu.memory_space<vmem>>
          %dma_start3A_604 = tpu.memref_slice %arg4[%multiple_of3A_597] : memref<1048576xf32, #tpu.memory_space<hbm>> -> memref<64xf32, #tpu.memory_space<hbm>>
          %dma_start3A_605 = arith.constant 0 : i32
          %dma_start3A_606 = tpu.memref_slice %arg10[%add3A_600, %dma_start3A_605] : memref<448x64xf32, #tpu.memory_space<vmem>> -> memref<1x64xf32, #tpu.memory_space<vmem>>
          %dma_start3A_607 = tpu.memref_squeeze %dma_start3A_606 : memref<1x64xf32, #tpu.memory_space<vmem>> -> memref<64xf32, #tpu.memory_space<vmem>>
          %dma_start3A_608 = tpu.memref_slice %arg4[%multiple_of3A_597] : memref<1048576xf32, #tpu.memory_space<hbm>> -> memref<64xf32, #tpu.memory_space<hbm>>
          tpu.enqueue_dma source(%dma_start3A_608 : memref<64xf32, #tpu.memory_space<hbm>>) target(%dma_start3A_607 : memref<64xf32, #tpu.memory_space<vmem>>) target_semaphore(%arg13 : memref<!tpu.dma_semaphore, #tpu.memory_space<semaphore_mem>>)
        } else {
        }
        %mul3A_409 = arith.constant 16 : i32
        %mul3A_410 = arith.muli %while3A_325, %mul3A_409 : i32
        %add3A_411 = arith.constant 9 : i32
        %add3A_412 = arith.addi %mul3A_410, %add3A_411 : i32
        %lt3A_413 = arith.cmpi slt, %add3A_412, %add3A_278 : i32
        %convert_element_type3A_414 = arith.extui %lt3A_413 : i1 to i32
        %cond3A_415 = arith.constant 0 : i32
        %cond3A_416 = arith.cmpi ne, %convert_element_type3A_414, %cond3A_415 : i32
        scf.if %cond3A_416 {
          %slice3A_593 = vector.extract_strided_slice %and3A_336 {offsets = [9], sizes = [1], strides = [1]} : vector<16xi32> to vector<1xi32>
          %squeeze3A_594 = vector.extract %slice3A_593[0] : i32 from vector<1xi32>
          %mul3A_595 = arith.constant 64 : i32
          %mul3A_596 = arith.muli %squeeze3A_594, %mul3A_595 : i32
          %multiple_of3A_597 = tpu.assume_multiple %mul3A_596, 8 : i32
          %slice3A_598 = vector.extract_strided_slice %sub3A_333 {offsets = [9], sizes = [1], strides = [1]} : vector<16xi32> to vector<1xi32>
          %squeeze3A_599 = vector.extract %slice3A_598[0] : i32 from vector<1xi32>
          %add3A_600 = arith.addi %mul3A_122, %squeeze3A_599 : i32
          %dma_start3A_601 = arith.constant 0 : i32
          %dma_start3A_602 = tpu.memref_slice %arg10[%add3A_600, %dma_start3A_601] : memref<448x64xf32, #tpu.memory_space<vmem>> -> memref<1x64xf32, #tpu.memory_space<vmem>>
          %dma_start3A_603 = tpu.memref_squeeze %dma_start3A_602 : memref<1x64xf32, #tpu.memory_space<vmem>> -> memref<64xf32, #tpu.memory_space<vmem>>
          %dma_start3A_604 = tpu.memref_slice %arg4[%multiple_of3A_597] : memref<1048576xf32, #tpu.memory_space<hbm>> -> memref<64xf32, #tpu.memory_space<hbm>>
          %dma_start3A_605 = arith.constant 0 : i32
          %dma_start3A_606 = tpu.memref_slice %arg10[%add3A_600, %dma_start3A_605] : memref<448x64xf32, #tpu.memory_space<vmem>> -> memref<1x64xf32, #tpu.memory_space<vmem>>
          %dma_start3A_607 = tpu.memref_squeeze %dma_start3A_606 : memref<1x64xf32, #tpu.memory_space<vmem>> -> memref<64xf32, #tpu.memory_space<vmem>>
          %dma_start3A_608 = tpu.memref_slice %arg4[%multiple_of3A_597] : memref<1048576xf32, #tpu.memory_space<hbm>> -> memref<64xf32, #tpu.memory_space<hbm>>
          tpu.enqueue_dma source(%dma_start3A_608 : memref<64xf32, #tpu.memory_space<hbm>>) target(%dma_start3A_607 : memref<64xf32, #tpu.memory_space<vmem>>) target_semaphore(%arg13 : memref<!tpu.dma_semaphore, #tpu.memory_space<semaphore_mem>>)
        } else {
        }
        %mul3A_417 = arith.constant 16 : i32
        %mul3A_418 = arith.muli %while3A_325, %mul3A_417 : i32
        %add3A_419 = arith.constant 10 : i32
        %add3A_420 = arith.addi %mul3A_418, %add3A_419 : i32
        %lt3A_421 = arith.cmpi slt, %add3A_420, %add3A_278 : i32
        %convert_element_type3A_422 = arith.extui %lt3A_421 : i1 to i32
        %cond3A_423 = arith.constant 0 : i32
        %cond3A_424 = arith.cmpi ne, %convert_element_type3A_422, %cond3A_423 : i32
        scf.if %cond3A_424 {
          %slice3A_593 = vector.extract_strided_slice %and3A_336 {offsets = [10], sizes = [1], strides = [1]} : vector<16xi32> to vector<1xi32>
          %squeeze3A_594 = vector.extract %slice3A_593[0] : i32 from vector<1xi32>
          %mul3A_595 = arith.constant 64 : i32
          %mul3A_596 = arith.muli %squeeze3A_594, %mul3A_595 : i32
          %multiple_of3A_597 = tpu.assume_multiple %mul3A_596, 8 : i32
          %slice3A_598 = vector.extract_strided_slice %sub3A_333 {offsets = [10], sizes = [1], strides = [1]} : vector<16xi32> to vector<1xi32>
          %squeeze3A_599 = vector.extract %slice3A_598[0] : i32 from vector<1xi32>
          %add3A_600 = arith.addi %mul3A_122, %squeeze3A_599 : i32
          %dma_start3A_601 = arith.constant 0 : i32
          %dma_start3A_602 = tpu.memref_slice %arg10[%add3A_600, %dma_start3A_601] : memref<448x64xf32, #tpu.memory_space<vmem>> -> memref<1x64xf32, #tpu.memory_space<vmem>>
          %dma_start3A_603 = tpu.memref_squeeze %dma_start3A_602 : memref<1x64xf32, #tpu.memory_space<vmem>> -> memref<64xf32, #tpu.memory_space<vmem>>
          %dma_start3A_604 = tpu.memref_slice %arg4[%multiple_of3A_597] : memref<1048576xf32, #tpu.memory_space<hbm>> -> memref<64xf32, #tpu.memory_space<hbm>>
          %dma_start3A_605 = arith.constant 0 : i32
          %dma_start3A_606 = tpu.memref_slice %arg10[%add3A_600, %dma_start3A_605] : memref<448x64xf32, #tpu.memory_space<vmem>> -> memref<1x64xf32, #tpu.memory_space<vmem>>
          %dma_start3A_607 = tpu.memref_squeeze %dma_start3A_606 : memref<1x64xf32, #tpu.memory_space<vmem>> -> memref<64xf32, #tpu.memory_space<vmem>>
          %dma_start3A_608 = tpu.memref_slice %arg4[%multiple_of3A_597] : memref<1048576xf32, #tpu.memory_space<hbm>> -> memref<64xf32, #tpu.memory_space<hbm>>
          tpu.enqueue_dma source(%dma_start3A_608 : memref<64xf32, #tpu.memory_space<hbm>>) target(%dma_start3A_607 : memref<64xf32, #tpu.memory_space<vmem>>) target_semaphore(%arg13 : memref<!tpu.dma_semaphore, #tpu.memory_space<semaphore_mem>>)
        } else {
        }
        %mul3A_425 = arith.constant 16 : i32
        %mul3A_426 = arith.muli %while3A_325, %mul3A_425 : i32
        %add3A_427 = arith.constant 11 : i32
        %add3A_428 = arith.addi %mul3A_426, %add3A_427 : i32
        %lt3A_429 = arith.cmpi slt, %add3A_428, %add3A_278 : i32
        %convert_element_type3A_430 = arith.extui %lt3A_429 : i1 to i32
        %cond3A_431 = arith.constant 0 : i32
        %cond3A_432 = arith.cmpi ne, %convert_element_type3A_430, %cond3A_431 : i32
        scf.if %cond3A_432 {
          %slice3A_593 = vector.extract_strided_slice %and3A_336 {offsets = [11], sizes = [1], strides = [1]} : vector<16xi32> to vector<1xi32>
          %squeeze3A_594 = vector.extract %slice3A_593[0] : i32 from vector<1xi32>
          %mul3A_595 = arith.constant 64 : i32
          %mul3A_596 = arith.muli %squeeze3A_594, %mul3A_595 : i32
          %multiple_of3A_597 = tpu.assume_multiple %mul3A_596, 8 : i32
          %slice3A_598 = vector.extract_strided_slice %sub3A_333 {offsets = [11], sizes = [1], strides = [1]} : vector<16xi32> to vector<1xi32>
          %squeeze3A_599 = vector.extract %slice3A_598[0] : i32 from vector<1xi32>
          %add3A_600 = arith.addi %mul3A_122, %squeeze3A_599 : i32
          %dma_start3A_601 = arith.constant 0 : i32
          %dma_start3A_602 = tpu.memref_slice %arg10[%add3A_600, %dma_start3A_601] : memref<448x64xf32, #tpu.memory_space<vmem>> -> memref<1x64xf32, #tpu.memory_space<vmem>>
          %dma_start3A_603 = tpu.memref_squeeze %dma_start3A_602 : memref<1x64xf32, #tpu.memory_space<vmem>> -> memref<64xf32, #tpu.memory_space<vmem>>
          %dma_start3A_604 = tpu.memref_slice %arg4[%multiple_of3A_597] : memref<1048576xf32, #tpu.memory_space<hbm>> -> memref<64xf32, #tpu.memory_space<hbm>>
          %dma_start3A_605 = arith.constant 0 : i32
          %dma_start3A_606 = tpu.memref_slice %arg10[%add3A_600, %dma_start3A_605] : memref<448x64xf32, #tpu.memory_space<vmem>> -> memref<1x64xf32, #tpu.memory_space<vmem>>
          %dma_start3A_607 = tpu.memref_squeeze %dma_start3A_606 : memref<1x64xf32, #tpu.memory_space<vmem>> -> memref<64xf32, #tpu.memory_space<vmem>>
          %dma_start3A_608 = tpu.memref_slice %arg4[%multiple_of3A_597] : memref<1048576xf32, #tpu.memory_space<hbm>> -> memref<64xf32, #tpu.memory_space<hbm>>
          tpu.enqueue_dma source(%dma_start3A_608 : memref<64xf32, #tpu.memory_space<hbm>>) target(%dma_start3A_607 : memref<64xf32, #tpu.memory_space<vmem>>) target_semaphore(%arg13 : memref<!tpu.dma_semaphore, #tpu.memory_space<semaphore_mem>>)
        } else {
        }
        %mul3A_433 = arith.constant 16 : i32
        %mul3A_434 = arith.muli %while3A_325, %mul3A_433 : i32
        %add3A_435 = arith.constant 12 : i32
        %add3A_436 = arith.addi %mul3A_434, %add3A_435 : i32
        %lt3A_437 = arith.cmpi slt, %add3A_436, %add3A_278 : i32
        %convert_element_type3A_438 = arith.extui %lt3A_437 : i1 to i32
        %cond3A_439 = arith.constant 0 : i32
        %cond3A_440 = arith.cmpi ne, %convert_element_type3A_438, %cond3A_439 : i32
        scf.if %cond3A_440 {
          %slice3A_593 = vector.extract_strided_slice %and3A_336 {offsets = [12], sizes = [1], strides = [1]} : vector<16xi32> to vector<1xi32>
          %squeeze3A_594 = vector.extract %slice3A_593[0] : i32 from vector<1xi32>
          %mul3A_595 = arith.constant 64 : i32
          %mul3A_596 = arith.muli %squeeze3A_594, %mul3A_595 : i32
          %multiple_of3A_597 = tpu.assume_multiple %mul3A_596, 8 : i32
          %slice3A_598 = vector.extract_strided_slice %sub3A_333 {offsets = [12], sizes = [1], strides = [1]} : vector<16xi32> to vector<1xi32>
          %squeeze3A_599 = vector.extract %slice3A_598[0] : i32 from vector<1xi32>
          %add3A_600 = arith.addi %mul3A_122, %squeeze3A_599 : i32
          %dma_start3A_601 = arith.constant 0 : i32
          %dma_start3A_602 = tpu.memref_slice %arg10[%add3A_600, %dma_start3A_601] : memref<448x64xf32, #tpu.memory_space<vmem>> -> memref<1x64xf32, #tpu.memory_space<vmem>>
          %dma_start3A_603 = tpu.memref_squeeze %dma_start3A_602 : memref<1x64xf32, #tpu.memory_space<vmem>> -> memref<64xf32, #tpu.memory_space<vmem>>
          %dma_start3A_604 = tpu.memref_slice %arg4[%multiple_of3A_597] : memref<1048576xf32, #tpu.memory_space<hbm>> -> memref<64xf32, #tpu.memory_space<hbm>>
          %dma_start3A_605 = arith.constant 0 : i32
          %dma_start3A_606 = tpu.memref_slice %arg10[%add3A_600, %dma_start3A_605] : memref<448x64xf32, #tpu.memory_space<vmem>> -> memref<1x64xf32, #tpu.memory_space<vmem>>
          %dma_start3A_607 = tpu.memref_squeeze %dma_start3A_606 : memref<1x64xf32, #tpu.memory_space<vmem>> -> memref<64xf32, #tpu.memory_space<vmem>>
          %dma_start3A_608 = tpu.memref_slice %arg4[%multiple_of3A_597] : memref<1048576xf32, #tpu.memory_space<hbm>> -> memref<64xf32, #tpu.memory_space<hbm>>
          tpu.enqueue_dma source(%dma_start3A_608 : memref<64xf32, #tpu.memory_space<hbm>>) target(%dma_start3A_607 : memref<64xf32, #tpu.memory_space<vmem>>) target_semaphore(%arg13 : memref<!tpu.dma_semaphore, #tpu.memory_space<semaphore_mem>>)
        } else {
        }
        %mul3A_441 = arith.constant 16 : i32
        %mul3A_442 = arith.muli %while3A_325, %mul3A_441 : i32
        %add3A_443 = arith.constant 13 : i32
        %add3A_444 = arith.addi %mul3A_442, %add3A_443 : i32
        %lt3A_445 = arith.cmpi slt, %add3A_444, %add3A_278 : i32
        %convert_element_type3A_446 = arith.extui %lt3A_445 : i1 to i32
        %cond3A_447 = arith.constant 0 : i32
        %cond3A_448 = arith.cmpi ne, %convert_element_type3A_446, %cond3A_447 : i32
        scf.if %cond3A_448 {
          %slice3A_593 = vector.extract_strided_slice %and3A_336 {offsets = [13], sizes = [1], strides = [1]} : vector<16xi32> to vector<1xi32>
          %squeeze3A_594 = vector.extract %slice3A_593[0] : i32 from vector<1xi32>
          %mul3A_595 = arith.constant 64 : i32
          %mul3A_596 = arith.muli %squeeze3A_594, %mul3A_595 : i32
          %multiple_of3A_597 = tpu.assume_multiple %mul3A_596, 8 : i32
          %slice3A_598 = vector.extract_strided_slice %sub3A_333 {offsets = [13], sizes = [1], strides = [1]} : vector<16xi32> to vector<1xi32>
          %squeeze3A_599 = vector.extract %slice3A_598[0] : i32 from vector<1xi32>
          %add3A_600 = arith.addi %mul3A_122, %squeeze3A_599 : i32
          %dma_start3A_601 = arith.constant 0 : i32
          %dma_start3A_602 = tpu.memref_slice %arg10[%add3A_600, %dma_start3A_601] : memref<448x64xf32, #tpu.memory_space<vmem>> -> memref<1x64xf32, #tpu.memory_space<vmem>>
          %dma_start3A_603 = tpu.memref_squeeze %dma_start3A_602 : memref<1x64xf32, #tpu.memory_space<vmem>> -> memref<64xf32, #tpu.memory_space<vmem>>
          %dma_start3A_604 = tpu.memref_slice %arg4[%multiple_of3A_597] : memref<1048576xf32, #tpu.memory_space<hbm>> -> memref<64xf32, #tpu.memory_space<hbm>>
          %dma_start3A_605 = arith.constant 0 : i32
          %dma_start3A_606 = tpu.memref_slice %arg10[%add3A_600, %dma_start3A_605] : memref<448x64xf32, #tpu.memory_space<vmem>> -> memref<1x64xf32, #tpu.memory_space<vmem>>
          %dma_start3A_607 = tpu.memref_squeeze %dma_start3A_606 : memref<1x64xf32, #tpu.memory_space<vmem>> -> memref<64xf32, #tpu.memory_space<vmem>>
          %dma_start3A_608 = tpu.memref_slice %arg4[%multiple_of3A_597] : memref<1048576xf32, #tpu.memory_space<hbm>> -> memref<64xf32, #tpu.memory_space<hbm>>
          tpu.enqueue_dma source(%dma_start3A_608 : memref<64xf32, #tpu.memory_space<hbm>>) target(%dma_start3A_607 : memref<64xf32, #tpu.memory_space<vmem>>) target_semaphore(%arg13 : memref<!tpu.dma_semaphore, #tpu.memory_space<semaphore_mem>>)
        } else {
        }
        %mul3A_449 = arith.constant 16 : i32
        %mul3A_450 = arith.muli %while3A_325, %mul3A_449 : i32
        %add3A_451 = arith.constant 14 : i32
        %add3A_452 = arith.addi %mul3A_450, %add3A_451 : i32
        %lt3A_453 = arith.cmpi slt, %add3A_452, %add3A_278 : i32
        %convert_element_type3A_454 = arith.extui %lt3A_453 : i1 to i32
        %cond3A_455 = arith.constant 0 : i32
        %cond3A_456 = arith.cmpi ne, %convert_element_type3A_454, %cond3A_455 : i32
        scf.if %cond3A_456 {
          %slice3A_593 = vector.extract_strided_slice %and3A_336 {offsets = [14], sizes = [1], strides = [1]} : vector<16xi32> to vector<1xi32>
          %squeeze3A_594 = vector.extract %slice3A_593[0] : i32 from vector<1xi32>
          %mul3A_595 = arith.constant 64 : i32
          %mul3A_596 = arith.muli %squeeze3A_594, %mul3A_595 : i32
          %multiple_of3A_597 = tpu.assume_multiple %mul3A_596, 8 : i32
          %slice3A_598 = vector.extract_strided_slice %sub3A_333 {offsets = [14], sizes = [1], strides = [1]} : vector<16xi32> to vector<1xi32>
          %squeeze3A_599 = vector.extract %slice3A_598[0] : i32 from vector<1xi32>
          %add3A_600 = arith.addi %mul3A_122, %squeeze3A_599 : i32
          %dma_start3A_601 = arith.constant 0 : i32
          %dma_start3A_602 = tpu.memref_slice %arg10[%add3A_600, %dma_start3A_601] : memref<448x64xf32, #tpu.memory_space<vmem>> -> memref<1x64xf32, #tpu.memory_space<vmem>>
          %dma_start3A_603 = tpu.memref_squeeze %dma_start3A_602 : memref<1x64xf32, #tpu.memory_space<vmem>> -> memref<64xf32, #tpu.memory_space<vmem>>
          %dma_start3A_604 = tpu.memref_slice %arg4[%multiple_of3A_597] : memref<1048576xf32, #tpu.memory_space<hbm>> -> memref<64xf32, #tpu.memory_space<hbm>>
          %dma_start3A_605 = arith.constant 0 : i32
          %dma_start3A_606 = tpu.memref_slice %arg10[%add3A_600, %dma_start3A_605] : memref<448x64xf32, #tpu.memory_space<vmem>> -> memref<1x64xf32, #tpu.memory_space<vmem>>
          %dma_start3A_607 = tpu.memref_squeeze %dma_start3A_606 : memref<1x64xf32, #tpu.memory_space<vmem>> -> memref<64xf32, #tpu.memory_space<vmem>>
          %dma_start3A_608 = tpu.memref_slice %arg4[%multiple_of3A_597] : memref<1048576xf32, #tpu.memory_space<hbm>> -> memref<64xf32, #tpu.memory_space<hbm>>
          tpu.enqueue_dma source(%dma_start3A_608 : memref<64xf32, #tpu.memory_space<hbm>>) target(%dma_start3A_607 : memref<64xf32, #tpu.memory_space<vmem>>) target_semaphore(%arg13 : memref<!tpu.dma_semaphore, #tpu.memory_space<semaphore_mem>>)
        } else {
        }
        %mul3A_457 = arith.constant 16 : i32
        %mul3A_458 = arith.muli %while3A_325, %mul3A_457 : i32
        %add3A_459 = arith.constant 15 : i32
        %add3A_460 = arith.addi %mul3A_458, %add3A_459 : i32
        %lt3A_461 = arith.cmpi slt, %add3A_460, %add3A_278 : i32
        %convert_element_type3A_462 = arith.extui %lt3A_461 : i1 to i32
        %cond3A_463 = arith.constant 0 : i32
        %cond3A_464 = arith.cmpi ne, %convert_element_type3A_462, %cond3A_463 : i32
        scf.if %cond3A_464 {
          %slice3A_593 = vector.extract_strided_slice %and3A_336 {offsets = [15], sizes = [1], strides = [1]} : vector<16xi32> to vector<1xi32>
          %squeeze3A_594 = vector.extract %slice3A_593[0] : i32 from vector<1xi32>
          %mul3A_595 = arith.constant 64 : i32
          %mul3A_596 = arith.muli %squeeze3A_594, %mul3A_595 : i32
          %multiple_of3A_597 = tpu.assume_multiple %mul3A_596, 8 : i32
          %slice3A_598 = vector.extract_strided_slice %sub3A_333 {offsets = [15], sizes = [1], strides = [1]} : vector<16xi32> to vector<1xi32>
          %squeeze3A_599 = vector.extract %slice3A_598[0] : i32 from vector<1xi32>
          %add3A_600 = arith.addi %mul3A_122, %squeeze3A_599 : i32
          %dma_start3A_601 = arith.constant 0 : i32
          %dma_start3A_602 = tpu.memref_slice %arg10[%add3A_600, %dma_start3A_601] : memref<448x64xf32, #tpu.memory_space<vmem>> -> memref<1x64xf32, #tpu.memory_space<vmem>>
          %dma_start3A_603 = tpu.memref_squeeze %dma_start3A_602 : memref<1x64xf32, #tpu.memory_space<vmem>> -> memref<64xf32, #tpu.memory_space<vmem>>
          %dma_start3A_604 = tpu.memref_slice %arg4[%multiple_of3A_597] : memref<1048576xf32, #tpu.memory_space<hbm>> -> memref<64xf32, #tpu.memory_space<hbm>>
          %dma_start3A_605 = arith.constant 0 : i32
          %dma_start3A_606 = tpu.memref_slice %arg10[%add3A_600, %dma_start3A_605] : memref<448x64xf32, #tpu.memory_space<vmem>> -> memref<1x64xf32, #tpu.memory_space<vmem>>
          %dma_start3A_607 = tpu.memref_squeeze %dma_start3A_606 : memref<1x64xf32, #tpu.memory_space<vmem>> -> memref<64xf32, #tpu.memory_space<vmem>>
          %dma_start3A_608 = tpu.memref_slice %arg4[%multiple_of3A_597] : memref<1048576xf32, #tpu.memory_space<hbm>> -> memref<64xf32, #tpu.memory_space<hbm>>
          tpu.enqueue_dma source(%dma_start3A_608 : memref<64xf32, #tpu.memory_space<hbm>>) target(%dma_start3A_607 : memref<64xf32, #tpu.memory_space<vmem>>) target_semaphore(%arg13 : memref<!tpu.dma_semaphore, #tpu.memory_space<semaphore_mem>>)
        } else {
        }
        %mul3A_465 = arith.constant 16 : i32
        %mul3A_466 = arith.muli %while3A_325, %mul3A_465 : i32
        %add3A_467 = arith.constant 0 : i32
        %add3A_468 = arith.addi %mul3A_466, %add3A_467 : i32
        %lt3A_469 = arith.cmpi slt, %add3A_468, %add3A_278 : i32
        %convert_element_type3A_470 = arith.extui %lt3A_469 : i1 to i32
        %cond3A_471 = arith.constant 0 : i32
        %cond3A_472 = arith.cmpi ne, %convert_element_type3A_470, %cond3A_471 : i32
        scf.if %cond3A_472 {
          %dma_wait3A_593 = arith.constant 0 : i32
          %dma_wait3A_594 = tpu.memref_slice %arg10[%mul3A_122, %dma_wait3A_593] : memref<448x64xf32, #tpu.memory_space<vmem>> -> memref<1x64xf32, #tpu.memory_space<vmem>>
          %dma_wait3A_595 = tpu.memref_squeeze %dma_wait3A_594 : memref<1x64xf32, #tpu.memory_space<vmem>> -> memref<64xf32, #tpu.memory_space<vmem>>
          %dma_wait3A_596 = arith.constant 0 : i32
          %dma_wait3A_597 = tpu.memref_slice %arg4[%dma_wait3A_596] : memref<1048576xf32, #tpu.memory_space<hbm>> -> memref<64xf32, #tpu.memory_space<hbm>>
          %dma_wait3A_598 = arith.constant 0 : i32
          %dma_wait3A_599 = tpu.memref_slice %arg10[%mul3A_122, %dma_wait3A_598] : memref<448x64xf32, #tpu.memory_space<vmem>> -> memref<1x64xf32, #tpu.memory_space<vmem>>
          %dma_wait3A_600 = tpu.memref_squeeze %dma_wait3A_599 : memref<1x64xf32, #tpu.memory_space<vmem>> -> memref<64xf32, #tpu.memory_space<vmem>>
          %dma_wait3A_601 = arith.constant 0 : i32
          %dma_wait3A_602 = tpu.memref_slice %arg4[%dma_wait3A_601] : memref<1048576xf32, #tpu.memory_space<hbm>> -> memref<64xf32, #tpu.memory_space<hbm>>
          tpu.wait_dma2 semaphore(%arg13 : memref<!tpu.dma_semaphore, #tpu.memory_space<semaphore_mem>>) src(%dma_wait3A_602 : memref<64xf32, #tpu.memory_space<hbm>>) dst(%dma_wait3A_600 : memref<64xf32, #tpu.memory_space<vmem>>)
        } else {
        }
        %mul3A_473 = arith.constant 16 : i32
        %mul3A_474 = arith.muli %while3A_325, %mul3A_473 : i32
        %add3A_475 = arith.constant 1 : i32
        %add3A_476 = arith.addi %mul3A_474, %add3A_475 : i32
        %lt3A_477 = arith.cmpi slt, %add3A_476, %add3A_278 : i32
        %convert_element_type3A_478 = arith.extui %lt3A_477 : i1 to i32
        %cond3A_479 = arith.constant 0 : i32
        %cond3A_480 = arith.cmpi ne, %convert_element_type3A_478, %cond3A_479 : i32
        scf.if %cond3A_480 {
          %dma_wait3A_593 = arith.constant 0 : i32
          %dma_wait3A_594 = tpu.memref_slice %arg10[%mul3A_122, %dma_wait3A_593] : memref<448x64xf32, #tpu.memory_space<vmem>> -> memref<1x64xf32, #tpu.memory_space<vmem>>
          %dma_wait3A_595 = tpu.memref_squeeze %dma_wait3A_594 : memref<1x64xf32, #tpu.memory_space<vmem>> -> memref<64xf32, #tpu.memory_space<vmem>>
          %dma_wait3A_596 = arith.constant 0 : i32
          %dma_wait3A_597 = tpu.memref_slice %arg4[%dma_wait3A_596] : memref<1048576xf32, #tpu.memory_space<hbm>> -> memref<64xf32, #tpu.memory_space<hbm>>
          %dma_wait3A_598 = arith.constant 0 : i32
          %dma_wait3A_599 = tpu.memref_slice %arg10[%mul3A_122, %dma_wait3A_598] : memref<448x64xf32, #tpu.memory_space<vmem>> -> memref<1x64xf32, #tpu.memory_space<vmem>>
          %dma_wait3A_600 = tpu.memref_squeeze %dma_wait3A_599 : memref<1x64xf32, #tpu.memory_space<vmem>> -> memref<64xf32, #tpu.memory_space<vmem>>
          %dma_wait3A_601 = arith.constant 0 : i32
          %dma_wait3A_602 = tpu.memref_slice %arg4[%dma_wait3A_601] : memref<1048576xf32, #tpu.memory_space<hbm>> -> memref<64xf32, #tpu.memory_space<hbm>>
          tpu.wait_dma2 semaphore(%arg13 : memref<!tpu.dma_semaphore, #tpu.memory_space<semaphore_mem>>) src(%dma_wait3A_602 : memref<64xf32, #tpu.memory_space<hbm>>) dst(%dma_wait3A_600 : memref<64xf32, #tpu.memory_space<vmem>>)
        } else {
        }
        %mul3A_481 = arith.constant 16 : i32
        %mul3A_482 = arith.muli %while3A_325, %mul3A_481 : i32
        %add3A_483 = arith.constant 2 : i32
        %add3A_484 = arith.addi %mul3A_482, %add3A_483 : i32
        %lt3A_485 = arith.cmpi slt, %add3A_484, %add3A_278 : i32
        %convert_element_type3A_486 = arith.extui %lt3A_485 : i1 to i32
        %cond3A_487 = arith.constant 0 : i32
        %cond3A_488 = arith.cmpi ne, %convert_element_type3A_486, %cond3A_487 : i32
        scf.if %cond3A_488 {
          %dma_wait3A_593 = arith.constant 0 : i32
          %dma_wait3A_594 = tpu.memref_slice %arg10[%mul3A_122, %dma_wait3A_593] : memref<448x64xf32, #tpu.memory_space<vmem>> -> memref<1x64xf32, #tpu.memory_space<vmem>>
          %dma_wait3A_595 = tpu.memref_squeeze %dma_wait3A_594 : memref<1x64xf32, #tpu.memory_space<vmem>> -> memref<64xf32, #tpu.memory_space<vmem>>
          %dma_wait3A_596 = arith.constant 0 : i32
          %dma_wait3A_597 = tpu.memref_slice %arg4[%dma_wait3A_596] : memref<1048576xf32, #tpu.memory_space<hbm>> -> memref<64xf32, #tpu.memory_space<hbm>>
          %dma_wait3A_598 = arith.constant 0 : i32
          %dma_wait3A_599 = tpu.memref_slice %arg10[%mul3A_122, %dma_wait3A_598] : memref<448x64xf32, #tpu.memory_space<vmem>> -> memref<1x64xf32, #tpu.memory_space<vmem>>
          %dma_wait3A_600 = tpu.memref_squeeze %dma_wait3A_599 : memref<1x64xf32, #tpu.memory_space<vmem>> -> memref<64xf32, #tpu.memory_space<vmem>>
          %dma_wait3A_601 = arith.constant 0 : i32
          %dma_wait3A_602 = tpu.memref_slice %arg4[%dma_wait3A_601] : memref<1048576xf32, #tpu.memory_space<hbm>> -> memref<64xf32, #tpu.memory_space<hbm>>
          tpu.wait_dma2 semaphore(%arg13 : memref<!tpu.dma_semaphore, #tpu.memory_space<semaphore_mem>>) src(%dma_wait3A_602 : memref<64xf32, #tpu.memory_space<hbm>>) dst(%dma_wait3A_600 : memref<64xf32, #tpu.memory_space<vmem>>)
        } else {
        }
        %mul3A_489 = arith.constant 16 : i32
        %mul3A_490 = arith.muli %while3A_325, %mul3A_489 : i32
        %add3A_491 = arith.constant 3 : i32
        %add3A_492 = arith.addi %mul3A_490, %add3A_491 : i32
        %lt3A_493 = arith.cmpi slt, %add3A_492, %add3A_278 : i32
        %convert_element_type3A_494 = arith.extui %lt3A_493 : i1 to i32
        %cond3A_495 = arith.constant 0 : i32
        %cond3A_496 = arith.cmpi ne, %convert_element_type3A_494, %cond3A_495 : i32
        scf.if %cond3A_496 {
          %dma_wait3A_593 = arith.constant 0 : i32
          %dma_wait3A_594 = tpu.memref_slice %arg10[%mul3A_122, %dma_wait3A_593] : memref<448x64xf32, #tpu.memory_space<vmem>> -> memref<1x64xf32, #tpu.memory_space<vmem>>
          %dma_wait3A_595 = tpu.memref_squeeze %dma_wait3A_594 : memref<1x64xf32, #tpu.memory_space<vmem>> -> memref<64xf32, #tpu.memory_space<vmem>>
          %dma_wait3A_596 = arith.constant 0 : i32
          %dma_wait3A_597 = tpu.memref_slice %arg4[%dma_wait3A_596] : memref<1048576xf32, #tpu.memory_space<hbm>> -> memref<64xf32, #tpu.memory_space<hbm>>
          %dma_wait3A_598 = arith.constant 0 : i32
          %dma_wait3A_599 = tpu.memref_slice %arg10[%mul3A_122, %dma_wait3A_598] : memref<448x64xf32, #tpu.memory_space<vmem>> -> memref<1x64xf32, #tpu.memory_space<vmem>>
          %dma_wait3A_600 = tpu.memref_squeeze %dma_wait3A_599 : memref<1x64xf32, #tpu.memory_space<vmem>> -> memref<64xf32, #tpu.memory_space<vmem>>
          %dma_wait3A_601 = arith.constant 0 : i32
          %dma_wait3A_602 = tpu.memref_slice %arg4[%dma_wait3A_601] : memref<1048576xf32, #tpu.memory_space<hbm>> -> memref<64xf32, #tpu.memory_space<hbm>>
          tpu.wait_dma2 semaphore(%arg13 : memref<!tpu.dma_semaphore, #tpu.memory_space<semaphore_mem>>) src(%dma_wait3A_602 : memref<64xf32, #tpu.memory_space<hbm>>) dst(%dma_wait3A_600 : memref<64xf32, #tpu.memory_space<vmem>>)
        } else {
        }
        %mul3A_497 = arith.constant 16 : i32
        %mul3A_498 = arith.muli %while3A_325, %mul3A_497 : i32
        %add3A_499 = arith.constant 4 : i32
        %add3A_500 = arith.addi %mul3A_498, %add3A_499 : i32
        %lt3A_501 = arith.cmpi slt, %add3A_500, %add3A_278 : i32
        %convert_element_type3A_502 = arith.extui %lt3A_501 : i1 to i32
        %cond3A_503 = arith.constant 0 : i32
        %cond3A_504 = arith.cmpi ne, %convert_element_type3A_502, %cond3A_503 : i32
        scf.if %cond3A_504 {
          %dma_wait3A_593 = arith.constant 0 : i32
          %dma_wait3A_594 = tpu.memref_slice %arg10[%mul3A_122, %dma_wait3A_593] : memref<448x64xf32, #tpu.memory_space<vmem>> -> memref<1x64xf32, #tpu.memory_space<vmem>>
          %dma_wait3A_595 = tpu.memref_squeeze %dma_wait3A_594 : memref<1x64xf32, #tpu.memory_space<vmem>> -> memref<64xf32, #tpu.memory_space<vmem>>
          %dma_wait3A_596 = arith.constant 0 : i32
          %dma_wait3A_597 = tpu.memref_slice %arg4[%dma_wait3A_596] : memref<1048576xf32, #tpu.memory_space<hbm>> -> memref<64xf32, #tpu.memory_space<hbm>>
          %dma_wait3A_598 = arith.constant 0 : i32
          %dma_wait3A_599 = tpu.memref_slice %arg10[%mul3A_122, %dma_wait3A_598] : memref<448x64xf32, #tpu.memory_space<vmem>> -> memref<1x64xf32, #tpu.memory_space<vmem>>
          %dma_wait3A_600 = tpu.memref_squeeze %dma_wait3A_599 : memref<1x64xf32, #tpu.memory_space<vmem>> -> memref<64xf32, #tpu.memory_space<vmem>>
          %dma_wait3A_601 = arith.constant 0 : i32
          %dma_wait3A_602 = tpu.memref_slice %arg4[%dma_wait3A_601] : memref<1048576xf32, #tpu.memory_space<hbm>> -> memref<64xf32, #tpu.memory_space<hbm>>
          tpu.wait_dma2 semaphore(%arg13 : memref<!tpu.dma_semaphore, #tpu.memory_space<semaphore_mem>>) src(%dma_wait3A_602 : memref<64xf32, #tpu.memory_space<hbm>>) dst(%dma_wait3A_600 : memref<64xf32, #tpu.memory_space<vmem>>)
        } else {
        }
        %mul3A_505 = arith.constant 16 : i32
        %mul3A_506 = arith.muli %while3A_325, %mul3A_505 : i32
        %add3A_507 = arith.constant 5 : i32
        %add3A_508 = arith.addi %mul3A_506, %add3A_507 : i32
        %lt3A_509 = arith.cmpi slt, %add3A_508, %add3A_278 : i32
        %convert_element_type3A_510 = arith.extui %lt3A_509 : i1 to i32
        %cond3A_511 = arith.constant 0 : i32
        %cond3A_512 = arith.cmpi ne, %convert_element_type3A_510, %cond3A_511 : i32
        scf.if %cond3A_512 {
          %dma_wait3A_593 = arith.constant 0 : i32
          %dma_wait3A_594 = tpu.memref_slice %arg10[%mul3A_122, %dma_wait3A_593] : memref<448x64xf32, #tpu.memory_space<vmem>> -> memref<1x64xf32, #tpu.memory_space<vmem>>
          %dma_wait3A_595 = tpu.memref_squeeze %dma_wait3A_594 : memref<1x64xf32, #tpu.memory_space<vmem>> -> memref<64xf32, #tpu.memory_space<vmem>>
          %dma_wait3A_596 = arith.constant 0 : i32
          %dma_wait3A_597 = tpu.memref_slice %arg4[%dma_wait3A_596] : memref<1048576xf32, #tpu.memory_space<hbm>> -> memref<64xf32, #tpu.memory_space<hbm>>
          %dma_wait3A_598 = arith.constant 0 : i32
          %dma_wait3A_599 = tpu.memref_slice %arg10[%mul3A_122, %dma_wait3A_598] : memref<448x64xf32, #tpu.memory_space<vmem>> -> memref<1x64xf32, #tpu.memory_space<vmem>>
          %dma_wait3A_600 = tpu.memref_squeeze %dma_wait3A_599 : memref<1x64xf32, #tpu.memory_space<vmem>> -> memref<64xf32, #tpu.memory_space<vmem>>
          %dma_wait3A_601 = arith.constant 0 : i32
          %dma_wait3A_602 = tpu.memref_slice %arg4[%dma_wait3A_601] : memref<1048576xf32, #tpu.memory_space<hbm>> -> memref<64xf32, #tpu.memory_space<hbm>>
          tpu.wait_dma2 semaphore(%arg13 : memref<!tpu.dma_semaphore, #tpu.memory_space<semaphore_mem>>) src(%dma_wait3A_602 : memref<64xf32, #tpu.memory_space<hbm>>) dst(%dma_wait3A_600 : memref<64xf32, #tpu.memory_space<vmem>>)
        } else {
        }
        %mul3A_513 = arith.constant 16 : i32
        %mul3A_514 = arith.muli %while3A_325, %mul3A_513 : i32
        %add3A_515 = arith.constant 6 : i32
        %add3A_516 = arith.addi %mul3A_514, %add3A_515 : i32
        %lt3A_517 = arith.cmpi slt, %add3A_516, %add3A_278 : i32
        %convert_element_type3A_518 = arith.extui %lt3A_517 : i1 to i32
        %cond3A_519 = arith.constant 0 : i32
        %cond3A_520 = arith.cmpi ne, %convert_element_type3A_518, %cond3A_519 : i32
        scf.if %cond3A_520 {
          %dma_wait3A_593 = arith.constant 0 : i32
          %dma_wait3A_594 = tpu.memref_slice %arg10[%mul3A_122, %dma_wait3A_593] : memref<448x64xf32, #tpu.memory_space<vmem>> -> memref<1x64xf32, #tpu.memory_space<vmem>>
          %dma_wait3A_595 = tpu.memref_squeeze %dma_wait3A_594 : memref<1x64xf32, #tpu.memory_space<vmem>> -> memref<64xf32, #tpu.memory_space<vmem>>
          %dma_wait3A_596 = arith.constant 0 : i32
          %dma_wait3A_597 = tpu.memref_slice %arg4[%dma_wait3A_596] : memref<1048576xf32, #tpu.memory_space<hbm>> -> memref<64xf32, #tpu.memory_space<hbm>>
          %dma_wait3A_598 = arith.constant 0 : i32
          %dma_wait3A_599 = tpu.memref_slice %arg10[%mul3A_122, %dma_wait3A_598] : memref<448x64xf32, #tpu.memory_space<vmem>> -> memref<1x64xf32, #tpu.memory_space<vmem>>
          %dma_wait3A_600 = tpu.memref_squeeze %dma_wait3A_599 : memref<1x64xf32, #tpu.memory_space<vmem>> -> memref<64xf32, #tpu.memory_space<vmem>>
          %dma_wait3A_601 = arith.constant 0 : i32
          %dma_wait3A_602 = tpu.memref_slice %arg4[%dma_wait3A_601] : memref<1048576xf32, #tpu.memory_space<hbm>> -> memref<64xf32, #tpu.memory_space<hbm>>
          tpu.wait_dma2 semaphore(%arg13 : memref<!tpu.dma_semaphore, #tpu.memory_space<semaphore_mem>>) src(%dma_wait3A_602 : memref<64xf32, #tpu.memory_space<hbm>>) dst(%dma_wait3A_600 : memref<64xf32, #tpu.memory_space<vmem>>)
        } else {
        }
        %mul3A_521 = arith.constant 16 : i32
        %mul3A_522 = arith.muli %while3A_325, %mul3A_521 : i32
        %add3A_523 = arith.constant 7 : i32
        %add3A_524 = arith.addi %mul3A_522, %add3A_523 : i32
        %lt3A_525 = arith.cmpi slt, %add3A_524, %add3A_278 : i32
        %convert_element_type3A_526 = arith.extui %lt3A_525 : i1 to i32
        %cond3A_527 = arith.constant 0 : i32
        %cond3A_528 = arith.cmpi ne, %convert_element_type3A_526, %cond3A_527 : i32
        scf.if %cond3A_528 {
          %dma_wait3A_593 = arith.constant 0 : i32
          %dma_wait3A_594 = tpu.memref_slice %arg10[%mul3A_122, %dma_wait3A_593] : memref<448x64xf32, #tpu.memory_space<vmem>> -> memref<1x64xf32, #tpu.memory_space<vmem>>
          %dma_wait3A_595 = tpu.memref_squeeze %dma_wait3A_594 : memref<1x64xf32, #tpu.memory_space<vmem>> -> memref<64xf32, #tpu.memory_space<vmem>>
          %dma_wait3A_596 = arith.constant 0 : i32
          %dma_wait3A_597 = tpu.memref_slice %arg4[%dma_wait3A_596] : memref<1048576xf32, #tpu.memory_space<hbm>> -> memref<64xf32, #tpu.memory_space<hbm>>
          %dma_wait3A_598 = arith.constant 0 : i32
          %dma_wait3A_599 = tpu.memref_slice %arg10[%mul3A_122, %dma_wait3A_598] : memref<448x64xf32, #tpu.memory_space<vmem>> -> memref<1x64xf32, #tpu.memory_space<vmem>>
          %dma_wait3A_600 = tpu.memref_squeeze %dma_wait3A_599 : memref<1x64xf32, #tpu.memory_space<vmem>> -> memref<64xf32, #tpu.memory_space<vmem>>
          %dma_wait3A_601 = arith.constant 0 : i32
          %dma_wait3A_602 = tpu.memref_slice %arg4[%dma_wait3A_601] : memref<1048576xf32, #tpu.memory_space<hbm>> -> memref<64xf32, #tpu.memory_space<hbm>>
          tpu.wait_dma2 semaphore(%arg13 : memref<!tpu.dma_semaphore, #tpu.memory_space<semaphore_mem>>) src(%dma_wait3A_602 : memref<64xf32, #tpu.memory_space<hbm>>) dst(%dma_wait3A_600 : memref<64xf32, #tpu.memory_space<vmem>>)
        } else {
        }
        %mul3A_529 = arith.constant 16 : i32
        %mul3A_530 = arith.muli %while3A_325, %mul3A_529 : i32
        %add3A_531 = arith.constant 8 : i32
        %add3A_532 = arith.addi %mul3A_530, %add3A_531 : i32
        %lt3A_533 = arith.cmpi slt, %add3A_532, %add3A_278 : i32
        %convert_element_type3A_534 = arith.extui %lt3A_533 : i1 to i32
        %cond3A_535 = arith.constant 0 : i32
        %cond3A_536 = arith.cmpi ne, %convert_element_type3A_534, %cond3A_535 : i32
        scf.if %cond3A_536 {
          %dma_wait3A_593 = arith.constant 0 : i32
          %dma_wait3A_594 = tpu.memref_slice %arg10[%mul3A_122, %dma_wait3A_593] : memref<448x64xf32, #tpu.memory_space<vmem>> -> memref<1x64xf32, #tpu.memory_space<vmem>>
          %dma_wait3A_595 = tpu.memref_squeeze %dma_wait3A_594 : memref<1x64xf32, #tpu.memory_space<vmem>> -> memref<64xf32, #tpu.memory_space<vmem>>
          %dma_wait3A_596 = arith.constant 0 : i32
          %dma_wait3A_597 = tpu.memref_slice %arg4[%dma_wait3A_596] : memref<1048576xf32, #tpu.memory_space<hbm>> -> memref<64xf32, #tpu.memory_space<hbm>>
          %dma_wait3A_598 = arith.constant 0 : i32
          %dma_wait3A_599 = tpu.memref_slice %arg10[%mul3A_122, %dma_wait3A_598] : memref<448x64xf32, #tpu.memory_space<vmem>> -> memref<1x64xf32, #tpu.memory_space<vmem>>
          %dma_wait3A_600 = tpu.memref_squeeze %dma_wait3A_599 : memref<1x64xf32, #tpu.memory_space<vmem>> -> memref<64xf32, #tpu.memory_space<vmem>>
          %dma_wait3A_601 = arith.constant 0 : i32
          %dma_wait3A_602 = tpu.memref_slice %arg4[%dma_wait3A_601] : memref<1048576xf32, #tpu.memory_space<hbm>> -> memref<64xf32, #tpu.memory_space<hbm>>
          tpu.wait_dma2 semaphore(%arg13 : memref<!tpu.dma_semaphore, #tpu.memory_space<semaphore_mem>>) src(%dma_wait3A_602 : memref<64xf32, #tpu.memory_space<hbm>>) dst(%dma_wait3A_600 : memref<64xf32, #tpu.memory_space<vmem>>)
        } else {
        }
        %mul3A_537 = arith.constant 16 : i32
        %mul3A_538 = arith.muli %while3A_325, %mul3A_537 : i32
        %add3A_539 = arith.constant 9 : i32
        %add3A_540 = arith.addi %mul3A_538, %add3A_539 : i32
        %lt3A_541 = arith.cmpi slt, %add3A_540, %add3A_278 : i32
        %convert_element_type3A_542 = arith.extui %lt3A_541 : i1 to i32
        %cond3A_543 = arith.constant 0 : i32
        %cond3A_544 = arith.cmpi ne, %convert_element_type3A_542, %cond3A_543 : i32
        scf.if %cond3A_544 {
          %dma_wait3A_593 = arith.constant 0 : i32
          %dma_wait3A_594 = tpu.memref_slice %arg10[%mul3A_122, %dma_wait3A_593] : memref<448x64xf32, #tpu.memory_space<vmem>> -> memref<1x64xf32, #tpu.memory_space<vmem>>
          %dma_wait3A_595 = tpu.memref_squeeze %dma_wait3A_594 : memref<1x64xf32, #tpu.memory_space<vmem>> -> memref<64xf32, #tpu.memory_space<vmem>>
          %dma_wait3A_596 = arith.constant 0 : i32
          %dma_wait3A_597 = tpu.memref_slice %arg4[%dma_wait3A_596] : memref<1048576xf32, #tpu.memory_space<hbm>> -> memref<64xf32, #tpu.memory_space<hbm>>
          %dma_wait3A_598 = arith.constant 0 : i32
          %dma_wait3A_599 = tpu.memref_slice %arg10[%mul3A_122, %dma_wait3A_598] : memref<448x64xf32, #tpu.memory_space<vmem>> -> memref<1x64xf32, #tpu.memory_space<vmem>>
          %dma_wait3A_600 = tpu.memref_squeeze %dma_wait3A_599 : memref<1x64xf32, #tpu.memory_space<vmem>> -> memref<64xf32, #tpu.memory_space<vmem>>
          %dma_wait3A_601 = arith.constant 0 : i32
          %dma_wait3A_602 = tpu.memref_slice %arg4[%dma_wait3A_601] : memref<1048576xf32, #tpu.memory_space<hbm>> -> memref<64xf32, #tpu.memory_space<hbm>>
          tpu.wait_dma2 semaphore(%arg13 : memref<!tpu.dma_semaphore, #tpu.memory_space<semaphore_mem>>) src(%dma_wait3A_602 : memref<64xf32, #tpu.memory_space<hbm>>) dst(%dma_wait3A_600 : memref<64xf32, #tpu.memory_space<vmem>>)
        } else {
        }
        %mul3A_545 = arith.constant 16 : i32
        %mul3A_546 = arith.muli %while3A_325, %mul3A_545 : i32
        %add3A_547 = arith.constant 10 : i32
        %add3A_548 = arith.addi %mul3A_546, %add3A_547 : i32
        %lt3A_549 = arith.cmpi slt, %add3A_548, %add3A_278 : i32
        %convert_element_type3A_550 = arith.extui %lt3A_549 : i1 to i32
        %cond3A_551 = arith.constant 0 : i32
        %cond3A_552 = arith.cmpi ne, %convert_element_type3A_550, %cond3A_551 : i32
        scf.if %cond3A_552 {
          %dma_wait3A_593 = arith.constant 0 : i32
          %dma_wait3A_594 = tpu.memref_slice %arg10[%mul3A_122, %dma_wait3A_593] : memref<448x64xf32, #tpu.memory_space<vmem>> -> memref<1x64xf32, #tpu.memory_space<vmem>>
          %dma_wait3A_595 = tpu.memref_squeeze %dma_wait3A_594 : memref<1x64xf32, #tpu.memory_space<vmem>> -> memref<64xf32, #tpu.memory_space<vmem>>
          %dma_wait3A_596 = arith.constant 0 : i32
          %dma_wait3A_597 = tpu.memref_slice %arg4[%dma_wait3A_596] : memref<1048576xf32, #tpu.memory_space<hbm>> -> memref<64xf32, #tpu.memory_space<hbm>>
          %dma_wait3A_598 = arith.constant 0 : i32
          %dma_wait3A_599 = tpu.memref_slice %arg10[%mul3A_122, %dma_wait3A_598] : memref<448x64xf32, #tpu.memory_space<vmem>> -> memref<1x64xf32, #tpu.memory_space<vmem>>
          %dma_wait3A_600 = tpu.memref_squeeze %dma_wait3A_599 : memref<1x64xf32, #tpu.memory_space<vmem>> -> memref<64xf32, #tpu.memory_space<vmem>>
          %dma_wait3A_601 = arith.constant 0 : i32
          %dma_wait3A_602 = tpu.memref_slice %arg4[%dma_wait3A_601] : memref<1048576xf32, #tpu.memory_space<hbm>> -> memref<64xf32, #tpu.memory_space<hbm>>
          tpu.wait_dma2 semaphore(%arg13 : memref<!tpu.dma_semaphore, #tpu.memory_space<semaphore_mem>>) src(%dma_wait3A_602 : memref<64xf32, #tpu.memory_space<hbm>>) dst(%dma_wait3A_600 : memref<64xf32, #tpu.memory_space<vmem>>)
        } else {
        }
        %mul3A_553 = arith.constant 16 : i32
        %mul3A_554 = arith.muli %while3A_325, %mul3A_553 : i32
        %add3A_555 = arith.constant 11 : i32
        %add3A_556 = arith.addi %mul3A_554, %add3A_555 : i32
        %lt3A_557 = arith.cmpi slt, %add3A_556, %add3A_278 : i32
        %convert_element_type3A_558 = arith.extui %lt3A_557 : i1 to i32
        %cond3A_559 = arith.constant 0 : i32
        %cond3A_560 = arith.cmpi ne, %convert_element_type3A_558, %cond3A_559 : i32
        scf.if %cond3A_560 {
          %dma_wait3A_593 = arith.constant 0 : i32
          %dma_wait3A_594 = tpu.memref_slice %arg10[%mul3A_122, %dma_wait3A_593] : memref<448x64xf32, #tpu.memory_space<vmem>> -> memref<1x64xf32, #tpu.memory_space<vmem>>
          %dma_wait3A_595 = tpu.memref_squeeze %dma_wait3A_594 : memref<1x64xf32, #tpu.memory_space<vmem>> -> memref<64xf32, #tpu.memory_space<vmem>>
          %dma_wait3A_596 = arith.constant 0 : i32
          %dma_wait3A_597 = tpu.memref_slice %arg4[%dma_wait3A_596] : memref<1048576xf32, #tpu.memory_space<hbm>> -> memref<64xf32, #tpu.memory_space<hbm>>
          %dma_wait3A_598 = arith.constant 0 : i32
          %dma_wait3A_599 = tpu.memref_slice %arg10[%mul3A_122, %dma_wait3A_598] : memref<448x64xf32, #tpu.memory_space<vmem>> -> memref<1x64xf32, #tpu.memory_space<vmem>>
          %dma_wait3A_600 = tpu.memref_squeeze %dma_wait3A_599 : memref<1x64xf32, #tpu.memory_space<vmem>> -> memref<64xf32, #tpu.memory_space<vmem>>
          %dma_wait3A_601 = arith.constant 0 : i32
          %dma_wait3A_602 = tpu.memref_slice %arg4[%dma_wait3A_601] : memref<1048576xf32, #tpu.memory_space<hbm>> -> memref<64xf32, #tpu.memory_space<hbm>>
          tpu.wait_dma2 semaphore(%arg13 : memref<!tpu.dma_semaphore, #tpu.memory_space<semaphore_mem>>) src(%dma_wait3A_602 : memref<64xf32, #tpu.memory_space<hbm>>) dst(%dma_wait3A_600 : memref<64xf32, #tpu.memory_space<vmem>>)
        } else {
        }
        %mul3A_561 = arith.constant 16 : i32
        %mul3A_562 = arith.muli %while3A_325, %mul3A_561 : i32
        %add3A_563 = arith.constant 12 : i32
        %add3A_564 = arith.addi %mul3A_562, %add3A_563 : i32
        %lt3A_565 = arith.cmpi slt, %add3A_564, %add3A_278 : i32
        %convert_element_type3A_566 = arith.extui %lt3A_565 : i1 to i32
        %cond3A_567 = arith.constant 0 : i32
        %cond3A_568 = arith.cmpi ne, %convert_element_type3A_566, %cond3A_567 : i32
        scf.if %cond3A_568 {
          %dma_wait3A_593 = arith.constant 0 : i32
          %dma_wait3A_594 = tpu.memref_slice %arg10[%mul3A_122, %dma_wait3A_593] : memref<448x64xf32, #tpu.memory_space<vmem>> -> memref<1x64xf32, #tpu.memory_space<vmem>>
          %dma_wait3A_595 = tpu.memref_squeeze %dma_wait3A_594 : memref<1x64xf32, #tpu.memory_space<vmem>> -> memref<64xf32, #tpu.memory_space<vmem>>
          %dma_wait3A_596 = arith.constant 0 : i32
          %dma_wait3A_597 = tpu.memref_slice %arg4[%dma_wait3A_596] : memref<1048576xf32, #tpu.memory_space<hbm>> -> memref<64xf32, #tpu.memory_space<hbm>>
          %dma_wait3A_598 = arith.constant 0 : i32
          %dma_wait3A_599 = tpu.memref_slice %arg10[%mul3A_122, %dma_wait3A_598] : memref<448x64xf32, #tpu.memory_space<vmem>> -> memref<1x64xf32, #tpu.memory_space<vmem>>
          %dma_wait3A_600 = tpu.memref_squeeze %dma_wait3A_599 : memref<1x64xf32, #tpu.memory_space<vmem>> -> memref<64xf32, #tpu.memory_space<vmem>>
          %dma_wait3A_601 = arith.constant 0 : i32
          %dma_wait3A_602 = tpu.memref_slice %arg4[%dma_wait3A_601] : memref<1048576xf32, #tpu.memory_space<hbm>> -> memref<64xf32, #tpu.memory_space<hbm>>
          tpu.wait_dma2 semaphore(%arg13 : memref<!tpu.dma_semaphore, #tpu.memory_space<semaphore_mem>>) src(%dma_wait3A_602 : memref<64xf32, #tpu.memory_space<hbm>>) dst(%dma_wait3A_600 : memref<64xf32, #tpu.memory_space<vmem>>)
        } else {
        }
        %mul3A_569 = arith.constant 16 : i32
        %mul3A_570 = arith.muli %while3A_325, %mul3A_569 : i32
        %add3A_571 = arith.constant 13 : i32
        %add3A_572 = arith.addi %mul3A_570, %add3A_571 : i32
        %lt3A_573 = arith.cmpi slt, %add3A_572, %add3A_278 : i32
        %convert_element_type3A_574 = arith.extui %lt3A_573 : i1 to i32
        %cond3A_575 = arith.constant 0 : i32
        %cond3A_576 = arith.cmpi ne, %convert_element_type3A_574, %cond3A_575 : i32
        scf.if %cond3A_576 {
          %dma_wait3A_593 = arith.constant 0 : i32
          %dma_wait3A_594 = tpu.memref_slice %arg10[%mul3A_122, %dma_wait3A_593] : memref<448x64xf32, #tpu.memory_space<vmem>> -> memref<1x64xf32, #tpu.memory_space<vmem>>
          %dma_wait3A_595 = tpu.memref_squeeze %dma_wait3A_594 : memref<1x64xf32, #tpu.memory_space<vmem>> -> memref<64xf32, #tpu.memory_space<vmem>>
          %dma_wait3A_596 = arith.constant 0 : i32
          %dma_wait3A_597 = tpu.memref_slice %arg4[%dma_wait3A_596] : memref<1048576xf32, #tpu.memory_space<hbm>> -> memref<64xf32, #tpu.memory_space<hbm>>
          %dma_wait3A_598 = arith.constant 0 : i32
          %dma_wait3A_599 = tpu.memref_slice %arg10[%mul3A_122, %dma_wait3A_598] : memref<448x64xf32, #tpu.memory_space<vmem>> -> memref<1x64xf32, #tpu.memory_space<vmem>>
          %dma_wait3A_600 = tpu.memref_squeeze %dma_wait3A_599 : memref<1x64xf32, #tpu.memory_space<vmem>> -> memref<64xf32, #tpu.memory_space<vmem>>
          %dma_wait3A_601 = arith.constant 0 : i32
          %dma_wait3A_602 = tpu.memref_slice %arg4[%dma_wait3A_601] : memref<1048576xf32, #tpu.memory_space<hbm>> -> memref<64xf32, #tpu.memory_space<hbm>>
          tpu.wait_dma2 semaphore(%arg13 : memref<!tpu.dma_semaphore, #tpu.memory_space<semaphore_mem>>) src(%dma_wait3A_602 : memref<64xf32, #tpu.memory_space<hbm>>) dst(%dma_wait3A_600 : memref<64xf32, #tpu.memory_space<vmem>>)
        } else {
        }
        %mul3A_577 = arith.constant 16 : i32
        %mul3A_578 = arith.muli %while3A_325, %mul3A_577 : i32
        %add3A_579 = arith.constant 14 : i32
        %add3A_580 = arith.addi %mul3A_578, %add3A_579 : i32
        %lt3A_581 = arith.cmpi slt, %add3A_580, %add3A_278 : i32
        %convert_element_type3A_582 = arith.extui %lt3A_581 : i1 to i32
        %cond3A_583 = arith.constant 0 : i32
        %cond3A_584 = arith.cmpi ne, %convert_element_type3A_582, %cond3A_583 : i32
        scf.if %cond3A_584 {
          %dma_wait3A_593 = arith.constant 0 : i32
          %dma_wait3A_594 = tpu.memref_slice %arg10[%mul3A_122, %dma_wait3A_593] : memref<448x64xf32, #tpu.memory_space<vmem>> -> memref<1x64xf32, #tpu.memory_space<vmem>>
          %dma_wait3A_595 = tpu.memref_squeeze %dma_wait3A_594 : memref<1x64xf32, #tpu.memory_space<vmem>> -> memref<64xf32, #tpu.memory_space<vmem>>
          %dma_wait3A_596 = arith.constant 0 : i32
          %dma_wait3A_597 = tpu.memref_slice %arg4[%dma_wait3A_596] : memref<1048576xf32, #tpu.memory_space<hbm>> -> memref<64xf32, #tpu.memory_space<hbm>>
          %dma_wait3A_598 = arith.constant 0 : i32
          %dma_wait3A_599 = tpu.memref_slice %arg10[%mul3A_122, %dma_wait3A_598] : memref<448x64xf32, #tpu.memory_space<vmem>> -> memref<1x64xf32, #tpu.memory_space<vmem>>
          %dma_wait3A_600 = tpu.memref_squeeze %dma_wait3A_599 : memref<1x64xf32, #tpu.memory_space<vmem>> -> memref<64xf32, #tpu.memory_space<vmem>>
          %dma_wait3A_601 = arith.constant 0 : i32
          %dma_wait3A_602 = tpu.memref_slice %arg4[%dma_wait3A_601] : memref<1048576xf32, #tpu.memory_space<hbm>> -> memref<64xf32, #tpu.memory_space<hbm>>
          tpu.wait_dma2 semaphore(%arg13 : memref<!tpu.dma_semaphore, #tpu.memory_space<semaphore_mem>>) src(%dma_wait3A_602 : memref<64xf32, #tpu.memory_space<hbm>>) dst(%dma_wait3A_600 : memref<64xf32, #tpu.memory_space<vmem>>)
        } else {
        }
        %mul3A_585 = arith.constant 16 : i32
        %mul3A_586 = arith.muli %while3A_325, %mul3A_585 : i32
        %add3A_587 = arith.constant 15 : i32
        %add3A_588 = arith.addi %mul3A_586, %add3A_587 : i32
        %lt3A_589 = arith.cmpi slt, %add3A_588, %add3A_278 : i32
        %convert_element_type3A_590 = arith.extui %lt3A_589 : i1 to i32
        %cond3A_591 = arith.constant 0 : i32
        %cond3A_592 = arith.cmpi ne, %convert_element_type3A_590, %cond3A_591 : i32
        scf.if %cond3A_592 {
          %dma_wait3A_593 = arith.constant 0 : i32
          %dma_wait3A_594 = tpu.memref_slice %arg10[%mul3A_122, %dma_wait3A_593] : memref<448x64xf32, #tpu.memory_space<vmem>> -> memref<1x64xf32, #tpu.memory_space<vmem>>
          %dma_wait3A_595 = tpu.memref_squeeze %dma_wait3A_594 : memref<1x64xf32, #tpu.memory_space<vmem>> -> memref<64xf32, #tpu.memory_space<vmem>>
          %dma_wait3A_596 = arith.constant 0 : i32
          %dma_wait3A_597 = tpu.memref_slice %arg4[%dma_wait3A_596] : memref<1048576xf32, #tpu.memory_space<hbm>> -> memref<64xf32, #tpu.memory_space<hbm>>
          %dma_wait3A_598 = arith.constant 0 : i32
          %dma_wait3A_599 = tpu.memref_slice %arg10[%mul3A_122, %dma_wait3A_598] : memref<448x64xf32, #tpu.memory_space<vmem>> -> memref<1x64xf32, #tpu.memory_space<vmem>>
          %dma_wait3A_600 = tpu.memref_squeeze %dma_wait3A_599 : memref<1x64xf32, #tpu.memory_space<vmem>> -> memref<64xf32, #tpu.memory_space<vmem>>
          %dma_wait3A_601 = arith.constant 0 : i32
          %dma_wait3A_602 = tpu.memref_slice %arg4[%dma_wait3A_601] : memref<1048576xf32, #tpu.memory_space<hbm>> -> memref<64xf32, #tpu.memory_space<hbm>>
          tpu.wait_dma2 semaphore(%arg13 : memref<!tpu.dma_semaphore, #tpu.memory_space<semaphore_mem>>) src(%dma_wait3A_602 : memref<64xf32, #tpu.memory_space<hbm>>) dst(%dma_wait3A_600 : memref<64xf32, #tpu.memory_space<vmem>>)
        } else {
        }
      }
      %while3A_316 = arith.constant 1 : i32
      scf.for %while3A_325 = %while3A_314 to %while3A_310 step %while3A_316  : i32 {
        %mul3A_326 = arith.constant 16 : i32
        %mul3A_327 = arith.muli %while3A_325, %mul3A_326 : i32
        %get3A_328 = arith.index_cast %mul3A_327 : i32 to index
        %get3A_329 = tpu.vector_load %arg9[%get3A_328] {strides = array<i32>} : memref<128xi32, #tpu.memory_space<vmem>>, vector<16xi32>,
        %shift_right_logical3A = arith.constant 14 : i32
        %shift_right_logical3A_330 = vector.broadcast %shift_right_logical3A : i32 to vector<16xi32>
        %shift_right_logical3A_331 = arith.shrui %get3A_329, %shift_right_logical3A_330 : vector<16xi32>
        %sub3A_332 = vector.broadcast %mul3A_149 : i32 to vector<16xi32>
        %sub3A_333 = arith.subi %shift_right_logical3A_331, %sub3A_332 : vector<16xi32>
        %and3A_334 = arith.constant 16383 : i32
        %and3A_335 = vector.broadcast %and3A_334 : i32 to vector<16xi32>
        %and3A_336 = arith.andi %get3A_329, %and3A_335 : vector<16xi32>
        %mul3A_337 = arith.constant 16 : i32
        %mul3A_338 = arith.muli %while3A_325, %mul3A_337 : i32
        %add3A_339 = arith.constant 0 : i32
        %add3A_340 = arith.addi %mul3A_338, %add3A_339 : i32
        %lt3A_341 = arith.cmpi slt, %add3A_340, %add3A_278 : i32
        %convert_element_type3A_342 = arith.extui %lt3A_341 : i1 to i32
        %cond3A_343 = arith.constant 0 : i32
        %cond3A_344 = arith.cmpi ne, %convert_element_type3A_342, %cond3A_343 : i32
        scf.if %cond3A_344 {
          %slice3A_593 = vector.extract_strided_slice %and3A_336 {offsets = [0], sizes = [1], strides = [1]} : vector<16xi32> to vector<1xi32>
          %squeeze3A_594 = vector.extract %slice3A_593[0] : i32 from vector<1xi32>
          %mul3A_595 = arith.constant 64 : i32
          %mul3A_596 = arith.muli %squeeze3A_594, %mul3A_595 : i32
          %multiple_of3A_597 = tpu.assume_multiple %mul3A_596, 8 : i32
          %slice3A_598 = vector.extract_strided_slice %sub3A_333 {offsets = [0], sizes = [1], strides = [1]} : vector<16xi32> to vector<1xi32>
          %squeeze3A_599 = vector.extract %slice3A_598[0] : i32 from vector<1xi32>
          %add3A_600 = arith.addi %mul3A_122, %squeeze3A_599 : i32
          %dma_start3A_601 = arith.constant 0 : i32
          %dma_start3A_602 = tpu.memref_slice %arg10[%add3A_600, %dma_start3A_601] : memref<448x64xf32, #tpu.memory_space<vmem>> -> memref<1x64xf32, #tpu.memory_space<vmem>>
          %dma_start3A_603 = tpu.memref_squeeze %dma_start3A_602 : memref<1x64xf32, #tpu.memory_space<vmem>> -> memref<64xf32, #tpu.memory_space<vmem>>
          %dma_start3A_604 = tpu.memref_slice %arg4[%multiple_of3A_597] : memref<1048576xf32, #tpu.memory_space<hbm>> -> memref<64xf32, #tpu.memory_space<hbm>>
          %dma_start3A_605 = arith.constant 0 : i32
          %dma_start3A_606 = tpu.memref_slice %arg10[%add3A_600, %dma_start3A_605] : memref<448x64xf32, #tpu.memory_space<vmem>> -> memref<1x64xf32, #tpu.memory_space<vmem>>
          %dma_start3A_607 = tpu.memref_squeeze %dma_start3A_606 : memref<1x64xf32, #tpu.memory_space<vmem>> -> memref<64xf32, #tpu.memory_space<vmem>>
          %dma_start3A_608 = tpu.memref_slice %arg4[%multiple_of3A_597] : memref<1048576xf32, #tpu.memory_space<hbm>> -> memref<64xf32, #tpu.memory_space<hbm>>
          tpu.enqueue_dma source(%dma_start3A_608 : memref<64xf32, #tpu.memory_space<hbm>>) target(%dma_start3A_607 : memref<64xf32, #tpu.memory_space<vmem>>) target_semaphore(%arg13 : memref<!tpu.dma_semaphore, #tpu.memory_space<semaphore_mem>>)
        } else {
        }
        %mul3A_345 = arith.constant 16 : i32
        %mul3A_346 = arith.muli %while3A_325, %mul3A_345 : i32
        %add3A_347 = arith.constant 1 : i32
        %add3A_348 = arith.addi %mul3A_346, %add3A_347 : i32
        %lt3A_349 = arith.cmpi slt, %add3A_348, %add3A_278 : i32
        %convert_element_type3A_350 = arith.extui %lt3A_349 : i1 to i32
        %cond3A_351 = arith.constant 0 : i32
        %cond3A_352 = arith.cmpi ne, %convert_element_type3A_350, %cond3A_351 : i32
        scf.if %cond3A_352 {
          %slice3A_593 = vector.extract_strided_slice %and3A_336 {offsets = [1], sizes = [1], strides = [1]} : vector<16xi32> to vector<1xi32>
          %squeeze3A_594 = vector.extract %slice3A_593[0] : i32 from vector<1xi32>
          %mul3A_595 = arith.constant 64 : i32
          %mul3A_596 = arith.muli %squeeze3A_594, %mul3A_595 : i32
          %multiple_of3A_597 = tpu.assume_multiple %mul3A_596, 8 : i32
          %slice3A_598 = vector.extract_strided_slice %sub3A_333 {offsets = [1], sizes = [1], strides = [1]} : vector<16xi32> to vector<1xi32>
          %squeeze3A_599 = vector.extract %slice3A_598[0] : i32 from vector<1xi32>
          %add3A_600 = arith.addi %mul3A_122, %squeeze3A_599 : i32
          %dma_start3A_601 = arith.constant 0 : i32
          %dma_start3A_602 = tpu.memref_slice %arg10[%add3A_600, %dma_start3A_601] : memref<448x64xf32, #tpu.memory_space<vmem>> -> memref<1x64xf32, #tpu.memory_space<vmem>>
          %dma_start3A_603 = tpu.memref_squeeze %dma_start3A_602 : memref<1x64xf32, #tpu.memory_space<vmem>> -> memref<64xf32, #tpu.memory_space<vmem>>
          %dma_start3A_604 = tpu.memref_slice %arg4[%multiple_of3A_597] : memref<1048576xf32, #tpu.memory_space<hbm>> -> memref<64xf32, #tpu.memory_space<hbm>>
          %dma_start3A_605 = arith.constant 0 : i32
          %dma_start3A_606 = tpu.memref_slice %arg10[%add3A_600, %dma_start3A_605] : memref<448x64xf32, #tpu.memory_space<vmem>> -> memref<1x64xf32, #tpu.memory_space<vmem>>
          %dma_start3A_607 = tpu.memref_squeeze %dma_start3A_606 : memref<1x64xf32, #tpu.memory_space<vmem>> -> memref<64xf32, #tpu.memory_space<vmem>>
          %dma_start3A_608 = tpu.memref_slice %arg4[%multiple_of3A_597] : memref<1048576xf32, #tpu.memory_space<hbm>> -> memref<64xf32, #tpu.memory_space<hbm>>
          tpu.enqueue_dma source(%dma_start3A_608 : memref<64xf32, #tpu.memory_space<hbm>>) target(%dma_start3A_607 : memref<64xf32, #tpu.memory_space<vmem>>) target_semaphore(%arg13 : memref<!tpu.dma_semaphore, #tpu.memory_space<semaphore_mem>>)
        } else {
        }
        %mul3A_353 = arith.constant 16 : i32
        %mul3A_354 = arith.muli %while3A_325, %mul3A_353 : i32
        %add3A_355 = arith.constant 2 : i32
        %add3A_356 = arith.addi %mul3A_354, %add3A_355 : i32
        %lt3A_357 = arith.cmpi slt, %add3A_356, %add3A_278 : i32
        %convert_element_type3A_358 = arith.extui %lt3A_357 : i1 to i32
        %cond3A_359 = arith.constant 0 : i32
        %cond3A_360 = arith.cmpi ne, %convert_element_type3A_358, %cond3A_359 : i32
        scf.if %cond3A_360 {
          %slice3A_593 = vector.extract_strided_slice %and3A_336 {offsets = [2], sizes = [1], strides = [1]} : vector<16xi32> to vector<1xi32>
          %squeeze3A_594 = vector.extract %slice3A_593[0] : i32 from vector<1xi32>
          %mul3A_595 = arith.constant 64 : i32
          %mul3A_596 = arith.muli %squeeze3A_594, %mul3A_595 : i32
          %multiple_of3A_597 = tpu.assume_multiple %mul3A_596, 8 : i32
          %slice3A_598 = vector.extract_strided_slice %sub3A_333 {offsets = [2], sizes = [1], strides = [1]} : vector<16xi32> to vector<1xi32>
          %squeeze3A_599 = vector.extract %slice3A_598[0] : i32 from vector<1xi32>
          %add3A_600 = arith.addi %mul3A_122, %squeeze3A_599 : i32
          %dma_start3A_601 = arith.constant 0 : i32
          %dma_start3A_602 = tpu.memref_slice %arg10[%add3A_600, %dma_start3A_601] : memref<448x64xf32, #tpu.memory_space<vmem>> -> memref<1x64xf32, #tpu.memory_space<vmem>>
          %dma_start3A_603 = tpu.memref_squeeze %dma_start3A_602 : memref<1x64xf32, #tpu.memory_space<vmem>> -> memref<64xf32, #tpu.memory_space<vmem>>
          %dma_start3A_604 = tpu.memref_slice %arg4[%multiple_of3A_597] : memref<1048576xf32, #tpu.memory_space<hbm>> -> memref<64xf32, #tpu.memory_space<hbm>>
          %dma_start3A_605 = arith.constant 0 : i32
          %dma_start3A_606 = tpu.memref_slice %arg10[%add3A_600, %dma_start3A_605] : memref<448x64xf32, #tpu.memory_space<vmem>> -> memref<1x64xf32, #tpu.memory_space<vmem>>
          %dma_start3A_607 = tpu.memref_squeeze %dma_start3A_606 : memref<1x64xf32, #tpu.memory_space<vmem>> -> memref<64xf32, #tpu.memory_space<vmem>>
          %dma_start3A_608 = tpu.memref_slice %arg4[%multiple_of3A_597] : memref<1048576xf32, #tpu.memory_space<hbm>> -> memref<64xf32, #tpu.memory_space<hbm>>
          tpu.enqueue_dma source(%dma_start3A_608 : memref<64xf32, #tpu.memory_space<hbm>>) target(%dma_start3A_607 : memref<64xf32, #tpu.memory_space<vmem>>) target_semaphore(%arg13 : memref<!tpu.dma_semaphore, #tpu.memory_space<semaphore_mem>>)
        } else {
        }
        %mul3A_361 = arith.constant 16 : i32
        %mul3A_362 = arith.muli %while3A_325, %mul3A_361 : i32
        %add3A_363 = arith.constant 3 : i32
        %add3A_364 = arith.addi %mul3A_362, %add3A_363 : i32
        %lt3A_365 = arith.cmpi slt, %add3A_364, %add3A_278 : i32
        %convert_element_type3A_366 = arith.extui %lt3A_365 : i1 to i32
        %cond3A_367 = arith.constant 0 : i32
        %cond3A_368 = arith.cmpi ne, %convert_element_type3A_366, %cond3A_367 : i32
        scf.if %cond3A_368 {
          %slice3A_593 = vector.extract_strided_slice %and3A_336 {offsets = [3], sizes = [1], strides = [1]} : vector<16xi32> to vector<1xi32>
          %squeeze3A_594 = vector.extract %slice3A_593[0] : i32 from vector<1xi32>
          %mul3A_595 = arith.constant 64 : i32
          %mul3A_596 = arith.muli %squeeze3A_594, %mul3A_595 : i32
          %multiple_of3A_597 = tpu.assume_multiple %mul3A_596, 8 : i32
          %slice3A_598 = vector.extract_strided_slice %sub3A_333 {offsets = [3], sizes = [1], strides = [1]} : vector<16xi32> to vector<1xi32>
          %squeeze3A_599 = vector.extract %slice3A_598[0] : i32 from vector<1xi32>
          %add3A_600 = arith.addi %mul3A_122, %squeeze3A_599 : i32
          %dma_start3A_601 = arith.constant 0 : i32
          %dma_start3A_602 = tpu.memref_slice %arg10[%add3A_600, %dma_start3A_601] : memref<448x64xf32, #tpu.memory_space<vmem>> -> memref<1x64xf32, #tpu.memory_space<vmem>>
          %dma_start3A_603 = tpu.memref_squeeze %dma_start3A_602 : memref<1x64xf32, #tpu.memory_space<vmem>> -> memref<64xf32, #tpu.memory_space<vmem>>
          %dma_start3A_604 = tpu.memref_slice %arg4[%multiple_of3A_597] : memref<1048576xf32, #tpu.memory_space<hbm>> -> memref<64xf32, #tpu.memory_space<hbm>>
          %dma_start3A_605 = arith.constant 0 : i32
          %dma_start3A_606 = tpu.memref_slice %arg10[%add3A_600, %dma_start3A_605] : memref<448x64xf32, #tpu.memory_space<vmem>> -> memref<1x64xf32, #tpu.memory_space<vmem>>
          %dma_start3A_607 = tpu.memref_squeeze %dma_start3A_606 : memref<1x64xf32, #tpu.memory_space<vmem>> -> memref<64xf32, #tpu.memory_space<vmem>>
          %dma_start3A_608 = tpu.memref_slice %arg4[%multiple_of3A_597] : memref<1048576xf32, #tpu.memory_space<hbm>> -> memref<64xf32, #tpu.memory_space<hbm>>
          tpu.enqueue_dma source(%dma_start3A_608 : memref<64xf32, #tpu.memory_space<hbm>>) target(%dma_start3A_607 : memref<64xf32, #tpu.memory_space<vmem>>) target_semaphore(%arg13 : memref<!tpu.dma_semaphore, #tpu.memory_space<semaphore_mem>>)
        } else {
        }
        %mul3A_369 = arith.constant 16 : i32
        %mul3A_370 = arith.muli %while3A_325, %mul3A_369 : i32
        %add3A_371 = arith.constant 4 : i32
        %add3A_372 = arith.addi %mul3A_370, %add3A_371 : i32
        %lt3A_373 = arith.cmpi slt, %add3A_372, %add3A_278 : i32
        %convert_element_type3A_374 = arith.extui %lt3A_373 : i1 to i32
        %cond3A_375 = arith.constant 0 : i32
        %cond3A_376 = arith.cmpi ne, %convert_element_type3A_374, %cond3A_375 : i32
        scf.if %cond3A_376 {
          %slice3A_593 = vector.extract_strided_slice %and3A_336 {offsets = [4], sizes = [1], strides = [1]} : vector<16xi32> to vector<1xi32>
          %squeeze3A_594 = vector.extract %slice3A_593[0] : i32 from vector<1xi32>
          %mul3A_595 = arith.constant 64 : i32
          %mul3A_596 = arith.muli %squeeze3A_594, %mul3A_595 : i32
          %multiple_of3A_597 = tpu.assume_multiple %mul3A_596, 8 : i32
          %slice3A_598 = vector.extract_strided_slice %sub3A_333 {offsets = [4], sizes = [1], strides = [1]} : vector<16xi32> to vector<1xi32>
          %squeeze3A_599 = vector.extract %slice3A_598[0] : i32 from vector<1xi32>
          %add3A_600 = arith.addi %mul3A_122, %squeeze3A_599 : i32
          %dma_start3A_601 = arith.constant 0 : i32
          %dma_start3A_602 = tpu.memref_slice %arg10[%add3A_600, %dma_start3A_601] : memref<448x64xf32, #tpu.memory_space<vmem>> -> memref<1x64xf32, #tpu.memory_space<vmem>>
          %dma_start3A_603 = tpu.memref_squeeze %dma_start3A_602 : memref<1x64xf32, #tpu.memory_space<vmem>> -> memref<64xf32, #tpu.memory_space<vmem>>
          %dma_start3A_604 = tpu.memref_slice %arg4[%multiple_of3A_597] : memref<1048576xf32, #tpu.memory_space<hbm>> -> memref<64xf32, #tpu.memory_space<hbm>>
          %dma_start3A_605 = arith.constant 0 : i32
          %dma_start3A_606 = tpu.memref_slice %arg10[%add3A_600, %dma_start3A_605] : memref<448x64xf32, #tpu.memory_space<vmem>> -> memref<1x64xf32, #tpu.memory_space<vmem>>
          %dma_start3A_607 = tpu.memref_squeeze %dma_start3A_606 : memref<1x64xf32, #tpu.memory_space<vmem>> -> memref<64xf32, #tpu.memory_space<vmem>>
          %dma_start3A_608 = tpu.memref_slice %arg4[%multiple_of3A_597] : memref<1048576xf32, #tpu.memory_space<hbm>> -> memref<64xf32, #tpu.memory_space<hbm>>
          tpu.enqueue_dma source(%dma_start3A_608 : memref<64xf32, #tpu.memory_space<hbm>>) target(%dma_start3A_607 : memref<64xf32, #tpu.memory_space<vmem>>) target_semaphore(%arg13 : memref<!tpu.dma_semaphore, #tpu.memory_space<semaphore_mem>>)
        } else {
        }
        %mul3A_377 = arith.constant 16 : i32
        %mul3A_378 = arith.muli %while3A_325, %mul3A_377 : i32
        %add3A_379 = arith.constant 5 : i32
        %add3A_380 = arith.addi %mul3A_378, %add3A_379 : i32
        %lt3A_381 = arith.cmpi slt, %add3A_380, %add3A_278 : i32
        %convert_element_type3A_382 = arith.extui %lt3A_381 : i1 to i32
        %cond3A_383 = arith.constant 0 : i32
        %cond3A_384 = arith.cmpi ne, %convert_element_type3A_382, %cond3A_383 : i32
        scf.if %cond3A_384 {
          %slice3A_593 = vector.extract_strided_slice %and3A_336 {offsets = [5], sizes = [1], strides = [1]} : vector<16xi32> to vector<1xi32>
          %squeeze3A_594 = vector.extract %slice3A_593[0] : i32 from vector<1xi32>
          %mul3A_595 = arith.constant 64 : i32
          %mul3A_596 = arith.muli %squeeze3A_594, %mul3A_595 : i32
          %multiple_of3A_597 = tpu.assume_multiple %mul3A_596, 8 : i32
          %slice3A_598 = vector.extract_strided_slice %sub3A_333 {offsets = [5], sizes = [1], strides = [1]} : vector<16xi32> to vector<1xi32>
          %squeeze3A_599 = vector.extract %slice3A_598[0] : i32 from vector<1xi32>
          %add3A_600 = arith.addi %mul3A_122, %squeeze3A_599 : i32
          %dma_start3A_601 = arith.constant 0 : i32
          %dma_start3A_602 = tpu.memref_slice %arg10[%add3A_600, %dma_start3A_601] : memref<448x64xf32, #tpu.memory_space<vmem>> -> memref<1x64xf32, #tpu.memory_space<vmem>>
          %dma_start3A_603 = tpu.memref_squeeze %dma_start3A_602 : memref<1x64xf32, #tpu.memory_space<vmem>> -> memref<64xf32, #tpu.memory_space<vmem>>
          %dma_start3A_604 = tpu.memref_slice %arg4[%multiple_of3A_597] : memref<1048576xf32, #tpu.memory_space<hbm>> -> memref<64xf32, #tpu.memory_space<hbm>>
          %dma_start3A_605 = arith.constant 0 : i32
          %dma_start3A_606 = tpu.memref_slice %arg10[%add3A_600, %dma_start3A_605] : memref<448x64xf32, #tpu.memory_space<vmem>> -> memref<1x64xf32, #tpu.memory_space<vmem>>
          %dma_start3A_607 = tpu.memref_squeeze %dma_start3A_606 : memref<1x64xf32, #tpu.memory_space<vmem>> -> memref<64xf32, #tpu.memory_space<vmem>>
          %dma_start3A_608 = tpu.memref_slice %arg4[%multiple_of3A_597] : memref<1048576xf32, #tpu.memory_space<hbm>> -> memref<64xf32, #tpu.memory_space<hbm>>
          tpu.enqueue_dma source(%dma_start3A_608 : memref<64xf32, #tpu.memory_space<hbm>>) target(%dma_start3A_607 : memref<64xf32, #tpu.memory_space<vmem>>) target_semaphore(%arg13 : memref<!tpu.dma_semaphore, #tpu.memory_space<semaphore_mem>>)
        } else {
        }
        %mul3A_385 = arith.constant 16 : i32
        %mul3A_386 = arith.muli %while3A_325, %mul3A_385 : i32
        %add3A_387 = arith.constant 6 : i32
        %add3A_388 = arith.addi %mul3A_386, %add3A_387 : i32
        %lt3A_389 = arith.cmpi slt, %add3A_388, %add3A_278 : i32
        %convert_element_type3A_390 = arith.extui %lt3A_389 : i1 to i32
        %cond3A_391 = arith.constant 0 : i32
        %cond3A_392 = arith.cmpi ne, %convert_element_type3A_390, %cond3A_391 : i32
        scf.if %cond3A_392 {
          %slice3A_593 = vector.extract_strided_slice %and3A_336 {offsets = [6], sizes = [1], strides = [1]} : vector<16xi32> to vector<1xi32>
          %squeeze3A_594 = vector.extract %slice3A_593[0] : i32 from vector<1xi32>
          %mul3A_595 = arith.constant 64 : i32
          %mul3A_596 = arith.muli %squeeze3A_594, %mul3A_595 : i32
          %multiple_of3A_597 = tpu.assume_multiple %mul3A_596, 8 : i32
          %slice3A_598 = vector.extract_strided_slice %sub3A_333 {offsets = [6], sizes = [1], strides = [1]} : vector<16xi32> to vector<1xi32>
          %squeeze3A_599 = vector.extract %slice3A_598[0] : i32 from vector<1xi32>
          %add3A_600 = arith.addi %mul3A_122, %squeeze3A_599 : i32
          %dma_start3A_601 = arith.constant 0 : i32
          %dma_start3A_602 = tpu.memref_slice %arg10[%add3A_600, %dma_start3A_601] : memref<448x64xf32, #tpu.memory_space<vmem>> -> memref<1x64xf32, #tpu.memory_space<vmem>>
          %dma_start3A_603 = tpu.memref_squeeze %dma_start3A_602 : memref<1x64xf32, #tpu.memory_space<vmem>> -> memref<64xf32, #tpu.memory_space<vmem>>
          %dma_start3A_604 = tpu.memref_slice %arg4[%multiple_of3A_597] : memref<1048576xf32, #tpu.memory_space<hbm>> -> memref<64xf32, #tpu.memory_space<hbm>>
          %dma_start3A_605 = arith.constant 0 : i32
          %dma_start3A_606 = tpu.memref_slice %arg10[%add3A_600, %dma_start3A_605] : memref<448x64xf32, #tpu.memory_space<vmem>> -> memref<1x64xf32, #tpu.memory_space<vmem>>
          %dma_start3A_607 = tpu.memref_squeeze %dma_start3A_606 : memref<1x64xf32, #tpu.memory_space<vmem>> -> memref<64xf32, #tpu.memory_space<vmem>>
          %dma_start3A_608 = tpu.memref_slice %arg4[%multiple_of3A_597] : memref<1048576xf32, #tpu.memory_space<hbm>> -> memref<64xf32, #tpu.memory_space<hbm>>
          tpu.enqueue_dma source(%dma_start3A_608 : memref<64xf32, #tpu.memory_space<hbm>>) target(%dma_start3A_607 : memref<64xf32, #tpu.memory_space<vmem>>) target_semaphore(%arg13 : memref<!tpu.dma_semaphore, #tpu.memory_space<semaphore_mem>>)
        } else {
        }
        %mul3A_393 = arith.constant 16 : i32
        %mul3A_394 = arith.muli %while3A_325, %mul3A_393 : i32
        %add3A_395 = arith.constant 7 : i32
        %add3A_396 = arith.addi %mul3A_394, %add3A_395 : i32
        %lt3A_397 = arith.cmpi slt, %add3A_396, %add3A_278 : i32
        %convert_element_type3A_398 = arith.extui %lt3A_397 : i1 to i32
        %cond3A_399 = arith.constant 0 : i32
        %cond3A_400 = arith.cmpi ne, %convert_element_type3A_398, %cond3A_399 : i32
        scf.if %cond3A_400 {
          %slice3A_593 = vector.extract_strided_slice %and3A_336 {offsets = [7], sizes = [1], strides = [1]} : vector<16xi32> to vector<1xi32>
          %squeeze3A_594 = vector.extract %slice3A_593[0] : i32 from vector<1xi32>
          %mul3A_595 = arith.constant 64 : i32
          %mul3A_596 = arith.muli %squeeze3A_594, %mul3A_595 : i32
          %multiple_of3A_597 = tpu.assume_multiple %mul3A_596, 8 : i32
          %slice3A_598 = vector.extract_strided_slice %sub3A_333 {offsets = [7], sizes = [1], strides = [1]} : vector<16xi32> to vector<1xi32>
          %squeeze3A_599 = vector.extract %slice3A_598[0] : i32 from vector<1xi32>
          %add3A_600 = arith.addi %mul3A_122, %squeeze3A_599 : i32
          %dma_start3A_601 = arith.constant 0 : i32
          %dma_start3A_602 = tpu.memref_slice %arg10[%add3A_600, %dma_start3A_601] : memref<448x64xf32, #tpu.memory_space<vmem>> -> memref<1x64xf32, #tpu.memory_space<vmem>>
          %dma_start3A_603 = tpu.memref_squeeze %dma_start3A_602 : memref<1x64xf32, #tpu.memory_space<vmem>> -> memref<64xf32, #tpu.memory_space<vmem>>
          %dma_start3A_604 = tpu.memref_slice %arg4[%multiple_of3A_597] : memref<1048576xf32, #tpu.memory_space<hbm>> -> memref<64xf32, #tpu.memory_space<hbm>>
          %dma_start3A_605 = arith.constant 0 : i32
          %dma_start3A_606 = tpu.memref_slice %arg10[%add3A_600, %dma_start3A_605] : memref<448x64xf32, #tpu.memory_space<vmem>> -> memref<1x64xf32, #tpu.memory_space<vmem>>
          %dma_start3A_607 = tpu.memref_squeeze %dma_start3A_606 : memref<1x64xf32, #tpu.memory_space<vmem>> -> memref<64xf32, #tpu.memory_space<vmem>>
          %dma_start3A_608 = tpu.memref_slice %arg4[%multiple_of3A_597] : memref<1048576xf32, #tpu.memory_space<hbm>> -> memref<64xf32, #tpu.memory_space<hbm>>
          tpu.enqueue_dma source(%dma_start3A_608 : memref<64xf32, #tpu.memory_space<hbm>>) target(%dma_start3A_607 : memref<64xf32, #tpu.memory_space<vmem>>) target_semaphore(%arg13 : memref<!tpu.dma_semaphore, #tpu.memory_space<semaphore_mem>>)
        } else {
        }
        %mul3A_401 = arith.constant 16 : i32
        %mul3A_402 = arith.muli %while3A_325, %mul3A_401 : i32
        %add3A_403 = arith.constant 8 : i32
        %add3A_404 = arith.addi %mul3A_402, %add3A_403 : i32
        %lt3A_405 = arith.cmpi slt, %add3A_404, %add3A_278 : i32
        %convert_element_type3A_406 = arith.extui %lt3A_405 : i1 to i32
        %cond3A_407 = arith.constant 0 : i32
        %cond3A_408 = arith.cmpi ne, %convert_element_type3A_406, %cond3A_407 : i32
        scf.if %cond3A_408 {
          %slice3A_593 = vector.extract_strided_slice %and3A_336 {offsets = [8], sizes = [1], strides = [1]} : vector<16xi32> to vector<1xi32>
          %squeeze3A_594 = vector.extract %slice3A_593[0] : i32 from vector<1xi32>
          %mul3A_595 = arith.constant 64 : i32
          %mul3A_596 = arith.muli %squeeze3A_594, %mul3A_595 : i32
          %multiple_of3A_597 = tpu.assume_multiple %mul3A_596, 8 : i32
          %slice3A_598 = vector.extract_strided_slice %sub3A_333 {offsets = [8], sizes = [1], strides = [1]} : vector<16xi32> to vector<1xi32>
          %squeeze3A_599 = vector.extract %slice3A_598[0] : i32 from vector<1xi32>
          %add3A_600 = arith.addi %mul3A_122, %squeeze3A_599 : i32
          %dma_start3A_601 = arith.constant 0 : i32
          %dma_start3A_602 = tpu.memref_slice %arg10[%add3A_600, %dma_start3A_601] : memref<448x64xf32, #tpu.memory_space<vmem>> -> memref<1x64xf32, #tpu.memory_space<vmem>>
          %dma_start3A_603 = tpu.memref_squeeze %dma_start3A_602 : memref<1x64xf32, #tpu.memory_space<vmem>> -> memref<64xf32, #tpu.memory_space<vmem>>
          %dma_start3A_604 = tpu.memref_slice %arg4[%multiple_of3A_597] : memref<1048576xf32, #tpu.memory_space<hbm>> -> memref<64xf32, #tpu.memory_space<hbm>>
          %dma_start3A_605 = arith.constant 0 : i32
          %dma_start3A_606 = tpu.memref_slice %arg10[%add3A_600, %dma_start3A_605] : memref<448x64xf32, #tpu.memory_space<vmem>> -> memref<1x64xf32, #tpu.memory_space<vmem>>
          %dma_start3A_607 = tpu.memref_squeeze %dma_start3A_606 : memref<1x64xf32, #tpu.memory_space<vmem>> -> memref<64xf32, #tpu.memory_space<vmem>>
          %dma_start3A_608 = tpu.memref_slice %arg4[%multiple_of3A_597] : memref<1048576xf32, #tpu.memory_space<hbm>> -> memref<64xf32, #tpu.memory_space<hbm>>
          tpu.enqueue_dma source(%dma_start3A_608 : memref<64xf32, #tpu.memory_space<hbm>>) target(%dma_start3A_607 : memref<64xf32, #tpu.memory_space<vmem>>) target_semaphore(%arg13 : memref<!tpu.dma_semaphore, #tpu.memory_space<semaphore_mem>>)
        } else {
        }
        %mul3A_409 = arith.constant 16 : i32
        %mul3A_410 = arith.muli %while3A_325, %mul3A_409 : i32
        %add3A_411 = arith.constant 9 : i32
        %add3A_412 = arith.addi %mul3A_410, %add3A_411 : i32
        %lt3A_413 = arith.cmpi slt, %add3A_412, %add3A_278 : i32
        %convert_element_type3A_414 = arith.extui %lt3A_413 : i1 to i32
        %cond3A_415 = arith.constant 0 : i32
        %cond3A_416 = arith.cmpi ne, %convert_element_type3A_414, %cond3A_415 : i32
        scf.if %cond3A_416 {
          %slice3A_593 = vector.extract_strided_slice %and3A_336 {offsets = [9], sizes = [1], strides = [1]} : vector<16xi32> to vector<1xi32>
          %squeeze3A_594 = vector.extract %slice3A_593[0] : i32 from vector<1xi32>
          %mul3A_595 = arith.constant 64 : i32
          %mul3A_596 = arith.muli %squeeze3A_594, %mul3A_595 : i32
          %multiple_of3A_597 = tpu.assume_multiple %mul3A_596, 8 : i32
          %slice3A_598 = vector.extract_strided_slice %sub3A_333 {offsets = [9], sizes = [1], strides = [1]} : vector<16xi32> to vector<1xi32>
          %squeeze3A_599 = vector.extract %slice3A_598[0] : i32 from vector<1xi32>
          %add3A_600 = arith.addi %mul3A_122, %squeeze3A_599 : i32
          %dma_start3A_601 = arith.constant 0 : i32
          %dma_start3A_602 = tpu.memref_slice %arg10[%add3A_600, %dma_start3A_601] : memref<448x64xf32, #tpu.memory_space<vmem>> -> memref<1x64xf32, #tpu.memory_space<vmem>>
          %dma_start3A_603 = tpu.memref_squeeze %dma_start3A_602 : memref<1x64xf32, #tpu.memory_space<vmem>> -> memref<64xf32, #tpu.memory_space<vmem>>
          %dma_start3A_604 = tpu.memref_slice %arg4[%multiple_of3A_597] : memref<1048576xf32, #tpu.memory_space<hbm>> -> memref<64xf32, #tpu.memory_space<hbm>>
          %dma_start3A_605 = arith.constant 0 : i32
          %dma_start3A_606 = tpu.memref_slice %arg10[%add3A_600, %dma_start3A_605] : memref<448x64xf32, #tpu.memory_space<vmem>> -> memref<1x64xf32, #tpu.memory_space<vmem>>
          %dma_start3A_607 = tpu.memref_squeeze %dma_start3A_606 : memref<1x64xf32, #tpu.memory_space<vmem>> -> memref<64xf32, #tpu.memory_space<vmem>>
          %dma_start3A_608 = tpu.memref_slice %arg4[%multiple_of3A_597] : memref<1048576xf32, #tpu.memory_space<hbm>> -> memref<64xf32, #tpu.memory_space<hbm>>
          tpu.enqueue_dma source(%dma_start3A_608 : memref<64xf32, #tpu.memory_space<hbm>>) target(%dma_start3A_607 : memref<64xf32, #tpu.memory_space<vmem>>) target_semaphore(%arg13 : memref<!tpu.dma_semaphore, #tpu.memory_space<semaphore_mem>>)
        } else {
        }
        %mul3A_417 = arith.constant 16 : i32
        %mul3A_418 = arith.muli %while3A_325, %mul3A_417 : i32
        %add3A_419 = arith.constant 10 : i32
        %add3A_420 = arith.addi %mul3A_418, %add3A_419 : i32
        %lt3A_421 = arith.cmpi slt, %add3A_420, %add3A_278 : i32
        %convert_element_type3A_422 = arith.extui %lt3A_421 : i1 to i32
        %cond3A_423 = arith.constant 0 : i32
        %cond3A_424 = arith.cmpi ne, %convert_element_type3A_422, %cond3A_423 : i32
        scf.if %cond3A_424 {
          %slice3A_593 = vector.extract_strided_slice %and3A_336 {offsets = [10], sizes = [1], strides = [1]} : vector<16xi32> to vector<1xi32>
          %squeeze3A_594 = vector.extract %slice3A_593[0] : i32 from vector<1xi32>
          %mul3A_595 = arith.constant 64 : i32
          %mul3A_596 = arith.muli %squeeze3A_594, %mul3A_595 : i32
          %multiple_of3A_597 = tpu.assume_multiple %mul3A_596, 8 : i32
          %slice3A_598 = vector.extract_strided_slice %sub3A_333 {offsets = [10], sizes = [1], strides = [1]} : vector<16xi32> to vector<1xi32>
          %squeeze3A_599 = vector.extract %slice3A_598[0] : i32 from vector<1xi32>
          %add3A_600 = arith.addi %mul3A_122, %squeeze3A_599 : i32
          %dma_start3A_601 = arith.constant 0 : i32
          %dma_start3A_602 = tpu.memref_slice %arg10[%add3A_600, %dma_start3A_601] : memref<448x64xf32, #tpu.memory_space<vmem>> -> memref<1x64xf32, #tpu.memory_space<vmem>>
          %dma_start3A_603 = tpu.memref_squeeze %dma_start3A_602 : memref<1x64xf32, #tpu.memory_space<vmem>> -> memref<64xf32, #tpu.memory_space<vmem>>
          %dma_start3A_604 = tpu.memref_slice %arg4[%multiple_of3A_597] : memref<1048576xf32, #tpu.memory_space<hbm>> -> memref<64xf32, #tpu.memory_space<hbm>>
          %dma_start3A_605 = arith.constant 0 : i32
          %dma_start3A_606 = tpu.memref_slice %arg10[%add3A_600, %dma_start3A_605] : memref<448x64xf32, #tpu.memory_space<vmem>> -> memref<1x64xf32, #tpu.memory_space<vmem>>
          %dma_start3A_607 = tpu.memref_squeeze %dma_start3A_606 : memref<1x64xf32, #tpu.memory_space<vmem>> -> memref<64xf32, #tpu.memory_space<vmem>>
          %dma_start3A_608 = tpu.memref_slice %arg4[%multiple_of3A_597] : memref<1048576xf32, #tpu.memory_space<hbm>> -> memref<64xf32, #tpu.memory_space<hbm>>
          tpu.enqueue_dma source(%dma_start3A_608 : memref<64xf32, #tpu.memory_space<hbm>>) target(%dma_start3A_607 : memref<64xf32, #tpu.memory_space<vmem>>) target_semaphore(%arg13 : memref<!tpu.dma_semaphore, #tpu.memory_space<semaphore_mem>>)
        } else {
        }
        %mul3A_425 = arith.constant 16 : i32
        %mul3A_426 = arith.muli %while3A_325, %mul3A_425 : i32
        %add3A_427 = arith.constant 11 : i32
        %add3A_428 = arith.addi %mul3A_426, %add3A_427 : i32
        %lt3A_429 = arith.cmpi slt, %add3A_428, %add3A_278 : i32
        %convert_element_type3A_430 = arith.extui %lt3A_429 : i1 to i32
        %cond3A_431 = arith.constant 0 : i32
        %cond3A_432 = arith.cmpi ne, %convert_element_type3A_430, %cond3A_431 : i32
        scf.if %cond3A_432 {
          %slice3A_593 = vector.extract_strided_slice %and3A_336 {offsets = [11], sizes = [1], strides = [1]} : vector<16xi32> to vector<1xi32>
          %squeeze3A_594 = vector.extract %slice3A_593[0] : i32 from vector<1xi32>
          %mul3A_595 = arith.constant 64 : i32
          %mul3A_596 = arith.muli %squeeze3A_594, %mul3A_595 : i32
          %multiple_of3A_597 = tpu.assume_multiple %mul3A_596, 8 : i32
          %slice3A_598 = vector.extract_strided_slice %sub3A_333 {offsets = [11], sizes = [1], strides = [1]} : vector<16xi32> to vector<1xi32>
          %squeeze3A_599 = vector.extract %slice3A_598[0] : i32 from vector<1xi32>
          %add3A_600 = arith.addi %mul3A_122, %squeeze3A_599 : i32
          %dma_start3A_601 = arith.constant 0 : i32
          %dma_start3A_602 = tpu.memref_slice %arg10[%add3A_600, %dma_start3A_601] : memref<448x64xf32, #tpu.memory_space<vmem>> -> memref<1x64xf32, #tpu.memory_space<vmem>>
          %dma_start3A_603 = tpu.memref_squeeze %dma_start3A_602 : memref<1x64xf32, #tpu.memory_space<vmem>> -> memref<64xf32, #tpu.memory_space<vmem>>
          %dma_start3A_604 = tpu.memref_slice %arg4[%multiple_of3A_597] : memref<1048576xf32, #tpu.memory_space<hbm>> -> memref<64xf32, #tpu.memory_space<hbm>>
          %dma_start3A_605 = arith.constant 0 : i32
          %dma_start3A_606 = tpu.memref_slice %arg10[%add3A_600, %dma_start3A_605] : memref<448x64xf32, #tpu.memory_space<vmem>> -> memref<1x64xf32, #tpu.memory_space<vmem>>
          %dma_start3A_607 = tpu.memref_squeeze %dma_start3A_606 : memref<1x64xf32, #tpu.memory_space<vmem>> -> memref<64xf32, #tpu.memory_space<vmem>>
          %dma_start3A_608 = tpu.memref_slice %arg4[%multiple_of3A_597] : memref<1048576xf32, #tpu.memory_space<hbm>> -> memref<64xf32, #tpu.memory_space<hbm>>
          tpu.enqueue_dma source(%dma_start3A_608 : memref<64xf32, #tpu.memory_space<hbm>>) target(%dma_start3A_607 : memref<64xf32, #tpu.memory_space<vmem>>) target_semaphore(%arg13 : memref<!tpu.dma_semaphore, #tpu.memory_space<semaphore_mem>>)
        } else {
        }
        %mul3A_433 = arith.constant 16 : i32
        %mul3A_434 = arith.muli %while3A_325, %mul3A_433 : i32
        %add3A_435 = arith.constant 12 : i32
        %add3A_436 = arith.addi %mul3A_434, %add3A_435 : i32
        %lt3A_437 = arith.cmpi slt, %add3A_436, %add3A_278 : i32
        %convert_element_type3A_438 = arith.extui %lt3A_437 : i1 to i32
        %cond3A_439 = arith.constant 0 : i32
        %cond3A_440 = arith.cmpi ne, %convert_element_type3A_438, %cond3A_439 : i32
        scf.if %cond3A_440 {
          %slice3A_593 = vector.extract_strided_slice %and3A_336 {offsets = [12], sizes = [1], strides = [1]} : vector<16xi32> to vector<1xi32>
          %squeeze3A_594 = vector.extract %slice3A_593[0] : i32 from vector<1xi32>
          %mul3A_595 = arith.constant 64 : i32
          %mul3A_596 = arith.muli %squeeze3A_594, %mul3A_595 : i32
          %multiple_of3A_597 = tpu.assume_multiple %mul3A_596, 8 : i32
          %slice3A_598 = vector.extract_strided_slice %sub3A_333 {offsets = [12], sizes = [1], strides = [1]} : vector<16xi32> to vector<1xi32>
          %squeeze3A_599 = vector.extract %slice3A_598[0] : i32 from vector<1xi32>
          %add3A_600 = arith.addi %mul3A_122, %squeeze3A_599 : i32
          %dma_start3A_601 = arith.constant 0 : i32
          %dma_start3A_602 = tpu.memref_slice %arg10[%add3A_600, %dma_start3A_601] : memref<448x64xf32, #tpu.memory_space<vmem>> -> memref<1x64xf32, #tpu.memory_space<vmem>>
          %dma_start3A_603 = tpu.memref_squeeze %dma_start3A_602 : memref<1x64xf32, #tpu.memory_space<vmem>> -> memref<64xf32, #tpu.memory_space<vmem>>
          %dma_start3A_604 = tpu.memref_slice %arg4[%multiple_of3A_597] : memref<1048576xf32, #tpu.memory_space<hbm>> -> memref<64xf32, #tpu.memory_space<hbm>>
          %dma_start3A_605 = arith.constant 0 : i32
          %dma_start3A_606 = tpu.memref_slice %arg10[%add3A_600, %dma_start3A_605] : memref<448x64xf32, #tpu.memory_space<vmem>> -> memref<1x64xf32, #tpu.memory_space<vmem>>
          %dma_start3A_607 = tpu.memref_squeeze %dma_start3A_606 : memref<1x64xf32, #tpu.memory_space<vmem>> -> memref<64xf32, #tpu.memory_space<vmem>>
          %dma_start3A_608 = tpu.memref_slice %arg4[%multiple_of3A_597] : memref<1048576xf32, #tpu.memory_space<hbm>> -> memref<64xf32, #tpu.memory_space<hbm>>
          tpu.enqueue_dma source(%dma_start3A_608 : memref<64xf32, #tpu.memory_space<hbm>>) target(%dma_start3A_607 : memref<64xf32, #tpu.memory_space<vmem>>) target_semaphore(%arg13 : memref<!tpu.dma_semaphore, #tpu.memory_space<semaphore_mem>>)
        } else {
        }
        %mul3A_441 = arith.constant 16 : i32
        %mul3A_442 = arith.muli %while3A_325, %mul3A_441 : i32
        %add3A_443 = arith.constant 13 : i32
        %add3A_444 = arith.addi %mul3A_442, %add3A_443 : i32
        %lt3A_445 = arith.cmpi slt, %add3A_444, %add3A_278 : i32
        %convert_element_type3A_446 = arith.extui %lt3A_445 : i1 to i32
        %cond3A_447 = arith.constant 0 : i32
        %cond3A_448 = arith.cmpi ne, %convert_element_type3A_446, %cond3A_447 : i32
        scf.if %cond3A_448 {
          %slice3A_593 = vector.extract_strided_slice %and3A_336 {offsets = [13], sizes = [1], strides = [1]} : vector<16xi32> to vector<1xi32>
          %squeeze3A_594 = vector.extract %slice3A_593[0] : i32 from vector<1xi32>
          %mul3A_595 = arith.constant 64 : i32
          %mul3A_596 = arith.muli %squeeze3A_594, %mul3A_595 : i32
          %multiple_of3A_597 = tpu.assume_multiple %mul3A_596, 8 : i32
          %slice3A_598 = vector.extract_strided_slice %sub3A_333 {offsets = [13], sizes = [1], strides = [1]} : vector<16xi32> to vector<1xi32>
          %squeeze3A_599 = vector.extract %slice3A_598[0] : i32 from vector<1xi32>
          %add3A_600 = arith.addi %mul3A_122, %squeeze3A_599 : i32
          %dma_start3A_601 = arith.constant 0 : i32
          %dma_start3A_602 = tpu.memref_slice %arg10[%add3A_600, %dma_start3A_601] : memref<448x64xf32, #tpu.memory_space<vmem>> -> memref<1x64xf32, #tpu.memory_space<vmem>>
          %dma_start3A_603 = tpu.memref_squeeze %dma_start3A_602 : memref<1x64xf32, #tpu.memory_space<vmem>> -> memref<64xf32, #tpu.memory_space<vmem>>
          %dma_start3A_604 = tpu.memref_slice %arg4[%multiple_of3A_597] : memref<1048576xf32, #tpu.memory_space<hbm>> -> memref<64xf32, #tpu.memory_space<hbm>>
          %dma_start3A_605 = arith.constant 0 : i32
          %dma_start3A_606 = tpu.memref_slice %arg10[%add3A_600, %dma_start3A_605] : memref<448x64xf32, #tpu.memory_space<vmem>> -> memref<1x64xf32, #tpu.memory_space<vmem>>
          %dma_start3A_607 = tpu.memref_squeeze %dma_start3A_606 : memref<1x64xf32, #tpu.memory_space<vmem>> -> memref<64xf32, #tpu.memory_space<vmem>>
          %dma_start3A_608 = tpu.memref_slice %arg4[%multiple_of3A_597] : memref<1048576xf32, #tpu.memory_space<hbm>> -> memref<64xf32, #tpu.memory_space<hbm>>
          tpu.enqueue_dma source(%dma_start3A_608 : memref<64xf32, #tpu.memory_space<hbm>>) target(%dma_start3A_607 : memref<64xf32, #tpu.memory_space<vmem>>) target_semaphore(%arg13 : memref<!tpu.dma_semaphore, #tpu.memory_space<semaphore_mem>>)
        } else {
        }
        %mul3A_449 = arith.constant 16 : i32
        %mul3A_450 = arith.muli %while3A_325, %mul3A_449 : i32
        %add3A_451 = arith.constant 14 : i32
        %add3A_452 = arith.addi %mul3A_450, %add3A_451 : i32
        %lt3A_453 = arith.cmpi slt, %add3A_452, %add3A_278 : i32
        %convert_element_type3A_454 = arith.extui %lt3A_453 : i1 to i32
        %cond3A_455 = arith.constant 0 : i32
        %cond3A_456 = arith.cmpi ne, %convert_element_type3A_454, %cond3A_455 : i32
        scf.if %cond3A_456 {
          %slice3A_593 = vector.extract_strided_slice %and3A_336 {offsets = [14], sizes = [1], strides = [1]} : vector<16xi32> to vector<1xi32>
          %squeeze3A_594 = vector.extract %slice3A_593[0] : i32 from vector<1xi32>
          %mul3A_595 = arith.constant 64 : i32
          %mul3A_596 = arith.muli %squeeze3A_594, %mul3A_595 : i32
          %multiple_of3A_597 = tpu.assume_multiple %mul3A_596, 8 : i32
          %slice3A_598 = vector.extract_strided_slice %sub3A_333 {offsets = [14], sizes = [1], strides = [1]} : vector<16xi32> to vector<1xi32>
          %squeeze3A_599 = vector.extract %slice3A_598[0] : i32 from vector<1xi32>
          %add3A_600 = arith.addi %mul3A_122, %squeeze3A_599 : i32
          %dma_start3A_601 = arith.constant 0 : i32
          %dma_start3A_602 = tpu.memref_slice %arg10[%add3A_600, %dma_start3A_601] : memref<448x64xf32, #tpu.memory_space<vmem>> -> memref<1x64xf32, #tpu.memory_space<vmem>>
          %dma_start3A_603 = tpu.memref_squeeze %dma_start3A_602 : memref<1x64xf32, #tpu.memory_space<vmem>> -> memref<64xf32, #tpu.memory_space<vmem>>
          %dma_start3A_604 = tpu.memref_slice %arg4[%multiple_of3A_597] : memref<1048576xf32, #tpu.memory_space<hbm>> -> memref<64xf32, #tpu.memory_space<hbm>>
          %dma_start3A_605 = arith.constant 0 : i32
          %dma_start3A_606 = tpu.memref_slice %arg10[%add3A_600, %dma_start3A_605] : memref<448x64xf32, #tpu.memory_space<vmem>> -> memref<1x64xf32, #tpu.memory_space<vmem>>
          %dma_start3A_607 = tpu.memref_squeeze %dma_start3A_606 : memref<1x64xf32, #tpu.memory_space<vmem>> -> memref<64xf32, #tpu.memory_space<vmem>>
          %dma_start3A_608 = tpu.memref_slice %arg4[%multiple_of3A_597] : memref<1048576xf32, #tpu.memory_space<hbm>> -> memref<64xf32, #tpu.memory_space<hbm>>
          tpu.enqueue_dma source(%dma_start3A_608 : memref<64xf32, #tpu.memory_space<hbm>>) target(%dma_start3A_607 : memref<64xf32, #tpu.memory_space<vmem>>) target_semaphore(%arg13 : memref<!tpu.dma_semaphore, #tpu.memory_space<semaphore_mem>>)
        } else {
        }
        %mul3A_457 = arith.constant 16 : i32
        %mul3A_458 = arith.muli %while3A_325, %mul3A_457 : i32
        %add3A_459 = arith.constant 15 : i32
        %add3A_460 = arith.addi %mul3A_458, %add3A_459 : i32
        %lt3A_461 = arith.cmpi slt, %add3A_460, %add3A_278 : i32
        %convert_element_type3A_462 = arith.extui %lt3A_461 : i1 to i32
        %cond3A_463 = arith.constant 0 : i32
        %cond3A_464 = arith.cmpi ne, %convert_element_type3A_462, %cond3A_463 : i32
        scf.if %cond3A_464 {
          %slice3A_593 = vector.extract_strided_slice %and3A_336 {offsets = [15], sizes = [1], strides = [1]} : vector<16xi32> to vector<1xi32>
          %squeeze3A_594 = vector.extract %slice3A_593[0] : i32 from vector<1xi32>
          %mul3A_595 = arith.constant 64 : i32
          %mul3A_596 = arith.muli %squeeze3A_594, %mul3A_595 : i32
          %multiple_of3A_597 = tpu.assume_multiple %mul3A_596, 8 : i32
          %slice3A_598 = vector.extract_strided_slice %sub3A_333 {offsets = [15], sizes = [1], strides = [1]} : vector<16xi32> to vector<1xi32>
          %squeeze3A_599 = vector.extract %slice3A_598[0] : i32 from vector<1xi32>
          %add3A_600 = arith.addi %mul3A_122, %squeeze3A_599 : i32
          %dma_start3A_601 = arith.constant 0 : i32
          %dma_start3A_602 = tpu.memref_slice %arg10[%add3A_600, %dma_start3A_601] : memref<448x64xf32, #tpu.memory_space<vmem>> -> memref<1x64xf32, #tpu.memory_space<vmem>>
          %dma_start3A_603 = tpu.memref_squeeze %dma_start3A_602 : memref<1x64xf32, #tpu.memory_space<vmem>> -> memref<64xf32, #tpu.memory_space<vmem>>
          %dma_start3A_604 = tpu.memref_slice %arg4[%multiple_of3A_597] : memref<1048576xf32, #tpu.memory_space<hbm>> -> memref<64xf32, #tpu.memory_space<hbm>>
          %dma_start3A_605 = arith.constant 0 : i32
          %dma_start3A_606 = tpu.memref_slice %arg10[%add3A_600, %dma_start3A_605] : memref<448x64xf32, #tpu.memory_space<vmem>> -> memref<1x64xf32, #tpu.memory_space<vmem>>
          %dma_start3A_607 = tpu.memref_squeeze %dma_start3A_606 : memref<1x64xf32, #tpu.memory_space<vmem>> -> memref<64xf32, #tpu.memory_space<vmem>>
          %dma_start3A_608 = tpu.memref_slice %arg4[%multiple_of3A_597] : memref<1048576xf32, #tpu.memory_space<hbm>> -> memref<64xf32, #tpu.memory_space<hbm>>
          tpu.enqueue_dma source(%dma_start3A_608 : memref<64xf32, #tpu.memory_space<hbm>>) target(%dma_start3A_607 : memref<64xf32, #tpu.memory_space<vmem>>) target_semaphore(%arg13 : memref<!tpu.dma_semaphore, #tpu.memory_space<semaphore_mem>>)
        } else {
        }
        %mul3A_465 = arith.constant 16 : i32
        %mul3A_466 = arith.muli %while3A_325, %mul3A_465 : i32
        %add3A_467 = arith.constant 0 : i32
        %add3A_468 = arith.addi %mul3A_466, %add3A_467 : i32
        %lt3A_469 = arith.cmpi slt, %add3A_468, %add3A_278 : i32
        %convert_element_type3A_470 = arith.extui %lt3A_469 : i1 to i32
        %cond3A_471 = arith.constant 0 : i32
        %cond3A_472 = arith.cmpi ne, %convert_element_type3A_470, %cond3A_471 : i32
        scf.if %cond3A_472 {
          %dma_wait3A_593 = arith.constant 0 : i32
          %dma_wait3A_594 = tpu.memref_slice %arg10[%mul3A_122, %dma_wait3A_593] : memref<448x64xf32, #tpu.memory_space<vmem>> -> memref<1x64xf32, #tpu.memory_space<vmem>>
          %dma_wait3A_595 = tpu.memref_squeeze %dma_wait3A_594 : memref<1x64xf32, #tpu.memory_space<vmem>> -> memref<64xf32, #tpu.memory_space<vmem>>
          %dma_wait3A_596 = arith.constant 0 : i32
          %dma_wait3A_597 = tpu.memref_slice %arg4[%dma_wait3A_596] : memref<1048576xf32, #tpu.memory_space<hbm>> -> memref<64xf32, #tpu.memory_space<hbm>>
          %dma_wait3A_598 = arith.constant 0 : i32
          %dma_wait3A_599 = tpu.memref_slice %arg10[%mul3A_122, %dma_wait3A_598] : memref<448x64xf32, #tpu.memory_space<vmem>> -> memref<1x64xf32, #tpu.memory_space<vmem>>
          %dma_wait3A_600 = tpu.memref_squeeze %dma_wait3A_599 : memref<1x64xf32, #tpu.memory_space<vmem>> -> memref<64xf32, #tpu.memory_space<vmem>>
          %dma_wait3A_601 = arith.constant 0 : i32
          %dma_wait3A_602 = tpu.memref_slice %arg4[%dma_wait3A_601] : memref<1048576xf32, #tpu.memory_space<hbm>> -> memref<64xf32, #tpu.memory_space<hbm>>
          tpu.wait_dma2 semaphore(%arg13 : memref<!tpu.dma_semaphore, #tpu.memory_space<semaphore_mem>>) src(%dma_wait3A_602 : memref<64xf32, #tpu.memory_space<hbm>>) dst(%dma_wait3A_600 : memref<64xf32, #tpu.memory_space<vmem>>)
        } else {
        }
        %mul3A_473 = arith.constant 16 : i32
        %mul3A_474 = arith.muli %while3A_325, %mul3A_473 : i32
        %add3A_475 = arith.constant 1 : i32
        %add3A_476 = arith.addi %mul3A_474, %add3A_475 : i32
        %lt3A_477 = arith.cmpi slt, %add3A_476, %add3A_278 : i32
        %convert_element_type3A_478 = arith.extui %lt3A_477 : i1 to i32
        %cond3A_479 = arith.constant 0 : i32
        %cond3A_480 = arith.cmpi ne, %convert_element_type3A_478, %cond3A_479 : i32
        scf.if %cond3A_480 {
          %dma_wait3A_593 = arith.constant 0 : i32
          %dma_wait3A_594 = tpu.memref_slice %arg10[%mul3A_122, %dma_wait3A_593] : memref<448x64xf32, #tpu.memory_space<vmem>> -> memref<1x64xf32, #tpu.memory_space<vmem>>
          %dma_wait3A_595 = tpu.memref_squeeze %dma_wait3A_594 : memref<1x64xf32, #tpu.memory_space<vmem>> -> memref<64xf32, #tpu.memory_space<vmem>>
          %dma_wait3A_596 = arith.constant 0 : i32
          %dma_wait3A_597 = tpu.memref_slice %arg4[%dma_wait3A_596] : memref<1048576xf32, #tpu.memory_space<hbm>> -> memref<64xf32, #tpu.memory_space<hbm>>
          %dma_wait3A_598 = arith.constant 0 : i32
          %dma_wait3A_599 = tpu.memref_slice %arg10[%mul3A_122, %dma_wait3A_598] : memref<448x64xf32, #tpu.memory_space<vmem>> -> memref<1x64xf32, #tpu.memory_space<vmem>>
          %dma_wait3A_600 = tpu.memref_squeeze %dma_wait3A_599 : memref<1x64xf32, #tpu.memory_space<vmem>> -> memref<64xf32, #tpu.memory_space<vmem>>
          %dma_wait3A_601 = arith.constant 0 : i32
          %dma_wait3A_602 = tpu.memref_slice %arg4[%dma_wait3A_601] : memref<1048576xf32, #tpu.memory_space<hbm>> -> memref<64xf32, #tpu.memory_space<hbm>>
          tpu.wait_dma2 semaphore(%arg13 : memref<!tpu.dma_semaphore, #tpu.memory_space<semaphore_mem>>) src(%dma_wait3A_602 : memref<64xf32, #tpu.memory_space<hbm>>) dst(%dma_wait3A_600 : memref<64xf32, #tpu.memory_space<vmem>>)
        } else {
        }
        %mul3A_481 = arith.constant 16 : i32
        %mul3A_482 = arith.muli %while3A_325, %mul3A_481 : i32
        %add3A_483 = arith.constant 2 : i32
        %add3A_484 = arith.addi %mul3A_482, %add3A_483 : i32
        %lt3A_485 = arith.cmpi slt, %add3A_484, %add3A_278 : i32
        %convert_element_type3A_486 = arith.extui %lt3A_485 : i1 to i32
        %cond3A_487 = arith.constant 0 : i32
        %cond3A_488 = arith.cmpi ne, %convert_element_type3A_486, %cond3A_487 : i32
        scf.if %cond3A_488 {
          %dma_wait3A_593 = arith.constant 0 : i32
          %dma_wait3A_594 = tpu.memref_slice %arg10[%mul3A_122, %dma_wait3A_593] : memref<448x64xf32, #tpu.memory_space<vmem>> -> memref<1x64xf32, #tpu.memory_space<vmem>>
          %dma_wait3A_595 = tpu.memref_squeeze %dma_wait3A_594 : memref<1x64xf32, #tpu.memory_space<vmem>> -> memref<64xf32, #tpu.memory_space<vmem>>
          %dma_wait3A_596 = arith.constant 0 : i32
          %dma_wait3A_597 = tpu.memref_slice %arg4[%dma_wait3A_596] : memref<1048576xf32, #tpu.memory_space<hbm>> -> memref<64xf32, #tpu.memory_space<hbm>>
          %dma_wait3A_598 = arith.constant 0 : i32
          %dma_wait3A_599 = tpu.memref_slice %arg10[%mul3A_122, %dma_wait3A_598] : memref<448x64xf32, #tpu.memory_space<vmem>> -> memref<1x64xf32, #tpu.memory_space<vmem>>
          %dma_wait3A_600 = tpu.memref_squeeze %dma_wait3A_599 : memref<1x64xf32, #tpu.memory_space<vmem>> -> memref<64xf32, #tpu.memory_space<vmem>>
          %dma_wait3A_601 = arith.constant 0 : i32
          %dma_wait3A_602 = tpu.memref_slice %arg4[%dma_wait3A_601] : memref<1048576xf32, #tpu.memory_space<hbm>> -> memref<64xf32, #tpu.memory_space<hbm>>
          tpu.wait_dma2 semaphore(%arg13 : memref<!tpu.dma_semaphore, #tpu.memory_space<semaphore_mem>>) src(%dma_wait3A_602 : memref<64xf32, #tpu.memory_space<hbm>>) dst(%dma_wait3A_600 : memref<64xf32, #tpu.memory_space<vmem>>)
        } else {
        }
        %mul3A_489 = arith.constant 16 : i32
        %mul3A_490 = arith.muli %while3A_325, %mul3A_489 : i32
        %add3A_491 = arith.constant 3 : i32
        %add3A_492 = arith.addi %mul3A_490, %add3A_491 : i32
        %lt3A_493 = arith.cmpi slt, %add3A_492, %add3A_278 : i32
        %convert_element_type3A_494 = arith.extui %lt3A_493 : i1 to i32
        %cond3A_495 = arith.constant 0 : i32
        %cond3A_496 = arith.cmpi ne, %convert_element_type3A_494, %cond3A_495 : i32
        scf.if %cond3A_496 {
          %dma_wait3A_593 = arith.constant 0 : i32
          %dma_wait3A_594 = tpu.memref_slice %arg10[%mul3A_122, %dma_wait3A_593] : memref<448x64xf32, #tpu.memory_space<vmem>> -> memref<1x64xf32, #tpu.memory_space<vmem>>
          %dma_wait3A_595 = tpu.memref_squeeze %dma_wait3A_594 : memref<1x64xf32, #tpu.memory_space<vmem>> -> memref<64xf32, #tpu.memory_space<vmem>>
          %dma_wait3A_596 = arith.constant 0 : i32
          %dma_wait3A_597 = tpu.memref_slice %arg4[%dma_wait3A_596] : memref<1048576xf32, #tpu.memory_space<hbm>> -> memref<64xf32, #tpu.memory_space<hbm>>
          %dma_wait3A_598 = arith.constant 0 : i32
          %dma_wait3A_599 = tpu.memref_slice %arg10[%mul3A_122, %dma_wait3A_598] : memref<448x64xf32, #tpu.memory_space<vmem>> -> memref<1x64xf32, #tpu.memory_space<vmem>>
          %dma_wait3A_600 = tpu.memref_squeeze %dma_wait3A_599 : memref<1x64xf32, #tpu.memory_space<vmem>> -> memref<64xf32, #tpu.memory_space<vmem>>
          %dma_wait3A_601 = arith.constant 0 : i32
          %dma_wait3A_602 = tpu.memref_slice %arg4[%dma_wait3A_601] : memref<1048576xf32, #tpu.memory_space<hbm>> -> memref<64xf32, #tpu.memory_space<hbm>>
          tpu.wait_dma2 semaphore(%arg13 : memref<!tpu.dma_semaphore, #tpu.memory_space<semaphore_mem>>) src(%dma_wait3A_602 : memref<64xf32, #tpu.memory_space<hbm>>) dst(%dma_wait3A_600 : memref<64xf32, #tpu.memory_space<vmem>>)
        } else {
        }
        %mul3A_497 = arith.constant 16 : i32
        %mul3A_498 = arith.muli %while3A_325, %mul3A_497 : i32
        %add3A_499 = arith.constant 4 : i32
        %add3A_500 = arith.addi %mul3A_498, %add3A_499 : i32
        %lt3A_501 = arith.cmpi slt, %add3A_500, %add3A_278 : i32
        %convert_element_type3A_502 = arith.extui %lt3A_501 : i1 to i32
        %cond3A_503 = arith.constant 0 : i32
        %cond3A_504 = arith.cmpi ne, %convert_element_type3A_502, %cond3A_503 : i32
        scf.if %cond3A_504 {
          %dma_wait3A_593 = arith.constant 0 : i32
          %dma_wait3A_594 = tpu.memref_slice %arg10[%mul3A_122, %dma_wait3A_593] : memref<448x64xf32, #tpu.memory_space<vmem>> -> memref<1x64xf32, #tpu.memory_space<vmem>>
          %dma_wait3A_595 = tpu.memref_squeeze %dma_wait3A_594 : memref<1x64xf32, #tpu.memory_space<vmem>> -> memref<64xf32, #tpu.memory_space<vmem>>
          %dma_wait3A_596 = arith.constant 0 : i32
          %dma_wait3A_597 = tpu.memref_slice %arg4[%dma_wait3A_596] : memref<1048576xf32, #tpu.memory_space<hbm>> -> memref<64xf32, #tpu.memory_space<hbm>>
          %dma_wait3A_598 = arith.constant 0 : i32
          %dma_wait3A_599 = tpu.memref_slice %arg10[%mul3A_122, %dma_wait3A_598] : memref<448x64xf32, #tpu.memory_space<vmem>> -> memref<1x64xf32, #tpu.memory_space<vmem>>
          %dma_wait3A_600 = tpu.memref_squeeze %dma_wait3A_599 : memref<1x64xf32, #tpu.memory_space<vmem>> -> memref<64xf32, #tpu.memory_space<vmem>>
          %dma_wait3A_601 = arith.constant 0 : i32
          %dma_wait3A_602 = tpu.memref_slice %arg4[%dma_wait3A_601] : memref<1048576xf32, #tpu.memory_space<hbm>> -> memref<64xf32, #tpu.memory_space<hbm>>
          tpu.wait_dma2 semaphore(%arg13 : memref<!tpu.dma_semaphore, #tpu.memory_space<semaphore_mem>>) src(%dma_wait3A_602 : memref<64xf32, #tpu.memory_space<hbm>>) dst(%dma_wait3A_600 : memref<64xf32, #tpu.memory_space<vmem>>)
        } else {
        }
        %mul3A_505 = arith.constant 16 : i32
        %mul3A_506 = arith.muli %while3A_325, %mul3A_505 : i32
        %add3A_507 = arith.constant 5 : i32
        %add3A_508 = arith.addi %mul3A_506, %add3A_507 : i32
        %lt3A_509 = arith.cmpi slt, %add3A_508, %add3A_278 : i32
        %convert_element_type3A_510 = arith.extui %lt3A_509 : i1 to i32
        %cond3A_511 = arith.constant 0 : i32
        %cond3A_512 = arith.cmpi ne, %convert_element_type3A_510, %cond3A_511 : i32
        scf.if %cond3A_512 {
          %dma_wait3A_593 = arith.constant 0 : i32
          %dma_wait3A_594 = tpu.memref_slice %arg10[%mul3A_122, %dma_wait3A_593] : memref<448x64xf32, #tpu.memory_space<vmem>> -> memref<1x64xf32, #tpu.memory_space<vmem>>
          %dma_wait3A_595 = tpu.memref_squeeze %dma_wait3A_594 : memref<1x64xf32, #tpu.memory_space<vmem>> -> memref<64xf32, #tpu.memory_space<vmem>>
          %dma_wait3A_596 = arith.constant 0 : i32
          %dma_wait3A_597 = tpu.memref_slice %arg4[%dma_wait3A_596] : memref<1048576xf32, #tpu.memory_space<hbm>> -> memref<64xf32, #tpu.memory_space<hbm>>
          %dma_wait3A_598 = arith.constant 0 : i32
          %dma_wait3A_599 = tpu.memref_slice %arg10[%mul3A_122, %dma_wait3A_598] : memref<448x64xf32, #tpu.memory_space<vmem>> -> memref<1x64xf32, #tpu.memory_space<vmem>>
          %dma_wait3A_600 = tpu.memref_squeeze %dma_wait3A_599 : memref<1x64xf32, #tpu.memory_space<vmem>> -> memref<64xf32, #tpu.memory_space<vmem>>
          %dma_wait3A_601 = arith.constant 0 : i32
          %dma_wait3A_602 = tpu.memref_slice %arg4[%dma_wait3A_601] : memref<1048576xf32, #tpu.memory_space<hbm>> -> memref<64xf32, #tpu.memory_space<hbm>>
          tpu.wait_dma2 semaphore(%arg13 : memref<!tpu.dma_semaphore, #tpu.memory_space<semaphore_mem>>) src(%dma_wait3A_602 : memref<64xf32, #tpu.memory_space<hbm>>) dst(%dma_wait3A_600 : memref<64xf32, #tpu.memory_space<vmem>>)
        } else {
        }
        %mul3A_513 = arith.constant 16 : i32
        %mul3A_514 = arith.muli %while3A_325, %mul3A_513 : i32
        %add3A_515 = arith.constant 6 : i32
        %add3A_516 = arith.addi %mul3A_514, %add3A_515 : i32
        %lt3A_517 = arith.cmpi slt, %add3A_516, %add3A_278 : i32
        %convert_element_type3A_518 = arith.extui %lt3A_517 : i1 to i32
        %cond3A_519 = arith.constant 0 : i32
        %cond3A_520 = arith.cmpi ne, %convert_element_type3A_518, %cond3A_519 : i32
        scf.if %cond3A_520 {
          %dma_wait3A_593 = arith.constant 0 : i32
          %dma_wait3A_594 = tpu.memref_slice %arg10[%mul3A_122, %dma_wait3A_593] : memref<448x64xf32, #tpu.memory_space<vmem>> -> memref<1x64xf32, #tpu.memory_space<vmem>>
          %dma_wait3A_595 = tpu.memref_squeeze %dma_wait3A_594 : memref<1x64xf32, #tpu.memory_space<vmem>> -> memref<64xf32, #tpu.memory_space<vmem>>
          %dma_wait3A_596 = arith.constant 0 : i32
          %dma_wait3A_597 = tpu.memref_slice %arg4[%dma_wait3A_596] : memref<1048576xf32, #tpu.memory_space<hbm>> -> memref<64xf32, #tpu.memory_space<hbm>>
          %dma_wait3A_598 = arith.constant 0 : i32
          %dma_wait3A_599 = tpu.memref_slice %arg10[%mul3A_122, %dma_wait3A_598] : memref<448x64xf32, #tpu.memory_space<vmem>> -> memref<1x64xf32, #tpu.memory_space<vmem>>
          %dma_wait3A_600 = tpu.memref_squeeze %dma_wait3A_599 : memref<1x64xf32, #tpu.memory_space<vmem>> -> memref<64xf32, #tpu.memory_space<vmem>>
          %dma_wait3A_601 = arith.constant 0 : i32
          %dma_wait3A_602 = tpu.memref_slice %arg4[%dma_wait3A_601] : memref<1048576xf32, #tpu.memory_space<hbm>> -> memref<64xf32, #tpu.memory_space<hbm>>
          tpu.wait_dma2 semaphore(%arg13 : memref<!tpu.dma_semaphore, #tpu.memory_space<semaphore_mem>>) src(%dma_wait3A_602 : memref<64xf32, #tpu.memory_space<hbm>>) dst(%dma_wait3A_600 : memref<64xf32, #tpu.memory_space<vmem>>)
        } else {
        }
        %mul3A_521 = arith.constant 16 : i32
        %mul3A_522 = arith.muli %while3A_325, %mul3A_521 : i32
        %add3A_523 = arith.constant 7 : i32
        %add3A_524 = arith.addi %mul3A_522, %add3A_523 : i32
        %lt3A_525 = arith.cmpi slt, %add3A_524, %add3A_278 : i32
        %convert_element_type3A_526 = arith.extui %lt3A_525 : i1 to i32
        %cond3A_527 = arith.constant 0 : i32
        %cond3A_528 = arith.cmpi ne, %convert_element_type3A_526, %cond3A_527 : i32
        scf.if %cond3A_528 {
          %dma_wait3A_593 = arith.constant 0 : i32
          %dma_wait3A_594 = tpu.memref_slice %arg10[%mul3A_122, %dma_wait3A_593] : memref<448x64xf32, #tpu.memory_space<vmem>> -> memref<1x64xf32, #tpu.memory_space<vmem>>
          %dma_wait3A_595 = tpu.memref_squeeze %dma_wait3A_594 : memref<1x64xf32, #tpu.memory_space<vmem>> -> memref<64xf32, #tpu.memory_space<vmem>>
          %dma_wait3A_596 = arith.constant 0 : i32
          %dma_wait3A_597 = tpu.memref_slice %arg4[%dma_wait3A_596] : memref<1048576xf32, #tpu.memory_space<hbm>> -> memref<64xf32, #tpu.memory_space<hbm>>
          %dma_wait3A_598 = arith.constant 0 : i32
          %dma_wait3A_599 = tpu.memref_slice %arg10[%mul3A_122, %dma_wait3A_598] : memref<448x64xf32, #tpu.memory_space<vmem>> -> memref<1x64xf32, #tpu.memory_space<vmem>>
          %dma_wait3A_600 = tpu.memref_squeeze %dma_wait3A_599 : memref<1x64xf32, #tpu.memory_space<vmem>> -> memref<64xf32, #tpu.memory_space<vmem>>
          %dma_wait3A_601 = arith.constant 0 : i32
          %dma_wait3A_602 = tpu.memref_slice %arg4[%dma_wait3A_601] : memref<1048576xf32, #tpu.memory_space<hbm>> -> memref<64xf32, #tpu.memory_space<hbm>>
          tpu.wait_dma2 semaphore(%arg13 : memref<!tpu.dma_semaphore, #tpu.memory_space<semaphore_mem>>) src(%dma_wait3A_602 : memref<64xf32, #tpu.memory_space<hbm>>) dst(%dma_wait3A_600 : memref<64xf32, #tpu.memory_space<vmem>>)
        } else {
        }
        %mul3A_529 = arith.constant 16 : i32
        %mul3A_530 = arith.muli %while3A_325, %mul3A_529 : i32
        %add3A_531 = arith.constant 8 : i32
        %add3A_532 = arith.addi %mul3A_530, %add3A_531 : i32
        %lt3A_533 = arith.cmpi slt, %add3A_532, %add3A_278 : i32
        %convert_element_type3A_534 = arith.extui %lt3A_533 : i1 to i32
        %cond3A_535 = arith.constant 0 : i32
        %cond3A_536 = arith.cmpi ne, %convert_element_type3A_534, %cond3A_535 : i32
        scf.if %cond3A_536 {
          %dma_wait3A_593 = arith.constant 0 : i32
          %dma_wait3A_594 = tpu.memref_slice %arg10[%mul3A_122, %dma_wait3A_593] : memref<448x64xf32, #tpu.memory_space<vmem>> -> memref<1x64xf32, #tpu.memory_space<vmem>>
          %dma_wait3A_595 = tpu.memref_squeeze %dma_wait3A_594 : memref<1x64xf32, #tpu.memory_space<vmem>> -> memref<64xf32, #tpu.memory_space<vmem>>
          %dma_wait3A_596 = arith.constant 0 : i32
          %dma_wait3A_597 = tpu.memref_slice %arg4[%dma_wait3A_596] : memref<1048576xf32, #tpu.memory_space<hbm>> -> memref<64xf32, #tpu.memory_space<hbm>>
          %dma_wait3A_598 = arith.constant 0 : i32
          %dma_wait3A_599 = tpu.memref_slice %arg10[%mul3A_122, %dma_wait3A_598] : memref<448x64xf32, #tpu.memory_space<vmem>> -> memref<1x64xf32, #tpu.memory_space<vmem>>
          %dma_wait3A_600 = tpu.memref_squeeze %dma_wait3A_599 : memref<1x64xf32, #tpu.memory_space<vmem>> -> memref<64xf32, #tpu.memory_space<vmem>>
          %dma_wait3A_601 = arith.constant 0 : i32
          %dma_wait3A_602 = tpu.memref_slice %arg4[%dma_wait3A_601] : memref<1048576xf32, #tpu.memory_space<hbm>> -> memref<64xf32, #tpu.memory_space<hbm>>
          tpu.wait_dma2 semaphore(%arg13 : memref<!tpu.dma_semaphore, #tpu.memory_space<semaphore_mem>>) src(%dma_wait3A_602 : memref<64xf32, #tpu.memory_space<hbm>>) dst(%dma_wait3A_600 : memref<64xf32, #tpu.memory_space<vmem>>)
        } else {
        }
        %mul3A_537 = arith.constant 16 : i32
        %mul3A_538 = arith.muli %while3A_325, %mul3A_537 : i32
        %add3A_539 = arith.constant 9 : i32
        %add3A_540 = arith.addi %mul3A_538, %add3A_539 : i32
        %lt3A_541 = arith.cmpi slt, %add3A_540, %add3A_278 : i32
        %convert_element_type3A_542 = arith.extui %lt3A_541 : i1 to i32
        %cond3A_543 = arith.constant 0 : i32
        %cond3A_544 = arith.cmpi ne, %convert_element_type3A_542, %cond3A_543 : i32
        scf.if %cond3A_544 {
          %dma_wait3A_593 = arith.constant 0 : i32
          %dma_wait3A_594 = tpu.memref_slice %arg10[%mul3A_122, %dma_wait3A_593] : memref<448x64xf32, #tpu.memory_space<vmem>> -> memref<1x64xf32, #tpu.memory_space<vmem>>
          %dma_wait3A_595 = tpu.memref_squeeze %dma_wait3A_594 : memref<1x64xf32, #tpu.memory_space<vmem>> -> memref<64xf32, #tpu.memory_space<vmem>>
          %dma_wait3A_596 = arith.constant 0 : i32
          %dma_wait3A_597 = tpu.memref_slice %arg4[%dma_wait3A_596] : memref<1048576xf32, #tpu.memory_space<hbm>> -> memref<64xf32, #tpu.memory_space<hbm>>
          %dma_wait3A_598 = arith.constant 0 : i32
          %dma_wait3A_599 = tpu.memref_slice %arg10[%mul3A_122, %dma_wait3A_598] : memref<448x64xf32, #tpu.memory_space<vmem>> -> memref<1x64xf32, #tpu.memory_space<vmem>>
          %dma_wait3A_600 = tpu.memref_squeeze %dma_wait3A_599 : memref<1x64xf32, #tpu.memory_space<vmem>> -> memref<64xf32, #tpu.memory_space<vmem>>
          %dma_wait3A_601 = arith.constant 0 : i32
          %dma_wait3A_602 = tpu.memref_slice %arg4[%dma_wait3A_601] : memref<1048576xf32, #tpu.memory_space<hbm>> -> memref<64xf32, #tpu.memory_space<hbm>>
          tpu.wait_dma2 semaphore(%arg13 : memref<!tpu.dma_semaphore, #tpu.memory_space<semaphore_mem>>) src(%dma_wait3A_602 : memref<64xf32, #tpu.memory_space<hbm>>) dst(%dma_wait3A_600 : memref<64xf32, #tpu.memory_space<vmem>>)
        } else {
        }
        %mul3A_545 = arith.constant 16 : i32
        %mul3A_546 = arith.muli %while3A_325, %mul3A_545 : i32
        %add3A_547 = arith.constant 10 : i32
        %add3A_548 = arith.addi %mul3A_546, %add3A_547 : i32
        %lt3A_549 = arith.cmpi slt, %add3A_548, %add3A_278 : i32
        %convert_element_type3A_550 = arith.extui %lt3A_549 : i1 to i32
        %cond3A_551 = arith.constant 0 : i32
        %cond3A_552 = arith.cmpi ne, %convert_element_type3A_550, %cond3A_551 : i32
        scf.if %cond3A_552 {
          %dma_wait3A_593 = arith.constant 0 : i32
          %dma_wait3A_594 = tpu.memref_slice %arg10[%mul3A_122, %dma_wait3A_593] : memref<448x64xf32, #tpu.memory_space<vmem>> -> memref<1x64xf32, #tpu.memory_space<vmem>>
          %dma_wait3A_595 = tpu.memref_squeeze %dma_wait3A_594 : memref<1x64xf32, #tpu.memory_space<vmem>> -> memref<64xf32, #tpu.memory_space<vmem>>
          %dma_wait3A_596 = arith.constant 0 : i32
          %dma_wait3A_597 = tpu.memref_slice %arg4[%dma_wait3A_596] : memref<1048576xf32, #tpu.memory_space<hbm>> -> memref<64xf32, #tpu.memory_space<hbm>>
          %dma_wait3A_598 = arith.constant 0 : i32
          %dma_wait3A_599 = tpu.memref_slice %arg10[%mul3A_122, %dma_wait3A_598] : memref<448x64xf32, #tpu.memory_space<vmem>> -> memref<1x64xf32, #tpu.memory_space<vmem>>
          %dma_wait3A_600 = tpu.memref_squeeze %dma_wait3A_599 : memref<1x64xf32, #tpu.memory_space<vmem>> -> memref<64xf32, #tpu.memory_space<vmem>>
          %dma_wait3A_601 = arith.constant 0 : i32
          %dma_wait3A_602 = tpu.memref_slice %arg4[%dma_wait3A_601] : memref<1048576xf32, #tpu.memory_space<hbm>> -> memref<64xf32, #tpu.memory_space<hbm>>
          tpu.wait_dma2 semaphore(%arg13 : memref<!tpu.dma_semaphore, #tpu.memory_space<semaphore_mem>>) src(%dma_wait3A_602 : memref<64xf32, #tpu.memory_space<hbm>>) dst(%dma_wait3A_600 : memref<64xf32, #tpu.memory_space<vmem>>)
        } else {
        }
        %mul3A_553 = arith.constant 16 : i32
        %mul3A_554 = arith.muli %while3A_325, %mul3A_553 : i32
        %add3A_555 = arith.constant 11 : i32
        %add3A_556 = arith.addi %mul3A_554, %add3A_555 : i32
        %lt3A_557 = arith.cmpi slt, %add3A_556, %add3A_278 : i32
        %convert_element_type3A_558 = arith.extui %lt3A_557 : i1 to i32
        %cond3A_559 = arith.constant 0 : i32
        %cond3A_560 = arith.cmpi ne, %convert_element_type3A_558, %cond3A_559 : i32
        scf.if %cond3A_560 {
          %dma_wait3A_593 = arith.constant 0 : i32
          %dma_wait3A_594 = tpu.memref_slice %arg10[%mul3A_122, %dma_wait3A_593] : memref<448x64xf32, #tpu.memory_space<vmem>> -> memref<1x64xf32, #tpu.memory_space<vmem>>
          %dma_wait3A_595 = tpu.memref_squeeze %dma_wait3A_594 : memref<1x64xf32, #tpu.memory_space<vmem>> -> memref<64xf32, #tpu.memory_space<vmem>>
          %dma_wait3A_596 = arith.constant 0 : i32
          %dma_wait3A_597 = tpu.memref_slice %arg4[%dma_wait3A_596] : memref<1048576xf32, #tpu.memory_space<hbm>> -> memref<64xf32, #tpu.memory_space<hbm>>
          %dma_wait3A_598 = arith.constant 0 : i32
          %dma_wait3A_599 = tpu.memref_slice %arg10[%mul3A_122, %dma_wait3A_598] : memref<448x64xf32, #tpu.memory_space<vmem>> -> memref<1x64xf32, #tpu.memory_space<vmem>>
          %dma_wait3A_600 = tpu.memref_squeeze %dma_wait3A_599 : memref<1x64xf32, #tpu.memory_space<vmem>> -> memref<64xf32, #tpu.memory_space<vmem>>
          %dma_wait3A_601 = arith.constant 0 : i32
          %dma_wait3A_602 = tpu.memref_slice %arg4[%dma_wait3A_601] : memref<1048576xf32, #tpu.memory_space<hbm>> -> memref<64xf32, #tpu.memory_space<hbm>>
          tpu.wait_dma2 semaphore(%arg13 : memref<!tpu.dma_semaphore, #tpu.memory_space<semaphore_mem>>) src(%dma_wait3A_602 : memref<64xf32, #tpu.memory_space<hbm>>) dst(%dma_wait3A_600 : memref<64xf32, #tpu.memory_space<vmem>>)
        } else {
        }
        %mul3A_561 = arith.constant 16 : i32
        %mul3A_562 = arith.muli %while3A_325, %mul3A_561 : i32
        %add3A_563 = arith.constant 12 : i32
        %add3A_564 = arith.addi %mul3A_562, %add3A_563 : i32
        %lt3A_565 = arith.cmpi slt, %add3A_564, %add3A_278 : i32
        %convert_element_type3A_566 = arith.extui %lt3A_565 : i1 to i32
        %cond3A_567 = arith.constant 0 : i32
        %cond3A_568 = arith.cmpi ne, %convert_element_type3A_566, %cond3A_567 : i32
        scf.if %cond3A_568 {
          %dma_wait3A_593 = arith.constant 0 : i32
          %dma_wait3A_594 = tpu.memref_slice %arg10[%mul3A_122, %dma_wait3A_593] : memref<448x64xf32, #tpu.memory_space<vmem>> -> memref<1x64xf32, #tpu.memory_space<vmem>>
          %dma_wait3A_595 = tpu.memref_squeeze %dma_wait3A_594 : memref<1x64xf32, #tpu.memory_space<vmem>> -> memref<64xf32, #tpu.memory_space<vmem>>
          %dma_wait3A_596 = arith.constant 0 : i32
          %dma_wait3A_597 = tpu.memref_slice %arg4[%dma_wait3A_596] : memref<1048576xf32, #tpu.memory_space<hbm>> -> memref<64xf32, #tpu.memory_space<hbm>>
          %dma_wait3A_598 = arith.constant 0 : i32
          %dma_wait3A_599 = tpu.memref_slice %arg10[%mul3A_122, %dma_wait3A_598] : memref<448x64xf32, #tpu.memory_space<vmem>> -> memref<1x64xf32, #tpu.memory_space<vmem>>
          %dma_wait3A_600 = tpu.memref_squeeze %dma_wait3A_599 : memref<1x64xf32, #tpu.memory_space<vmem>> -> memref<64xf32, #tpu.memory_space<vmem>>
          %dma_wait3A_601 = arith.constant 0 : i32
          %dma_wait3A_602 = tpu.memref_slice %arg4[%dma_wait3A_601] : memref<1048576xf32, #tpu.memory_space<hbm>> -> memref<64xf32, #tpu.memory_space<hbm>>
          tpu.wait_dma2 semaphore(%arg13 : memref<!tpu.dma_semaphore, #tpu.memory_space<semaphore_mem>>) src(%dma_wait3A_602 : memref<64xf32, #tpu.memory_space<hbm>>) dst(%dma_wait3A_600 : memref<64xf32, #tpu.memory_space<vmem>>)
        } else {
        }
        %mul3A_569 = arith.constant 16 : i32
        %mul3A_570 = arith.muli %while3A_325, %mul3A_569 : i32
        %add3A_571 = arith.constant 13 : i32
        %add3A_572 = arith.addi %mul3A_570, %add3A_571 : i32
        %lt3A_573 = arith.cmpi slt, %add3A_572, %add3A_278 : i32
        %convert_element_type3A_574 = arith.extui %lt3A_573 : i1 to i32
        %cond3A_575 = arith.constant 0 : i32
        %cond3A_576 = arith.cmpi ne, %convert_element_type3A_574, %cond3A_575 : i32
        scf.if %cond3A_576 {
          %dma_wait3A_593 = arith.constant 0 : i32
          %dma_wait3A_594 = tpu.memref_slice %arg10[%mul3A_122, %dma_wait3A_593] : memref<448x64xf32, #tpu.memory_space<vmem>> -> memref<1x64xf32, #tpu.memory_space<vmem>>
          %dma_wait3A_595 = tpu.memref_squeeze %dma_wait3A_594 : memref<1x64xf32, #tpu.memory_space<vmem>> -> memref<64xf32, #tpu.memory_space<vmem>>
          %dma_wait3A_596 = arith.constant 0 : i32
          %dma_wait3A_597 = tpu.memref_slice %arg4[%dma_wait3A_596] : memref<1048576xf32, #tpu.memory_space<hbm>> -> memref<64xf32, #tpu.memory_space<hbm>>
          %dma_wait3A_598 = arith.constant 0 : i32
          %dma_wait3A_599 = tpu.memref_slice %arg10[%mul3A_122, %dma_wait3A_598] : memref<448x64xf32, #tpu.memory_space<vmem>> -> memref<1x64xf32, #tpu.memory_space<vmem>>
          %dma_wait3A_600 = tpu.memref_squeeze %dma_wait3A_599 : memref<1x64xf32, #tpu.memory_space<vmem>> -> memref<64xf32, #tpu.memory_space<vmem>>
          %dma_wait3A_601 = arith.constant 0 : i32
          %dma_wait3A_602 = tpu.memref_slice %arg4[%dma_wait3A_601] : memref<1048576xf32, #tpu.memory_space<hbm>> -> memref<64xf32, #tpu.memory_space<hbm>>
          tpu.wait_dma2 semaphore(%arg13 : memref<!tpu.dma_semaphore, #tpu.memory_space<semaphore_mem>>) src(%dma_wait3A_602 : memref<64xf32, #tpu.memory_space<hbm>>) dst(%dma_wait3A_600 : memref<64xf32, #tpu.memory_space<vmem>>)
        } else {
        }
        %mul3A_577 = arith.constant 16 : i32
        %mul3A_578 = arith.muli %while3A_325, %mul3A_577 : i32
        %add3A_579 = arith.constant 14 : i32
        %add3A_580 = arith.addi %mul3A_578, %add3A_579 : i32
        %lt3A_581 = arith.cmpi slt, %add3A_580, %add3A_278 : i32
        %convert_element_type3A_582 = arith.extui %lt3A_581 : i1 to i32
        %cond3A_583 = arith.constant 0 : i32
        %cond3A_584 = arith.cmpi ne, %convert_element_type3A_582, %cond3A_583 : i32
        scf.if %cond3A_584 {
          %dma_wait3A_593 = arith.constant 0 : i32
          %dma_wait3A_594 = tpu.memref_slice %arg10[%mul3A_122, %dma_wait3A_593] : memref<448x64xf32, #tpu.memory_space<vmem>> -> memref<1x64xf32, #tpu.memory_space<vmem>>
          %dma_wait3A_595 = tpu.memref_squeeze %dma_wait3A_594 : memref<1x64xf32, #tpu.memory_space<vmem>> -> memref<64xf32, #tpu.memory_space<vmem>>
          %dma_wait3A_596 = arith.constant 0 : i32
          %dma_wait3A_597 = tpu.memref_slice %arg4[%dma_wait3A_596] : memref<1048576xf32, #tpu.memory_space<hbm>> -> memref<64xf32, #tpu.memory_space<hbm>>
          %dma_wait3A_598 = arith.constant 0 : i32
          %dma_wait3A_599 = tpu.memref_slice %arg10[%mul3A_122, %dma_wait3A_598] : memref<448x64xf32, #tpu.memory_space<vmem>> -> memref<1x64xf32, #tpu.memory_space<vmem>>
          %dma_wait3A_600 = tpu.memref_squeeze %dma_wait3A_599 : memref<1x64xf32, #tpu.memory_space<vmem>> -> memref<64xf32, #tpu.memory_space<vmem>>
          %dma_wait3A_601 = arith.constant 0 : i32
          %dma_wait3A_602 = tpu.memref_slice %arg4[%dma_wait3A_601] : memref<1048576xf32, #tpu.memory_space<hbm>> -> memref<64xf32, #tpu.memory_space<hbm>>
          tpu.wait_dma2 semaphore(%arg13 : memref<!tpu.dma_semaphore, #tpu.memory_space<semaphore_mem>>) src(%dma_wait3A_602 : memref<64xf32, #tpu.memory_space<hbm>>) dst(%dma_wait3A_600 : memref<64xf32, #tpu.memory_space<vmem>>)
        } else {
        }
        %mul3A_585 = arith.constant 16 : i32
        %mul3A_586 = arith.muli %while3A_325, %mul3A_585 : i32
        %add3A_587 = arith.constant 15 : i32
        %add3A_588 = arith.addi %mul3A_586, %add3A_587 : i32
        %lt3A_589 = arith.cmpi slt, %add3A_588, %add3A_278 : i32
        %convert_element_type3A_590 = arith.extui %lt3A_589 : i1 to i32
        %cond3A_591 = arith.constant 0 : i32
        %cond3A_592 = arith.cmpi ne, %convert_element_type3A_590, %cond3A_591 : i32
        scf.if %cond3A_592 {
          %dma_wait3A_593 = arith.constant 0 : i32
          %dma_wait3A_594 = tpu.memref_slice %arg10[%mul3A_122, %dma_wait3A_593] : memref<448x64xf32, #tpu.memory_space<vmem>> -> memref<1x64xf32, #tpu.memory_space<vmem>>
          %dma_wait3A_595 = tpu.memref_squeeze %dma_wait3A_594 : memref<1x64xf32, #tpu.memory_space<vmem>> -> memref<64xf32, #tpu.memory_space<vmem>>
          %dma_wait3A_596 = arith.constant 0 : i32
          %dma_wait3A_597 = tpu.memref_slice %arg4[%dma_wait3A_596] : memref<1048576xf32, #tpu.memory_space<hbm>> -> memref<64xf32, #tpu.memory_space<hbm>>
          %dma_wait3A_598 = arith.constant 0 : i32
          %dma_wait3A_599 = tpu.memref_slice %arg10[%mul3A_122, %dma_wait3A_598] : memref<448x64xf32, #tpu.memory_space<vmem>> -> memref<1x64xf32, #tpu.memory_space<vmem>>
          %dma_wait3A_600 = tpu.memref_squeeze %dma_wait3A_599 : memref<1x64xf32, #tpu.memory_space<vmem>> -> memref<64xf32, #tpu.memory_space<vmem>>
          %dma_wait3A_601 = arith.constant 0 : i32
          %dma_wait3A_602 = tpu.memref_slice %arg4[%dma_wait3A_601] : memref<1048576xf32, #tpu.memory_space<hbm>> -> memref<64xf32, #tpu.memory_space<hbm>>
          tpu.wait_dma2 semaphore(%arg13 : memref<!tpu.dma_semaphore, #tpu.memory_space<semaphore_mem>>) src(%dma_wait3A_602 : memref<64xf32, #tpu.memory_space<hbm>>) dst(%dma_wait3A_600 : memref<64xf32, #tpu.memory_space<vmem>>)
        } else {
        }
      }
      %dma_start3A_317 = arith.constant 0 : i32
      %dma_start3A_318 = tpu.memref_slice %arg10[%mul3A_122, %dma_start3A_317] : memref<448x64xf32, #tpu.memory_space<vmem>> -> memref<112x64xf32, #tpu.memory_space<vmem>>
      %dma_start3A_319 = arith.constant 0 : i32
      %dma_start3A_320 = tpu.memref_slice %arg5[%multiple_of3A_126, %dma_start3A_319] : memref<1000000x64xf32, #tpu.memory_space<hbm>> -> memref<112x64xf32, #tpu.memory_space<hbm>>
      %dma_start3A_321 = arith.constant 0 : i32
      %dma_start3A_322 = tpu.memref_slice %arg5[%multiple_of3A_126, %dma_start3A_321] : memref<1000000x64xf32, #tpu.memory_space<hbm>> -> memref<112x64xf32, #tpu.memory_space<hbm>>
      %dma_start3A_323 = arith.constant 0 : i32
      %dma_start3A_324 = tpu.memref_slice %arg10[%mul3A_122, %dma_start3A_323] : memref<448x64xf32, #tpu.memory_space<vmem>> -> memref<112x64xf32, #tpu.memory_space<vmem>>
      tpu.enqueue_dma source(%dma_start3A_324 : memref<112x64xf32, #tpu.memory_space<vmem>>) target(%dma_start3A_322 : memref<112x64xf32, #tpu.memory_space<hbm>>) target_semaphore(%arg12 : memref<!tpu.dma_semaphore, #tpu.memory_space<semaphore_mem>>)
    }
    %scan3A_92 = arith.constant 279 : i32
    %dma_wait3A = arith.constant 0 : i32
    %dma_wait3A_93 = arith.constant 0 : i32
    %dma_wait3A_94 = tpu.memref_slice %arg10[%dma_wait3A, %dma_wait3A_93] : memref<448x64xf32, #tpu.memory_space<vmem>> -> memref<112x64xf32, #tpu.memory_space<vmem>>
    %dma_wait3A_95 = arith.constant 0 : i32
    %dma_wait3A_96 = arith.constant 0 : i32
    %dma_wait3A_97 = tpu.memref_slice %arg5[%dma_wait3A_95, %dma_wait3A_96] : memref<1000000x64xf32, #tpu.memory_space<hbm>> -> memref<112x64xf32, #tpu.memory_space<hbm>>
    %dma_wait3A_98 = arith.constant 0 : i32
    %dma_wait3A_99 = arith.constant 0 : i32
    %dma_wait3A_100 = tpu.memref_slice %arg5[%dma_wait3A_98, %dma_wait3A_99] : memref<1000000x64xf32, #tpu.memory_space<hbm>> -> memref<112x64xf32, #tpu.memory_space<hbm>>
    %dma_wait3A_101 = arith.constant 0 : i32
    %dma_wait3A_102 = arith.constant 0 : i32
    %dma_wait3A_103 = tpu.memref_slice %arg10[%dma_wait3A_101, %dma_wait3A_102] : memref<448x64xf32, #tpu.memory_space<vmem>> -> memref<112x64xf32, #tpu.memory_space<vmem>>
    tpu.wait_dma2 semaphore(%arg12 : memref<!tpu.dma_semaphore, #tpu.memory_space<semaphore_mem>>) src(%dma_wait3A_103 : memref<112x64xf32, #tpu.memory_space<vmem>>) dst(%dma_wait3A_100 : memref<112x64xf32, #tpu.memory_space<hbm>>)
    %convert_element_type3A = arith.extui %eq3A_1 : i1 to i32
    %cond3A = arith.constant 0 : i32
    %cond3A_104 = arith.cmpi ne, %convert_element_type3A, %cond3A : i32
    scf.if %cond3A_104 {
      "tpu.region"() ({
        %run_scoped3A = tpu.sem_alloc : memref<!tpu.dma_semaphore, #tpu.memory_space<semaphore_mem>>
        %dma_start3A_221 = arith.constant 0 : i32
        %dma_start3A_222 = arith.constant 0 : i32
        %dma_start3A_223 = tpu.memref_slice %arg10[%dma_start3A_221, %dma_start3A_222] : memref<448x64xf32, #tpu.memory_space<vmem>> -> memref<64x64xf32, #tpu.memory_space<vmem>>
        %dma_start3A_224 = arith.constant 999936 : i32
        %dma_start3A_225 = arith.constant 0 : i32
        %dma_start3A_226 = tpu.memref_slice %arg2[%dma_start3A_224, %dma_start3A_225] : memref<1000000x64xf32, #tpu.memory_space<hbm>> -> memref<64x64xf32, #tpu.memory_space<hbm>>
        %dma_start3A_227 = arith.constant 0 : i32
        %dma_start3A_228 = arith.constant 0 : i32
        %dma_start3A_229 = tpu.memref_slice %arg10[%dma_start3A_227, %dma_start3A_228] : memref<448x64xf32, #tpu.memory_space<vmem>> -> memref<64x64xf32, #tpu.memory_space<vmem>>
        %dma_start3A_230 = arith.constant 999936 : i32
        %dma_start3A_231 = arith.constant 0 : i32
        %dma_start3A_232 = tpu.memref_slice %arg2[%dma_start3A_230, %dma_start3A_231] : memref<1000000x64xf32, #tpu.memory_space<hbm>> -> memref<64x64xf32, #tpu.memory_space<hbm>>
        tpu.enqueue_dma source(%dma_start3A_232 : memref<64x64xf32, #tpu.memory_space<hbm>>) target(%dma_start3A_229 : memref<64x64xf32, #tpu.memory_space<vmem>>) target_semaphore(%run_scoped3A : memref<!tpu.dma_semaphore, #tpu.memory_space<semaphore_mem>>)
        %dma_wait3A_233 = arith.constant 0 : i32
        %dma_wait3A_234 = arith.constant 0 : i32
        %dma_wait3A_235 = tpu.memref_slice %arg10[%dma_wait3A_233, %dma_wait3A_234] : memref<448x64xf32, #tpu.memory_space<vmem>> -> memref<64x64xf32, #tpu.memory_space<vmem>>
        %dma_wait3A_236 = arith.constant 999936 : i32
        %dma_wait3A_237 = arith.constant 0 : i32
        %dma_wait3A_238 = tpu.memref_slice %arg2[%dma_wait3A_236, %dma_wait3A_237] : memref<1000000x64xf32, #tpu.memory_space<hbm>> -> memref<64x64xf32, #tpu.memory_space<hbm>>
        %dma_wait3A_239 = arith.constant 0 : i32
        %dma_wait3A_240 = arith.constant 0 : i32
        %dma_wait3A_241 = tpu.memref_slice %arg10[%dma_wait3A_239, %dma_wait3A_240] : memref<448x64xf32, #tpu.memory_space<vmem>> -> memref<64x64xf32, #tpu.memory_space<vmem>>
        %dma_wait3A_242 = arith.constant 999936 : i32
        %dma_wait3A_243 = arith.constant 0 : i32
        %dma_wait3A_244 = tpu.memref_slice %arg2[%dma_wait3A_242, %dma_wait3A_243] : memref<1000000x64xf32, #tpu.memory_space<hbm>> -> memref<64x64xf32, #tpu.memory_space<hbm>>
        tpu.wait_dma2 semaphore(%run_scoped3A : memref<!tpu.dma_semaphore, #tpu.memory_space<semaphore_mem>>) src(%dma_wait3A_244 : memref<64x64xf32, #tpu.memory_space<hbm>>) dst(%dma_wait3A_241 : memref<64x64xf32, #tpu.memory_space<vmem>>)
        tpu.yield
      }) : () -> ()
      %add3A_105 = arith.constant 31248 : i32
      %add3A_106 = arith.constant 0 : i32
      %add3A_107 = arith.addi %add3A_105, %add3A_106 : i32
      %get3A = arith.index_cast %add3A_107 : i32 to index
      %get3A_108 = tpu.vector_load %arg7[%get3A] {strides = array<i32>} : memref<31312xi32, #tpu.memory_space<vmem>>, vector<16xi32>,
      %ge3A = arith.constant 0 : i32
      %ge3A_109 = vector.broadcast %ge3A : i32 to vector<16xi32>
      %ge3A_110 = arith.cmpi sge, %get3A_108, %ge3A_109 : vector<16xi32>
      %convert_element_type3A_111 = arith.extui %ge3A_110 : vector<16xi1> to vector<16xi32>
      %broadcast_in_dim3A = arith.constant true
      %broadcast_in_dim3A_112 = vector.broadcast %broadcast_in_dim3A : i1 to vector<16xi1>
      %masked_cumsum3A = tpu.scan <sum>, %convert_element_type3A_111 masked %broadcast_in_dim3A_112 : vector<16xi32>, vector<16xi1> -> vector<16xi32>
      %add3A_113 = arith.constant 0 : i32
      %add3A_114 = vector.broadcast %add3A_113 : i32 to vector<16xi32>
      %add3A_115 = arith.addi %add3A_114, %masked_cumsum3A : vector<16xi32>
      %sub3A_116 = arith.constant 1 : i32
      %sub3A_117 = vector.broadcast %sub3A_116 : i32 to vector<16xi32>
      %sub3A_118 = arith.subi %add3A_115, %sub3A_117 : vector<16xi32>
      tpu.vector_store_idx %arg9[%sub3A_118], %get3A_108 masked %ge3A_110 : memref<128xi32, #tpu.memory_space<vmem>>[vector<16xi32>], vector<16xi32>, vector<16xi1>
      %slice3A = vector.extract_strided_slice %masked_cumsum3A {offsets = [15], sizes = [1], strides = [1]} : vector<16xi32> to vector<1xi32>
      %squeeze3A = vector.extract %slice3A[0] : i32 from vector<1xi32>
      %add3A_119 = arith.constant 0 : i32
      %add3A_120 = arith.addi %add3A_119, %squeeze3A : i32
      %add3A_121 = arith.constant 31248 : i32
      %add3A_122 = arith.constant 16 : i32
      %add3A_123 = arith.addi %add3A_121, %add3A_122 : i32
      %get3A_124 = arith.index_cast %add3A_123 : i32 to index
      %get3A_125 = tpu.vector_load %arg7[%get3A_124] {strides = array<i32>} : memref<31312xi32, #tpu.memory_space<vmem>>, vector<16xi32>,
      %ge3A_126 = arith.constant 0 : i32
      %ge3A_127 = vector.broadcast %ge3A_126 : i32 to vector<16xi32>
      %ge3A_128 = arith.cmpi sge, %get3A_125, %ge3A_127 : vector<16xi32>
      %convert_element_type3A_129 = arith.extui %ge3A_128 : vector<16xi1> to vector<16xi32>
      %broadcast_in_dim3A_130 = arith.constant true
      %broadcast_in_dim3A_131 = vector.broadcast %broadcast_in_dim3A_130 : i1 to vector<16xi1>
      %masked_cumsum3A_132 = tpu.scan <sum>, %convert_element_type3A_129 masked %broadcast_in_dim3A_131 : vector<16xi32>, vector<16xi1> -> vector<16xi32>
      %add3A_133 = vector.broadcast %add3A_120 : i32 to vector<16xi32>
      %add3A_134 = arith.addi %add3A_133, %masked_cumsum3A_132 : vector<16xi32>
      %sub3A_135 = arith.constant 1 : i32
      %sub3A_136 = vector.broadcast %sub3A_135 : i32 to vector<16xi32>
      %sub3A_137 = arith.subi %add3A_134, %sub3A_136 : vector<16xi32>
      tpu.vector_store_idx %arg9[%sub3A_137], %get3A_125 masked %ge3A_128 : memref<128xi32, #tpu.memory_space<vmem>>[vector<16xi32>], vector<16xi32>, vector<16xi1>
      %slice3A_138 = vector.extract_strided_slice %masked_cumsum3A_132 {offsets = [15], sizes = [1], strides = [1]} : vector<16xi32> to vector<1xi32>
      %squeeze3A_139 = vector.extract %slice3A_138[0] : i32 from vector<1xi32>
      %add3A_140 = arith.addi %add3A_120, %squeeze3A_139 : i32
      %add3A_141 = arith.constant 31248 : i32
      %add3A_142 = arith.constant 32 : i32
      %add3A_143 = arith.addi %add3A_141, %add3A_142 : i32
      %get3A_144 = arith.index_cast %add3A_143 : i32 to index
      %get3A_145 = tpu.vector_load %arg7[%get3A_144] {strides = array<i32>} : memref<31312xi32, #tpu.memory_space<vmem>>, vector<16xi32>,
      %ge3A_146 = arith.constant 0 : i32
      %ge3A_147 = vector.broadcast %ge3A_146 : i32 to vector<16xi32>
      %ge3A_148 = arith.cmpi sge, %get3A_145, %ge3A_147 : vector<16xi32>
      %convert_element_type3A_149 = arith.extui %ge3A_148 : vector<16xi1> to vector<16xi32>
      %broadcast_in_dim3A_150 = arith.constant true
      %broadcast_in_dim3A_151 = vector.broadcast %broadcast_in_dim3A_150 : i1 to vector<16xi1>
      %masked_cumsum3A_152 = tpu.scan <sum>, %convert_element_type3A_149 masked %broadcast_in_dim3A_151 : vector<16xi32>, vector<16xi1> -> vector<16xi32>
      %add3A_153 = vector.broadcast %add3A_140 : i32 to vector<16xi32>
      %add3A_154 = arith.addi %add3A_153, %masked_cumsum3A_152 : vector<16xi32>
      %sub3A_155 = arith.constant 1 : i32
      %sub3A_156 = vector.broadcast %sub3A_155 : i32 to vector<16xi32>
      %sub3A_157 = arith.subi %add3A_154, %sub3A_156 : vector<16xi32>
      tpu.vector_store_idx %arg9[%sub3A_157], %get3A_145 masked %ge3A_148 : memref<128xi32, #tpu.memory_space<vmem>>[vector<16xi32>], vector<16xi32>, vector<16xi1>
      %slice3A_158 = vector.extract_strided_slice %masked_cumsum3A_152 {offsets = [15], sizes = [1], strides = [1]} : vector<16xi32> to vector<1xi32>
      %squeeze3A_159 = vector.extract %slice3A_158[0] : i32 from vector<1xi32>
      %add3A_160 = arith.addi %add3A_140, %squeeze3A_159 : i32
      %add3A_161 = arith.constant 31248 : i32
      %add3A_162 = arith.constant 48 : i32
      %add3A_163 = arith.addi %add3A_161, %add3A_162 : i32
      %get3A_164 = arith.index_cast %add3A_163 : i32 to index
      %get3A_165 = tpu.vector_load %arg7[%get3A_164] {strides = array<i32>} : memref<31312xi32, #tpu.memory_space<vmem>>, vector<16xi32>,
      %ge3A_166 = arith.constant 0 : i32
      %ge3A_167 = vector.broadcast %ge3A_166 : i32 to vector<16xi32>
      %ge3A_168 = arith.cmpi sge, %get3A_165, %ge3A_167 : vector<16xi32>
      %convert_element_type3A_169 = arith.extui %ge3A_168 : vector<16xi1> to vector<16xi32>
      %broadcast_in_dim3A_170 = arith.constant true
      %broadcast_in_dim3A_171 = vector.broadcast %broadcast_in_dim3A_170 : i1 to vector<16xi1>
      %masked_cumsum3A_172 = tpu.scan <sum>, %convert_element_type3A_169 masked %broadcast_in_dim3A_171 : vector<16xi32>, vector<16xi1> -> vector<16xi32>
      %add3A_173 = vector.broadcast %add3A_160 : i32 to vector<16xi32>
      %add3A_174 = arith.addi %add3A_173, %masked_cumsum3A_172 : vector<16xi32>
      %sub3A_175 = arith.constant 1 : i32
      %sub3A_176 = vector.broadcast %sub3A_175 : i32 to vector<16xi32>
      %sub3A_177 = arith.subi %add3A_174, %sub3A_176 : vector<16xi32>
      tpu.vector_store_idx %arg9[%sub3A_177], %get3A_165 masked %ge3A_168 : memref<128xi32, #tpu.memory_space<vmem>>[vector<16xi32>], vector<16xi32>, vector<16xi1>
      %slice3A_178 = vector.extract_strided_slice %masked_cumsum3A_172 {offsets = [15], sizes = [1], strides = [1]} : vector<16xi32> to vector<1xi32>
      %squeeze3A_179 = vector.extract %slice3A_178[0] : i32 from vector<1xi32>
      %add3A_180 = arith.addi %add3A_160, %squeeze3A_179 : i32
      %add3A_181 = arith.constant 16 : i32
      %add3A_182 = arith.addi %add3A_180, %add3A_181 : i32
      %sub3A_183 = arith.constant 1 : i32
      %sub3A_184 = arith.subi %add3A_182, %sub3A_183 : i32
      %jit3A_185 = arith.constant 16 : i32
      %div3A_186 = arith.divsi %sub3A_184, %jit3A_185 : i32
      %sign3A_187 = arith.constant 0 : i32
      %sign3A_188 = arith.cmpi sgt, %sub3A_184, %sign3A_187 : i32
      %sign3A_189 = arith.extui %sign3A_188 : i1 to i32
      %sign3A_190 = arith.constant 0 : i32
      %sign3A_191 = arith.cmpi slt, %sub3A_184, %sign3A_190 : i32
      %sign3A_192 = arith.extui %sign3A_191 : i1 to i32
      %sign3A_193 = arith.subi %sign3A_189, %sign3A_192 : i32
      %sign3A_194 = arith.constant 0 : i32
      %sign3A_195 = arith.cmpi sgt, %jit3A_185, %sign3A_194 : i32
      %sign3A_196 = arith.extui %sign3A_195 : i1 to i32
      %sign3A_197 = arith.constant 0 : i32
      %sign3A_198 = arith.cmpi slt, %jit3A_185, %sign3A_197 : i32
      %sign3A_199 = arith.extui %sign3A_198 : i1 to i32
      %sign3A_200 = arith.subi %sign3A_196, %sign3A_199 : i32
      %ne3A_201 = arith.cmpi ne, %sign3A_193, %sign3A_200 : i32
      %rem3A_202 = arith.remsi %sub3A_184, %jit3A_185 : i32
      %ne3A_203 = arith.constant 0 : i32
      %ne3A_204 = arith.cmpi ne, %rem3A_202, %ne3A_203 : i32
      %and3A_205 = arith.andi %ne3A_201, %ne3A_204 : i1
      %sub3A_206 = arith.constant 1 : i32
      %sub3A_207 = arith.subi %div3A_186, %sub3A_206 : i32
      %select_n3A_208 = arith.select %and3A_205, %sub3A_207, %div3A_186 : i32
      %while3A_209 = arith.constant 0 : i32
      %while3A_210 = arith.constant 31248 : i32
      %while3A_211 = arith.constant 0 : i32
      %while3A_212 = arith.constant 0 : i32
      %while3A_213 = arith.subi %select_n3A_208, %while3A_212 : i32
      %while3A_214 = arith.addi %while3A_212, %while3A_213 : i32
      %while3A_215 = arith.constant 1 : i32
      %while3A_216 = arith.divsi %while3A_213, %while3A_215 : i32
      %while3A_217 = arith.muli %while3A_216, %while3A_215 : i32
      %while3A_218 = arith.addi %while3A_212, %while3A_217 : i32
      %while3A_219 = arith.constant 1 : i32
      scf.for %while3A_221 = %while3A_212 to %while3A_218 step %while3A_219  : i32 {
        %mul3A_222 = arith.constant 16 : i32
        %mul3A_223 = arith.muli %while3A_221, %mul3A_222 : i32
        %get3A_224 = arith.index_cast %mul3A_223 : i32 to index
        %get3A_225 = tpu.vector_load %arg9[%get3A_224] {strides = array<i32>} : memref<128xi32, #tpu.memory_space<vmem>>, vector<16xi32>,
        %shift_right_logical3A = arith.constant 14 : i32
        %shift_right_logical3A_226 = vector.broadcast %shift_right_logical3A : i32 to vector<16xi32>
        %shift_right_logical3A_227 = arith.shrui %get3A_225, %shift_right_logical3A_226 : vector<16xi32>
        %sub3A_228 = vector.broadcast %while3A_210 : i32 to vector<16xi32>
        %sub3A_229 = arith.subi %shift_right_logical3A_227, %sub3A_228 : vector<16xi32>
        %and3A_230 = arith.constant 16383 : i32
        %and3A_231 = vector.broadcast %and3A_230 : i32 to vector<16xi32>
        %and3A_232 = arith.andi %get3A_225, %and3A_231 : vector<16xi32>
        %mul3A_233 = arith.constant 16 : i32
        %mul3A_234 = arith.muli %while3A_221, %mul3A_233 : i32
        %add3A_235 = arith.constant 0 : i32
        %add3A_236 = arith.addi %mul3A_234, %add3A_235 : i32
        %lt3A = arith.cmpi slt, %add3A_236, %add3A_180 : i32
        %convert_element_type3A_237 = arith.extui %lt3A : i1 to i32
        %cond3A_238 = arith.constant 0 : i32
        %cond3A_239 = arith.cmpi ne, %convert_element_type3A_237, %cond3A_238 : i32
        scf.if %cond3A_239 {
          %slice3A_488 = vector.extract_strided_slice %and3A_232 {offsets = [0], sizes = [1], strides = [1]} : vector<16xi32> to vector<1xi32>
          %squeeze3A_489 = vector.extract %slice3A_488[0] : i32 from vector<1xi32>
          %mul3A_490 = arith.constant 64 : i32
          %mul3A_491 = arith.muli %squeeze3A_489, %mul3A_490 : i32
          %multiple_of3A_492 = tpu.assume_multiple %mul3A_491, 8 : i32
          %slice3A_493 = vector.extract_strided_slice %sub3A_229 {offsets = [0], sizes = [1], strides = [1]} : vector<16xi32> to vector<1xi32>
          %squeeze3A_494 = vector.extract %slice3A_493[0] : i32 from vector<1xi32>
          %add3A_495 = arith.addi %while3A_211, %squeeze3A_494 : i32
          %dma_start3A_496 = arith.constant 0 : i32
          %dma_start3A_497 = tpu.memref_slice %arg10[%add3A_495, %dma_start3A_496] : memref<448x64xf32, #tpu.memory_space<vmem>> -> memref<1x64xf32, #tpu.memory_space<vmem>>
          %dma_start3A_498 = tpu.memref_squeeze %dma_start3A_497 : memref<1x64xf32, #tpu.memory_space<vmem>> -> memref<64xf32, #tpu.memory_space<vmem>>
          %dma_start3A_499 = tpu.memref_slice %arg4[%multiple_of3A_492] : memref<1048576xf32, #tpu.memory_space<hbm>> -> memref<64xf32, #tpu.memory_space<hbm>>
          %dma_start3A_500 = arith.constant 0 : i32
          %dma_start3A_501 = tpu.memref_slice %arg10[%add3A_495, %dma_start3A_500] : memref<448x64xf32, #tpu.memory_space<vmem>> -> memref<1x64xf32, #tpu.memory_space<vmem>>
          %dma_start3A_502 = tpu.memref_squeeze %dma_start3A_501 : memref<1x64xf32, #tpu.memory_space<vmem>> -> memref<64xf32, #tpu.memory_space<vmem>>
          %dma_start3A_503 = tpu.memref_slice %arg4[%multiple_of3A_492] : memref<1048576xf32, #tpu.memory_space<hbm>> -> memref<64xf32, #tpu.memory_space<hbm>>
          tpu.enqueue_dma source(%dma_start3A_503 : memref<64xf32, #tpu.memory_space<hbm>>) target(%dma_start3A_502 : memref<64xf32, #tpu.memory_space<vmem>>) target_semaphore(%arg13 : memref<!tpu.dma_semaphore, #tpu.memory_space<semaphore_mem>>)
        } else {
        }
        %mul3A_240 = arith.constant 16 : i32
        %mul3A_241 = arith.muli %while3A_221, %mul3A_240 : i32
        %add3A_242 = arith.constant 1 : i32
        %add3A_243 = arith.addi %mul3A_241, %add3A_242 : i32
        %lt3A_244 = arith.cmpi slt, %add3A_243, %add3A_180 : i32
        %convert_element_type3A_245 = arith.extui %lt3A_244 : i1 to i32
        %cond3A_246 = arith.constant 0 : i32
        %cond3A_247 = arith.cmpi ne, %convert_element_type3A_245, %cond3A_246 : i32
        scf.if %cond3A_247 {
          %slice3A_488 = vector.extract_strided_slice %and3A_232 {offsets = [1], sizes = [1], strides = [1]} : vector<16xi32> to vector<1xi32>
          %squeeze3A_489 = vector.extract %slice3A_488[0] : i32 from vector<1xi32>
          %mul3A_490 = arith.constant 64 : i32
          %mul3A_491 = arith.muli %squeeze3A_489, %mul3A_490 : i32
          %multiple_of3A_492 = tpu.assume_multiple %mul3A_491, 8 : i32
          %slice3A_493 = vector.extract_strided_slice %sub3A_229 {offsets = [1], sizes = [1], strides = [1]} : vector<16xi32> to vector<1xi32>
          %squeeze3A_494 = vector.extract %slice3A_493[0] : i32 from vector<1xi32>
          %add3A_495 = arith.addi %while3A_211, %squeeze3A_494 : i32
          %dma_start3A_496 = arith.constant 0 : i32
          %dma_start3A_497 = tpu.memref_slice %arg10[%add3A_495, %dma_start3A_496] : memref<448x64xf32, #tpu.memory_space<vmem>> -> memref<1x64xf32, #tpu.memory_space<vmem>>
          %dma_start3A_498 = tpu.memref_squeeze %dma_start3A_497 : memref<1x64xf32, #tpu.memory_space<vmem>> -> memref<64xf32, #tpu.memory_space<vmem>>
          %dma_start3A_499 = tpu.memref_slice %arg4[%multiple_of3A_492] : memref<1048576xf32, #tpu.memory_space<hbm>> -> memref<64xf32, #tpu.memory_space<hbm>>
          %dma_start3A_500 = arith.constant 0 : i32
          %dma_start3A_501 = tpu.memref_slice %arg10[%add3A_495, %dma_start3A_500] : memref<448x64xf32, #tpu.memory_space<vmem>> -> memref<1x64xf32, #tpu.memory_space<vmem>>
          %dma_start3A_502 = tpu.memref_squeeze %dma_start3A_501 : memref<1x64xf32, #tpu.memory_space<vmem>> -> memref<64xf32, #tpu.memory_space<vmem>>
          %dma_start3A_503 = tpu.memref_slice %arg4[%multiple_of3A_492] : memref<1048576xf32, #tpu.memory_space<hbm>> -> memref<64xf32, #tpu.memory_space<hbm>>
          tpu.enqueue_dma source(%dma_start3A_503 : memref<64xf32, #tpu.memory_space<hbm>>) target(%dma_start3A_502 : memref<64xf32, #tpu.memory_space<vmem>>) target_semaphore(%arg13 : memref<!tpu.dma_semaphore, #tpu.memory_space<semaphore_mem>>)
        } else {
        }
        %mul3A_248 = arith.constant 16 : i32
        %mul3A_249 = arith.muli %while3A_221, %mul3A_248 : i32
        %add3A_250 = arith.constant 2 : i32
        %add3A_251 = arith.addi %mul3A_249, %add3A_250 : i32
        %lt3A_252 = arith.cmpi slt, %add3A_251, %add3A_180 : i32
        %convert_element_type3A_253 = arith.extui %lt3A_252 : i1 to i32
        %cond3A_254 = arith.constant 0 : i32
        %cond3A_255 = arith.cmpi ne, %convert_element_type3A_253, %cond3A_254 : i32
        scf.if %cond3A_255 {
          %slice3A_488 = vector.extract_strided_slice %and3A_232 {offsets = [2], sizes = [1], strides = [1]} : vector<16xi32> to vector<1xi32>
          %squeeze3A_489 = vector.extract %slice3A_488[0] : i32 from vector<1xi32>
          %mul3A_490 = arith.constant 64 : i32
          %mul3A_491 = arith.muli %squeeze3A_489, %mul3A_490 : i32
          %multiple_of3A_492 = tpu.assume_multiple %mul3A_491, 8 : i32
          %slice3A_493 = vector.extract_strided_slice %sub3A_229 {offsets = [2], sizes = [1], strides = [1]} : vector<16xi32> to vector<1xi32>
          %squeeze3A_494 = vector.extract %slice3A_493[0] : i32 from vector<1xi32>
          %add3A_495 = arith.addi %while3A_211, %squeeze3A_494 : i32
          %dma_start3A_496 = arith.constant 0 : i32
          %dma_start3A_497 = tpu.memref_slice %arg10[%add3A_495, %dma_start3A_496] : memref<448x64xf32, #tpu.memory_space<vmem>> -> memref<1x64xf32, #tpu.memory_space<vmem>>
          %dma_start3A_498 = tpu.memref_squeeze %dma_start3A_497 : memref<1x64xf32, #tpu.memory_space<vmem>> -> memref<64xf32, #tpu.memory_space<vmem>>
          %dma_start3A_499 = tpu.memref_slice %arg4[%multiple_of3A_492] : memref<1048576xf32, #tpu.memory_space<hbm>> -> memref<64xf32, #tpu.memory_space<hbm>>
          %dma_start3A_500 = arith.constant 0 : i32
          %dma_start3A_501 = tpu.memref_slice %arg10[%add3A_495, %dma_start3A_500] : memref<448x64xf32, #tpu.memory_space<vmem>> -> memref<1x64xf32, #tpu.memory_space<vmem>>
          %dma_start3A_502 = tpu.memref_squeeze %dma_start3A_501 : memref<1x64xf32, #tpu.memory_space<vmem>> -> memref<64xf32, #tpu.memory_space<vmem>>
          %dma_start3A_503 = tpu.memref_slice %arg4[%multiple_of3A_492] : memref<1048576xf32, #tpu.memory_space<hbm>> -> memref<64xf32, #tpu.memory_space<hbm>>
          tpu.enqueue_dma source(%dma_start3A_503 : memref<64xf32, #tpu.memory_space<hbm>>) target(%dma_start3A_502 : memref<64xf32, #tpu.memory_space<vmem>>) target_semaphore(%arg13 : memref<!tpu.dma_semaphore, #tpu.memory_space<semaphore_mem>>)
        } else {
        }
        %mul3A_256 = arith.constant 16 : i32
        %mul3A_257 = arith.muli %while3A_221, %mul3A_256 : i32
        %add3A_258 = arith.constant 3 : i32
        %add3A_259 = arith.addi %mul3A_257, %add3A_258 : i32
        %lt3A_260 = arith.cmpi slt, %add3A_259, %add3A_180 : i32
        %convert_element_type3A_261 = arith.extui %lt3A_260 : i1 to i32
        %cond3A_262 = arith.constant 0 : i32
        %cond3A_263 = arith.cmpi ne, %convert_element_type3A_261, %cond3A_262 : i32
        scf.if %cond3A_263 {
          %slice3A_488 = vector.extract_strided_slice %and3A_232 {offsets = [3], sizes = [1], strides = [1]} : vector<16xi32> to vector<1xi32>
          %squeeze3A_489 = vector.extract %slice3A_488[0] : i32 from vector<1xi32>
          %mul3A_490 = arith.constant 64 : i32
          %mul3A_491 = arith.muli %squeeze3A_489, %mul3A_490 : i32
          %multiple_of3A_492 = tpu.assume_multiple %mul3A_491, 8 : i32
          %slice3A_493 = vector.extract_strided_slice %sub3A_229 {offsets = [3], sizes = [1], strides = [1]} : vector<16xi32> to vector<1xi32>
          %squeeze3A_494 = vector.extract %slice3A_493[0] : i32 from vector<1xi32>
          %add3A_495 = arith.addi %while3A_211, %squeeze3A_494 : i32
          %dma_start3A_496 = arith.constant 0 : i32
          %dma_start3A_497 = tpu.memref_slice %arg10[%add3A_495, %dma_start3A_496] : memref<448x64xf32, #tpu.memory_space<vmem>> -> memref<1x64xf32, #tpu.memory_space<vmem>>
          %dma_start3A_498 = tpu.memref_squeeze %dma_start3A_497 : memref<1x64xf32, #tpu.memory_space<vmem>> -> memref<64xf32, #tpu.memory_space<vmem>>
          %dma_start3A_499 = tpu.memref_slice %arg4[%multiple_of3A_492] : memref<1048576xf32, #tpu.memory_space<hbm>> -> memref<64xf32, #tpu.memory_space<hbm>>
          %dma_start3A_500 = arith.constant 0 : i32
          %dma_start3A_501 = tpu.memref_slice %arg10[%add3A_495, %dma_start3A_500] : memref<448x64xf32, #tpu.memory_space<vmem>> -> memref<1x64xf32, #tpu.memory_space<vmem>>
          %dma_start3A_502 = tpu.memref_squeeze %dma_start3A_501 : memref<1x64xf32, #tpu.memory_space<vmem>> -> memref<64xf32, #tpu.memory_space<vmem>>
          %dma_start3A_503 = tpu.memref_slice %arg4[%multiple_of3A_492] : memref<1048576xf32, #tpu.memory_space<hbm>> -> memref<64xf32, #tpu.memory_space<hbm>>
          tpu.enqueue_dma source(%dma_start3A_503 : memref<64xf32, #tpu.memory_space<hbm>>) target(%dma_start3A_502 : memref<64xf32, #tpu.memory_space<vmem>>) target_semaphore(%arg13 : memref<!tpu.dma_semaphore, #tpu.memory_space<semaphore_mem>>)
        } else {
        }
        %mul3A_264 = arith.constant 16 : i32
        %mul3A_265 = arith.muli %while3A_221, %mul3A_264 : i32
        %add3A_266 = arith.constant 4 : i32
        %add3A_267 = arith.addi %mul3A_265, %add3A_266 : i32
        %lt3A_268 = arith.cmpi slt, %add3A_267, %add3A_180 : i32
        %convert_element_type3A_269 = arith.extui %lt3A_268 : i1 to i32
        %cond3A_270 = arith.constant 0 : i32
        %cond3A_271 = arith.cmpi ne, %convert_element_type3A_269, %cond3A_270 : i32
        scf.if %cond3A_271 {
          %slice3A_488 = vector.extract_strided_slice %and3A_232 {offsets = [4], sizes = [1], strides = [1]} : vector<16xi32> to vector<1xi32>
          %squeeze3A_489 = vector.extract %slice3A_488[0] : i32 from vector<1xi32>
          %mul3A_490 = arith.constant 64 : i32
          %mul3A_491 = arith.muli %squeeze3A_489, %mul3A_490 : i32
          %multiple_of3A_492 = tpu.assume_multiple %mul3A_491, 8 : i32
          %slice3A_493 = vector.extract_strided_slice %sub3A_229 {offsets = [4], sizes = [1], strides = [1]} : vector<16xi32> to vector<1xi32>
          %squeeze3A_494 = vector.extract %slice3A_493[0] : i32 from vector<1xi32>
          %add3A_495 = arith.addi %while3A_211, %squeeze3A_494 : i32
          %dma_start3A_496 = arith.constant 0 : i32
          %dma_start3A_497 = tpu.memref_slice %arg10[%add3A_495, %dma_start3A_496] : memref<448x64xf32, #tpu.memory_space<vmem>> -> memref<1x64xf32, #tpu.memory_space<vmem>>
          %dma_start3A_498 = tpu.memref_squeeze %dma_start3A_497 : memref<1x64xf32, #tpu.memory_space<vmem>> -> memref<64xf32, #tpu.memory_space<vmem>>
          %dma_start3A_499 = tpu.memref_slice %arg4[%multiple_of3A_492] : memref<1048576xf32, #tpu.memory_space<hbm>> -> memref<64xf32, #tpu.memory_space<hbm>>
          %dma_start3A_500 = arith.constant 0 : i32
          %dma_start3A_501 = tpu.memref_slice %arg10[%add3A_495, %dma_start3A_500] : memref<448x64xf32, #tpu.memory_space<vmem>> -> memref<1x64xf32, #tpu.memory_space<vmem>>
          %dma_start3A_502 = tpu.memref_squeeze %dma_start3A_501 : memref<1x64xf32, #tpu.memory_space<vmem>> -> memref<64xf32, #tpu.memory_space<vmem>>
          %dma_start3A_503 = tpu.memref_slice %arg4[%multiple_of3A_492] : memref<1048576xf32, #tpu.memory_space<hbm>> -> memref<64xf32, #tpu.memory_space<hbm>>
          tpu.enqueue_dma source(%dma_start3A_503 : memref<64xf32, #tpu.memory_space<hbm>>) target(%dma_start3A_502 : memref<64xf32, #tpu.memory_space<vmem>>) target_semaphore(%arg13 : memref<!tpu.dma_semaphore, #tpu.memory_space<semaphore_mem>>)
        } else {
        }
        %mul3A_272 = arith.constant 16 : i32
        %mul3A_273 = arith.muli %while3A_221, %mul3A_272 : i32
        %add3A_274 = arith.constant 5 : i32
        %add3A_275 = arith.addi %mul3A_273, %add3A_274 : i32
        %lt3A_276 = arith.cmpi slt, %add3A_275, %add3A_180 : i32
        %convert_element_type3A_277 = arith.extui %lt3A_276 : i1 to i32
        %cond3A_278 = arith.constant 0 : i32
        %cond3A_279 = arith.cmpi ne, %convert_element_type3A_277, %cond3A_278 : i32
        scf.if %cond3A_279 {
          %slice3A_488 = vector.extract_strided_slice %and3A_232 {offsets = [5], sizes = [1], strides = [1]} : vector<16xi32> to vector<1xi32>
          %squeeze3A_489 = vector.extract %slice3A_488[0] : i32 from vector<1xi32>
          %mul3A_490 = arith.constant 64 : i32
          %mul3A_491 = arith.muli %squeeze3A_489, %mul3A_490 : i32
          %multiple_of3A_492 = tpu.assume_multiple %mul3A_491, 8 : i32
          %slice3A_493 = vector.extract_strided_slice %sub3A_229 {offsets = [5], sizes = [1], strides = [1]} : vector<16xi32> to vector<1xi32>
          %squeeze3A_494 = vector.extract %slice3A_493[0] : i32 from vector<1xi32>
          %add3A_495 = arith.addi %while3A_211, %squeeze3A_494 : i32
          %dma_start3A_496 = arith.constant 0 : i32
          %dma_start3A_497 = tpu.memref_slice %arg10[%add3A_495, %dma_start3A_496] : memref<448x64xf32, #tpu.memory_space<vmem>> -> memref<1x64xf32, #tpu.memory_space<vmem>>
          %dma_start3A_498 = tpu.memref_squeeze %dma_start3A_497 : memref<1x64xf32, #tpu.memory_space<vmem>> -> memref<64xf32, #tpu.memory_space<vmem>>
          %dma_start3A_499 = tpu.memref_slice %arg4[%multiple_of3A_492] : memref<1048576xf32, #tpu.memory_space<hbm>> -> memref<64xf32, #tpu.memory_space<hbm>>
          %dma_start3A_500 = arith.constant 0 : i32
          %dma_start3A_501 = tpu.memref_slice %arg10[%add3A_495, %dma_start3A_500] : memref<448x64xf32, #tpu.memory_space<vmem>> -> memref<1x64xf32, #tpu.memory_space<vmem>>
          %dma_start3A_502 = tpu.memref_squeeze %dma_start3A_501 : memref<1x64xf32, #tpu.memory_space<vmem>> -> memref<64xf32, #tpu.memory_space<vmem>>
          %dma_start3A_503 = tpu.memref_slice %arg4[%multiple_of3A_492] : memref<1048576xf32, #tpu.memory_space<hbm>> -> memref<64xf32, #tpu.memory_space<hbm>>
          tpu.enqueue_dma source(%dma_start3A_503 : memref<64xf32, #tpu.memory_space<hbm>>) target(%dma_start3A_502 : memref<64xf32, #tpu.memory_space<vmem>>) target_semaphore(%arg13 : memref<!tpu.dma_semaphore, #tpu.memory_space<semaphore_mem>>)
        } else {
        }
        %mul3A_280 = arith.constant 16 : i32
        %mul3A_281 = arith.muli %while3A_221, %mul3A_280 : i32
        %add3A_282 = arith.constant 6 : i32
        %add3A_283 = arith.addi %mul3A_281, %add3A_282 : i32
        %lt3A_284 = arith.cmpi slt, %add3A_283, %add3A_180 : i32
        %convert_element_type3A_285 = arith.extui %lt3A_284 : i1 to i32
        %cond3A_286 = arith.constant 0 : i32
        %cond3A_287 = arith.cmpi ne, %convert_element_type3A_285, %cond3A_286 : i32
        scf.if %cond3A_287 {
          %slice3A_488 = vector.extract_strided_slice %and3A_232 {offsets = [6], sizes = [1], strides = [1]} : vector<16xi32> to vector<1xi32>
          %squeeze3A_489 = vector.extract %slice3A_488[0] : i32 from vector<1xi32>
          %mul3A_490 = arith.constant 64 : i32
          %mul3A_491 = arith.muli %squeeze3A_489, %mul3A_490 : i32
          %multiple_of3A_492 = tpu.assume_multiple %mul3A_491, 8 : i32
          %slice3A_493 = vector.extract_strided_slice %sub3A_229 {offsets = [6], sizes = [1], strides = [1]} : vector<16xi32> to vector<1xi32>
          %squeeze3A_494 = vector.extract %slice3A_493[0] : i32 from vector<1xi32>
          %add3A_495 = arith.addi %while3A_211, %squeeze3A_494 : i32
          %dma_start3A_496 = arith.constant 0 : i32
          %dma_start3A_497 = tpu.memref_slice %arg10[%add3A_495, %dma_start3A_496] : memref<448x64xf32, #tpu.memory_space<vmem>> -> memref<1x64xf32, #tpu.memory_space<vmem>>
          %dma_start3A_498 = tpu.memref_squeeze %dma_start3A_497 : memref<1x64xf32, #tpu.memory_space<vmem>> -> memref<64xf32, #tpu.memory_space<vmem>>
          %dma_start3A_499 = tpu.memref_slice %arg4[%multiple_of3A_492] : memref<1048576xf32, #tpu.memory_space<hbm>> -> memref<64xf32, #tpu.memory_space<hbm>>
          %dma_start3A_500 = arith.constant 0 : i32
          %dma_start3A_501 = tpu.memref_slice %arg10[%add3A_495, %dma_start3A_500] : memref<448x64xf32, #tpu.memory_space<vmem>> -> memref<1x64xf32, #tpu.memory_space<vmem>>
          %dma_start3A_502 = tpu.memref_squeeze %dma_start3A_501 : memref<1x64xf32, #tpu.memory_space<vmem>> -> memref<64xf32, #tpu.memory_space<vmem>>
          %dma_start3A_503 = tpu.memref_slice %arg4[%multiple_of3A_492] : memref<1048576xf32, #tpu.memory_space<hbm>> -> memref<64xf32, #tpu.memory_space<hbm>>
          tpu.enqueue_dma source(%dma_start3A_503 : memref<64xf32, #tpu.memory_space<hbm>>) target(%dma_start3A_502 : memref<64xf32, #tpu.memory_space<vmem>>) target_semaphore(%arg13 : memref<!tpu.dma_semaphore, #tpu.memory_space<semaphore_mem>>)
        } else {
        }
        %mul3A_288 = arith.constant 16 : i32
        %mul3A_289 = arith.muli %while3A_221, %mul3A_288 : i32
        %add3A_290 = arith.constant 7 : i32
        %add3A_291 = arith.addi %mul3A_289, %add3A_290 : i32
        %lt3A_292 = arith.cmpi slt, %add3A_291, %add3A_180 : i32
        %convert_element_type3A_293 = arith.extui %lt3A_292 : i1 to i32
        %cond3A_294 = arith.constant 0 : i32
        %cond3A_295 = arith.cmpi ne, %convert_element_type3A_293, %cond3A_294 : i32
        scf.if %cond3A_295 {
          %slice3A_488 = vector.extract_strided_slice %and3A_232 {offsets = [7], sizes = [1], strides = [1]} : vector<16xi32> to vector<1xi32>
          %squeeze3A_489 = vector.extract %slice3A_488[0] : i32 from vector<1xi32>
          %mul3A_490 = arith.constant 64 : i32
          %mul3A_491 = arith.muli %squeeze3A_489, %mul3A_490 : i32
          %multiple_of3A_492 = tpu.assume_multiple %mul3A_491, 8 : i32
          %slice3A_493 = vector.extract_strided_slice %sub3A_229 {offsets = [7], sizes = [1], strides = [1]} : vector<16xi32> to vector<1xi32>
          %squeeze3A_494 = vector.extract %slice3A_493[0] : i32 from vector<1xi32>
          %add3A_495 = arith.addi %while3A_211, %squeeze3A_494 : i32
          %dma_start3A_496 = arith.constant 0 : i32
          %dma_start3A_497 = tpu.memref_slice %arg10[%add3A_495, %dma_start3A_496] : memref<448x64xf32, #tpu.memory_space<vmem>> -> memref<1x64xf32, #tpu.memory_space<vmem>>
          %dma_start3A_498 = tpu.memref_squeeze %dma_start3A_497 : memref<1x64xf32, #tpu.memory_space<vmem>> -> memref<64xf32, #tpu.memory_space<vmem>>
          %dma_start3A_499 = tpu.memref_slice %arg4[%multiple_of3A_492] : memref<1048576xf32, #tpu.memory_space<hbm>> -> memref<64xf32, #tpu.memory_space<hbm>>
          %dma_start3A_500 = arith.constant 0 : i32
          %dma_start3A_501 = tpu.memref_slice %arg10[%add3A_495, %dma_start3A_500] : memref<448x64xf32, #tpu.memory_space<vmem>> -> memref<1x64xf32, #tpu.memory_space<vmem>>
          %dma_start3A_502 = tpu.memref_squeeze %dma_start3A_501 : memref<1x64xf32, #tpu.memory_space<vmem>> -> memref<64xf32, #tpu.memory_space<vmem>>
          %dma_start3A_503 = tpu.memref_slice %arg4[%multiple_of3A_492] : memref<1048576xf32, #tpu.memory_space<hbm>> -> memref<64xf32, #tpu.memory_space<hbm>>
          tpu.enqueue_dma source(%dma_start3A_503 : memref<64xf32, #tpu.memory_space<hbm>>) target(%dma_start3A_502 : memref<64xf32, #tpu.memory_space<vmem>>) target_semaphore(%arg13 : memref<!tpu.dma_semaphore, #tpu.memory_space<semaphore_mem>>)
        } else {
        }
        %mul3A_296 = arith.constant 16 : i32
        %mul3A_297 = arith.muli %while3A_221, %mul3A_296 : i32
        %add3A_298 = arith.constant 8 : i32
        %add3A_299 = arith.addi %mul3A_297, %add3A_298 : i32
        %lt3A_300 = arith.cmpi slt, %add3A_299, %add3A_180 : i32
        %convert_element_type3A_301 = arith.extui %lt3A_300 : i1 to i32
        %cond3A_302 = arith.constant 0 : i32
        %cond3A_303 = arith.cmpi ne, %convert_element_type3A_301, %cond3A_302 : i32
        scf.if %cond3A_303 {
          %slice3A_488 = vector.extract_strided_slice %and3A_232 {offsets = [8], sizes = [1], strides = [1]} : vector<16xi32> to vector<1xi32>
          %squeeze3A_489 = vector.extract %slice3A_488[0] : i32 from vector<1xi32>
          %mul3A_490 = arith.constant 64 : i32
          %mul3A_491 = arith.muli %squeeze3A_489, %mul3A_490 : i32
          %multiple_of3A_492 = tpu.assume_multiple %mul3A_491, 8 : i32
          %slice3A_493 = vector.extract_strided_slice %sub3A_229 {offsets = [8], sizes = [1], strides = [1]} : vector<16xi32> to vector<1xi32>
          %squeeze3A_494 = vector.extract %slice3A_493[0] : i32 from vector<1xi32>
          %add3A_495 = arith.addi %while3A_211, %squeeze3A_494 : i32
          %dma_start3A_496 = arith.constant 0 : i32
          %dma_start3A_497 = tpu.memref_slice %arg10[%add3A_495, %dma_start3A_496] : memref<448x64xf32, #tpu.memory_space<vmem>> -> memref<1x64xf32, #tpu.memory_space<vmem>>
          %dma_start3A_498 = tpu.memref_squeeze %dma_start3A_497 : memref<1x64xf32, #tpu.memory_space<vmem>> -> memref<64xf32, #tpu.memory_space<vmem>>
          %dma_start3A_499 = tpu.memref_slice %arg4[%multiple_of3A_492] : memref<1048576xf32, #tpu.memory_space<hbm>> -> memref<64xf32, #tpu.memory_space<hbm>>
          %dma_start3A_500 = arith.constant 0 : i32
          %dma_start3A_501 = tpu.memref_slice %arg10[%add3A_495, %dma_start3A_500] : memref<448x64xf32, #tpu.memory_space<vmem>> -> memref<1x64xf32, #tpu.memory_space<vmem>>
          %dma_start3A_502 = tpu.memref_squeeze %dma_start3A_501 : memref<1x64xf32, #tpu.memory_space<vmem>> -> memref<64xf32, #tpu.memory_space<vmem>>
          %dma_start3A_503 = tpu.memref_slice %arg4[%multiple_of3A_492] : memref<1048576xf32, #tpu.memory_space<hbm>> -> memref<64xf32, #tpu.memory_space<hbm>>
          tpu.enqueue_dma source(%dma_start3A_503 : memref<64xf32, #tpu.memory_space<hbm>>) target(%dma_start3A_502 : memref<64xf32, #tpu.memory_space<vmem>>) target_semaphore(%arg13 : memref<!tpu.dma_semaphore, #tpu.memory_space<semaphore_mem>>)
        } else {
        }
        %mul3A_304 = arith.constant 16 : i32
        %mul3A_305 = arith.muli %while3A_221, %mul3A_304 : i32
        %add3A_306 = arith.constant 9 : i32
        %add3A_307 = arith.addi %mul3A_305, %add3A_306 : i32
        %lt3A_308 = arith.cmpi slt, %add3A_307, %add3A_180 : i32
        %convert_element_type3A_309 = arith.extui %lt3A_308 : i1 to i32
        %cond3A_310 = arith.constant 0 : i32
        %cond3A_311 = arith.cmpi ne, %convert_element_type3A_309, %cond3A_310 : i32
        scf.if %cond3A_311 {
          %slice3A_488 = vector.extract_strided_slice %and3A_232 {offsets = [9], sizes = [1], strides = [1]} : vector<16xi32> to vector<1xi32>
          %squeeze3A_489 = vector.extract %slice3A_488[0] : i32 from vector<1xi32>
          %mul3A_490 = arith.constant 64 : i32
          %mul3A_491 = arith.muli %squeeze3A_489, %mul3A_490 : i32
          %multiple_of3A_492 = tpu.assume_multiple %mul3A_491, 8 : i32
          %slice3A_493 = vector.extract_strided_slice %sub3A_229 {offsets = [9], sizes = [1], strides = [1]} : vector<16xi32> to vector<1xi32>
          %squeeze3A_494 = vector.extract %slice3A_493[0] : i32 from vector<1xi32>
          %add3A_495 = arith.addi %while3A_211, %squeeze3A_494 : i32
          %dma_start3A_496 = arith.constant 0 : i32
          %dma_start3A_497 = tpu.memref_slice %arg10[%add3A_495, %dma_start3A_496] : memref<448x64xf32, #tpu.memory_space<vmem>> -> memref<1x64xf32, #tpu.memory_space<vmem>>
          %dma_start3A_498 = tpu.memref_squeeze %dma_start3A_497 : memref<1x64xf32, #tpu.memory_space<vmem>> -> memref<64xf32, #tpu.memory_space<vmem>>
          %dma_start3A_499 = tpu.memref_slice %arg4[%multiple_of3A_492] : memref<1048576xf32, #tpu.memory_space<hbm>> -> memref<64xf32, #tpu.memory_space<hbm>>
          %dma_start3A_500 = arith.constant 0 : i32
          %dma_start3A_501 = tpu.memref_slice %arg10[%add3A_495, %dma_start3A_500] : memref<448x64xf32, #tpu.memory_space<vmem>> -> memref<1x64xf32, #tpu.memory_space<vmem>>
          %dma_start3A_502 = tpu.memref_squeeze %dma_start3A_501 : memref<1x64xf32, #tpu.memory_space<vmem>> -> memref<64xf32, #tpu.memory_space<vmem>>
          %dma_start3A_503 = tpu.memref_slice %arg4[%multiple_of3A_492] : memref<1048576xf32, #tpu.memory_space<hbm>> -> memref<64xf32, #tpu.memory_space<hbm>>
          tpu.enqueue_dma source(%dma_start3A_503 : memref<64xf32, #tpu.memory_space<hbm>>) target(%dma_start3A_502 : memref<64xf32, #tpu.memory_space<vmem>>) target_semaphore(%arg13 : memref<!tpu.dma_semaphore, #tpu.memory_space<semaphore_mem>>)
        } else {
        }
        %mul3A_312 = arith.constant 16 : i32
        %mul3A_313 = arith.muli %while3A_221, %mul3A_312 : i32
        %add3A_314 = arith.constant 10 : i32
        %add3A_315 = arith.addi %mul3A_313, %add3A_314 : i32
        %lt3A_316 = arith.cmpi slt, %add3A_315, %add3A_180 : i32
        %convert_element_type3A_317 = arith.extui %lt3A_316 : i1 to i32
        %cond3A_318 = arith.constant 0 : i32
        %cond3A_319 = arith.cmpi ne, %convert_element_type3A_317, %cond3A_318 : i32
        scf.if %cond3A_319 {
          %slice3A_488 = vector.extract_strided_slice %and3A_232 {offsets = [10], sizes = [1], strides = [1]} : vector<16xi32> to vector<1xi32>
          %squeeze3A_489 = vector.extract %slice3A_488[0] : i32 from vector<1xi32>
          %mul3A_490 = arith.constant 64 : i32
          %mul3A_491 = arith.muli %squeeze3A_489, %mul3A_490 : i32
          %multiple_of3A_492 = tpu.assume_multiple %mul3A_491, 8 : i32
          %slice3A_493 = vector.extract_strided_slice %sub3A_229 {offsets = [10], sizes = [1], strides = [1]} : vector<16xi32> to vector<1xi32>
          %squeeze3A_494 = vector.extract %slice3A_493[0] : i32 from vector<1xi32>
          %add3A_495 = arith.addi %while3A_211, %squeeze3A_494 : i32
          %dma_start3A_496 = arith.constant 0 : i32
          %dma_start3A_497 = tpu.memref_slice %arg10[%add3A_495, %dma_start3A_496] : memref<448x64xf32, #tpu.memory_space<vmem>> -> memref<1x64xf32, #tpu.memory_space<vmem>>
          %dma_start3A_498 = tpu.memref_squeeze %dma_start3A_497 : memref<1x64xf32, #tpu.memory_space<vmem>> -> memref<64xf32, #tpu.memory_space<vmem>>
          %dma_start3A_499 = tpu.memref_slice %arg4[%multiple_of3A_492] : memref<1048576xf32, #tpu.memory_space<hbm>> -> memref<64xf32, #tpu.memory_space<hbm>>
          %dma_start3A_500 = arith.constant 0 : i32
          %dma_start3A_501 = tpu.memref_slice %arg10[%add3A_495, %dma_start3A_500] : memref<448x64xf32, #tpu.memory_space<vmem>> -> memref<1x64xf32, #tpu.memory_space<vmem>>
          %dma_start3A_502 = tpu.memref_squeeze %dma_start3A_501 : memref<1x64xf32, #tpu.memory_space<vmem>> -> memref<64xf32, #tpu.memory_space<vmem>>
          %dma_start3A_503 = tpu.memref_slice %arg4[%multiple_of3A_492] : memref<1048576xf32, #tpu.memory_space<hbm>> -> memref<64xf32, #tpu.memory_space<hbm>>
          tpu.enqueue_dma source(%dma_start3A_503 : memref<64xf32, #tpu.memory_space<hbm>>) target(%dma_start3A_502 : memref<64xf32, #tpu.memory_space<vmem>>) target_semaphore(%arg13 : memref<!tpu.dma_semaphore, #tpu.memory_space<semaphore_mem>>)
        } else {
        }
        %mul3A_320 = arith.constant 16 : i32
        %mul3A_321 = arith.muli %while3A_221, %mul3A_320 : i32
        %add3A_322 = arith.constant 11 : i32
        %add3A_323 = arith.addi %mul3A_321, %add3A_322 : i32
        %lt3A_324 = arith.cmpi slt, %add3A_323, %add3A_180 : i32
        %convert_element_type3A_325 = arith.extui %lt3A_324 : i1 to i32
        %cond3A_326 = arith.constant 0 : i32
        %cond3A_327 = arith.cmpi ne, %convert_element_type3A_325, %cond3A_326 : i32
        scf.if %cond3A_327 {
          %slice3A_488 = vector.extract_strided_slice %and3A_232 {offsets = [11], sizes = [1], strides = [1]} : vector<16xi32> to vector<1xi32>
          %squeeze3A_489 = vector.extract %slice3A_488[0] : i32 from vector<1xi32>
          %mul3A_490 = arith.constant 64 : i32
          %mul3A_491 = arith.muli %squeeze3A_489, %mul3A_490 : i32
          %multiple_of3A_492 = tpu.assume_multiple %mul3A_491, 8 : i32
          %slice3A_493 = vector.extract_strided_slice %sub3A_229 {offsets = [11], sizes = [1], strides = [1]} : vector<16xi32> to vector<1xi32>
          %squeeze3A_494 = vector.extract %slice3A_493[0] : i32 from vector<1xi32>
          %add3A_495 = arith.addi %while3A_211, %squeeze3A_494 : i32
          %dma_start3A_496 = arith.constant 0 : i32
          %dma_start3A_497 = tpu.memref_slice %arg10[%add3A_495, %dma_start3A_496] : memref<448x64xf32, #tpu.memory_space<vmem>> -> memref<1x64xf32, #tpu.memory_space<vmem>>
          %dma_start3A_498 = tpu.memref_squeeze %dma_start3A_497 : memref<1x64xf32, #tpu.memory_space<vmem>> -> memref<64xf32, #tpu.memory_space<vmem>>
          %dma_start3A_499 = tpu.memref_slice %arg4[%multiple_of3A_492] : memref<1048576xf32, #tpu.memory_space<hbm>> -> memref<64xf32, #tpu.memory_space<hbm>>
          %dma_start3A_500 = arith.constant 0 : i32
          %dma_start3A_501 = tpu.memref_slice %arg10[%add3A_495, %dma_start3A_500] : memref<448x64xf32, #tpu.memory_space<vmem>> -> memref<1x64xf32, #tpu.memory_space<vmem>>
          %dma_start3A_502 = tpu.memref_squeeze %dma_start3A_501 : memref<1x64xf32, #tpu.memory_space<vmem>> -> memref<64xf32, #tpu.memory_space<vmem>>
          %dma_start3A_503 = tpu.memref_slice %arg4[%multiple_of3A_492] : memref<1048576xf32, #tpu.memory_space<hbm>> -> memref<64xf32, #tpu.memory_space<hbm>>
          tpu.enqueue_dma source(%dma_start3A_503 : memref<64xf32, #tpu.memory_space<hbm>>) target(%dma_start3A_502 : memref<64xf32, #tpu.memory_space<vmem>>) target_semaphore(%arg13 : memref<!tpu.dma_semaphore, #tpu.memory_space<semaphore_mem>>)
        } else {
        }
        %mul3A_328 = arith.constant 16 : i32
        %mul3A_329 = arith.muli %while3A_221, %mul3A_328 : i32
        %add3A_330 = arith.constant 12 : i32
        %add3A_331 = arith.addi %mul3A_329, %add3A_330 : i32
        %lt3A_332 = arith.cmpi slt, %add3A_331, %add3A_180 : i32
        %convert_element_type3A_333 = arith.extui %lt3A_332 : i1 to i32
        %cond3A_334 = arith.constant 0 : i32
        %cond3A_335 = arith.cmpi ne, %convert_element_type3A_333, %cond3A_334 : i32
        scf.if %cond3A_335 {
          %slice3A_488 = vector.extract_strided_slice %and3A_232 {offsets = [12], sizes = [1], strides = [1]} : vector<16xi32> to vector<1xi32>
          %squeeze3A_489 = vector.extract %slice3A_488[0] : i32 from vector<1xi32>
          %mul3A_490 = arith.constant 64 : i32
          %mul3A_491 = arith.muli %squeeze3A_489, %mul3A_490 : i32
          %multiple_of3A_492 = tpu.assume_multiple %mul3A_491, 8 : i32
          %slice3A_493 = vector.extract_strided_slice %sub3A_229 {offsets = [12], sizes = [1], strides = [1]} : vector<16xi32> to vector<1xi32>
          %squeeze3A_494 = vector.extract %slice3A_493[0] : i32 from vector<1xi32>
          %add3A_495 = arith.addi %while3A_211, %squeeze3A_494 : i32
          %dma_start3A_496 = arith.constant 0 : i32
          %dma_start3A_497 = tpu.memref_slice %arg10[%add3A_495, %dma_start3A_496] : memref<448x64xf32, #tpu.memory_space<vmem>> -> memref<1x64xf32, #tpu.memory_space<vmem>>
          %dma_start3A_498 = tpu.memref_squeeze %dma_start3A_497 : memref<1x64xf32, #tpu.memory_space<vmem>> -> memref<64xf32, #tpu.memory_space<vmem>>
          %dma_start3A_499 = tpu.memref_slice %arg4[%multiple_of3A_492] : memref<1048576xf32, #tpu.memory_space<hbm>> -> memref<64xf32, #tpu.memory_space<hbm>>
          %dma_start3A_500 = arith.constant 0 : i32
          %dma_start3A_501 = tpu.memref_slice %arg10[%add3A_495, %dma_start3A_500] : memref<448x64xf32, #tpu.memory_space<vmem>> -> memref<1x64xf32, #tpu.memory_space<vmem>>
          %dma_start3A_502 = tpu.memref_squeeze %dma_start3A_501 : memref<1x64xf32, #tpu.memory_space<vmem>> -> memref<64xf32, #tpu.memory_space<vmem>>
          %dma_start3A_503 = tpu.memref_slice %arg4[%multiple_of3A_492] : memref<1048576xf32, #tpu.memory_space<hbm>> -> memref<64xf32, #tpu.memory_space<hbm>>
          tpu.enqueue_dma source(%dma_start3A_503 : memref<64xf32, #tpu.memory_space<hbm>>) target(%dma_start3A_502 : memref<64xf32, #tpu.memory_space<vmem>>) target_semaphore(%arg13 : memref<!tpu.dma_semaphore, #tpu.memory_space<semaphore_mem>>)
        } else {
        }
        %mul3A_336 = arith.constant 16 : i32
        %mul3A_337 = arith.muli %while3A_221, %mul3A_336 : i32
        %add3A_338 = arith.constant 13 : i32
        %add3A_339 = arith.addi %mul3A_337, %add3A_338 : i32
        %lt3A_340 = arith.cmpi slt, %add3A_339, %add3A_180 : i32
        %convert_element_type3A_341 = arith.extui %lt3A_340 : i1 to i32
        %cond3A_342 = arith.constant 0 : i32
        %cond3A_343 = arith.cmpi ne, %convert_element_type3A_341, %cond3A_342 : i32
        scf.if %cond3A_343 {
          %slice3A_488 = vector.extract_strided_slice %and3A_232 {offsets = [13], sizes = [1], strides = [1]} : vector<16xi32> to vector<1xi32>
          %squeeze3A_489 = vector.extract %slice3A_488[0] : i32 from vector<1xi32>
          %mul3A_490 = arith.constant 64 : i32
          %mul3A_491 = arith.muli %squeeze3A_489, %mul3A_490 : i32
          %multiple_of3A_492 = tpu.assume_multiple %mul3A_491, 8 : i32
          %slice3A_493 = vector.extract_strided_slice %sub3A_229 {offsets = [13], sizes = [1], strides = [1]} : vector<16xi32> to vector<1xi32>
          %squeeze3A_494 = vector.extract %slice3A_493[0] : i32 from vector<1xi32>
          %add3A_495 = arith.addi %while3A_211, %squeeze3A_494 : i32
          %dma_start3A_496 = arith.constant 0 : i32
          %dma_start3A_497 = tpu.memref_slice %arg10[%add3A_495, %dma_start3A_496] : memref<448x64xf32, #tpu.memory_space<vmem>> -> memref<1x64xf32, #tpu.memory_space<vmem>>
          %dma_start3A_498 = tpu.memref_squeeze %dma_start3A_497 : memref<1x64xf32, #tpu.memory_space<vmem>> -> memref<64xf32, #tpu.memory_space<vmem>>
          %dma_start3A_499 = tpu.memref_slice %arg4[%multiple_of3A_492] : memref<1048576xf32, #tpu.memory_space<hbm>> -> memref<64xf32, #tpu.memory_space<hbm>>
          %dma_start3A_500 = arith.constant 0 : i32
          %dma_start3A_501 = tpu.memref_slice %arg10[%add3A_495, %dma_start3A_500] : memref<448x64xf32, #tpu.memory_space<vmem>> -> memref<1x64xf32, #tpu.memory_space<vmem>>
          %dma_start3A_502 = tpu.memref_squeeze %dma_start3A_501 : memref<1x64xf32, #tpu.memory_space<vmem>> -> memref<64xf32, #tpu.memory_space<vmem>>
          %dma_start3A_503 = tpu.memref_slice %arg4[%multiple_of3A_492] : memref<1048576xf32, #tpu.memory_space<hbm>> -> memref<64xf32, #tpu.memory_space<hbm>>
          tpu.enqueue_dma source(%dma_start3A_503 : memref<64xf32, #tpu.memory_space<hbm>>) target(%dma_start3A_502 : memref<64xf32, #tpu.memory_space<vmem>>) target_semaphore(%arg13 : memref<!tpu.dma_semaphore, #tpu.memory_space<semaphore_mem>>)
        } else {
        }
        %mul3A_344 = arith.constant 16 : i32
        %mul3A_345 = arith.muli %while3A_221, %mul3A_344 : i32
        %add3A_346 = arith.constant 14 : i32
        %add3A_347 = arith.addi %mul3A_345, %add3A_346 : i32
        %lt3A_348 = arith.cmpi slt, %add3A_347, %add3A_180 : i32
        %convert_element_type3A_349 = arith.extui %lt3A_348 : i1 to i32
        %cond3A_350 = arith.constant 0 : i32
        %cond3A_351 = arith.cmpi ne, %convert_element_type3A_349, %cond3A_350 : i32
        scf.if %cond3A_351 {
          %slice3A_488 = vector.extract_strided_slice %and3A_232 {offsets = [14], sizes = [1], strides = [1]} : vector<16xi32> to vector<1xi32>
          %squeeze3A_489 = vector.extract %slice3A_488[0] : i32 from vector<1xi32>
          %mul3A_490 = arith.constant 64 : i32
          %mul3A_491 = arith.muli %squeeze3A_489, %mul3A_490 : i32
          %multiple_of3A_492 = tpu.assume_multiple %mul3A_491, 8 : i32
          %slice3A_493 = vector.extract_strided_slice %sub3A_229 {offsets = [14], sizes = [1], strides = [1]} : vector<16xi32> to vector<1xi32>
          %squeeze3A_494 = vector.extract %slice3A_493[0] : i32 from vector<1xi32>
          %add3A_495 = arith.addi %while3A_211, %squeeze3A_494 : i32
          %dma_start3A_496 = arith.constant 0 : i32
          %dma_start3A_497 = tpu.memref_slice %arg10[%add3A_495, %dma_start3A_496] : memref<448x64xf32, #tpu.memory_space<vmem>> -> memref<1x64xf32, #tpu.memory_space<vmem>>
          %dma_start3A_498 = tpu.memref_squeeze %dma_start3A_497 : memref<1x64xf32, #tpu.memory_space<vmem>> -> memref<64xf32, #tpu.memory_space<vmem>>
          %dma_start3A_499 = tpu.memref_slice %arg4[%multiple_of3A_492] : memref<1048576xf32, #tpu.memory_space<hbm>> -> memref<64xf32, #tpu.memory_space<hbm>>
          %dma_start3A_500 = arith.constant 0 : i32
          %dma_start3A_501 = tpu.memref_slice %arg10[%add3A_495, %dma_start3A_500] : memref<448x64xf32, #tpu.memory_space<vmem>> -> memref<1x64xf32, #tpu.memory_space<vmem>>
          %dma_start3A_502 = tpu.memref_squeeze %dma_start3A_501 : memref<1x64xf32, #tpu.memory_space<vmem>> -> memref<64xf32, #tpu.memory_space<vmem>>
          %dma_start3A_503 = tpu.memref_slice %arg4[%multiple_of3A_492] : memref<1048576xf32, #tpu.memory_space<hbm>> -> memref<64xf32, #tpu.memory_space<hbm>>
          tpu.enqueue_dma source(%dma_start3A_503 : memref<64xf32, #tpu.memory_space<hbm>>) target(%dma_start3A_502 : memref<64xf32, #tpu.memory_space<vmem>>) target_semaphore(%arg13 : memref<!tpu.dma_semaphore, #tpu.memory_space<semaphore_mem>>)
        } else {
        }
        %mul3A_352 = arith.constant 16 : i32
        %mul3A_353 = arith.muli %while3A_221, %mul3A_352 : i32
        %add3A_354 = arith.constant 15 : i32
        %add3A_355 = arith.addi %mul3A_353, %add3A_354 : i32
        %lt3A_356 = arith.cmpi slt, %add3A_355, %add3A_180 : i32
        %convert_element_type3A_357 = arith.extui %lt3A_356 : i1 to i32
        %cond3A_358 = arith.constant 0 : i32
        %cond3A_359 = arith.cmpi ne, %convert_element_type3A_357, %cond3A_358 : i32
        scf.if %cond3A_359 {
          %slice3A_488 = vector.extract_strided_slice %and3A_232 {offsets = [15], sizes = [1], strides = [1]} : vector<16xi32> to vector<1xi32>
          %squeeze3A_489 = vector.extract %slice3A_488[0] : i32 from vector<1xi32>
          %mul3A_490 = arith.constant 64 : i32
          %mul3A_491 = arith.muli %squeeze3A_489, %mul3A_490 : i32
          %multiple_of3A_492 = tpu.assume_multiple %mul3A_491, 8 : i32
          %slice3A_493 = vector.extract_strided_slice %sub3A_229 {offsets = [15], sizes = [1], strides = [1]} : vector<16xi32> to vector<1xi32>
          %squeeze3A_494 = vector.extract %slice3A_493[0] : i32 from vector<1xi32>
          %add3A_495 = arith.addi %while3A_211, %squeeze3A_494 : i32
          %dma_start3A_496 = arith.constant 0 : i32
          %dma_start3A_497 = tpu.memref_slice %arg10[%add3A_495, %dma_start3A_496] : memref<448x64xf32, #tpu.memory_space<vmem>> -> memref<1x64xf32, #tpu.memory_space<vmem>>
          %dma_start3A_498 = tpu.memref_squeeze %dma_start3A_497 : memref<1x64xf32, #tpu.memory_space<vmem>> -> memref<64xf32, #tpu.memory_space<vmem>>
          %dma_start3A_499 = tpu.memref_slice %arg4[%multiple_of3A_492] : memref<1048576xf32, #tpu.memory_space<hbm>> -> memref<64xf32, #tpu.memory_space<hbm>>
          %dma_start3A_500 = arith.constant 0 : i32
          %dma_start3A_501 = tpu.memref_slice %arg10[%add3A_495, %dma_start3A_500] : memref<448x64xf32, #tpu.memory_space<vmem>> -> memref<1x64xf32, #tpu.memory_space<vmem>>
          %dma_start3A_502 = tpu.memref_squeeze %dma_start3A_501 : memref<1x64xf32, #tpu.memory_space<vmem>> -> memref<64xf32, #tpu.memory_space<vmem>>
          %dma_start3A_503 = tpu.memref_slice %arg4[%multiple_of3A_492] : memref<1048576xf32, #tpu.memory_space<hbm>> -> memref<64xf32, #tpu.memory_space<hbm>>
          tpu.enqueue_dma source(%dma_start3A_503 : memref<64xf32, #tpu.memory_space<hbm>>) target(%dma_start3A_502 : memref<64xf32, #tpu.memory_space<vmem>>) target_semaphore(%arg13 : memref<!tpu.dma_semaphore, #tpu.memory_space<semaphore_mem>>)
        } else {
        }
        %mul3A_360 = arith.constant 16 : i32
        %mul3A_361 = arith.muli %while3A_221, %mul3A_360 : i32
        %add3A_362 = arith.constant 0 : i32
        %add3A_363 = arith.addi %mul3A_361, %add3A_362 : i32
        %lt3A_364 = arith.cmpi slt, %add3A_363, %add3A_180 : i32
        %convert_element_type3A_365 = arith.extui %lt3A_364 : i1 to i32
        %cond3A_366 = arith.constant 0 : i32
        %cond3A_367 = arith.cmpi ne, %convert_element_type3A_365, %cond3A_366 : i32
        scf.if %cond3A_367 {
          %dma_wait3A_488 = arith.constant 0 : i32
          %dma_wait3A_489 = tpu.memref_slice %arg10[%while3A_211, %dma_wait3A_488] : memref<448x64xf32, #tpu.memory_space<vmem>> -> memref<1x64xf32, #tpu.memory_space<vmem>>
          %dma_wait3A_490 = tpu.memref_squeeze %dma_wait3A_489 : memref<1x64xf32, #tpu.memory_space<vmem>> -> memref<64xf32, #tpu.memory_space<vmem>>
          %dma_wait3A_491 = arith.constant 0 : i32
          %dma_wait3A_492 = tpu.memref_slice %arg4[%dma_wait3A_491] : memref<1048576xf32, #tpu.memory_space<hbm>> -> memref<64xf32, #tpu.memory_space<hbm>>
          %dma_wait3A_493 = arith.constant 0 : i32
          %dma_wait3A_494 = tpu.memref_slice %arg10[%while3A_211, %dma_wait3A_493] : memref<448x64xf32, #tpu.memory_space<vmem>> -> memref<1x64xf32, #tpu.memory_space<vmem>>
          %dma_wait3A_495 = tpu.memref_squeeze %dma_wait3A_494 : memref<1x64xf32, #tpu.memory_space<vmem>> -> memref<64xf32, #tpu.memory_space<vmem>>
          %dma_wait3A_496 = arith.constant 0 : i32
          %dma_wait3A_497 = tpu.memref_slice %arg4[%dma_wait3A_496] : memref<1048576xf32, #tpu.memory_space<hbm>> -> memref<64xf32, #tpu.memory_space<hbm>>
          tpu.wait_dma2 semaphore(%arg13 : memref<!tpu.dma_semaphore, #tpu.memory_space<semaphore_mem>>) src(%dma_wait3A_497 : memref<64xf32, #tpu.memory_space<hbm>>) dst(%dma_wait3A_495 : memref<64xf32, #tpu.memory_space<vmem>>)
        } else {
        }
        %mul3A_368 = arith.constant 16 : i32
        %mul3A_369 = arith.muli %while3A_221, %mul3A_368 : i32
        %add3A_370 = arith.constant 1 : i32
        %add3A_371 = arith.addi %mul3A_369, %add3A_370 : i32
        %lt3A_372 = arith.cmpi slt, %add3A_371, %add3A_180 : i32
        %convert_element_type3A_373 = arith.extui %lt3A_372 : i1 to i32
        %cond3A_374 = arith.constant 0 : i32
        %cond3A_375 = arith.cmpi ne, %convert_element_type3A_373, %cond3A_374 : i32
        scf.if %cond3A_375 {
          %dma_wait3A_488 = arith.constant 0 : i32
          %dma_wait3A_489 = tpu.memref_slice %arg10[%while3A_211, %dma_wait3A_488] : memref<448x64xf32, #tpu.memory_space<vmem>> -> memref<1x64xf32, #tpu.memory_space<vmem>>
          %dma_wait3A_490 = tpu.memref_squeeze %dma_wait3A_489 : memref<1x64xf32, #tpu.memory_space<vmem>> -> memref<64xf32, #tpu.memory_space<vmem>>
          %dma_wait3A_491 = arith.constant 0 : i32
          %dma_wait3A_492 = tpu.memref_slice %arg4[%dma_wait3A_491] : memref<1048576xf32, #tpu.memory_space<hbm>> -> memref<64xf32, #tpu.memory_space<hbm>>
          %dma_wait3A_493 = arith.constant 0 : i32
          %dma_wait3A_494 = tpu.memref_slice %arg10[%while3A_211, %dma_wait3A_493] : memref<448x64xf32, #tpu.memory_space<vmem>> -> memref<1x64xf32, #tpu.memory_space<vmem>>
          %dma_wait3A_495 = tpu.memref_squeeze %dma_wait3A_494 : memref<1x64xf32, #tpu.memory_space<vmem>> -> memref<64xf32, #tpu.memory_space<vmem>>
          %dma_wait3A_496 = arith.constant 0 : i32
          %dma_wait3A_497 = tpu.memref_slice %arg4[%dma_wait3A_496] : memref<1048576xf32, #tpu.memory_space<hbm>> -> memref<64xf32, #tpu.memory_space<hbm>>
          tpu.wait_dma2 semaphore(%arg13 : memref<!tpu.dma_semaphore, #tpu.memory_space<semaphore_mem>>) src(%dma_wait3A_497 : memref<64xf32, #tpu.memory_space<hbm>>) dst(%dma_wait3A_495 : memref<64xf32, #tpu.memory_space<vmem>>)
        } else {
        }
        %mul3A_376 = arith.constant 16 : i32
        %mul3A_377 = arith.muli %while3A_221, %mul3A_376 : i32
        %add3A_378 = arith.constant 2 : i32
        %add3A_379 = arith.addi %mul3A_377, %add3A_378 : i32
        %lt3A_380 = arith.cmpi slt, %add3A_379, %add3A_180 : i32
        %convert_element_type3A_381 = arith.extui %lt3A_380 : i1 to i32
        %cond3A_382 = arith.constant 0 : i32
        %cond3A_383 = arith.cmpi ne, %convert_element_type3A_381, %cond3A_382 : i32
        scf.if %cond3A_383 {
          %dma_wait3A_488 = arith.constant 0 : i32
          %dma_wait3A_489 = tpu.memref_slice %arg10[%while3A_211, %dma_wait3A_488] : memref<448x64xf32, #tpu.memory_space<vmem>> -> memref<1x64xf32, #tpu.memory_space<vmem>>
          %dma_wait3A_490 = tpu.memref_squeeze %dma_wait3A_489 : memref<1x64xf32, #tpu.memory_space<vmem>> -> memref<64xf32, #tpu.memory_space<vmem>>
          %dma_wait3A_491 = arith.constant 0 : i32
          %dma_wait3A_492 = tpu.memref_slice %arg4[%dma_wait3A_491] : memref<1048576xf32, #tpu.memory_space<hbm>> -> memref<64xf32, #tpu.memory_space<hbm>>
          %dma_wait3A_493 = arith.constant 0 : i32
          %dma_wait3A_494 = tpu.memref_slice %arg10[%while3A_211, %dma_wait3A_493] : memref<448x64xf32, #tpu.memory_space<vmem>> -> memref<1x64xf32, #tpu.memory_space<vmem>>
          %dma_wait3A_495 = tpu.memref_squeeze %dma_wait3A_494 : memref<1x64xf32, #tpu.memory_space<vmem>> -> memref<64xf32, #tpu.memory_space<vmem>>
          %dma_wait3A_496 = arith.constant 0 : i32
          %dma_wait3A_497 = tpu.memref_slice %arg4[%dma_wait3A_496] : memref<1048576xf32, #tpu.memory_space<hbm>> -> memref<64xf32, #tpu.memory_space<hbm>>
          tpu.wait_dma2 semaphore(%arg13 : memref<!tpu.dma_semaphore, #tpu.memory_space<semaphore_mem>>) src(%dma_wait3A_497 : memref<64xf32, #tpu.memory_space<hbm>>) dst(%dma_wait3A_495 : memref<64xf32, #tpu.memory_space<vmem>>)
        } else {
        }
        %mul3A_384 = arith.constant 16 : i32
        %mul3A_385 = arith.muli %while3A_221, %mul3A_384 : i32
        %add3A_386 = arith.constant 3 : i32
        %add3A_387 = arith.addi %mul3A_385, %add3A_386 : i32
        %lt3A_388 = arith.cmpi slt, %add3A_387, %add3A_180 : i32
        %convert_element_type3A_389 = arith.extui %lt3A_388 : i1 to i32
        %cond3A_390 = arith.constant 0 : i32
        %cond3A_391 = arith.cmpi ne, %convert_element_type3A_389, %cond3A_390 : i32
        scf.if %cond3A_391 {
          %dma_wait3A_488 = arith.constant 0 : i32
          %dma_wait3A_489 = tpu.memref_slice %arg10[%while3A_211, %dma_wait3A_488] : memref<448x64xf32, #tpu.memory_space<vmem>> -> memref<1x64xf32, #tpu.memory_space<vmem>>
          %dma_wait3A_490 = tpu.memref_squeeze %dma_wait3A_489 : memref<1x64xf32, #tpu.memory_space<vmem>> -> memref<64xf32, #tpu.memory_space<vmem>>
          %dma_wait3A_491 = arith.constant 0 : i32
          %dma_wait3A_492 = tpu.memref_slice %arg4[%dma_wait3A_491] : memref<1048576xf32, #tpu.memory_space<hbm>> -> memref<64xf32, #tpu.memory_space<hbm>>
          %dma_wait3A_493 = arith.constant 0 : i32
          %dma_wait3A_494 = tpu.memref_slice %arg10[%while3A_211, %dma_wait3A_493] : memref<448x64xf32, #tpu.memory_space<vmem>> -> memref<1x64xf32, #tpu.memory_space<vmem>>
          %dma_wait3A_495 = tpu.memref_squeeze %dma_wait3A_494 : memref<1x64xf32, #tpu.memory_space<vmem>> -> memref<64xf32, #tpu.memory_space<vmem>>
          %dma_wait3A_496 = arith.constant 0 : i32
          %dma_wait3A_497 = tpu.memref_slice %arg4[%dma_wait3A_496] : memref<1048576xf32, #tpu.memory_space<hbm>> -> memref<64xf32, #tpu.memory_space<hbm>>
          tpu.wait_dma2 semaphore(%arg13 : memref<!tpu.dma_semaphore, #tpu.memory_space<semaphore_mem>>) src(%dma_wait3A_497 : memref<64xf32, #tpu.memory_space<hbm>>) dst(%dma_wait3A_495 : memref<64xf32, #tpu.memory_space<vmem>>)
        } else {
        }
        %mul3A_392 = arith.constant 16 : i32
        %mul3A_393 = arith.muli %while3A_221, %mul3A_392 : i32
        %add3A_394 = arith.constant 4 : i32
        %add3A_395 = arith.addi %mul3A_393, %add3A_394 : i32
        %lt3A_396 = arith.cmpi slt, %add3A_395, %add3A_180 : i32
        %convert_element_type3A_397 = arith.extui %lt3A_396 : i1 to i32
        %cond3A_398 = arith.constant 0 : i32
        %cond3A_399 = arith.cmpi ne, %convert_element_type3A_397, %cond3A_398 : i32
        scf.if %cond3A_399 {
          %dma_wait3A_488 = arith.constant 0 : i32
          %dma_wait3A_489 = tpu.memref_slice %arg10[%while3A_211, %dma_wait3A_488] : memref<448x64xf32, #tpu.memory_space<vmem>> -> memref<1x64xf32, #tpu.memory_space<vmem>>
          %dma_wait3A_490 = tpu.memref_squeeze %dma_wait3A_489 : memref<1x64xf32, #tpu.memory_space<vmem>> -> memref<64xf32, #tpu.memory_space<vmem>>
          %dma_wait3A_491 = arith.constant 0 : i32
          %dma_wait3A_492 = tpu.memref_slice %arg4[%dma_wait3A_491] : memref<1048576xf32, #tpu.memory_space<hbm>> -> memref<64xf32, #tpu.memory_space<hbm>>
          %dma_wait3A_493 = arith.constant 0 : i32
          %dma_wait3A_494 = tpu.memref_slice %arg10[%while3A_211, %dma_wait3A_493] : memref<448x64xf32, #tpu.memory_space<vmem>> -> memref<1x64xf32, #tpu.memory_space<vmem>>
          %dma_wait3A_495 = tpu.memref_squeeze %dma_wait3A_494 : memref<1x64xf32, #tpu.memory_space<vmem>> -> memref<64xf32, #tpu.memory_space<vmem>>
          %dma_wait3A_496 = arith.constant 0 : i32
          %dma_wait3A_497 = tpu.memref_slice %arg4[%dma_wait3A_496] : memref<1048576xf32, #tpu.memory_space<hbm>> -> memref<64xf32, #tpu.memory_space<hbm>>
          tpu.wait_dma2 semaphore(%arg13 : memref<!tpu.dma_semaphore, #tpu.memory_space<semaphore_mem>>) src(%dma_wait3A_497 : memref<64xf32, #tpu.memory_space<hbm>>) dst(%dma_wait3A_495 : memref<64xf32, #tpu.memory_space<vmem>>)
        } else {
        }
        %mul3A_400 = arith.constant 16 : i32
        %mul3A_401 = arith.muli %while3A_221, %mul3A_400 : i32
        %add3A_402 = arith.constant 5 : i32
        %add3A_403 = arith.addi %mul3A_401, %add3A_402 : i32
        %lt3A_404 = arith.cmpi slt, %add3A_403, %add3A_180 : i32
        %convert_element_type3A_405 = arith.extui %lt3A_404 : i1 to i32
        %cond3A_406 = arith.constant 0 : i32
        %cond3A_407 = arith.cmpi ne, %convert_element_type3A_405, %cond3A_406 : i32
        scf.if %cond3A_407 {
          %dma_wait3A_488 = arith.constant 0 : i32
          %dma_wait3A_489 = tpu.memref_slice %arg10[%while3A_211, %dma_wait3A_488] : memref<448x64xf32, #tpu.memory_space<vmem>> -> memref<1x64xf32, #tpu.memory_space<vmem>>
          %dma_wait3A_490 = tpu.memref_squeeze %dma_wait3A_489 : memref<1x64xf32, #tpu.memory_space<vmem>> -> memref<64xf32, #tpu.memory_space<vmem>>
          %dma_wait3A_491 = arith.constant 0 : i32
          %dma_wait3A_492 = tpu.memref_slice %arg4[%dma_wait3A_491] : memref<1048576xf32, #tpu.memory_space<hbm>> -> memref<64xf32, #tpu.memory_space<hbm>>
          %dma_wait3A_493 = arith.constant 0 : i32
          %dma_wait3A_494 = tpu.memref_slice %arg10[%while3A_211, %dma_wait3A_493] : memref<448x64xf32, #tpu.memory_space<vmem>> -> memref<1x64xf32, #tpu.memory_space<vmem>>
          %dma_wait3A_495 = tpu.memref_squeeze %dma_wait3A_494 : memref<1x64xf32, #tpu.memory_space<vmem>> -> memref<64xf32, #tpu.memory_space<vmem>>
          %dma_wait3A_496 = arith.constant 0 : i32
          %dma_wait3A_497 = tpu.memref_slice %arg4[%dma_wait3A_496] : memref<1048576xf32, #tpu.memory_space<hbm>> -> memref<64xf32, #tpu.memory_space<hbm>>
          tpu.wait_dma2 semaphore(%arg13 : memref<!tpu.dma_semaphore, #tpu.memory_space<semaphore_mem>>) src(%dma_wait3A_497 : memref<64xf32, #tpu.memory_space<hbm>>) dst(%dma_wait3A_495 : memref<64xf32, #tpu.memory_space<vmem>>)
        } else {
        }
        %mul3A_408 = arith.constant 16 : i32
        %mul3A_409 = arith.muli %while3A_221, %mul3A_408 : i32
        %add3A_410 = arith.constant 6 : i32
        %add3A_411 = arith.addi %mul3A_409, %add3A_410 : i32
        %lt3A_412 = arith.cmpi slt, %add3A_411, %add3A_180 : i32
        %convert_element_type3A_413 = arith.extui %lt3A_412 : i1 to i32
        %cond3A_414 = arith.constant 0 : i32
        %cond3A_415 = arith.cmpi ne, %convert_element_type3A_413, %cond3A_414 : i32
        scf.if %cond3A_415 {
          %dma_wait3A_488 = arith.constant 0 : i32
          %dma_wait3A_489 = tpu.memref_slice %arg10[%while3A_211, %dma_wait3A_488] : memref<448x64xf32, #tpu.memory_space<vmem>> -> memref<1x64xf32, #tpu.memory_space<vmem>>
          %dma_wait3A_490 = tpu.memref_squeeze %dma_wait3A_489 : memref<1x64xf32, #tpu.memory_space<vmem>> -> memref<64xf32, #tpu.memory_space<vmem>>
          %dma_wait3A_491 = arith.constant 0 : i32
          %dma_wait3A_492 = tpu.memref_slice %arg4[%dma_wait3A_491] : memref<1048576xf32, #tpu.memory_space<hbm>> -> memref<64xf32, #tpu.memory_space<hbm>>
          %dma_wait3A_493 = arith.constant 0 : i32
          %dma_wait3A_494 = tpu.memref_slice %arg10[%while3A_211, %dma_wait3A_493] : memref<448x64xf32, #tpu.memory_space<vmem>> -> memref<1x64xf32, #tpu.memory_space<vmem>>
          %dma_wait3A_495 = tpu.memref_squeeze %dma_wait3A_494 : memref<1x64xf32, #tpu.memory_space<vmem>> -> memref<64xf32, #tpu.memory_space<vmem>>
          %dma_wait3A_496 = arith.constant 0 : i32
          %dma_wait3A_497 = tpu.memref_slice %arg4[%dma_wait3A_496] : memref<1048576xf32, #tpu.memory_space<hbm>> -> memref<64xf32, #tpu.memory_space<hbm>>
          tpu.wait_dma2 semaphore(%arg13 : memref<!tpu.dma_semaphore, #tpu.memory_space<semaphore_mem>>) src(%dma_wait3A_497 : memref<64xf32, #tpu.memory_space<hbm>>) dst(%dma_wait3A_495 : memref<64xf32, #tpu.memory_space<vmem>>)
        } else {
        }
        %mul3A_416 = arith.constant 16 : i32
        %mul3A_417 = arith.muli %while3A_221, %mul3A_416 : i32
        %add3A_418 = arith.constant 7 : i32
        %add3A_419 = arith.addi %mul3A_417, %add3A_418 : i32
        %lt3A_420 = arith.cmpi slt, %add3A_419, %add3A_180 : i32
        %convert_element_type3A_421 = arith.extui %lt3A_420 : i1 to i32
        %cond3A_422 = arith.constant 0 : i32
        %cond3A_423 = arith.cmpi ne, %convert_element_type3A_421, %cond3A_422 : i32
        scf.if %cond3A_423 {
          %dma_wait3A_488 = arith.constant 0 : i32
          %dma_wait3A_489 = tpu.memref_slice %arg10[%while3A_211, %dma_wait3A_488] : memref<448x64xf32, #tpu.memory_space<vmem>> -> memref<1x64xf32, #tpu.memory_space<vmem>>
          %dma_wait3A_490 = tpu.memref_squeeze %dma_wait3A_489 : memref<1x64xf32, #tpu.memory_space<vmem>> -> memref<64xf32, #tpu.memory_space<vmem>>
          %dma_wait3A_491 = arith.constant 0 : i32
          %dma_wait3A_492 = tpu.memref_slice %arg4[%dma_wait3A_491] : memref<1048576xf32, #tpu.memory_space<hbm>> -> memref<64xf32, #tpu.memory_space<hbm>>
          %dma_wait3A_493 = arith.constant 0 : i32
          %dma_wait3A_494 = tpu.memref_slice %arg10[%while3A_211, %dma_wait3A_493] : memref<448x64xf32, #tpu.memory_space<vmem>> -> memref<1x64xf32, #tpu.memory_space<vmem>>
          %dma_wait3A_495 = tpu.memref_squeeze %dma_wait3A_494 : memref<1x64xf32, #tpu.memory_space<vmem>> -> memref<64xf32, #tpu.memory_space<vmem>>
          %dma_wait3A_496 = arith.constant 0 : i32
          %dma_wait3A_497 = tpu.memref_slice %arg4[%dma_wait3A_496] : memref<1048576xf32, #tpu.memory_space<hbm>> -> memref<64xf32, #tpu.memory_space<hbm>>
          tpu.wait_dma2 semaphore(%arg13 : memref<!tpu.dma_semaphore, #tpu.memory_space<semaphore_mem>>) src(%dma_wait3A_497 : memref<64xf32, #tpu.memory_space<hbm>>) dst(%dma_wait3A_495 : memref<64xf32, #tpu.memory_space<vmem>>)
        } else {
        }
        %mul3A_424 = arith.constant 16 : i32
        %mul3A_425 = arith.muli %while3A_221, %mul3A_424 : i32
        %add3A_426 = arith.constant 8 : i32
        %add3A_427 = arith.addi %mul3A_425, %add3A_426 : i32
        %lt3A_428 = arith.cmpi slt, %add3A_427, %add3A_180 : i32
        %convert_element_type3A_429 = arith.extui %lt3A_428 : i1 to i32
        %cond3A_430 = arith.constant 0 : i32
        %cond3A_431 = arith.cmpi ne, %convert_element_type3A_429, %cond3A_430 : i32
        scf.if %cond3A_431 {
          %dma_wait3A_488 = arith.constant 0 : i32
          %dma_wait3A_489 = tpu.memref_slice %arg10[%while3A_211, %dma_wait3A_488] : memref<448x64xf32, #tpu.memory_space<vmem>> -> memref<1x64xf32, #tpu.memory_space<vmem>>
          %dma_wait3A_490 = tpu.memref_squeeze %dma_wait3A_489 : memref<1x64xf32, #tpu.memory_space<vmem>> -> memref<64xf32, #tpu.memory_space<vmem>>
          %dma_wait3A_491 = arith.constant 0 : i32
          %dma_wait3A_492 = tpu.memref_slice %arg4[%dma_wait3A_491] : memref<1048576xf32, #tpu.memory_space<hbm>> -> memref<64xf32, #tpu.memory_space<hbm>>
          %dma_wait3A_493 = arith.constant 0 : i32
          %dma_wait3A_494 = tpu.memref_slice %arg10[%while3A_211, %dma_wait3A_493] : memref<448x64xf32, #tpu.memory_space<vmem>> -> memref<1x64xf32, #tpu.memory_space<vmem>>
          %dma_wait3A_495 = tpu.memref_squeeze %dma_wait3A_494 : memref<1x64xf32, #tpu.memory_space<vmem>> -> memref<64xf32, #tpu.memory_space<vmem>>
          %dma_wait3A_496 = arith.constant 0 : i32
          %dma_wait3A_497 = tpu.memref_slice %arg4[%dma_wait3A_496] : memref<1048576xf32, #tpu.memory_space<hbm>> -> memref<64xf32, #tpu.memory_space<hbm>>
          tpu.wait_dma2 semaphore(%arg13 : memref<!tpu.dma_semaphore, #tpu.memory_space<semaphore_mem>>) src(%dma_wait3A_497 : memref<64xf32, #tpu.memory_space<hbm>>) dst(%dma_wait3A_495 : memref<64xf32, #tpu.memory_space<vmem>>)
        } else {
        }
        %mul3A_432 = arith.constant 16 : i32
        %mul3A_433 = arith.muli %while3A_221, %mul3A_432 : i32
        %add3A_434 = arith.constant 9 : i32
        %add3A_435 = arith.addi %mul3A_433, %add3A_434 : i32
        %lt3A_436 = arith.cmpi slt, %add3A_435, %add3A_180 : i32
        %convert_element_type3A_437 = arith.extui %lt3A_436 : i1 to i32
        %cond3A_438 = arith.constant 0 : i32
        %cond3A_439 = arith.cmpi ne, %convert_element_type3A_437, %cond3A_438 : i32
        scf.if %cond3A_439 {
          %dma_wait3A_488 = arith.constant 0 : i32
          %dma_wait3A_489 = tpu.memref_slice %arg10[%while3A_211, %dma_wait3A_488] : memref<448x64xf32, #tpu.memory_space<vmem>> -> memref<1x64xf32, #tpu.memory_space<vmem>>
          %dma_wait3A_490 = tpu.memref_squeeze %dma_wait3A_489 : memref<1x64xf32, #tpu.memory_space<vmem>> -> memref<64xf32, #tpu.memory_space<vmem>>
          %dma_wait3A_491 = arith.constant 0 : i32
          %dma_wait3A_492 = tpu.memref_slice %arg4[%dma_wait3A_491] : memref<1048576xf32, #tpu.memory_space<hbm>> -> memref<64xf32, #tpu.memory_space<hbm>>
          %dma_wait3A_493 = arith.constant 0 : i32
          %dma_wait3A_494 = tpu.memref_slice %arg10[%while3A_211, %dma_wait3A_493] : memref<448x64xf32, #tpu.memory_space<vmem>> -> memref<1x64xf32, #tpu.memory_space<vmem>>
          %dma_wait3A_495 = tpu.memref_squeeze %dma_wait3A_494 : memref<1x64xf32, #tpu.memory_space<vmem>> -> memref<64xf32, #tpu.memory_space<vmem>>
          %dma_wait3A_496 = arith.constant 0 : i32
          %dma_wait3A_497 = tpu.memref_slice %arg4[%dma_wait3A_496] : memref<1048576xf32, #tpu.memory_space<hbm>> -> memref<64xf32, #tpu.memory_space<hbm>>
          tpu.wait_dma2 semaphore(%arg13 : memref<!tpu.dma_semaphore, #tpu.memory_space<semaphore_mem>>) src(%dma_wait3A_497 : memref<64xf32, #tpu.memory_space<hbm>>) dst(%dma_wait3A_495 : memref<64xf32, #tpu.memory_space<vmem>>)
        } else {
        }
        %mul3A_440 = arith.constant 16 : i32
        %mul3A_441 = arith.muli %while3A_221, %mul3A_440 : i32
        %add3A_442 = arith.constant 10 : i32
        %add3A_443 = arith.addi %mul3A_441, %add3A_442 : i32
        %lt3A_444 = arith.cmpi slt, %add3A_443, %add3A_180 : i32
        %convert_element_type3A_445 = arith.extui %lt3A_444 : i1 to i32
        %cond3A_446 = arith.constant 0 : i32
        %cond3A_447 = arith.cmpi ne, %convert_element_type3A_445, %cond3A_446 : i32
        scf.if %cond3A_447 {
          %dma_wait3A_488 = arith.constant 0 : i32
          %dma_wait3A_489 = tpu.memref_slice %arg10[%while3A_211, %dma_wait3A_488] : memref<448x64xf32, #tpu.memory_space<vmem>> -> memref<1x64xf32, #tpu.memory_space<vmem>>
          %dma_wait3A_490 = tpu.memref_squeeze %dma_wait3A_489 : memref<1x64xf32, #tpu.memory_space<vmem>> -> memref<64xf32, #tpu.memory_space<vmem>>
          %dma_wait3A_491 = arith.constant 0 : i32
          %dma_wait3A_492 = tpu.memref_slice %arg4[%dma_wait3A_491] : memref<1048576xf32, #tpu.memory_space<hbm>> -> memref<64xf32, #tpu.memory_space<hbm>>
          %dma_wait3A_493 = arith.constant 0 : i32
          %dma_wait3A_494 = tpu.memref_slice %arg10[%while3A_211, %dma_wait3A_493] : memref<448x64xf32, #tpu.memory_space<vmem>> -> memref<1x64xf32, #tpu.memory_space<vmem>>
          %dma_wait3A_495 = tpu.memref_squeeze %dma_wait3A_494 : memref<1x64xf32, #tpu.memory_space<vmem>> -> memref<64xf32, #tpu.memory_space<vmem>>
          %dma_wait3A_496 = arith.constant 0 : i32
          %dma_wait3A_497 = tpu.memref_slice %arg4[%dma_wait3A_496] : memref<1048576xf32, #tpu.memory_space<hbm>> -> memref<64xf32, #tpu.memory_space<hbm>>
          tpu.wait_dma2 semaphore(%arg13 : memref<!tpu.dma_semaphore, #tpu.memory_space<semaphore_mem>>) src(%dma_wait3A_497 : memref<64xf32, #tpu.memory_space<hbm>>) dst(%dma_wait3A_495 : memref<64xf32, #tpu.memory_space<vmem>>)
        } else {
        }
        %mul3A_448 = arith.constant 16 : i32
        %mul3A_449 = arith.muli %while3A_221, %mul3A_448 : i32
        %add3A_450 = arith.constant 11 : i32
        %add3A_451 = arith.addi %mul3A_449, %add3A_450 : i32
        %lt3A_452 = arith.cmpi slt, %add3A_451, %add3A_180 : i32
        %convert_element_type3A_453 = arith.extui %lt3A_452 : i1 to i32
        %cond3A_454 = arith.constant 0 : i32
        %cond3A_455 = arith.cmpi ne, %convert_element_type3A_453, %cond3A_454 : i32
        scf.if %cond3A_455 {
          %dma_wait3A_488 = arith.constant 0 : i32
          %dma_wait3A_489 = tpu.memref_slice %arg10[%while3A_211, %dma_wait3A_488] : memref<448x64xf32, #tpu.memory_space<vmem>> -> memref<1x64xf32, #tpu.memory_space<vmem>>
          %dma_wait3A_490 = tpu.memref_squeeze %dma_wait3A_489 : memref<1x64xf32, #tpu.memory_space<vmem>> -> memref<64xf32, #tpu.memory_space<vmem>>
          %dma_wait3A_491 = arith.constant 0 : i32
          %dma_wait3A_492 = tpu.memref_slice %arg4[%dma_wait3A_491] : memref<1048576xf32, #tpu.memory_space<hbm>> -> memref<64xf32, #tpu.memory_space<hbm>>
          %dma_wait3A_493 = arith.constant 0 : i32
          %dma_wait3A_494 = tpu.memref_slice %arg10[%while3A_211, %dma_wait3A_493] : memref<448x64xf32, #tpu.memory_space<vmem>> -> memref<1x64xf32, #tpu.memory_space<vmem>>
          %dma_wait3A_495 = tpu.memref_squeeze %dma_wait3A_494 : memref<1x64xf32, #tpu.memory_space<vmem>> -> memref<64xf32, #tpu.memory_space<vmem>>
          %dma_wait3A_496 = arith.constant 0 : i32
          %dma_wait3A_497 = tpu.memref_slice %arg4[%dma_wait3A_496] : memref<1048576xf32, #tpu.memory_space<hbm>> -> memref<64xf32, #tpu.memory_space<hbm>>
          tpu.wait_dma2 semaphore(%arg13 : memref<!tpu.dma_semaphore, #tpu.memory_space<semaphore_mem>>) src(%dma_wait3A_497 : memref<64xf32, #tpu.memory_space<hbm>>) dst(%dma_wait3A_495 : memref<64xf32, #tpu.memory_space<vmem>>)
        } else {
        }
        %mul3A_456 = arith.constant 16 : i32
        %mul3A_457 = arith.muli %while3A_221, %mul3A_456 : i32
        %add3A_458 = arith.constant 12 : i32
        %add3A_459 = arith.addi %mul3A_457, %add3A_458 : i32
        %lt3A_460 = arith.cmpi slt, %add3A_459, %add3A_180 : i32
        %convert_element_type3A_461 = arith.extui %lt3A_460 : i1 to i32
        %cond3A_462 = arith.constant 0 : i32
        %cond3A_463 = arith.cmpi ne, %convert_element_type3A_461, %cond3A_462 : i32
        scf.if %cond3A_463 {
          %dma_wait3A_488 = arith.constant 0 : i32
          %dma_wait3A_489 = tpu.memref_slice %arg10[%while3A_211, %dma_wait3A_488] : memref<448x64xf32, #tpu.memory_space<vmem>> -> memref<1x64xf32, #tpu.memory_space<vmem>>
          %dma_wait3A_490 = tpu.memref_squeeze %dma_wait3A_489 : memref<1x64xf32, #tpu.memory_space<vmem>> -> memref<64xf32, #tpu.memory_space<vmem>>
          %dma_wait3A_491 = arith.constant 0 : i32
          %dma_wait3A_492 = tpu.memref_slice %arg4[%dma_wait3A_491] : memref<1048576xf32, #tpu.memory_space<hbm>> -> memref<64xf32, #tpu.memory_space<hbm>>
          %dma_wait3A_493 = arith.constant 0 : i32
          %dma_wait3A_494 = tpu.memref_slice %arg10[%while3A_211, %dma_wait3A_493] : memref<448x64xf32, #tpu.memory_space<vmem>> -> memref<1x64xf32, #tpu.memory_space<vmem>>
          %dma_wait3A_495 = tpu.memref_squeeze %dma_wait3A_494 : memref<1x64xf32, #tpu.memory_space<vmem>> -> memref<64xf32, #tpu.memory_space<vmem>>
          %dma_wait3A_496 = arith.constant 0 : i32
          %dma_wait3A_497 = tpu.memref_slice %arg4[%dma_wait3A_496] : memref<1048576xf32, #tpu.memory_space<hbm>> -> memref<64xf32, #tpu.memory_space<hbm>>
          tpu.wait_dma2 semaphore(%arg13 : memref<!tpu.dma_semaphore, #tpu.memory_space<semaphore_mem>>) src(%dma_wait3A_497 : memref<64xf32, #tpu.memory_space<hbm>>) dst(%dma_wait3A_495 : memref<64xf32, #tpu.memory_space<vmem>>)
        } else {
        }
        %mul3A_464 = arith.constant 16 : i32
        %mul3A_465 = arith.muli %while3A_221, %mul3A_464 : i32
        %add3A_466 = arith.constant 13 : i32
        %add3A_467 = arith.addi %mul3A_465, %add3A_466 : i32
        %lt3A_468 = arith.cmpi slt, %add3A_467, %add3A_180 : i32
        %convert_element_type3A_469 = arith.extui %lt3A_468 : i1 to i32
        %cond3A_470 = arith.constant 0 : i32
        %cond3A_471 = arith.cmpi ne, %convert_element_type3A_469, %cond3A_470 : i32
        scf.if %cond3A_471 {
          %dma_wait3A_488 = arith.constant 0 : i32
          %dma_wait3A_489 = tpu.memref_slice %arg10[%while3A_211, %dma_wait3A_488] : memref<448x64xf32, #tpu.memory_space<vmem>> -> memref<1x64xf32, #tpu.memory_space<vmem>>
          %dma_wait3A_490 = tpu.memref_squeeze %dma_wait3A_489 : memref<1x64xf32, #tpu.memory_space<vmem>> -> memref<64xf32, #tpu.memory_space<vmem>>
          %dma_wait3A_491 = arith.constant 0 : i32
          %dma_wait3A_492 = tpu.memref_slice %arg4[%dma_wait3A_491] : memref<1048576xf32, #tpu.memory_space<hbm>> -> memref<64xf32, #tpu.memory_space<hbm>>
          %dma_wait3A_493 = arith.constant 0 : i32
          %dma_wait3A_494 = tpu.memref_slice %arg10[%while3A_211, %dma_wait3A_493] : memref<448x64xf32, #tpu.memory_space<vmem>> -> memref<1x64xf32, #tpu.memory_space<vmem>>
          %dma_wait3A_495 = tpu.memref_squeeze %dma_wait3A_494 : memref<1x64xf32, #tpu.memory_space<vmem>> -> memref<64xf32, #tpu.memory_space<vmem>>
          %dma_wait3A_496 = arith.constant 0 : i32
          %dma_wait3A_497 = tpu.memref_slice %arg4[%dma_wait3A_496] : memref<1048576xf32, #tpu.memory_space<hbm>> -> memref<64xf32, #tpu.memory_space<hbm>>
          tpu.wait_dma2 semaphore(%arg13 : memref<!tpu.dma_semaphore, #tpu.memory_space<semaphore_mem>>) src(%dma_wait3A_497 : memref<64xf32, #tpu.memory_space<hbm>>) dst(%dma_wait3A_495 : memref<64xf32, #tpu.memory_space<vmem>>)
        } else {
        }
        %mul3A_472 = arith.constant 16 : i32
        %mul3A_473 = arith.muli %while3A_221, %mul3A_472 : i32
        %add3A_474 = arith.constant 14 : i32
        %add3A_475 = arith.addi %mul3A_473, %add3A_474 : i32
        %lt3A_476 = arith.cmpi slt, %add3A_475, %add3A_180 : i32
        %convert_element_type3A_477 = arith.extui %lt3A_476 : i1 to i32
        %cond3A_478 = arith.constant 0 : i32
        %cond3A_479 = arith.cmpi ne, %convert_element_type3A_477, %cond3A_478 : i32
        scf.if %cond3A_479 {
          %dma_wait3A_488 = arith.constant 0 : i32
          %dma_wait3A_489 = tpu.memref_slice %arg10[%while3A_211, %dma_wait3A_488] : memref<448x64xf32, #tpu.memory_space<vmem>> -> memref<1x64xf32, #tpu.memory_space<vmem>>
          %dma_wait3A_490 = tpu.memref_squeeze %dma_wait3A_489 : memref<1x64xf32, #tpu.memory_space<vmem>> -> memref<64xf32, #tpu.memory_space<vmem>>
          %dma_wait3A_491 = arith.constant 0 : i32
          %dma_wait3A_492 = tpu.memref_slice %arg4[%dma_wait3A_491] : memref<1048576xf32, #tpu.memory_space<hbm>> -> memref<64xf32, #tpu.memory_space<hbm>>
          %dma_wait3A_493 = arith.constant 0 : i32
          %dma_wait3A_494 = tpu.memref_slice %arg10[%while3A_211, %dma_wait3A_493] : memref<448x64xf32, #tpu.memory_space<vmem>> -> memref<1x64xf32, #tpu.memory_space<vmem>>
          %dma_wait3A_495 = tpu.memref_squeeze %dma_wait3A_494 : memref<1x64xf32, #tpu.memory_space<vmem>> -> memref<64xf32, #tpu.memory_space<vmem>>
          %dma_wait3A_496 = arith.constant 0 : i32
          %dma_wait3A_497 = tpu.memref_slice %arg4[%dma_wait3A_496] : memref<1048576xf32, #tpu.memory_space<hbm>> -> memref<64xf32, #tpu.memory_space<hbm>>
          tpu.wait_dma2 semaphore(%arg13 : memref<!tpu.dma_semaphore, #tpu.memory_space<semaphore_mem>>) src(%dma_wait3A_497 : memref<64xf32, #tpu.memory_space<hbm>>) dst(%dma_wait3A_495 : memref<64xf32, #tpu.memory_space<vmem>>)
        } else {
        }
        %mul3A_480 = arith.constant 16 : i32
        %mul3A_481 = arith.muli %while3A_221, %mul3A_480 : i32
        %add3A_482 = arith.constant 15 : i32
        %add3A_483 = arith.addi %mul3A_481, %add3A_482 : i32
        %lt3A_484 = arith.cmpi slt, %add3A_483, %add3A_180 : i32
        %convert_element_type3A_485 = arith.extui %lt3A_484 : i1 to i32
        %cond3A_486 = arith.constant 0 : i32
        %cond3A_487 = arith.cmpi ne, %convert_element_type3A_485, %cond3A_486 : i32
        scf.if %cond3A_487 {
          %dma_wait3A_488 = arith.constant 0 : i32
          %dma_wait3A_489 = tpu.memref_slice %arg10[%while3A_211, %dma_wait3A_488] : memref<448x64xf32, #tpu.memory_space<vmem>> -> memref<1x64xf32, #tpu.memory_space<vmem>>
          %dma_wait3A_490 = tpu.memref_squeeze %dma_wait3A_489 : memref<1x64xf32, #tpu.memory_space<vmem>> -> memref<64xf32, #tpu.memory_space<vmem>>
          %dma_wait3A_491 = arith.constant 0 : i32
          %dma_wait3A_492 = tpu.memref_slice %arg4[%dma_wait3A_491] : memref<1048576xf32, #tpu.memory_space<hbm>> -> memref<64xf32, #tpu.memory_space<hbm>>
          %dma_wait3A_493 = arith.constant 0 : i32
          %dma_wait3A_494 = tpu.memref_slice %arg10[%while3A_211, %dma_wait3A_493] : memref<448x64xf32, #tpu.memory_space<vmem>> -> memref<1x64xf32, #tpu.memory_space<vmem>>
          %dma_wait3A_495 = tpu.memref_squeeze %dma_wait3A_494 : memref<1x64xf32, #tpu.memory_space<vmem>> -> memref<64xf32, #tpu.memory_space<vmem>>
          %dma_wait3A_496 = arith.constant 0 : i32
          %dma_wait3A_497 = tpu.memref_slice %arg4[%dma_wait3A_496] : memref<1048576xf32, #tpu.memory_space<hbm>> -> memref<64xf32, #tpu.memory_space<hbm>>
          tpu.wait_dma2 semaphore(%arg13 : memref<!tpu.dma_semaphore, #tpu.memory_space<semaphore_mem>>) src(%dma_wait3A_497 : memref<64xf32, #tpu.memory_space<hbm>>) dst(%dma_wait3A_495 : memref<64xf32, #tpu.memory_space<vmem>>)
        } else {
        }
      }
      %while3A_220 = arith.constant 1 : i32
      scf.for %while3A_221 = %while3A_218 to %while3A_214 step %while3A_220  : i32 {
        %mul3A_222 = arith.constant 16 : i32
        %mul3A_223 = arith.muli %while3A_221, %mul3A_222 : i32
        %get3A_224 = arith.index_cast %mul3A_223 : i32 to index
        %get3A_225 = tpu.vector_load %arg9[%get3A_224] {strides = array<i32>} : memref<128xi32, #tpu.memory_space<vmem>>, vector<16xi32>,
        %shift_right_logical3A = arith.constant 14 : i32
        %shift_right_logical3A_226 = vector.broadcast %shift_right_logical3A : i32 to vector<16xi32>
        %shift_right_logical3A_227 = arith.shrui %get3A_225, %shift_right_logical3A_226 : vector<16xi32>
        %sub3A_228 = vector.broadcast %while3A_210 : i32 to vector<16xi32>
        %sub3A_229 = arith.subi %shift_right_logical3A_227, %sub3A_228 : vector<16xi32>
        %and3A_230 = arith.constant 16383 : i32
        %and3A_231 = vector.broadcast %and3A_230 : i32 to vector<16xi32>
        %and3A_232 = arith.andi %get3A_225, %and3A_231 : vector<16xi32>
        %mul3A_233 = arith.constant 16 : i32
        %mul3A_234 = arith.muli %while3A_221, %mul3A_233 : i32
        %add3A_235 = arith.constant 0 : i32
        %add3A_236 = arith.addi %mul3A_234, %add3A_235 : i32
        %lt3A = arith.cmpi slt, %add3A_236, %add3A_180 : i32
        %convert_element_type3A_237 = arith.extui %lt3A : i1 to i32
        %cond3A_238 = arith.constant 0 : i32
        %cond3A_239 = arith.cmpi ne, %convert_element_type3A_237, %cond3A_238 : i32
        scf.if %cond3A_239 {
          %slice3A_488 = vector.extract_strided_slice %and3A_232 {offsets = [0], sizes = [1], strides = [1]} : vector<16xi32> to vector<1xi32>
          %squeeze3A_489 = vector.extract %slice3A_488[0] : i32 from vector<1xi32>
          %mul3A_490 = arith.constant 64 : i32
          %mul3A_491 = arith.muli %squeeze3A_489, %mul3A_490 : i32
          %multiple_of3A_492 = tpu.assume_multiple %mul3A_491, 8 : i32
          %slice3A_493 = vector.extract_strided_slice %sub3A_229 {offsets = [0], sizes = [1], strides = [1]} : vector<16xi32> to vector<1xi32>
          %squeeze3A_494 = vector.extract %slice3A_493[0] : i32 from vector<1xi32>
          %add3A_495 = arith.addi %while3A_211, %squeeze3A_494 : i32
          %dma_start3A_496 = arith.constant 0 : i32
          %dma_start3A_497 = tpu.memref_slice %arg10[%add3A_495, %dma_start3A_496] : memref<448x64xf32, #tpu.memory_space<vmem>> -> memref<1x64xf32, #tpu.memory_space<vmem>>
          %dma_start3A_498 = tpu.memref_squeeze %dma_start3A_497 : memref<1x64xf32, #tpu.memory_space<vmem>> -> memref<64xf32, #tpu.memory_space<vmem>>
          %dma_start3A_499 = tpu.memref_slice %arg4[%multiple_of3A_492] : memref<1048576xf32, #tpu.memory_space<hbm>> -> memref<64xf32, #tpu.memory_space<hbm>>
          %dma_start3A_500 = arith.constant 0 : i32
          %dma_start3A_501 = tpu.memref_slice %arg10[%add3A_495, %dma_start3A_500] : memref<448x64xf32, #tpu.memory_space<vmem>> -> memref<1x64xf32, #tpu.memory_space<vmem>>
          %dma_start3A_502 = tpu.memref_squeeze %dma_start3A_501 : memref<1x64xf32, #tpu.memory_space<vmem>> -> memref<64xf32, #tpu.memory_space<vmem>>
          %dma_start3A_503 = tpu.memref_slice %arg4[%multiple_of3A_492] : memref<1048576xf32, #tpu.memory_space<hbm>> -> memref<64xf32, #tpu.memory_space<hbm>>
          tpu.enqueue_dma source(%dma_start3A_503 : memref<64xf32, #tpu.memory_space<hbm>>) target(%dma_start3A_502 : memref<64xf32, #tpu.memory_space<vmem>>) target_semaphore(%arg13 : memref<!tpu.dma_semaphore, #tpu.memory_space<semaphore_mem>>)
        } else {
        }
        %mul3A_240 = arith.constant 16 : i32
        %mul3A_241 = arith.muli %while3A_221, %mul3A_240 : i32
        %add3A_242 = arith.constant 1 : i32
        %add3A_243 = arith.addi %mul3A_241, %add3A_242 : i32
        %lt3A_244 = arith.cmpi slt, %add3A_243, %add3A_180 : i32
        %convert_element_type3A_245 = arith.extui %lt3A_244 : i1 to i32
        %cond3A_246 = arith.constant 0 : i32
        %cond3A_247 = arith.cmpi ne, %convert_element_type3A_245, %cond3A_246 : i32
        scf.if %cond3A_247 {
          %slice3A_488 = vector.extract_strided_slice %and3A_232 {offsets = [1], sizes = [1], strides = [1]} : vector<16xi32> to vector<1xi32>
          %squeeze3A_489 = vector.extract %slice3A_488[0] : i32 from vector<1xi32>
          %mul3A_490 = arith.constant 64 : i32
          %mul3A_491 = arith.muli %squeeze3A_489, %mul3A_490 : i32
          %multiple_of3A_492 = tpu.assume_multiple %mul3A_491, 8 : i32
          %slice3A_493 = vector.extract_strided_slice %sub3A_229 {offsets = [1], sizes = [1], strides = [1]} : vector<16xi32> to vector<1xi32>
          %squeeze3A_494 = vector.extract %slice3A_493[0] : i32 from vector<1xi32>
          %add3A_495 = arith.addi %while3A_211, %squeeze3A_494 : i32
          %dma_start3A_496 = arith.constant 0 : i32
          %dma_start3A_497 = tpu.memref_slice %arg10[%add3A_495, %dma_start3A_496] : memref<448x64xf32, #tpu.memory_space<vmem>> -> memref<1x64xf32, #tpu.memory_space<vmem>>
          %dma_start3A_498 = tpu.memref_squeeze %dma_start3A_497 : memref<1x64xf32, #tpu.memory_space<vmem>> -> memref<64xf32, #tpu.memory_space<vmem>>
          %dma_start3A_499 = tpu.memref_slice %arg4[%multiple_of3A_492] : memref<1048576xf32, #tpu.memory_space<hbm>> -> memref<64xf32, #tpu.memory_space<hbm>>
          %dma_start3A_500 = arith.constant 0 : i32
          %dma_start3A_501 = tpu.memref_slice %arg10[%add3A_495, %dma_start3A_500] : memref<448x64xf32, #tpu.memory_space<vmem>> -> memref<1x64xf32, #tpu.memory_space<vmem>>
          %dma_start3A_502 = tpu.memref_squeeze %dma_start3A_501 : memref<1x64xf32, #tpu.memory_space<vmem>> -> memref<64xf32, #tpu.memory_space<vmem>>
          %dma_start3A_503 = tpu.memref_slice %arg4[%multiple_of3A_492] : memref<1048576xf32, #tpu.memory_space<hbm>> -> memref<64xf32, #tpu.memory_space<hbm>>
          tpu.enqueue_dma source(%dma_start3A_503 : memref<64xf32, #tpu.memory_space<hbm>>) target(%dma_start3A_502 : memref<64xf32, #tpu.memory_space<vmem>>) target_semaphore(%arg13 : memref<!tpu.dma_semaphore, #tpu.memory_space<semaphore_mem>>)
        } else {
        }
        %mul3A_248 = arith.constant 16 : i32
        %mul3A_249 = arith.muli %while3A_221, %mul3A_248 : i32
        %add3A_250 = arith.constant 2 : i32
        %add3A_251 = arith.addi %mul3A_249, %add3A_250 : i32
        %lt3A_252 = arith.cmpi slt, %add3A_251, %add3A_180 : i32
        %convert_element_type3A_253 = arith.extui %lt3A_252 : i1 to i32
        %cond3A_254 = arith.constant 0 : i32
        %cond3A_255 = arith.cmpi ne, %convert_element_type3A_253, %cond3A_254 : i32
        scf.if %cond3A_255 {
          %slice3A_488 = vector.extract_strided_slice %and3A_232 {offsets = [2], sizes = [1], strides = [1]} : vector<16xi32> to vector<1xi32>
          %squeeze3A_489 = vector.extract %slice3A_488[0] : i32 from vector<1xi32>
          %mul3A_490 = arith.constant 64 : i32
          %mul3A_491 = arith.muli %squeeze3A_489, %mul3A_490 : i32
          %multiple_of3A_492 = tpu.assume_multiple %mul3A_491, 8 : i32
          %slice3A_493 = vector.extract_strided_slice %sub3A_229 {offsets = [2], sizes = [1], strides = [1]} : vector<16xi32> to vector<1xi32>
          %squeeze3A_494 = vector.extract %slice3A_493[0] : i32 from vector<1xi32>
          %add3A_495 = arith.addi %while3A_211, %squeeze3A_494 : i32
          %dma_start3A_496 = arith.constant 0 : i32
          %dma_start3A_497 = tpu.memref_slice %arg10[%add3A_495, %dma_start3A_496] : memref<448x64xf32, #tpu.memory_space<vmem>> -> memref<1x64xf32, #tpu.memory_space<vmem>>
          %dma_start3A_498 = tpu.memref_squeeze %dma_start3A_497 : memref<1x64xf32, #tpu.memory_space<vmem>> -> memref<64xf32, #tpu.memory_space<vmem>>
          %dma_start3A_499 = tpu.memref_slice %arg4[%multiple_of3A_492] : memref<1048576xf32, #tpu.memory_space<hbm>> -> memref<64xf32, #tpu.memory_space<hbm>>
          %dma_start3A_500 = arith.constant 0 : i32
          %dma_start3A_501 = tpu.memref_slice %arg10[%add3A_495, %dma_start3A_500] : memref<448x64xf32, #tpu.memory_space<vmem>> -> memref<1x64xf32, #tpu.memory_space<vmem>>
          %dma_start3A_502 = tpu.memref_squeeze %dma_start3A_501 : memref<1x64xf32, #tpu.memory_space<vmem>> -> memref<64xf32, #tpu.memory_space<vmem>>
          %dma_start3A_503 = tpu.memref_slice %arg4[%multiple_of3A_492] : memref<1048576xf32, #tpu.memory_space<hbm>> -> memref<64xf32, #tpu.memory_space<hbm>>
          tpu.enqueue_dma source(%dma_start3A_503 : memref<64xf32, #tpu.memory_space<hbm>>) target(%dma_start3A_502 : memref<64xf32, #tpu.memory_space<vmem>>) target_semaphore(%arg13 : memref<!tpu.dma_semaphore, #tpu.memory_space<semaphore_mem>>)
        } else {
        }
        %mul3A_256 = arith.constant 16 : i32
        %mul3A_257 = arith.muli %while3A_221, %mul3A_256 : i32
        %add3A_258 = arith.constant 3 : i32
        %add3A_259 = arith.addi %mul3A_257, %add3A_258 : i32
        %lt3A_260 = arith.cmpi slt, %add3A_259, %add3A_180 : i32
        %convert_element_type3A_261 = arith.extui %lt3A_260 : i1 to i32
        %cond3A_262 = arith.constant 0 : i32
        %cond3A_263 = arith.cmpi ne, %convert_element_type3A_261, %cond3A_262 : i32
        scf.if %cond3A_263 {
          %slice3A_488 = vector.extract_strided_slice %and3A_232 {offsets = [3], sizes = [1], strides = [1]} : vector<16xi32> to vector<1xi32>
          %squeeze3A_489 = vector.extract %slice3A_488[0] : i32 from vector<1xi32>
          %mul3A_490 = arith.constant 64 : i32
          %mul3A_491 = arith.muli %squeeze3A_489, %mul3A_490 : i32
          %multiple_of3A_492 = tpu.assume_multiple %mul3A_491, 8 : i32
          %slice3A_493 = vector.extract_strided_slice %sub3A_229 {offsets = [3], sizes = [1], strides = [1]} : vector<16xi32> to vector<1xi32>
          %squeeze3A_494 = vector.extract %slice3A_493[0] : i32 from vector<1xi32>
          %add3A_495 = arith.addi %while3A_211, %squeeze3A_494 : i32
          %dma_start3A_496 = arith.constant 0 : i32
          %dma_start3A_497 = tpu.memref_slice %arg10[%add3A_495, %dma_start3A_496] : memref<448x64xf32, #tpu.memory_space<vmem>> -> memref<1x64xf32, #tpu.memory_space<vmem>>
          %dma_start3A_498 = tpu.memref_squeeze %dma_start3A_497 : memref<1x64xf32, #tpu.memory_space<vmem>> -> memref<64xf32, #tpu.memory_space<vmem>>
          %dma_start3A_499 = tpu.memref_slice %arg4[%multiple_of3A_492] : memref<1048576xf32, #tpu.memory_space<hbm>> -> memref<64xf32, #tpu.memory_space<hbm>>
          %dma_start3A_500 = arith.constant 0 : i32
          %dma_start3A_501 = tpu.memref_slice %arg10[%add3A_495, %dma_start3A_500] : memref<448x64xf32, #tpu.memory_space<vmem>> -> memref<1x64xf32, #tpu.memory_space<vmem>>
          %dma_start3A_502 = tpu.memref_squeeze %dma_start3A_501 : memref<1x64xf32, #tpu.memory_space<vmem>> -> memref<64xf32, #tpu.memory_space<vmem>>
          %dma_start3A_503 = tpu.memref_slice %arg4[%multiple_of3A_492] : memref<1048576xf32, #tpu.memory_space<hbm>> -> memref<64xf32, #tpu.memory_space<hbm>>
          tpu.enqueue_dma source(%dma_start3A_503 : memref<64xf32, #tpu.memory_space<hbm>>) target(%dma_start3A_502 : memref<64xf32, #tpu.memory_space<vmem>>) target_semaphore(%arg13 : memref<!tpu.dma_semaphore, #tpu.memory_space<semaphore_mem>>)
        } else {
        }
        %mul3A_264 = arith.constant 16 : i32
        %mul3A_265 = arith.muli %while3A_221, %mul3A_264 : i32
        %add3A_266 = arith.constant 4 : i32
        %add3A_267 = arith.addi %mul3A_265, %add3A_266 : i32
        %lt3A_268 = arith.cmpi slt, %add3A_267, %add3A_180 : i32
        %convert_element_type3A_269 = arith.extui %lt3A_268 : i1 to i32
        %cond3A_270 = arith.constant 0 : i32
        %cond3A_271 = arith.cmpi ne, %convert_element_type3A_269, %cond3A_270 : i32
        scf.if %cond3A_271 {
          %slice3A_488 = vector.extract_strided_slice %and3A_232 {offsets = [4], sizes = [1], strides = [1]} : vector<16xi32> to vector<1xi32>
          %squeeze3A_489 = vector.extract %slice3A_488[0] : i32 from vector<1xi32>
          %mul3A_490 = arith.constant 64 : i32
          %mul3A_491 = arith.muli %squeeze3A_489, %mul3A_490 : i32
          %multiple_of3A_492 = tpu.assume_multiple %mul3A_491, 8 : i32
          %slice3A_493 = vector.extract_strided_slice %sub3A_229 {offsets = [4], sizes = [1], strides = [1]} : vector<16xi32> to vector<1xi32>
          %squeeze3A_494 = vector.extract %slice3A_493[0] : i32 from vector<1xi32>
          %add3A_495 = arith.addi %while3A_211, %squeeze3A_494 : i32
          %dma_start3A_496 = arith.constant 0 : i32
          %dma_start3A_497 = tpu.memref_slice %arg10[%add3A_495, %dma_start3A_496] : memref<448x64xf32, #tpu.memory_space<vmem>> -> memref<1x64xf32, #tpu.memory_space<vmem>>
          %dma_start3A_498 = tpu.memref_squeeze %dma_start3A_497 : memref<1x64xf32, #tpu.memory_space<vmem>> -> memref<64xf32, #tpu.memory_space<vmem>>
          %dma_start3A_499 = tpu.memref_slice %arg4[%multiple_of3A_492] : memref<1048576xf32, #tpu.memory_space<hbm>> -> memref<64xf32, #tpu.memory_space<hbm>>
          %dma_start3A_500 = arith.constant 0 : i32
          %dma_start3A_501 = tpu.memref_slice %arg10[%add3A_495, %dma_start3A_500] : memref<448x64xf32, #tpu.memory_space<vmem>> -> memref<1x64xf32, #tpu.memory_space<vmem>>
          %dma_start3A_502 = tpu.memref_squeeze %dma_start3A_501 : memref<1x64xf32, #tpu.memory_space<vmem>> -> memref<64xf32, #tpu.memory_space<vmem>>
          %dma_start3A_503 = tpu.memref_slice %arg4[%multiple_of3A_492] : memref<1048576xf32, #tpu.memory_space<hbm>> -> memref<64xf32, #tpu.memory_space<hbm>>
          tpu.enqueue_dma source(%dma_start3A_503 : memref<64xf32, #tpu.memory_space<hbm>>) target(%dma_start3A_502 : memref<64xf32, #tpu.memory_space<vmem>>) target_semaphore(%arg13 : memref<!tpu.dma_semaphore, #tpu.memory_space<semaphore_mem>>)
        } else {
        }
        %mul3A_272 = arith.constant 16 : i32
        %mul3A_273 = arith.muli %while3A_221, %mul3A_272 : i32
        %add3A_274 = arith.constant 5 : i32
        %add3A_275 = arith.addi %mul3A_273, %add3A_274 : i32
        %lt3A_276 = arith.cmpi slt, %add3A_275, %add3A_180 : i32
        %convert_element_type3A_277 = arith.extui %lt3A_276 : i1 to i32
        %cond3A_278 = arith.constant 0 : i32
        %cond3A_279 = arith.cmpi ne, %convert_element_type3A_277, %cond3A_278 : i32
        scf.if %cond3A_279 {
          %slice3A_488 = vector.extract_strided_slice %and3A_232 {offsets = [5], sizes = [1], strides = [1]} : vector<16xi32> to vector<1xi32>
          %squeeze3A_489 = vector.extract %slice3A_488[0] : i32 from vector<1xi32>
          %mul3A_490 = arith.constant 64 : i32
          %mul3A_491 = arith.muli %squeeze3A_489, %mul3A_490 : i32
          %multiple_of3A_492 = tpu.assume_multiple %mul3A_491, 8 : i32
          %slice3A_493 = vector.extract_strided_slice %sub3A_229 {offsets = [5], sizes = [1], strides = [1]} : vector<16xi32> to vector<1xi32>
          %squeeze3A_494 = vector.extract %slice3A_493[0] : i32 from vector<1xi32>
          %add3A_495 = arith.addi %while3A_211, %squeeze3A_494 : i32
          %dma_start3A_496 = arith.constant 0 : i32
          %dma_start3A_497 = tpu.memref_slice %arg10[%add3A_495, %dma_start3A_496] : memref<448x64xf32, #tpu.memory_space<vmem>> -> memref<1x64xf32, #tpu.memory_space<vmem>>
          %dma_start3A_498 = tpu.memref_squeeze %dma_start3A_497 : memref<1x64xf32, #tpu.memory_space<vmem>> -> memref<64xf32, #tpu.memory_space<vmem>>
          %dma_start3A_499 = tpu.memref_slice %arg4[%multiple_of3A_492] : memref<1048576xf32, #tpu.memory_space<hbm>> -> memref<64xf32, #tpu.memory_space<hbm>>
          %dma_start3A_500 = arith.constant 0 : i32
          %dma_start3A_501 = tpu.memref_slice %arg10[%add3A_495, %dma_start3A_500] : memref<448x64xf32, #tpu.memory_space<vmem>> -> memref<1x64xf32, #tpu.memory_space<vmem>>
          %dma_start3A_502 = tpu.memref_squeeze %dma_start3A_501 : memref<1x64xf32, #tpu.memory_space<vmem>> -> memref<64xf32, #tpu.memory_space<vmem>>
          %dma_start3A_503 = tpu.memref_slice %arg4[%multiple_of3A_492] : memref<1048576xf32, #tpu.memory_space<hbm>> -> memref<64xf32, #tpu.memory_space<hbm>>
          tpu.enqueue_dma source(%dma_start3A_503 : memref<64xf32, #tpu.memory_space<hbm>>) target(%dma_start3A_502 : memref<64xf32, #tpu.memory_space<vmem>>) target_semaphore(%arg13 : memref<!tpu.dma_semaphore, #tpu.memory_space<semaphore_mem>>)
        } else {
        }
        %mul3A_280 = arith.constant 16 : i32
        %mul3A_281 = arith.muli %while3A_221, %mul3A_280 : i32
        %add3A_282 = arith.constant 6 : i32
        %add3A_283 = arith.addi %mul3A_281, %add3A_282 : i32
        %lt3A_284 = arith.cmpi slt, %add3A_283, %add3A_180 : i32
        %convert_element_type3A_285 = arith.extui %lt3A_284 : i1 to i32
        %cond3A_286 = arith.constant 0 : i32
        %cond3A_287 = arith.cmpi ne, %convert_element_type3A_285, %cond3A_286 : i32
        scf.if %cond3A_287 {
          %slice3A_488 = vector.extract_strided_slice %and3A_232 {offsets = [6], sizes = [1], strides = [1]} : vector<16xi32> to vector<1xi32>
          %squeeze3A_489 = vector.extract %slice3A_488[0] : i32 from vector<1xi32>
          %mul3A_490 = arith.constant 64 : i32
          %mul3A_491 = arith.muli %squeeze3A_489, %mul3A_490 : i32
          %multiple_of3A_492 = tpu.assume_multiple %mul3A_491, 8 : i32
          %slice3A_493 = vector.extract_strided_slice %sub3A_229 {offsets = [6], sizes = [1], strides = [1]} : vector<16xi32> to vector<1xi32>
          %squeeze3A_494 = vector.extract %slice3A_493[0] : i32 from vector<1xi32>
          %add3A_495 = arith.addi %while3A_211, %squeeze3A_494 : i32
          %dma_start3A_496 = arith.constant 0 : i32
          %dma_start3A_497 = tpu.memref_slice %arg10[%add3A_495, %dma_start3A_496] : memref<448x64xf32, #tpu.memory_space<vmem>> -> memref<1x64xf32, #tpu.memory_space<vmem>>
          %dma_start3A_498 = tpu.memref_squeeze %dma_start3A_497 : memref<1x64xf32, #tpu.memory_space<vmem>> -> memref<64xf32, #tpu.memory_space<vmem>>
          %dma_start3A_499 = tpu.memref_slice %arg4[%multiple_of3A_492] : memref<1048576xf32, #tpu.memory_space<hbm>> -> memref<64xf32, #tpu.memory_space<hbm>>
          %dma_start3A_500 = arith.constant 0 : i32
          %dma_start3A_501 = tpu.memref_slice %arg10[%add3A_495, %dma_start3A_500] : memref<448x64xf32, #tpu.memory_space<vmem>> -> memref<1x64xf32, #tpu.memory_space<vmem>>
          %dma_start3A_502 = tpu.memref_squeeze %dma_start3A_501 : memref<1x64xf32, #tpu.memory_space<vmem>> -> memref<64xf32, #tpu.memory_space<vmem>>
          %dma_start3A_503 = tpu.memref_slice %arg4[%multiple_of3A_492] : memref<1048576xf32, #tpu.memory_space<hbm>> -> memref<64xf32, #tpu.memory_space<hbm>>
          tpu.enqueue_dma source(%dma_start3A_503 : memref<64xf32, #tpu.memory_space<hbm>>) target(%dma_start3A_502 : memref<64xf32, #tpu.memory_space<vmem>>) target_semaphore(%arg13 : memref<!tpu.dma_semaphore, #tpu.memory_space<semaphore_mem>>)
        } else {
        }
        %mul3A_288 = arith.constant 16 : i32
        %mul3A_289 = arith.muli %while3A_221, %mul3A_288 : i32
        %add3A_290 = arith.constant 7 : i32
        %add3A_291 = arith.addi %mul3A_289, %add3A_290 : i32
        %lt3A_292 = arith.cmpi slt, %add3A_291, %add3A_180 : i32
        %convert_element_type3A_293 = arith.extui %lt3A_292 : i1 to i32
        %cond3A_294 = arith.constant 0 : i32
        %cond3A_295 = arith.cmpi ne, %convert_element_type3A_293, %cond3A_294 : i32
        scf.if %cond3A_295 {
          %slice3A_488 = vector.extract_strided_slice %and3A_232 {offsets = [7], sizes = [1], strides = [1]} : vector<16xi32> to vector<1xi32>
          %squeeze3A_489 = vector.extract %slice3A_488[0] : i32 from vector<1xi32>
          %mul3A_490 = arith.constant 64 : i32
          %mul3A_491 = arith.muli %squeeze3A_489, %mul3A_490 : i32
          %multiple_of3A_492 = tpu.assume_multiple %mul3A_491, 8 : i32
          %slice3A_493 = vector.extract_strided_slice %sub3A_229 {offsets = [7], sizes = [1], strides = [1]} : vector<16xi32> to vector<1xi32>
          %squeeze3A_494 = vector.extract %slice3A_493[0] : i32 from vector<1xi32>
          %add3A_495 = arith.addi %while3A_211, %squeeze3A_494 : i32
          %dma_start3A_496 = arith.constant 0 : i32
          %dma_start3A_497 = tpu.memref_slice %arg10[%add3A_495, %dma_start3A_496] : memref<448x64xf32, #tpu.memory_space<vmem>> -> memref<1x64xf32, #tpu.memory_space<vmem>>
          %dma_start3A_498 = tpu.memref_squeeze %dma_start3A_497 : memref<1x64xf32, #tpu.memory_space<vmem>> -> memref<64xf32, #tpu.memory_space<vmem>>
          %dma_start3A_499 = tpu.memref_slice %arg4[%multiple_of3A_492] : memref<1048576xf32, #tpu.memory_space<hbm>> -> memref<64xf32, #tpu.memory_space<hbm>>
          %dma_start3A_500 = arith.constant 0 : i32
          %dma_start3A_501 = tpu.memref_slice %arg10[%add3A_495, %dma_start3A_500] : memref<448x64xf32, #tpu.memory_space<vmem>> -> memref<1x64xf32, #tpu.memory_space<vmem>>
          %dma_start3A_502 = tpu.memref_squeeze %dma_start3A_501 : memref<1x64xf32, #tpu.memory_space<vmem>> -> memref<64xf32, #tpu.memory_space<vmem>>
          %dma_start3A_503 = tpu.memref_slice %arg4[%multiple_of3A_492] : memref<1048576xf32, #tpu.memory_space<hbm>> -> memref<64xf32, #tpu.memory_space<hbm>>
          tpu.enqueue_dma source(%dma_start3A_503 : memref<64xf32, #tpu.memory_space<hbm>>) target(%dma_start3A_502 : memref<64xf32, #tpu.memory_space<vmem>>) target_semaphore(%arg13 : memref<!tpu.dma_semaphore, #tpu.memory_space<semaphore_mem>>)
        } else {
        }
        %mul3A_296 = arith.constant 16 : i32
        %mul3A_297 = arith.muli %while3A_221, %mul3A_296 : i32
        %add3A_298 = arith.constant 8 : i32
        %add3A_299 = arith.addi %mul3A_297, %add3A_298 : i32
        %lt3A_300 = arith.cmpi slt, %add3A_299, %add3A_180 : i32
        %convert_element_type3A_301 = arith.extui %lt3A_300 : i1 to i32
        %cond3A_302 = arith.constant 0 : i32
        %cond3A_303 = arith.cmpi ne, %convert_element_type3A_301, %cond3A_302 : i32
        scf.if %cond3A_303 {
          %slice3A_488 = vector.extract_strided_slice %and3A_232 {offsets = [8], sizes = [1], strides = [1]} : vector<16xi32> to vector<1xi32>
          %squeeze3A_489 = vector.extract %slice3A_488[0] : i32 from vector<1xi32>
          %mul3A_490 = arith.constant 64 : i32
          %mul3A_491 = arith.muli %squeeze3A_489, %mul3A_490 : i32
          %multiple_of3A_492 = tpu.assume_multiple %mul3A_491, 8 : i32
          %slice3A_493 = vector.extract_strided_slice %sub3A_229 {offsets = [8], sizes = [1], strides = [1]} : vector<16xi32> to vector<1xi32>
          %squeeze3A_494 = vector.extract %slice3A_493[0] : i32 from vector<1xi32>
          %add3A_495 = arith.addi %while3A_211, %squeeze3A_494 : i32
          %dma_start3A_496 = arith.constant 0 : i32
          %dma_start3A_497 = tpu.memref_slice %arg10[%add3A_495, %dma_start3A_496] : memref<448x64xf32, #tpu.memory_space<vmem>> -> memref<1x64xf32, #tpu.memory_space<vmem>>
          %dma_start3A_498 = tpu.memref_squeeze %dma_start3A_497 : memref<1x64xf32, #tpu.memory_space<vmem>> -> memref<64xf32, #tpu.memory_space<vmem>>
          %dma_start3A_499 = tpu.memref_slice %arg4[%multiple_of3A_492] : memref<1048576xf32, #tpu.memory_space<hbm>> -> memref<64xf32, #tpu.memory_space<hbm>>
          %dma_start3A_500 = arith.constant 0 : i32
          %dma_start3A_501 = tpu.memref_slice %arg10[%add3A_495, %dma_start3A_500] : memref<448x64xf32, #tpu.memory_space<vmem>> -> memref<1x64xf32, #tpu.memory_space<vmem>>
          %dma_start3A_502 = tpu.memref_squeeze %dma_start3A_501 : memref<1x64xf32, #tpu.memory_space<vmem>> -> memref<64xf32, #tpu.memory_space<vmem>>
          %dma_start3A_503 = tpu.memref_slice %arg4[%multiple_of3A_492] : memref<1048576xf32, #tpu.memory_space<hbm>> -> memref<64xf32, #tpu.memory_space<hbm>>
          tpu.enqueue_dma source(%dma_start3A_503 : memref<64xf32, #tpu.memory_space<hbm>>) target(%dma_start3A_502 : memref<64xf32, #tpu.memory_space<vmem>>) target_semaphore(%arg13 : memref<!tpu.dma_semaphore, #tpu.memory_space<semaphore_mem>>)
        } else {
        }
        %mul3A_304 = arith.constant 16 : i32
        %mul3A_305 = arith.muli %while3A_221, %mul3A_304 : i32
        %add3A_306 = arith.constant 9 : i32
        %add3A_307 = arith.addi %mul3A_305, %add3A_306 : i32
        %lt3A_308 = arith.cmpi slt, %add3A_307, %add3A_180 : i32
        %convert_element_type3A_309 = arith.extui %lt3A_308 : i1 to i32
        %cond3A_310 = arith.constant 0 : i32
        %cond3A_311 = arith.cmpi ne, %convert_element_type3A_309, %cond3A_310 : i32
        scf.if %cond3A_311 {
          %slice3A_488 = vector.extract_strided_slice %and3A_232 {offsets = [9], sizes = [1], strides = [1]} : vector<16xi32> to vector<1xi32>
          %squeeze3A_489 = vector.extract %slice3A_488[0] : i32 from vector<1xi32>
          %mul3A_490 = arith.constant 64 : i32
          %mul3A_491 = arith.muli %squeeze3A_489, %mul3A_490 : i32
          %multiple_of3A_492 = tpu.assume_multiple %mul3A_491, 8 : i32
          %slice3A_493 = vector.extract_strided_slice %sub3A_229 {offsets = [9], sizes = [1], strides = [1]} : vector<16xi32> to vector<1xi32>
          %squeeze3A_494 = vector.extract %slice3A_493[0] : i32 from vector<1xi32>
          %add3A_495 = arith.addi %while3A_211, %squeeze3A_494 : i32
          %dma_start3A_496 = arith.constant 0 : i32
          %dma_start3A_497 = tpu.memref_slice %arg10[%add3A_495, %dma_start3A_496] : memref<448x64xf32, #tpu.memory_space<vmem>> -> memref<1x64xf32, #tpu.memory_space<vmem>>
          %dma_start3A_498 = tpu.memref_squeeze %dma_start3A_497 : memref<1x64xf32, #tpu.memory_space<vmem>> -> memref<64xf32, #tpu.memory_space<vmem>>
          %dma_start3A_499 = tpu.memref_slice %arg4[%multiple_of3A_492] : memref<1048576xf32, #tpu.memory_space<hbm>> -> memref<64xf32, #tpu.memory_space<hbm>>
          %dma_start3A_500 = arith.constant 0 : i32
          %dma_start3A_501 = tpu.memref_slice %arg10[%add3A_495, %dma_start3A_500] : memref<448x64xf32, #tpu.memory_space<vmem>> -> memref<1x64xf32, #tpu.memory_space<vmem>>
          %dma_start3A_502 = tpu.memref_squeeze %dma_start3A_501 : memref<1x64xf32, #tpu.memory_space<vmem>> -> memref<64xf32, #tpu.memory_space<vmem>>
          %dma_start3A_503 = tpu.memref_slice %arg4[%multiple_of3A_492] : memref<1048576xf32, #tpu.memory_space<hbm>> -> memref<64xf32, #tpu.memory_space<hbm>>
          tpu.enqueue_dma source(%dma_start3A_503 : memref<64xf32, #tpu.memory_space<hbm>>) target(%dma_start3A_502 : memref<64xf32, #tpu.memory_space<vmem>>) target_semaphore(%arg13 : memref<!tpu.dma_semaphore, #tpu.memory_space<semaphore_mem>>)
        } else {
        }
        %mul3A_312 = arith.constant 16 : i32
        %mul3A_313 = arith.muli %while3A_221, %mul3A_312 : i32
        %add3A_314 = arith.constant 10 : i32
        %add3A_315 = arith.addi %mul3A_313, %add3A_314 : i32
        %lt3A_316 = arith.cmpi slt, %add3A_315, %add3A_180 : i32
        %convert_element_type3A_317 = arith.extui %lt3A_316 : i1 to i32
        %cond3A_318 = arith.constant 0 : i32
        %cond3A_319 = arith.cmpi ne, %convert_element_type3A_317, %cond3A_318 : i32
        scf.if %cond3A_319 {
          %slice3A_488 = vector.extract_strided_slice %and3A_232 {offsets = [10], sizes = [1], strides = [1]} : vector<16xi32> to vector<1xi32>
          %squeeze3A_489 = vector.extract %slice3A_488[0] : i32 from vector<1xi32>
          %mul3A_490 = arith.constant 64 : i32
          %mul3A_491 = arith.muli %squeeze3A_489, %mul3A_490 : i32
          %multiple_of3A_492 = tpu.assume_multiple %mul3A_491, 8 : i32
          %slice3A_493 = vector.extract_strided_slice %sub3A_229 {offsets = [10], sizes = [1], strides = [1]} : vector<16xi32> to vector<1xi32>
          %squeeze3A_494 = vector.extract %slice3A_493[0] : i32 from vector<1xi32>
          %add3A_495 = arith.addi %while3A_211, %squeeze3A_494 : i32
          %dma_start3A_496 = arith.constant 0 : i32
          %dma_start3A_497 = tpu.memref_slice %arg10[%add3A_495, %dma_start3A_496] : memref<448x64xf32, #tpu.memory_space<vmem>> -> memref<1x64xf32, #tpu.memory_space<vmem>>
          %dma_start3A_498 = tpu.memref_squeeze %dma_start3A_497 : memref<1x64xf32, #tpu.memory_space<vmem>> -> memref<64xf32, #tpu.memory_space<vmem>>
          %dma_start3A_499 = tpu.memref_slice %arg4[%multiple_of3A_492] : memref<1048576xf32, #tpu.memory_space<hbm>> -> memref<64xf32, #tpu.memory_space<hbm>>
          %dma_start3A_500 = arith.constant 0 : i32
          %dma_start3A_501 = tpu.memref_slice %arg10[%add3A_495, %dma_start3A_500] : memref<448x64xf32, #tpu.memory_space<vmem>> -> memref<1x64xf32, #tpu.memory_space<vmem>>
          %dma_start3A_502 = tpu.memref_squeeze %dma_start3A_501 : memref<1x64xf32, #tpu.memory_space<vmem>> -> memref<64xf32, #tpu.memory_space<vmem>>
          %dma_start3A_503 = tpu.memref_slice %arg4[%multiple_of3A_492] : memref<1048576xf32, #tpu.memory_space<hbm>> -> memref<64xf32, #tpu.memory_space<hbm>>
          tpu.enqueue_dma source(%dma_start3A_503 : memref<64xf32, #tpu.memory_space<hbm>>) target(%dma_start3A_502 : memref<64xf32, #tpu.memory_space<vmem>>) target_semaphore(%arg13 : memref<!tpu.dma_semaphore, #tpu.memory_space<semaphore_mem>>)
        } else {
        }
        %mul3A_320 = arith.constant 16 : i32
        %mul3A_321 = arith.muli %while3A_221, %mul3A_320 : i32
        %add3A_322 = arith.constant 11 : i32
        %add3A_323 = arith.addi %mul3A_321, %add3A_322 : i32
        %lt3A_324 = arith.cmpi slt, %add3A_323, %add3A_180 : i32
        %convert_element_type3A_325 = arith.extui %lt3A_324 : i1 to i32
        %cond3A_326 = arith.constant 0 : i32
        %cond3A_327 = arith.cmpi ne, %convert_element_type3A_325, %cond3A_326 : i32
        scf.if %cond3A_327 {
          %slice3A_488 = vector.extract_strided_slice %and3A_232 {offsets = [11], sizes = [1], strides = [1]} : vector<16xi32> to vector<1xi32>
          %squeeze3A_489 = vector.extract %slice3A_488[0] : i32 from vector<1xi32>
          %mul3A_490 = arith.constant 64 : i32
          %mul3A_491 = arith.muli %squeeze3A_489, %mul3A_490 : i32
          %multiple_of3A_492 = tpu.assume_multiple %mul3A_491, 8 : i32
          %slice3A_493 = vector.extract_strided_slice %sub3A_229 {offsets = [11], sizes = [1], strides = [1]} : vector<16xi32> to vector<1xi32>
          %squeeze3A_494 = vector.extract %slice3A_493[0] : i32 from vector<1xi32>
          %add3A_495 = arith.addi %while3A_211, %squeeze3A_494 : i32
          %dma_start3A_496 = arith.constant 0 : i32
          %dma_start3A_497 = tpu.memref_slice %arg10[%add3A_495, %dma_start3A_496] : memref<448x64xf32, #tpu.memory_space<vmem>> -> memref<1x64xf32, #tpu.memory_space<vmem>>
          %dma_start3A_498 = tpu.memref_squeeze %dma_start3A_497 : memref<1x64xf32, #tpu.memory_space<vmem>> -> memref<64xf32, #tpu.memory_space<vmem>>
          %dma_start3A_499 = tpu.memref_slice %arg4[%multiple_of3A_492] : memref<1048576xf32, #tpu.memory_space<hbm>> -> memref<64xf32, #tpu.memory_space<hbm>>
          %dma_start3A_500 = arith.constant 0 : i32
          %dma_start3A_501 = tpu.memref_slice %arg10[%add3A_495, %dma_start3A_500] : memref<448x64xf32, #tpu.memory_space<vmem>> -> memref<1x64xf32, #tpu.memory_space<vmem>>
          %dma_start3A_502 = tpu.memref_squeeze %dma_start3A_501 : memref<1x64xf32, #tpu.memory_space<vmem>> -> memref<64xf32, #tpu.memory_space<vmem>>
          %dma_start3A_503 = tpu.memref_slice %arg4[%multiple_of3A_492] : memref<1048576xf32, #tpu.memory_space<hbm>> -> memref<64xf32, #tpu.memory_space<hbm>>
          tpu.enqueue_dma source(%dma_start3A_503 : memref<64xf32, #tpu.memory_space<hbm>>) target(%dma_start3A_502 : memref<64xf32, #tpu.memory_space<vmem>>) target_semaphore(%arg13 : memref<!tpu.dma_semaphore, #tpu.memory_space<semaphore_mem>>)
        } else {
        }
        %mul3A_328 = arith.constant 16 : i32
        %mul3A_329 = arith.muli %while3A_221, %mul3A_328 : i32
        %add3A_330 = arith.constant 12 : i32
        %add3A_331 = arith.addi %mul3A_329, %add3A_330 : i32
        %lt3A_332 = arith.cmpi slt, %add3A_331, %add3A_180 : i32
        %convert_element_type3A_333 = arith.extui %lt3A_332 : i1 to i32
        %cond3A_334 = arith.constant 0 : i32
        %cond3A_335 = arith.cmpi ne, %convert_element_type3A_333, %cond3A_334 : i32
        scf.if %cond3A_335 {
          %slice3A_488 = vector.extract_strided_slice %and3A_232 {offsets = [12], sizes = [1], strides = [1]} : vector<16xi32> to vector<1xi32>
          %squeeze3A_489 = vector.extract %slice3A_488[0] : i32 from vector<1xi32>
          %mul3A_490 = arith.constant 64 : i32
          %mul3A_491 = arith.muli %squeeze3A_489, %mul3A_490 : i32
          %multiple_of3A_492 = tpu.assume_multiple %mul3A_491, 8 : i32
          %slice3A_493 = vector.extract_strided_slice %sub3A_229 {offsets = [12], sizes = [1], strides = [1]} : vector<16xi32> to vector<1xi32>
          %squeeze3A_494 = vector.extract %slice3A_493[0] : i32 from vector<1xi32>
          %add3A_495 = arith.addi %while3A_211, %squeeze3A_494 : i32
          %dma_start3A_496 = arith.constant 0 : i32
          %dma_start3A_497 = tpu.memref_slice %arg10[%add3A_495, %dma_start3A_496] : memref<448x64xf32, #tpu.memory_space<vmem>> -> memref<1x64xf32, #tpu.memory_space<vmem>>
          %dma_start3A_498 = tpu.memref_squeeze %dma_start3A_497 : memref<1x64xf32, #tpu.memory_space<vmem>> -> memref<64xf32, #tpu.memory_space<vmem>>
          %dma_start3A_499 = tpu.memref_slice %arg4[%multiple_of3A_492] : memref<1048576xf32, #tpu.memory_space<hbm>> -> memref<64xf32, #tpu.memory_space<hbm>>
          %dma_start3A_500 = arith.constant 0 : i32
          %dma_start3A_501 = tpu.memref_slice %arg10[%add3A_495, %dma_start3A_500] : memref<448x64xf32, #tpu.memory_space<vmem>> -> memref<1x64xf32, #tpu.memory_space<vmem>>
          %dma_start3A_502 = tpu.memref_squeeze %dma_start3A_501 : memref<1x64xf32, #tpu.memory_space<vmem>> -> memref<64xf32, #tpu.memory_space<vmem>>
          %dma_start3A_503 = tpu.memref_slice %arg4[%multiple_of3A_492] : memref<1048576xf32, #tpu.memory_space<hbm>> -> memref<64xf32, #tpu.memory_space<hbm>>
          tpu.enqueue_dma source(%dma_start3A_503 : memref<64xf32, #tpu.memory_space<hbm>>) target(%dma_start3A_502 : memref<64xf32, #tpu.memory_space<vmem>>) target_semaphore(%arg13 : memref<!tpu.dma_semaphore, #tpu.memory_space<semaphore_mem>>)
        } else {
        }
        %mul3A_336 = arith.constant 16 : i32
        %mul3A_337 = arith.muli %while3A_221, %mul3A_336 : i32
        %add3A_338 = arith.constant 13 : i32
        %add3A_339 = arith.addi %mul3A_337, %add3A_338 : i32
        %lt3A_340 = arith.cmpi slt, %add3A_339, %add3A_180 : i32
        %convert_element_type3A_341 = arith.extui %lt3A_340 : i1 to i32
        %cond3A_342 = arith.constant 0 : i32
        %cond3A_343 = arith.cmpi ne, %convert_element_type3A_341, %cond3A_342 : i32
        scf.if %cond3A_343 {
          %slice3A_488 = vector.extract_strided_slice %and3A_232 {offsets = [13], sizes = [1], strides = [1]} : vector<16xi32> to vector<1xi32>
          %squeeze3A_489 = vector.extract %slice3A_488[0] : i32 from vector<1xi32>
          %mul3A_490 = arith.constant 64 : i32
          %mul3A_491 = arith.muli %squeeze3A_489, %mul3A_490 : i32
          %multiple_of3A_492 = tpu.assume_multiple %mul3A_491, 8 : i32
          %slice3A_493 = vector.extract_strided_slice %sub3A_229 {offsets = [13], sizes = [1], strides = [1]} : vector<16xi32> to vector<1xi32>
          %squeeze3A_494 = vector.extract %slice3A_493[0] : i32 from vector<1xi32>
          %add3A_495 = arith.addi %while3A_211, %squeeze3A_494 : i32
          %dma_start3A_496 = arith.constant 0 : i32
          %dma_start3A_497 = tpu.memref_slice %arg10[%add3A_495, %dma_start3A_496] : memref<448x64xf32, #tpu.memory_space<vmem>> -> memref<1x64xf32, #tpu.memory_space<vmem>>
          %dma_start3A_498 = tpu.memref_squeeze %dma_start3A_497 : memref<1x64xf32, #tpu.memory_space<vmem>> -> memref<64xf32, #tpu.memory_space<vmem>>
          %dma_start3A_499 = tpu.memref_slice %arg4[%multiple_of3A_492] : memref<1048576xf32, #tpu.memory_space<hbm>> -> memref<64xf32, #tpu.memory_space<hbm>>
          %dma_start3A_500 = arith.constant 0 : i32
          %dma_start3A_501 = tpu.memref_slice %arg10[%add3A_495, %dma_start3A_500] : memref<448x64xf32, #tpu.memory_space<vmem>> -> memref<1x64xf32, #tpu.memory_space<vmem>>
          %dma_start3A_502 = tpu.memref_squeeze %dma_start3A_501 : memref<1x64xf32, #tpu.memory_space<vmem>> -> memref<64xf32, #tpu.memory_space<vmem>>
          %dma_start3A_503 = tpu.memref_slice %arg4[%multiple_of3A_492] : memref<1048576xf32, #tpu.memory_space<hbm>> -> memref<64xf32, #tpu.memory_space<hbm>>
          tpu.enqueue_dma source(%dma_start3A_503 : memref<64xf32, #tpu.memory_space<hbm>>) target(%dma_start3A_502 : memref<64xf32, #tpu.memory_space<vmem>>) target_semaphore(%arg13 : memref<!tpu.dma_semaphore, #tpu.memory_space<semaphore_mem>>)
        } else {
        }
        %mul3A_344 = arith.constant 16 : i32
        %mul3A_345 = arith.muli %while3A_221, %mul3A_344 : i32
        %add3A_346 = arith.constant 14 : i32
        %add3A_347 = arith.addi %mul3A_345, %add3A_346 : i32
        %lt3A_348 = arith.cmpi slt, %add3A_347, %add3A_180 : i32
        %convert_element_type3A_349 = arith.extui %lt3A_348 : i1 to i32
        %cond3A_350 = arith.constant 0 : i32
        %cond3A_351 = arith.cmpi ne, %convert_element_type3A_349, %cond3A_350 : i32
        scf.if %cond3A_351 {
          %slice3A_488 = vector.extract_strided_slice %and3A_232 {offsets = [14], sizes = [1], strides = [1]} : vector<16xi32> to vector<1xi32>
          %squeeze3A_489 = vector.extract %slice3A_488[0] : i32 from vector<1xi32>
          %mul3A_490 = arith.constant 64 : i32
          %mul3A_491 = arith.muli %squeeze3A_489, %mul3A_490 : i32
          %multiple_of3A_492 = tpu.assume_multiple %mul3A_491, 8 : i32
          %slice3A_493 = vector.extract_strided_slice %sub3A_229 {offsets = [14], sizes = [1], strides = [1]} : vector<16xi32> to vector<1xi32>
          %squeeze3A_494 = vector.extract %slice3A_493[0] : i32 from vector<1xi32>
          %add3A_495 = arith.addi %while3A_211, %squeeze3A_494 : i32
          %dma_start3A_496 = arith.constant 0 : i32
          %dma_start3A_497 = tpu.memref_slice %arg10[%add3A_495, %dma_start3A_496] : memref<448x64xf32, #tpu.memory_space<vmem>> -> memref<1x64xf32, #tpu.memory_space<vmem>>
          %dma_start3A_498 = tpu.memref_squeeze %dma_start3A_497 : memref<1x64xf32, #tpu.memory_space<vmem>> -> memref<64xf32, #tpu.memory_space<vmem>>
          %dma_start3A_499 = tpu.memref_slice %arg4[%multiple_of3A_492] : memref<1048576xf32, #tpu.memory_space<hbm>> -> memref<64xf32, #tpu.memory_space<hbm>>
          %dma_start3A_500 = arith.constant 0 : i32
          %dma_start3A_501 = tpu.memref_slice %arg10[%add3A_495, %dma_start3A_500] : memref<448x64xf32, #tpu.memory_space<vmem>> -> memref<1x64xf32, #tpu.memory_space<vmem>>
          %dma_start3A_502 = tpu.memref_squeeze %dma_start3A_501 : memref<1x64xf32, #tpu.memory_space<vmem>> -> memref<64xf32, #tpu.memory_space<vmem>>
          %dma_start3A_503 = tpu.memref_slice %arg4[%multiple_of3A_492] : memref<1048576xf32, #tpu.memory_space<hbm>> -> memref<64xf32, #tpu.memory_space<hbm>>
          tpu.enqueue_dma source(%dma_start3A_503 : memref<64xf32, #tpu.memory_space<hbm>>) target(%dma_start3A_502 : memref<64xf32, #tpu.memory_space<vmem>>) target_semaphore(%arg13 : memref<!tpu.dma_semaphore, #tpu.memory_space<semaphore_mem>>)
        } else {
        }
        %mul3A_352 = arith.constant 16 : i32
        %mul3A_353 = arith.muli %while3A_221, %mul3A_352 : i32
        %add3A_354 = arith.constant 15 : i32
        %add3A_355 = arith.addi %mul3A_353, %add3A_354 : i32
        %lt3A_356 = arith.cmpi slt, %add3A_355, %add3A_180 : i32
        %convert_element_type3A_357 = arith.extui %lt3A_356 : i1 to i32
        %cond3A_358 = arith.constant 0 : i32
        %cond3A_359 = arith.cmpi ne, %convert_element_type3A_357, %cond3A_358 : i32
        scf.if %cond3A_359 {
          %slice3A_488 = vector.extract_strided_slice %and3A_232 {offsets = [15], sizes = [1], strides = [1]} : vector<16xi32> to vector<1xi32>
          %squeeze3A_489 = vector.extract %slice3A_488[0] : i32 from vector<1xi32>
          %mul3A_490 = arith.constant 64 : i32
          %mul3A_491 = arith.muli %squeeze3A_489, %mul3A_490 : i32
          %multiple_of3A_492 = tpu.assume_multiple %mul3A_491, 8 : i32
          %slice3A_493 = vector.extract_strided_slice %sub3A_229 {offsets = [15], sizes = [1], strides = [1]} : vector<16xi32> to vector<1xi32>
          %squeeze3A_494 = vector.extract %slice3A_493[0] : i32 from vector<1xi32>
          %add3A_495 = arith.addi %while3A_211, %squeeze3A_494 : i32
          %dma_start3A_496 = arith.constant 0 : i32
          %dma_start3A_497 = tpu.memref_slice %arg10[%add3A_495, %dma_start3A_496] : memref<448x64xf32, #tpu.memory_space<vmem>> -> memref<1x64xf32, #tpu.memory_space<vmem>>
          %dma_start3A_498 = tpu.memref_squeeze %dma_start3A_497 : memref<1x64xf32, #tpu.memory_space<vmem>> -> memref<64xf32, #tpu.memory_space<vmem>>
          %dma_start3A_499 = tpu.memref_slice %arg4[%multiple_of3A_492] : memref<1048576xf32, #tpu.memory_space<hbm>> -> memref<64xf32, #tpu.memory_space<hbm>>
          %dma_start3A_500 = arith.constant 0 : i32
          %dma_start3A_501 = tpu.memref_slice %arg10[%add3A_495, %dma_start3A_500] : memref<448x64xf32, #tpu.memory_space<vmem>> -> memref<1x64xf32, #tpu.memory_space<vmem>>
          %dma_start3A_502 = tpu.memref_squeeze %dma_start3A_501 : memref<1x64xf32, #tpu.memory_space<vmem>> -> memref<64xf32, #tpu.memory_space<vmem>>
          %dma_start3A_503 = tpu.memref_slice %arg4[%multiple_of3A_492] : memref<1048576xf32, #tpu.memory_space<hbm>> -> memref<64xf32, #tpu.memory_space<hbm>>
          tpu.enqueue_dma source(%dma_start3A_503 : memref<64xf32, #tpu.memory_space<hbm>>) target(%dma_start3A_502 : memref<64xf32, #tpu.memory_space<vmem>>) target_semaphore(%arg13 : memref<!tpu.dma_semaphore, #tpu.memory_space<semaphore_mem>>)
        } else {
        }
        %mul3A_360 = arith.constant 16 : i32
        %mul3A_361 = arith.muli %while3A_221, %mul3A_360 : i32
        %add3A_362 = arith.constant 0 : i32
        %add3A_363 = arith.addi %mul3A_361, %add3A_362 : i32
        %lt3A_364 = arith.cmpi slt, %add3A_363, %add3A_180 : i32
        %convert_element_type3A_365 = arith.extui %lt3A_364 : i1 to i32
        %cond3A_366 = arith.constant 0 : i32
        %cond3A_367 = arith.cmpi ne, %convert_element_type3A_365, %cond3A_366 : i32
        scf.if %cond3A_367 {
          %dma_wait3A_488 = arith.constant 0 : i32
          %dma_wait3A_489 = tpu.memref_slice %arg10[%while3A_211, %dma_wait3A_488] : memref<448x64xf32, #tpu.memory_space<vmem>> -> memref<1x64xf32, #tpu.memory_space<vmem>>
          %dma_wait3A_490 = tpu.memref_squeeze %dma_wait3A_489 : memref<1x64xf32, #tpu.memory_space<vmem>> -> memref<64xf32, #tpu.memory_space<vmem>>
          %dma_wait3A_491 = arith.constant 0 : i32
          %dma_wait3A_492 = tpu.memref_slice %arg4[%dma_wait3A_491] : memref<1048576xf32, #tpu.memory_space<hbm>> -> memref<64xf32, #tpu.memory_space<hbm>>
          %dma_wait3A_493 = arith.constant 0 : i32
          %dma_wait3A_494 = tpu.memref_slice %arg10[%while3A_211, %dma_wait3A_493] : memref<448x64xf32, #tpu.memory_space<vmem>> -> memref<1x64xf32, #tpu.memory_space<vmem>>
          %dma_wait3A_495 = tpu.memref_squeeze %dma_wait3A_494 : memref<1x64xf32, #tpu.memory_space<vmem>> -> memref<64xf32, #tpu.memory_space<vmem>>
          %dma_wait3A_496 = arith.constant 0 : i32
          %dma_wait3A_497 = tpu.memref_slice %arg4[%dma_wait3A_496] : memref<1048576xf32, #tpu.memory_space<hbm>> -> memref<64xf32, #tpu.memory_space<hbm>>
          tpu.wait_dma2 semaphore(%arg13 : memref<!tpu.dma_semaphore, #tpu.memory_space<semaphore_mem>>) src(%dma_wait3A_497 : memref<64xf32, #tpu.memory_space<hbm>>) dst(%dma_wait3A_495 : memref<64xf32, #tpu.memory_space<vmem>>)
        } else {
        }
        %mul3A_368 = arith.constant 16 : i32
        %mul3A_369 = arith.muli %while3A_221, %mul3A_368 : i32
        %add3A_370 = arith.constant 1 : i32
        %add3A_371 = arith.addi %mul3A_369, %add3A_370 : i32
        %lt3A_372 = arith.cmpi slt, %add3A_371, %add3A_180 : i32
        %convert_element_type3A_373 = arith.extui %lt3A_372 : i1 to i32
        %cond3A_374 = arith.constant 0 : i32
        %cond3A_375 = arith.cmpi ne, %convert_element_type3A_373, %cond3A_374 : i32
        scf.if %cond3A_375 {
          %dma_wait3A_488 = arith.constant 0 : i32
          %dma_wait3A_489 = tpu.memref_slice %arg10[%while3A_211, %dma_wait3A_488] : memref<448x64xf32, #tpu.memory_space<vmem>> -> memref<1x64xf32, #tpu.memory_space<vmem>>
          %dma_wait3A_490 = tpu.memref_squeeze %dma_wait3A_489 : memref<1x64xf32, #tpu.memory_space<vmem>> -> memref<64xf32, #tpu.memory_space<vmem>>
          %dma_wait3A_491 = arith.constant 0 : i32
          %dma_wait3A_492 = tpu.memref_slice %arg4[%dma_wait3A_491] : memref<1048576xf32, #tpu.memory_space<hbm>> -> memref<64xf32, #tpu.memory_space<hbm>>
          %dma_wait3A_493 = arith.constant 0 : i32
          %dma_wait3A_494 = tpu.memref_slice %arg10[%while3A_211, %dma_wait3A_493] : memref<448x64xf32, #tpu.memory_space<vmem>> -> memref<1x64xf32, #tpu.memory_space<vmem>>
          %dma_wait3A_495 = tpu.memref_squeeze %dma_wait3A_494 : memref<1x64xf32, #tpu.memory_space<vmem>> -> memref<64xf32, #tpu.memory_space<vmem>>
          %dma_wait3A_496 = arith.constant 0 : i32
          %dma_wait3A_497 = tpu.memref_slice %arg4[%dma_wait3A_496] : memref<1048576xf32, #tpu.memory_space<hbm>> -> memref<64xf32, #tpu.memory_space<hbm>>
          tpu.wait_dma2 semaphore(%arg13 : memref<!tpu.dma_semaphore, #tpu.memory_space<semaphore_mem>>) src(%dma_wait3A_497 : memref<64xf32, #tpu.memory_space<hbm>>) dst(%dma_wait3A_495 : memref<64xf32, #tpu.memory_space<vmem>>)
        } else {
        }
        %mul3A_376 = arith.constant 16 : i32
        %mul3A_377 = arith.muli %while3A_221, %mul3A_376 : i32
        %add3A_378 = arith.constant 2 : i32
        %add3A_379 = arith.addi %mul3A_377, %add3A_378 : i32
        %lt3A_380 = arith.cmpi slt, %add3A_379, %add3A_180 : i32
        %convert_element_type3A_381 = arith.extui %lt3A_380 : i1 to i32
        %cond3A_382 = arith.constant 0 : i32
        %cond3A_383 = arith.cmpi ne, %convert_element_type3A_381, %cond3A_382 : i32
        scf.if %cond3A_383 {
          %dma_wait3A_488 = arith.constant 0 : i32
          %dma_wait3A_489 = tpu.memref_slice %arg10[%while3A_211, %dma_wait3A_488] : memref<448x64xf32, #tpu.memory_space<vmem>> -> memref<1x64xf32, #tpu.memory_space<vmem>>
          %dma_wait3A_490 = tpu.memref_squeeze %dma_wait3A_489 : memref<1x64xf32, #tpu.memory_space<vmem>> -> memref<64xf32, #tpu.memory_space<vmem>>
          %dma_wait3A_491 = arith.constant 0 : i32
          %dma_wait3A_492 = tpu.memref_slice %arg4[%dma_wait3A_491] : memref<1048576xf32, #tpu.memory_space<hbm>> -> memref<64xf32, #tpu.memory_space<hbm>>
          %dma_wait3A_493 = arith.constant 0 : i32
          %dma_wait3A_494 = tpu.memref_slice %arg10[%while3A_211, %dma_wait3A_493] : memref<448x64xf32, #tpu.memory_space<vmem>> -> memref<1x64xf32, #tpu.memory_space<vmem>>
          %dma_wait3A_495 = tpu.memref_squeeze %dma_wait3A_494 : memref<1x64xf32, #tpu.memory_space<vmem>> -> memref<64xf32, #tpu.memory_space<vmem>>
          %dma_wait3A_496 = arith.constant 0 : i32
          %dma_wait3A_497 = tpu.memref_slice %arg4[%dma_wait3A_496] : memref<1048576xf32, #tpu.memory_space<hbm>> -> memref<64xf32, #tpu.memory_space<hbm>>
          tpu.wait_dma2 semaphore(%arg13 : memref<!tpu.dma_semaphore, #tpu.memory_space<semaphore_mem>>) src(%dma_wait3A_497 : memref<64xf32, #tpu.memory_space<hbm>>) dst(%dma_wait3A_495 : memref<64xf32, #tpu.memory_space<vmem>>)
        } else {
        }
        %mul3A_384 = arith.constant 16 : i32
        %mul3A_385 = arith.muli %while3A_221, %mul3A_384 : i32
        %add3A_386 = arith.constant 3 : i32
        %add3A_387 = arith.addi %mul3A_385, %add3A_386 : i32
        %lt3A_388 = arith.cmpi slt, %add3A_387, %add3A_180 : i32
        %convert_element_type3A_389 = arith.extui %lt3A_388 : i1 to i32
        %cond3A_390 = arith.constant 0 : i32
        %cond3A_391 = arith.cmpi ne, %convert_element_type3A_389, %cond3A_390 : i32
        scf.if %cond3A_391 {
          %dma_wait3A_488 = arith.constant 0 : i32
          %dma_wait3A_489 = tpu.memref_slice %arg10[%while3A_211, %dma_wait3A_488] : memref<448x64xf32, #tpu.memory_space<vmem>> -> memref<1x64xf32, #tpu.memory_space<vmem>>
          %dma_wait3A_490 = tpu.memref_squeeze %dma_wait3A_489 : memref<1x64xf32, #tpu.memory_space<vmem>> -> memref<64xf32, #tpu.memory_space<vmem>>
          %dma_wait3A_491 = arith.constant 0 : i32
          %dma_wait3A_492 = tpu.memref_slice %arg4[%dma_wait3A_491] : memref<1048576xf32, #tpu.memory_space<hbm>> -> memref<64xf32, #tpu.memory_space<hbm>>
          %dma_wait3A_493 = arith.constant 0 : i32
          %dma_wait3A_494 = tpu.memref_slice %arg10[%while3A_211, %dma_wait3A_493] : memref<448x64xf32, #tpu.memory_space<vmem>> -> memref<1x64xf32, #tpu.memory_space<vmem>>
          %dma_wait3A_495 = tpu.memref_squeeze %dma_wait3A_494 : memref<1x64xf32, #tpu.memory_space<vmem>> -> memref<64xf32, #tpu.memory_space<vmem>>
          %dma_wait3A_496 = arith.constant 0 : i32
          %dma_wait3A_497 = tpu.memref_slice %arg4[%dma_wait3A_496] : memref<1048576xf32, #tpu.memory_space<hbm>> -> memref<64xf32, #tpu.memory_space<hbm>>
          tpu.wait_dma2 semaphore(%arg13 : memref<!tpu.dma_semaphore, #tpu.memory_space<semaphore_mem>>) src(%dma_wait3A_497 : memref<64xf32, #tpu.memory_space<hbm>>) dst(%dma_wait3A_495 : memref<64xf32, #tpu.memory_space<vmem>>)
        } else {
        }
        %mul3A_392 = arith.constant 16 : i32
        %mul3A_393 = arith.muli %while3A_221, %mul3A_392 : i32
        %add3A_394 = arith.constant 4 : i32
        %add3A_395 = arith.addi %mul3A_393, %add3A_394 : i32
        %lt3A_396 = arith.cmpi slt, %add3A_395, %add3A_180 : i32
        %convert_element_type3A_397 = arith.extui %lt3A_396 : i1 to i32
        %cond3A_398 = arith.constant 0 : i32
        %cond3A_399 = arith.cmpi ne, %convert_element_type3A_397, %cond3A_398 : i32
        scf.if %cond3A_399 {
          %dma_wait3A_488 = arith.constant 0 : i32
          %dma_wait3A_489 = tpu.memref_slice %arg10[%while3A_211, %dma_wait3A_488] : memref<448x64xf32, #tpu.memory_space<vmem>> -> memref<1x64xf32, #tpu.memory_space<vmem>>
          %dma_wait3A_490 = tpu.memref_squeeze %dma_wait3A_489 : memref<1x64xf32, #tpu.memory_space<vmem>> -> memref<64xf32, #tpu.memory_space<vmem>>
          %dma_wait3A_491 = arith.constant 0 : i32
          %dma_wait3A_492 = tpu.memref_slice %arg4[%dma_wait3A_491] : memref<1048576xf32, #tpu.memory_space<hbm>> -> memref<64xf32, #tpu.memory_space<hbm>>
          %dma_wait3A_493 = arith.constant 0 : i32
          %dma_wait3A_494 = tpu.memref_slice %arg10[%while3A_211, %dma_wait3A_493] : memref<448x64xf32, #tpu.memory_space<vmem>> -> memref<1x64xf32, #tpu.memory_space<vmem>>
          %dma_wait3A_495 = tpu.memref_squeeze %dma_wait3A_494 : memref<1x64xf32, #tpu.memory_space<vmem>> -> memref<64xf32, #tpu.memory_space<vmem>>
          %dma_wait3A_496 = arith.constant 0 : i32
          %dma_wait3A_497 = tpu.memref_slice %arg4[%dma_wait3A_496] : memref<1048576xf32, #tpu.memory_space<hbm>> -> memref<64xf32, #tpu.memory_space<hbm>>
          tpu.wait_dma2 semaphore(%arg13 : memref<!tpu.dma_semaphore, #tpu.memory_space<semaphore_mem>>) src(%dma_wait3A_497 : memref<64xf32, #tpu.memory_space<hbm>>) dst(%dma_wait3A_495 : memref<64xf32, #tpu.memory_space<vmem>>)
        } else {
        }
        %mul3A_400 = arith.constant 16 : i32
        %mul3A_401 = arith.muli %while3A_221, %mul3A_400 : i32
        %add3A_402 = arith.constant 5 : i32
        %add3A_403 = arith.addi %mul3A_401, %add3A_402 : i32
        %lt3A_404 = arith.cmpi slt, %add3A_403, %add3A_180 : i32
        %convert_element_type3A_405 = arith.extui %lt3A_404 : i1 to i32
        %cond3A_406 = arith.constant 0 : i32
        %cond3A_407 = arith.cmpi ne, %convert_element_type3A_405, %cond3A_406 : i32
        scf.if %cond3A_407 {
          %dma_wait3A_488 = arith.constant 0 : i32
          %dma_wait3A_489 = tpu.memref_slice %arg10[%while3A_211, %dma_wait3A_488] : memref<448x64xf32, #tpu.memory_space<vmem>> -> memref<1x64xf32, #tpu.memory_space<vmem>>
          %dma_wait3A_490 = tpu.memref_squeeze %dma_wait3A_489 : memref<1x64xf32, #tpu.memory_space<vmem>> -> memref<64xf32, #tpu.memory_space<vmem>>
          %dma_wait3A_491 = arith.constant 0 : i32
          %dma_wait3A_492 = tpu.memref_slice %arg4[%dma_wait3A_491] : memref<1048576xf32, #tpu.memory_space<hbm>> -> memref<64xf32, #tpu.memory_space<hbm>>
          %dma_wait3A_493 = arith.constant 0 : i32
          %dma_wait3A_494 = tpu.memref_slice %arg10[%while3A_211, %dma_wait3A_493] : memref<448x64xf32, #tpu.memory_space<vmem>> -> memref<1x64xf32, #tpu.memory_space<vmem>>
          %dma_wait3A_495 = tpu.memref_squeeze %dma_wait3A_494 : memref<1x64xf32, #tpu.memory_space<vmem>> -> memref<64xf32, #tpu.memory_space<vmem>>
          %dma_wait3A_496 = arith.constant 0 : i32
          %dma_wait3A_497 = tpu.memref_slice %arg4[%dma_wait3A_496] : memref<1048576xf32, #tpu.memory_space<hbm>> -> memref<64xf32, #tpu.memory_space<hbm>>
          tpu.wait_dma2 semaphore(%arg13 : memref<!tpu.dma_semaphore, #tpu.memory_space<semaphore_mem>>) src(%dma_wait3A_497 : memref<64xf32, #tpu.memory_space<hbm>>) dst(%dma_wait3A_495 : memref<64xf32, #tpu.memory_space<vmem>>)
        } else {
        }
        %mul3A_408 = arith.constant 16 : i32
        %mul3A_409 = arith.muli %while3A_221, %mul3A_408 : i32
        %add3A_410 = arith.constant 6 : i32
        %add3A_411 = arith.addi %mul3A_409, %add3A_410 : i32
        %lt3A_412 = arith.cmpi slt, %add3A_411, %add3A_180 : i32
        %convert_element_type3A_413 = arith.extui %lt3A_412 : i1 to i32
        %cond3A_414 = arith.constant 0 : i32
        %cond3A_415 = arith.cmpi ne, %convert_element_type3A_413, %cond3A_414 : i32
        scf.if %cond3A_415 {
          %dma_wait3A_488 = arith.constant 0 : i32
          %dma_wait3A_489 = tpu.memref_slice %arg10[%while3A_211, %dma_wait3A_488] : memref<448x64xf32, #tpu.memory_space<vmem>> -> memref<1x64xf32, #tpu.memory_space<vmem>>
          %dma_wait3A_490 = tpu.memref_squeeze %dma_wait3A_489 : memref<1x64xf32, #tpu.memory_space<vmem>> -> memref<64xf32, #tpu.memory_space<vmem>>
          %dma_wait3A_491 = arith.constant 0 : i32
          %dma_wait3A_492 = tpu.memref_slice %arg4[%dma_wait3A_491] : memref<1048576xf32, #tpu.memory_space<hbm>> -> memref<64xf32, #tpu.memory_space<hbm>>
          %dma_wait3A_493 = arith.constant 0 : i32
          %dma_wait3A_494 = tpu.memref_slice %arg10[%while3A_211, %dma_wait3A_493] : memref<448x64xf32, #tpu.memory_space<vmem>> -> memref<1x64xf32, #tpu.memory_space<vmem>>
          %dma_wait3A_495 = tpu.memref_squeeze %dma_wait3A_494 : memref<1x64xf32, #tpu.memory_space<vmem>> -> memref<64xf32, #tpu.memory_space<vmem>>
          %dma_wait3A_496 = arith.constant 0 : i32
          %dma_wait3A_497 = tpu.memref_slice %arg4[%dma_wait3A_496] : memref<1048576xf32, #tpu.memory_space<hbm>> -> memref<64xf32, #tpu.memory_space<hbm>>
          tpu.wait_dma2 semaphore(%arg13 : memref<!tpu.dma_semaphore, #tpu.memory_space<semaphore_mem>>) src(%dma_wait3A_497 : memref<64xf32, #tpu.memory_space<hbm>>) dst(%dma_wait3A_495 : memref<64xf32, #tpu.memory_space<vmem>>)
        } else {
        }
        %mul3A_416 = arith.constant 16 : i32
        %mul3A_417 = arith.muli %while3A_221, %mul3A_416 : i32
        %add3A_418 = arith.constant 7 : i32
        %add3A_419 = arith.addi %mul3A_417, %add3A_418 : i32
        %lt3A_420 = arith.cmpi slt, %add3A_419, %add3A_180 : i32
        %convert_element_type3A_421 = arith.extui %lt3A_420 : i1 to i32
        %cond3A_422 = arith.constant 0 : i32
        %cond3A_423 = arith.cmpi ne, %convert_element_type3A_421, %cond3A_422 : i32
        scf.if %cond3A_423 {
          %dma_wait3A_488 = arith.constant 0 : i32
          %dma_wait3A_489 = tpu.memref_slice %arg10[%while3A_211, %dma_wait3A_488] : memref<448x64xf32, #tpu.memory_space<vmem>> -> memref<1x64xf32, #tpu.memory_space<vmem>>
          %dma_wait3A_490 = tpu.memref_squeeze %dma_wait3A_489 : memref<1x64xf32, #tpu.memory_space<vmem>> -> memref<64xf32, #tpu.memory_space<vmem>>
          %dma_wait3A_491 = arith.constant 0 : i32
          %dma_wait3A_492 = tpu.memref_slice %arg4[%dma_wait3A_491] : memref<1048576xf32, #tpu.memory_space<hbm>> -> memref<64xf32, #tpu.memory_space<hbm>>
          %dma_wait3A_493 = arith.constant 0 : i32
          %dma_wait3A_494 = tpu.memref_slice %arg10[%while3A_211, %dma_wait3A_493] : memref<448x64xf32, #tpu.memory_space<vmem>> -> memref<1x64xf32, #tpu.memory_space<vmem>>
          %dma_wait3A_495 = tpu.memref_squeeze %dma_wait3A_494 : memref<1x64xf32, #tpu.memory_space<vmem>> -> memref<64xf32, #tpu.memory_space<vmem>>
          %dma_wait3A_496 = arith.constant 0 : i32
          %dma_wait3A_497 = tpu.memref_slice %arg4[%dma_wait3A_496] : memref<1048576xf32, #tpu.memory_space<hbm>> -> memref<64xf32, #tpu.memory_space<hbm>>
          tpu.wait_dma2 semaphore(%arg13 : memref<!tpu.dma_semaphore, #tpu.memory_space<semaphore_mem>>) src(%dma_wait3A_497 : memref<64xf32, #tpu.memory_space<hbm>>) dst(%dma_wait3A_495 : memref<64xf32, #tpu.memory_space<vmem>>)
        } else {
        }
        %mul3A_424 = arith.constant 16 : i32
        %mul3A_425 = arith.muli %while3A_221, %mul3A_424 : i32
        %add3A_426 = arith.constant 8 : i32
        %add3A_427 = arith.addi %mul3A_425, %add3A_426 : i32
        %lt3A_428 = arith.cmpi slt, %add3A_427, %add3A_180 : i32
        %convert_element_type3A_429 = arith.extui %lt3A_428 : i1 to i32
        %cond3A_430 = arith.constant 0 : i32
        %cond3A_431 = arith.cmpi ne, %convert_element_type3A_429, %cond3A_430 : i32
        scf.if %cond3A_431 {
          %dma_wait3A_488 = arith.constant 0 : i32
          %dma_wait3A_489 = tpu.memref_slice %arg10[%while3A_211, %dma_wait3A_488] : memref<448x64xf32, #tpu.memory_space<vmem>> -> memref<1x64xf32, #tpu.memory_space<vmem>>
          %dma_wait3A_490 = tpu.memref_squeeze %dma_wait3A_489 : memref<1x64xf32, #tpu.memory_space<vmem>> -> memref<64xf32, #tpu.memory_space<vmem>>
          %dma_wait3A_491 = arith.constant 0 : i32
          %dma_wait3A_492 = tpu.memref_slice %arg4[%dma_wait3A_491] : memref<1048576xf32, #tpu.memory_space<hbm>> -> memref<64xf32, #tpu.memory_space<hbm>>
          %dma_wait3A_493 = arith.constant 0 : i32
          %dma_wait3A_494 = tpu.memref_slice %arg10[%while3A_211, %dma_wait3A_493] : memref<448x64xf32, #tpu.memory_space<vmem>> -> memref<1x64xf32, #tpu.memory_space<vmem>>
          %dma_wait3A_495 = tpu.memref_squeeze %dma_wait3A_494 : memref<1x64xf32, #tpu.memory_space<vmem>> -> memref<64xf32, #tpu.memory_space<vmem>>
          %dma_wait3A_496 = arith.constant 0 : i32
          %dma_wait3A_497 = tpu.memref_slice %arg4[%dma_wait3A_496] : memref<1048576xf32, #tpu.memory_space<hbm>> -> memref<64xf32, #tpu.memory_space<hbm>>
          tpu.wait_dma2 semaphore(%arg13 : memref<!tpu.dma_semaphore, #tpu.memory_space<semaphore_mem>>) src(%dma_wait3A_497 : memref<64xf32, #tpu.memory_space<hbm>>) dst(%dma_wait3A_495 : memref<64xf32, #tpu.memory_space<vmem>>)
        } else {
        }
        %mul3A_432 = arith.constant 16 : i32
        %mul3A_433 = arith.muli %while3A_221, %mul3A_432 : i32
        %add3A_434 = arith.constant 9 : i32
        %add3A_435 = arith.addi %mul3A_433, %add3A_434 : i32
        %lt3A_436 = arith.cmpi slt, %add3A_435, %add3A_180 : i32
        %convert_element_type3A_437 = arith.extui %lt3A_436 : i1 to i32
        %cond3A_438 = arith.constant 0 : i32
        %cond3A_439 = arith.cmpi ne, %convert_element_type3A_437, %cond3A_438 : i32
        scf.if %cond3A_439 {
          %dma_wait3A_488 = arith.constant 0 : i32
          %dma_wait3A_489 = tpu.memref_slice %arg10[%while3A_211, %dma_wait3A_488] : memref<448x64xf32, #tpu.memory_space<vmem>> -> memref<1x64xf32, #tpu.memory_space<vmem>>
          %dma_wait3A_490 = tpu.memref_squeeze %dma_wait3A_489 : memref<1x64xf32, #tpu.memory_space<vmem>> -> memref<64xf32, #tpu.memory_space<vmem>>
          %dma_wait3A_491 = arith.constant 0 : i32
          %dma_wait3A_492 = tpu.memref_slice %arg4[%dma_wait3A_491] : memref<1048576xf32, #tpu.memory_space<hbm>> -> memref<64xf32, #tpu.memory_space<hbm>>
          %dma_wait3A_493 = arith.constant 0 : i32
          %dma_wait3A_494 = tpu.memref_slice %arg10[%while3A_211, %dma_wait3A_493] : memref<448x64xf32, #tpu.memory_space<vmem>> -> memref<1x64xf32, #tpu.memory_space<vmem>>
          %dma_wait3A_495 = tpu.memref_squeeze %dma_wait3A_494 : memref<1x64xf32, #tpu.memory_space<vmem>> -> memref<64xf32, #tpu.memory_space<vmem>>
          %dma_wait3A_496 = arith.constant 0 : i32
          %dma_wait3A_497 = tpu.memref_slice %arg4[%dma_wait3A_496] : memref<1048576xf32, #tpu.memory_space<hbm>> -> memref<64xf32, #tpu.memory_space<hbm>>
          tpu.wait_dma2 semaphore(%arg13 : memref<!tpu.dma_semaphore, #tpu.memory_space<semaphore_mem>>) src(%dma_wait3A_497 : memref<64xf32, #tpu.memory_space<hbm>>) dst(%dma_wait3A_495 : memref<64xf32, #tpu.memory_space<vmem>>)
        } else {
        }
        %mul3A_440 = arith.constant 16 : i32
        %mul3A_441 = arith.muli %while3A_221, %mul3A_440 : i32
        %add3A_442 = arith.constant 10 : i32
        %add3A_443 = arith.addi %mul3A_441, %add3A_442 : i32
        %lt3A_444 = arith.cmpi slt, %add3A_443, %add3A_180 : i32
        %convert_element_type3A_445 = arith.extui %lt3A_444 : i1 to i32
        %cond3A_446 = arith.constant 0 : i32
        %cond3A_447 = arith.cmpi ne, %convert_element_type3A_445, %cond3A_446 : i32
        scf.if %cond3A_447 {
          %dma_wait3A_488 = arith.constant 0 : i32
          %dma_wait3A_489 = tpu.memref_slice %arg10[%while3A_211, %dma_wait3A_488] : memref<448x64xf32, #tpu.memory_space<vmem>> -> memref<1x64xf32, #tpu.memory_space<vmem>>
          %dma_wait3A_490 = tpu.memref_squeeze %dma_wait3A_489 : memref<1x64xf32, #tpu.memory_space<vmem>> -> memref<64xf32, #tpu.memory_space<vmem>>
          %dma_wait3A_491 = arith.constant 0 : i32
          %dma_wait3A_492 = tpu.memref_slice %arg4[%dma_wait3A_491] : memref<1048576xf32, #tpu.memory_space<hbm>> -> memref<64xf32, #tpu.memory_space<hbm>>
          %dma_wait3A_493 = arith.constant 0 : i32
          %dma_wait3A_494 = tpu.memref_slice %arg10[%while3A_211, %dma_wait3A_493] : memref<448x64xf32, #tpu.memory_space<vmem>> -> memref<1x64xf32, #tpu.memory_space<vmem>>
          %dma_wait3A_495 = tpu.memref_squeeze %dma_wait3A_494 : memref<1x64xf32, #tpu.memory_space<vmem>> -> memref<64xf32, #tpu.memory_space<vmem>>
          %dma_wait3A_496 = arith.constant 0 : i32
          %dma_wait3A_497 = tpu.memref_slice %arg4[%dma_wait3A_496] : memref<1048576xf32, #tpu.memory_space<hbm>> -> memref<64xf32, #tpu.memory_space<hbm>>
          tpu.wait_dma2 semaphore(%arg13 : memref<!tpu.dma_semaphore, #tpu.memory_space<semaphore_mem>>) src(%dma_wait3A_497 : memref<64xf32, #tpu.memory_space<hbm>>) dst(%dma_wait3A_495 : memref<64xf32, #tpu.memory_space<vmem>>)
        } else {
        }
        %mul3A_448 = arith.constant 16 : i32
        %mul3A_449 = arith.muli %while3A_221, %mul3A_448 : i32
        %add3A_450 = arith.constant 11 : i32
        %add3A_451 = arith.addi %mul3A_449, %add3A_450 : i32
        %lt3A_452 = arith.cmpi slt, %add3A_451, %add3A_180 : i32
        %convert_element_type3A_453 = arith.extui %lt3A_452 : i1 to i32
        %cond3A_454 = arith.constant 0 : i32
        %cond3A_455 = arith.cmpi ne, %convert_element_type3A_453, %cond3A_454 : i32
        scf.if %cond3A_455 {
          %dma_wait3A_488 = arith.constant 0 : i32
          %dma_wait3A_489 = tpu.memref_slice %arg10[%while3A_211, %dma_wait3A_488] : memref<448x64xf32, #tpu.memory_space<vmem>> -> memref<1x64xf32, #tpu.memory_space<vmem>>
          %dma_wait3A_490 = tpu.memref_squeeze %dma_wait3A_489 : memref<1x64xf32, #tpu.memory_space<vmem>> -> memref<64xf32, #tpu.memory_space<vmem>>
          %dma_wait3A_491 = arith.constant 0 : i32
          %dma_wait3A_492 = tpu.memref_slice %arg4[%dma_wait3A_491] : memref<1048576xf32, #tpu.memory_space<hbm>> -> memref<64xf32, #tpu.memory_space<hbm>>
          %dma_wait3A_493 = arith.constant 0 : i32
          %dma_wait3A_494 = tpu.memref_slice %arg10[%while3A_211, %dma_wait3A_493] : memref<448x64xf32, #tpu.memory_space<vmem>> -> memref<1x64xf32, #tpu.memory_space<vmem>>
          %dma_wait3A_495 = tpu.memref_squeeze %dma_wait3A_494 : memref<1x64xf32, #tpu.memory_space<vmem>> -> memref<64xf32, #tpu.memory_space<vmem>>
          %dma_wait3A_496 = arith.constant 0 : i32
          %dma_wait3A_497 = tpu.memref_slice %arg4[%dma_wait3A_496] : memref<1048576xf32, #tpu.memory_space<hbm>> -> memref<64xf32, #tpu.memory_space<hbm>>
          tpu.wait_dma2 semaphore(%arg13 : memref<!tpu.dma_semaphore, #tpu.memory_space<semaphore_mem>>) src(%dma_wait3A_497 : memref<64xf32, #tpu.memory_space<hbm>>) dst(%dma_wait3A_495 : memref<64xf32, #tpu.memory_space<vmem>>)
        } else {
        }
        %mul3A_456 = arith.constant 16 : i32
        %mul3A_457 = arith.muli %while3A_221, %mul3A_456 : i32
        %add3A_458 = arith.constant 12 : i32
        %add3A_459 = arith.addi %mul3A_457, %add3A_458 : i32
        %lt3A_460 = arith.cmpi slt, %add3A_459, %add3A_180 : i32
        %convert_element_type3A_461 = arith.extui %lt3A_460 : i1 to i32
        %cond3A_462 = arith.constant 0 : i32
        %cond3A_463 = arith.cmpi ne, %convert_element_type3A_461, %cond3A_462 : i32
        scf.if %cond3A_463 {
          %dma_wait3A_488 = arith.constant 0 : i32
          %dma_wait3A_489 = tpu.memref_slice %arg10[%while3A_211, %dma_wait3A_488] : memref<448x64xf32, #tpu.memory_space<vmem>> -> memref<1x64xf32, #tpu.memory_space<vmem>>
          %dma_wait3A_490 = tpu.memref_squeeze %dma_wait3A_489 : memref<1x64xf32, #tpu.memory_space<vmem>> -> memref<64xf32, #tpu.memory_space<vmem>>
          %dma_wait3A_491 = arith.constant 0 : i32
          %dma_wait3A_492 = tpu.memref_slice %arg4[%dma_wait3A_491] : memref<1048576xf32, #tpu.memory_space<hbm>> -> memref<64xf32, #tpu.memory_space<hbm>>
          %dma_wait3A_493 = arith.constant 0 : i32
          %dma_wait3A_494 = tpu.memref_slice %arg10[%while3A_211, %dma_wait3A_493] : memref<448x64xf32, #tpu.memory_space<vmem>> -> memref<1x64xf32, #tpu.memory_space<vmem>>
          %dma_wait3A_495 = tpu.memref_squeeze %dma_wait3A_494 : memref<1x64xf32, #tpu.memory_space<vmem>> -> memref<64xf32, #tpu.memory_space<vmem>>
          %dma_wait3A_496 = arith.constant 0 : i32
          %dma_wait3A_497 = tpu.memref_slice %arg4[%dma_wait3A_496] : memref<1048576xf32, #tpu.memory_space<hbm>> -> memref<64xf32, #tpu.memory_space<hbm>>
          tpu.wait_dma2 semaphore(%arg13 : memref<!tpu.dma_semaphore, #tpu.memory_space<semaphore_mem>>) src(%dma_wait3A_497 : memref<64xf32, #tpu.memory_space<hbm>>) dst(%dma_wait3A_495 : memref<64xf32, #tpu.memory_space<vmem>>)
        } else {
        }
        %mul3A_464 = arith.constant 16 : i32
        %mul3A_465 = arith.muli %while3A_221, %mul3A_464 : i32
        %add3A_466 = arith.constant 13 : i32
        %add3A_467 = arith.addi %mul3A_465, %add3A_466 : i32
        %lt3A_468 = arith.cmpi slt, %add3A_467, %add3A_180 : i32
        %convert_element_type3A_469 = arith.extui %lt3A_468 : i1 to i32
        %cond3A_470 = arith.constant 0 : i32
        %cond3A_471 = arith.cmpi ne, %convert_element_type3A_469, %cond3A_470 : i32
        scf.if %cond3A_471 {
          %dma_wait3A_488 = arith.constant 0 : i32
          %dma_wait3A_489 = tpu.memref_slice %arg10[%while3A_211, %dma_wait3A_488] : memref<448x64xf32, #tpu.memory_space<vmem>> -> memref<1x64xf32, #tpu.memory_space<vmem>>
          %dma_wait3A_490 = tpu.memref_squeeze %dma_wait3A_489 : memref<1x64xf32, #tpu.memory_space<vmem>> -> memref<64xf32, #tpu.memory_space<vmem>>
          %dma_wait3A_491 = arith.constant 0 : i32
          %dma_wait3A_492 = tpu.memref_slice %arg4[%dma_wait3A_491] : memref<1048576xf32, #tpu.memory_space<hbm>> -> memref<64xf32, #tpu.memory_space<hbm>>
          %dma_wait3A_493 = arith.constant 0 : i32
          %dma_wait3A_494 = tpu.memref_slice %arg10[%while3A_211, %dma_wait3A_493] : memref<448x64xf32, #tpu.memory_space<vmem>> -> memref<1x64xf32, #tpu.memory_space<vmem>>
          %dma_wait3A_495 = tpu.memref_squeeze %dma_wait3A_494 : memref<1x64xf32, #tpu.memory_space<vmem>> -> memref<64xf32, #tpu.memory_space<vmem>>
          %dma_wait3A_496 = arith.constant 0 : i32
          %dma_wait3A_497 = tpu.memref_slice %arg4[%dma_wait3A_496] : memref<1048576xf32, #tpu.memory_space<hbm>> -> memref<64xf32, #tpu.memory_space<hbm>>
          tpu.wait_dma2 semaphore(%arg13 : memref<!tpu.dma_semaphore, #tpu.memory_space<semaphore_mem>>) src(%dma_wait3A_497 : memref<64xf32, #tpu.memory_space<hbm>>) dst(%dma_wait3A_495 : memref<64xf32, #tpu.memory_space<vmem>>)
        } else {
        }
        %mul3A_472 = arith.constant 16 : i32
        %mul3A_473 = arith.muli %while3A_221, %mul3A_472 : i32
        %add3A_474 = arith.constant 14 : i32
        %add3A_475 = arith.addi %mul3A_473, %add3A_474 : i32
        %lt3A_476 = arith.cmpi slt, %add3A_475, %add3A_180 : i32
        %convert_element_type3A_477 = arith.extui %lt3A_476 : i1 to i32
        %cond3A_478 = arith.constant 0 : i32
        %cond3A_479 = arith.cmpi ne, %convert_element_type3A_477, %cond3A_478 : i32
        scf.if %cond3A_479 {
          %dma_wait3A_488 = arith.constant 0 : i32
          %dma_wait3A_489 = tpu.memref_slice %arg10[%while3A_211, %dma_wait3A_488] : memref<448x64xf32, #tpu.memory_space<vmem>> -> memref<1x64xf32, #tpu.memory_space<vmem>>
          %dma_wait3A_490 = tpu.memref_squeeze %dma_wait3A_489 : memref<1x64xf32, #tpu.memory_space<vmem>> -> memref<64xf32, #tpu.memory_space<vmem>>
          %dma_wait3A_491 = arith.constant 0 : i32
          %dma_wait3A_492 = tpu.memref_slice %arg4[%dma_wait3A_491] : memref<1048576xf32, #tpu.memory_space<hbm>> -> memref<64xf32, #tpu.memory_space<hbm>>
          %dma_wait3A_493 = arith.constant 0 : i32
          %dma_wait3A_494 = tpu.memref_slice %arg10[%while3A_211, %dma_wait3A_493] : memref<448x64xf32, #tpu.memory_space<vmem>> -> memref<1x64xf32, #tpu.memory_space<vmem>>
          %dma_wait3A_495 = tpu.memref_squeeze %dma_wait3A_494 : memref<1x64xf32, #tpu.memory_space<vmem>> -> memref<64xf32, #tpu.memory_space<vmem>>
          %dma_wait3A_496 = arith.constant 0 : i32
          %dma_wait3A_497 = tpu.memref_slice %arg4[%dma_wait3A_496] : memref<1048576xf32, #tpu.memory_space<hbm>> -> memref<64xf32, #tpu.memory_space<hbm>>
          tpu.wait_dma2 semaphore(%arg13 : memref<!tpu.dma_semaphore, #tpu.memory_space<semaphore_mem>>) src(%dma_wait3A_497 : memref<64xf32, #tpu.memory_space<hbm>>) dst(%dma_wait3A_495 : memref<64xf32, #tpu.memory_space<vmem>>)
        } else {
        }
        %mul3A_480 = arith.constant 16 : i32
        %mul3A_481 = arith.muli %while3A_221, %mul3A_480 : i32
        %add3A_482 = arith.constant 15 : i32
        %add3A_483 = arith.addi %mul3A_481, %add3A_482 : i32
        %lt3A_484 = arith.cmpi slt, %add3A_483, %add3A_180 : i32
        %convert_element_type3A_485 = arith.extui %lt3A_484 : i1 to i32
        %cond3A_486 = arith.constant 0 : i32
        %cond3A_487 = arith.cmpi ne, %convert_element_type3A_485, %cond3A_486 : i32
        scf.if %cond3A_487 {
          %dma_wait3A_488 = arith.constant 0 : i32
          %dma_wait3A_489 = tpu.memref_slice %arg10[%while3A_211, %dma_wait3A_488] : memref<448x64xf32, #tpu.memory_space<vmem>> -> memref<1x64xf32, #tpu.memory_space<vmem>>
          %dma_wait3A_490 = tpu.memref_squeeze %dma_wait3A_489 : memref<1x64xf32, #tpu.memory_space<vmem>> -> memref<64xf32, #tpu.memory_space<vmem>>
          %dma_wait3A_491 = arith.constant 0 : i32
          %dma_wait3A_492 = tpu.memref_slice %arg4[%dma_wait3A_491] : memref<1048576xf32, #tpu.memory_space<hbm>> -> memref<64xf32, #tpu.memory_space<hbm>>
          %dma_wait3A_493 = arith.constant 0 : i32
          %dma_wait3A_494 = tpu.memref_slice %arg10[%while3A_211, %dma_wait3A_493] : memref<448x64xf32, #tpu.memory_space<vmem>> -> memref<1x64xf32, #tpu.memory_space<vmem>>
          %dma_wait3A_495 = tpu.memref_squeeze %dma_wait3A_494 : memref<1x64xf32, #tpu.memory_space<vmem>> -> memref<64xf32, #tpu.memory_space<vmem>>
          %dma_wait3A_496 = arith.constant 0 : i32
          %dma_wait3A_497 = tpu.memref_slice %arg4[%dma_wait3A_496] : memref<1048576xf32, #tpu.memory_space<hbm>> -> memref<64xf32, #tpu.memory_space<hbm>>
          tpu.wait_dma2 semaphore(%arg13 : memref<!tpu.dma_semaphore, #tpu.memory_space<semaphore_mem>>) src(%dma_wait3A_497 : memref<64xf32, #tpu.memory_space<hbm>>) dst(%dma_wait3A_495 : memref<64xf32, #tpu.memory_space<vmem>>)
        } else {
        }
      }
      "tpu.region"() ({
        %run_scoped3A = tpu.sem_alloc : memref<!tpu.dma_semaphore, #tpu.memory_space<semaphore_mem>>
        %dma_start3A_221 = arith.constant 0 : i32
        %dma_start3A_222 = arith.constant 0 : i32
        %dma_start3A_223 = tpu.memref_slice %arg10[%dma_start3A_221, %dma_start3A_222] : memref<448x64xf32, #tpu.memory_space<vmem>> -> memref<64x64xf32, #tpu.memory_space<vmem>>
        %dma_start3A_224 = arith.constant 999936 : i32
        %dma_start3A_225 = arith.constant 0 : i32
        %dma_start3A_226 = tpu.memref_slice %arg5[%dma_start3A_224, %dma_start3A_225] : memref<1000000x64xf32, #tpu.memory_space<hbm>> -> memref<64x64xf32, #tpu.memory_space<hbm>>
        %dma_start3A_227 = arith.constant 999936 : i32
        %dma_start3A_228 = arith.constant 0 : i32
        %dma_start3A_229 = tpu.memref_slice %arg5[%dma_start3A_227, %dma_start3A_228] : memref<1000000x64xf32, #tpu.memory_space<hbm>> -> memref<64x64xf32, #tpu.memory_space<hbm>>
        %dma_start3A_230 = arith.constant 0 : i32
        %dma_start3A_231 = arith.constant 0 : i32
        %dma_start3A_232 = tpu.memref_slice %arg10[%dma_start3A_230, %dma_start3A_231] : memref<448x64xf32, #tpu.memory_space<vmem>> -> memref<64x64xf32, #tpu.memory_space<vmem>>
        tpu.enqueue_dma source(%dma_start3A_232 : memref<64x64xf32, #tpu.memory_space<vmem>>) target(%dma_start3A_229 : memref<64x64xf32, #tpu.memory_space<hbm>>) target_semaphore(%run_scoped3A : memref<!tpu.dma_semaphore, #tpu.memory_space<semaphore_mem>>)
        %dma_wait3A_233 = arith.constant 0 : i32
        %dma_wait3A_234 = arith.constant 0 : i32
        %dma_wait3A_235 = tpu.memref_slice %arg10[%dma_wait3A_233, %dma_wait3A_234] : memref<448x64xf32, #tpu.memory_space<vmem>> -> memref<64x64xf32, #tpu.memory_space<vmem>>
        %dma_wait3A_236 = arith.constant 999936 : i32
        %dma_wait3A_237 = arith.constant 0 : i32
        %dma_wait3A_238 = tpu.memref_slice %arg5[%dma_wait3A_236, %dma_wait3A_237] : memref<1000000x64xf32, #tpu.memory_space<hbm>> -> memref<64x64xf32, #tpu.memory_space<hbm>>
        %dma_wait3A_239 = arith.constant 999936 : i32
        %dma_wait3A_240 = arith.constant 0 : i32
        %dma_wait3A_241 = tpu.memref_slice %arg5[%dma_wait3A_239, %dma_wait3A_240] : memref<1000000x64xf32, #tpu.memory_space<hbm>> -> memref<64x64xf32, #tpu.memory_space<hbm>>
        %dma_wait3A_242 = arith.constant 0 : i32
        %dma_wait3A_243 = arith.constant 0 : i32
        %dma_wait3A_244 = tpu.memref_slice %arg10[%dma_wait3A_242, %dma_wait3A_243] : memref<448x64xf32, #tpu.memory_space<vmem>> -> memref<64x64xf32, #tpu.memory_space<vmem>>
        tpu.wait_dma2 semaphore(%run_scoped3A : memref<!tpu.dma_semaphore, #tpu.memory_space<semaphore_mem>>) src(%dma_wait3A_244 : memref<64x64xf32, #tpu.memory_space<vmem>>) dst(%dma_wait3A_241 : memref<64x64xf32, #tpu.memory_space<hbm>>)
        tpu.yield
      }) : () -> ()
    } else {
    }
    return
  }
}

</mosaic_0001>

<sc_bundles>
// kernel: kernel.3.cloned.1.call-start
scs
__scs_entry_jumppad:
0x0: {  	(pc) =	sbr.rel $0x88, $3  }
0x1: {  	(tag) =	ssettag $0x0;
	lr =	simm.s32 $0x1  }
0x2: {  	[smem:$0x3F9E] =	sst lr;
	_ =	strace $0xD0000000  }
0x3: {  	_ = 	snop  }
0x4: {  	_ = 	snop  }
0x5: {  	_ = 	snop  }
0x6: {  	_ = 	snop  }
0x7: {  	_ = 	snop  }
__scs_overlays_trampoline_lowered:
0x8: {  	[smem:$0x3FAD] =	sst s0  }
0x9: {  	[smem:$0x3FAE] =	sst s1  }
0xa: {  	[smem:$0x3FAF] =	sst s2  }
0xb: {  	[smem:$0x3FB0] =	sst s3  }
0xc: {  	[smem:$0x3FB1] =	sst s4  }
0xd: {  	[smem:$0x3FB2] =	sst s5  }
0xe: {  	[smem:$0x3FB3] =	sst s6  }
0xf: {  	[smem:$0x3FB4] =	sst s7  }
0x10: {  	[smem:$0x3FB5] =	sst s8  }
0x11: {  	[smem:$0x3FB6] =	sst s9;
	s0 =	simm.s32 @!p0 $0x0  }
0x12: {  	s1 =	sld [smem:$0x3F9C];
	s0 =	simm.s32 @p0 $0x1  }
0x13: {  	[smem:$0x3FB7] =	sst s0;
	s0 =	simm.s32 @!p1 $0x0  }
0x14: {  	s2 =	sld [smem:$0x3F9B];
	s0 =	simm.s32 @p1 $0x1  }
0x15: {  	[smem:$0x3FB8] =	sst s0;
	s0 =	simm.s32 @!p2 $0x0  }
0x16: {  	s3 =	sld [smem:$0x3FDB];
	s0 =	simm.s32 @p2 $0x1  }
0x17: {  	s4 =	simm.s32 $0x1BF5;
	[smem:$0x3FBA] =	sst s0  }
0x18: {  	s0 =	sld [smem:$0x3F9D];
	_ =	swait.ge [sflag:s4], $0x0  }
0x19: {  	s7 =	sld [smem:$0x3F9E]  }
0x1a: {  	s8 =	sadd.s32 $0xFFFFE003, lr  }
0x1b: {  	s9 =	sadd.s32 $0xFFFFFEF7, lr;
	s5 =	simm.s32 $0xFFFFFFFF;
	p2 =	slt.u32 s8, $0xFFFFF086  }
0x1c: {  	p1 =	slt.u32 s9, $0xF7A;
	s5 =	simm.s32 @!p2 $0x0  }
0x1d: {  	s5 =	simm.s32 @p1 $0x1;
	p0 =	seq.s32 s7, s2  }
0x1e: {  	s7 =	smul.u32 @!p0 $0xF7A, s2;
	p2 =	seq.s32 @!p0 s5, $0x0  }
0x1f: {  	s9 =	smul.u32 $0xF7A, s1;
	s8 =	simm.s32 @!p0 $0x1BF5;
	p2 =	por !p2, p0  }
0x20: {  	[sflag:s8] =	ssyncset.s32 @!p0 $0xFFFFF086;
	s6 =	sadd.s32 @!p0 s3, s7;
	s7 =	simm.s32 @!p0 $0x108  }
0x21: {  	s3 =	sadd.s32 s3, s9;
	s6 =	sadd.s32 @!p0 $0x88, s6;
	s7 =	simm.s32 @p2 $0x1082  }
0x22: {  	[simem:s7], [sflag:s8] =	dma.local @!p0 [hbm:s6], $0xF7A  }
0x23: {  	s9 =	sor.u32 $0xD0000000, s2;
	s6 =	simm.s32 $0x108;
	_ =	swait.ge @!p0 [sflag:s8], $0x0  }
0x24: {  	s3 =	sadd.s32 $0x88, s3;
	s6 =	simm.s32 @!p1 $0x1082;
	[sflag:s4] =	ssyncset.s32 $0xFFFFF086  }
0x25: {  	[simem:s6], [sflag:s4] =	dma.local [hbm:s3], $0xF7A  }
0x26: {  	[smem:$0x3F9E] =	sst s1;
	(tag) =	ssettag s2;
	_ =	strace s9  }
0x27: {  	s1 =	sld [smem:$0x3FAE]  }
0x28: {  	s2 =	sld [smem:$0x3FAF]  }
0x29: {  	s4 =	sld [smem:$0x3FB1]  }
0x2a: {  	p0 =	seq.s32 s5, $0x0;
	s5 =	sld [smem:$0x3FB2]  }
0x2b: {  	s6 =	sld [smem:$0x3FB3]  }
0x2c: {  	s7 =	sld [smem:$0x3FB4]  }
0x2d: {  	s3 =	simm.s32 $0x108;
	s8 =	sld [smem:$0x3FB5]  }
0x2e: {  	s3 =	simm.s32 @!p0 $0x1082;
	s9 =	sld [smem:$0x3FB6]  }
0x2f: {  	lr =	sadd.s32 s0, s3;
	s0 =	sld [smem:$0x3FAD]  }
0x30: {  	s3 =	sld [smem:$0x3FB0]  }
0x31: {  	[smem:$0x3FB9] =	sst s10  }
0x32: {  	s10 =	sld [smem:$0x3FB7];
	_ =	sdelay $0x3  }
0x33: {  	p0 =	seq.s32 s10, $0x1;
	s10 =	sld [smem:$0x3FB9];
	_ =	sdelay $0x3  }
0x34: {  	[smem:$0x3FB9] =	sst s10  }
0x35: {  	s10 =	sld [smem:$0x3FB8];
	_ =	sdelay $0x3  }
0x36: {  	p1 =	seq.s32 s10, $0x1;
	s10 =	sld [smem:$0x3FB9];
	_ =	sdelay $0x3  }
0x37: {  	[smem:$0x3FB9] =	sst s10  }
0x38: {  	s10 =	sld [smem:$0x3FBA]  }
0x39: {  	_ = 	snop;
	(pc) =	sbr.ind lr, $3  }
0x3a: {  	_ = 	snop  }
0x3b: {  	_ = 	snop  }
0x3c: {  	p2 =	seq.s32 s10, $0x1;
	s10 =	sld [smem:$0x3FB9]  }
0x3d: {  	_ =	shalt  }
0x3e: {  	_ =	shalt  }
0x3f: {  	_ =	shalt  }
0x40: {  	_ =	shalt  }
0x41: {  	_ =	shalt  }
0x42: {  	_ =	shalt  }
0x43: {  	_ =	shalt  }
0x44: {  	_ =	shalt  }
0x45: {  	_ =	shalt  }
0x46: {  	_ =	shalt  }
0x47: {  	_ =	shalt  }
0x48: {  	_ =	shalt  }
0x49: {  	_ =	shalt  }
0x4a: {  	_ =	shalt  }
0x4b: {  	_ =	shalt  }
0x4c: {  	_ =	shalt  }
0x4d: {  	_ =	shalt  }
0x4e: {  	_ =	shalt  }
0x4f: {  	_ =	shalt  }
0x50: {  	_ =	shalt  }
0x51: {  	_ =	shalt  }
0x52: {  	_ =	shalt  }
0x53: {  	_ =	shalt  }
0x54: {  	_ =	shalt  }
0x55: {  	_ =	shalt  }
0x56: {  	_ =	shalt  }
0x57: {  	_ =	shalt  }
0x58: {  	_ =	shalt  }
0x59: {  	_ =	shalt  }
0x5a: {  	_ =	shalt  }
0x5b: {  	_ =	shalt  }
0x5c: {  	_ =	shalt  }
0x5d: {  	_ =	shalt  }
0x5e: {  	_ =	shalt  }
0x5f: {  	_ =	shalt  }
0x60: {  	_ =	shalt  }
0x61: {  	_ =	shalt  }
0x62: {  	_ =	shalt  }
0x63: {  	_ =	shalt  }
0x64: {  	_ =	shalt  }
0x65: {  	_ =	shalt  }
0x66: {  	_ =	shalt  }
0x67: {  	_ =	shalt  }
0x68: {  	_ =	shalt  }
0x69: {  	_ =	shalt  }
0x6a: {  	_ =	shalt  }
0x6b: {  	_ =	shalt  }
0x6c: {  	_ =	shalt  }
0x6d: {  	_ =	shalt  }
0x6e: {  	_ =	shalt  }
0x6f: {  	_ =	shalt  }
0x70: {  	_ =	shalt  }
0x71: {  	_ =	shalt  }
0x72: {  	_ =	shalt  }
0x73: {  	_ =	shalt  }
0x74: {  	_ =	shalt  }
0x75: {  	_ =	shalt  }
0x76: {  	_ =	shalt  }
0x77: {  	_ =	shalt  }
0x78: {  	_ =	shalt  }
0x79: {  	_ =	shalt  }
0x7a: {  	_ =	shalt  }
0x7b: {  	_ =	shalt  }
0x7c: {  	_ =	shalt  }
0x7d: {  	_ =	shalt  }
0x7e: {  	_ =	shalt  }
0x7f: {  	_ =	shalt  }
0x80: {  	_ =	shalt  }
0x81: {  	_ =	shalt  }
0x82: {  	_ =	shalt  }
0x83: {  	_ =	shalt  }
0x84: {  	_ =	shalt  }
0x85: {  	_ =	shalt  }
0x86: {  	_ =	shalt  }
0x87: {  	_ =	shalt  }
.Lfunc_end0:
.L_simem_size_0:
called_computation_lowered:
.L_overlay_start_0:
0x88: {  	s2 =	sld [smem:$0x3FD9]  }
0x89: {  	s3 =	sld [smem:$0x3FFE];
	_ =	sdelay $0x1  }
0x8a: {  	s1 =	srdreg.scid  }
0x8b: {  	s0 =	sand.u32 $0x1, s1  }
0x8c: {  	s17 =	sshll.u32 s0, $0xA;
	s2 =	sadd.s32 s3, s2  }
0x8d: {  	s2 =	sadd.s32 s2, s17  }
0x8e: {  	[smem:$0x3FC5] =	sst s2  }
0x8f: {  	_ = 	snop  }
0x90: {  	s2 =	sld [smem:$0x3FC8]  }
0x91: {  	s18 =	sld [smem:$0x3FD0];
	(tm) =	ssettm $0x1  }
0x92: {  	s4 =	sld [smem:$0x3FFB];
	_ =	sdelay $0x3  }
0x93: {  	_ =	strace s4  }
0x94: {  	s4 =	sld [smem:$0x3FFC];
	_ =	sdelay $0x3  }
0x95: {  	_ =	strace s4  }
0x96: {  	s4 =	sld [smem:$0x3FFD];
	_ =	sdelay $0x3  }
0x97: {  	_ =	strace s4  }
0x98: {  	_ =	strace $0x8FFFFFFF  }
0x99: {  	s19 =	sld [smem:$0x3FDB];
	_ =	sdelay $0x1  }
0x9a: {  	s5 =	simm.s32 $_scs_section_size  }
0x9b: {  	s6 =	simm.s32 $_size__tile_overlayer_lowered;
	s7 =	simm.s32 $_tile_overlayer_lowered  }
0x9c: {  	s22 =	simm.s32 $0x1BFF;
	s21 =	sshll.u32 s7, $0x1;
	s4 =	sadd.s32 s5, s19  }
0x9d: {  	s8 =	simm.s32 $0x0;
	s20 =	sshll.u32 s6, $0x1;
	s6 =	sadd.s32 s21, s4  }
0x9e: {  	[timem:s8], [sflag:s22] =	dma.local [hbm:s6], s20  }
0x9f: {  	_ =	swait.ge [sflag:s22], s20  }
0xa0: {  	s5 =	ssub.s32 $0x0, s20;
	[sflag:s22] =	ssyncset.done $0x0  }
0xa1: {  	[sflag:s22] =	ssyncadd.s32 s5;
	_ =	sdelay $0x1  }
0xa2: {  	s23 =	simm.s32 $0x1B8B  }
0xa3: {  	_ =	swait.ge [sflag:s23], $0x1  }
0xa4: {  	[sflag:s23] =	ssyncset.done $0x0  }
0xa5: {  	s25 =	simm.s32 $0x1B8E;
	s24 =	sld [smem:$0x3FFE];
	[sflag:s23] =	ssyncadd.s32 $0xFFFFFFFF  }
0xa6: {  	s26 =	simm.s32 $execute0_lowered;
	[smem:$0x3FD2] =	sst s25  }
0xa7: {  	s6 =	sshll.u32 s26, $0x1;
	_ =	strace $0x80000046;
	[dreg:$0x1] =	wrdreg $0xFFFFFFFF  }
0xa8: {  	s28 =	simm.s32 $_size_execute0_lowered;
	s4 =	sadd.s32 s4, s6;
	[dreg:$0x0] =	wrdreg $0x0  }
0xa9: {  	s6 =	sshll.u32 s28, $0x1;
	[dreg:$0x2] =	wrdreg s4  }
0xaa: {  	[dreg:$0x3] =	wrdreg s6  }
0xab: {  	[dreg:$0x4] =	wrdreg $0xC0  }
0xac: {  	_ =	task [dreg:s8], $0x5FFFF  }
0xad: {  	[dreg:$0x1] =	wrdreg $0xFFFFFFFF  }
0xae: {  	[dreg:$0x0] =	wrdreg $0x60  }
0xaf: {  	[dreg:$0x2] =	wrdreg s24  }
0xb0: {  	[dreg:$0x3] =	wrdreg s2  }
0xb1: {  	[dreg:$0x4] =	wrdreg s18  }
0xb2: {  	[dreg:$0x5] =	wrdreg $0x9  }
0xb3: {  	_ =	task.clear_ibuf [dreg:s8], $0x6FFFF;
	_ =	strace $0x90000046  }
0xb4: {  	s29 =	simm.s32 $0x9;
	_ =	strace $0x80000048  }
0xb5: {  	_ =	swait.ge [sflag:s29], $0x1  }
0xb6: {  	[sflag:s29] =	ssyncadd.s32 $0xFFFFFFFF  }
0xb7: {  	_ =	strace $0x90000048  }
0xb8: {  	_ =	sfence  }
0xb9: {  	s30 =	sld [smem:$0x0];
	_ =	sdelay $0x2  }
0xba: {  	s31 =	sshll.u32 s1, $0xD;
	s1 =	sshrl.u32 s1, $0x2  }
0xbb: {  	s3 =	sand.u32 $0x4000, s31;
	s1 =	sadd.s32 s1, s30  }
0xbc: {  	s0 =	sor.u32 s3, s0;
	s1 =	sshll.u32 s1, $0x11  }
0xbd: {  	s0 =	sor.u32 s1, s0  }
0xbe: {  	s0 =	sadd.s32 $0x8F2B, s0  }
0xbf: {  	[sflag:s0] =	ssyncadd.remote.s32 $0x1  }
0xc0: {  	_ =	sfence.sel $0xFFFF  }
0xc1: {  	[dreg:$0x0] =	wrdreg $0xFFFFFFFF;
	(pc) =	sbr.abs _section_cstart, $3  }
0xc2: {  	[dreg:$0x1] =	wrdreg $0xFFFFFFFF  }
0xc3: {  	_ =	task.clear_ibuf [dreg:s8], $0x2FFFF;
	_ =	strace $0x9FFFFFFF  }
0xc4: {  	(tm) =	ssettm $0x7FFFFFFF  }
0xc5: {  	_ =	shalt  }
tec
execute0_lowered:
.L_overlay_start_1:
0x0: {  	(tag) =	ssettag $0x1  }
0x1: {  	s0 =	rddreg [dreg:$0x0]  }
0x2: {  	s22 =	rddreg [dreg:$0x2]  }
0x3: {  	s6 =	simm.s32 $0x0;
	s1 =	srdreg.scid;
	s2 =	stileid.u32  }
0x4: {  	s8 =	simm.s32 $0xBA80;
	[smem:$0x7FF] =	sst s6;
	s1 =	sand.u32 $0x1, s1  }
0x5: {  	s2 =	sshll.u32 s2, $0x1;
	s23 =	sadd.s32 $0x400, s0;
	s4 =	sadd.s32 $0xF42800, s0  }
0x6: {  	s29 =	sadd.s32 $0x1900, s0;
	_ =	strace $0x80000047;
	[dreg:$0x17] =	wrdreg s4  }
0x7: {  	s30 =	sadd.s32 $0xF42400, s0;
	s5 =	sor.u32 s1, s2;
	[dreg:$0x1c] =	wrdreg s29  }
0x8: {  	s0 =	sadd.s32 $0x1E84800, s0;
	[dreg:$0x1d] =	wrdreg s30;
	s3 =	smul.u32 $0x3D0800, s5  }
0x9: {  	s1 =	ssub.s32 $0x2, s1;
	[dreg:$0x1e] =	wrdreg s0;
	s7 =	smul.u32 $0x7A10, s5  }
0xa: {  	s24 =	sshrl.u32 s1, $0x1;
	s25 =	smul.u32 $0x7A100, s5;
	[dreg:$0x16] =	wrdreg s5  }
0xb: {  	p0 =	seq.s32 s5, $0x1F;
	s1 =	ssub.s32 s1, s24;
	s3 =	sshrl.u32 s3, $0x3  }
.Ltmp0:
0xc: {  	s2 =	sadd.s32 s23, s25;
	[dreg:$0x18] =	wrdreg s7;
	(pc) =	sbr.rel .LBB2_1-.Ltmp0, $4  }
0xd: {  	s31 =	smax.u32 s1, $0x1;
	s3 =	sadd.s32 s23, s3;
	[dreg:$0x19] =	wrdreg s2  }
0xe: {  	s5 =	sadd.s32 $0x7A10, s7;
	[dreg:$0x1f] =	wrdreg s31;
	s26 =	sadd.s32 $0x700, s3  }
0xf: {  	v2 =	vimm.s32 $0xFFFFFFFF;
	v3 =	vlaneseq.u32;
	s5 =	simm.s32 @p0 $0xF4240;
	s28 =	sadd.s32 $0xE00, s3;
	[dreg:$0x1a] =	wrdreg s26  }
0x10: {  	s9 =	simm.s32 $0x4000;
	v4 =	vimm.s32 $0x0;
	v0 =	vmov s7;
	s1 =	simm.s32 $0x0;
	v1 =	vmov s5;
	[dreg:$0x1b] =	wrdreg s28  }
.LBB2_18:
0x11: {  	_ =	swait.ge @!p0 [sflag:s0], $0x40  }
0x12: {  	s25 =	sld [smem:$0x7DA];
	_ =	sdelay $0x1  }
0x13: {  	[sflag:s0] =	ssyncset.done @!p0 $0x0  }
0x14: {  	[sflag:s0] =	ssyncadd.s32 @!p0 $0xFFFFFFC0;
	p0 =	seq.s32 s25, $0x1  }
0x15: {  	s0 =	simm.s32 @!p0 $0x3  }
0x16: {  	_ =	swait.ge @!p0 [sflag:s0], $0x40  }
0x17: {  	s26 =	sld [smem:$0x7DC];
	_ =	sdelay $0x1  }
0x18: {  	[sflag:s0] =	ssyncset.done @!p0 $0x0  }
0x19: {  	[sflag:s0] =	ssyncadd.s32 @!p0 $0xFFFFFFC0;
	p0 =	seq.s32 s26, $0x1  }
0x1a: {  	s0 =	simm.s32 @!p0 $0x3  }
0x1b: {  	_ =	swait.ge @!p0 [sflag:s0], $0x40  }
0x1c: {  	s28 =	sld [smem:$0x7DD];
	_ =	sdelay $0x1  }
0x1d: {  	[sflag:s0] =	ssyncset.done @!p0 $0x0  }
0x1e: {  	[sflag:s0] =	ssyncadd.s32 @!p0 $0xFFFFFFC0;
	p0 =	seq.s32 s28, $0x1  }
0x1f: {  	s0 =	simm.s32 @!p0 $0x3  }
0x20: {  	_ =	swait.ge @!p0 [sflag:s0], $0x40  }
0x21: {  	[sflag:s0] =	ssyncset.done @!p0 $0x0  }
0x22: {  	[sflag:s0] =	ssyncadd.s32 @!p0 $0xFFFFFFC0;
	s0 =	simm.s32 @!p2 $0x3  }
0x23: {  	_ =	swait.ge @!p2 [sflag:s0], $0x40  }
0x24: {  	s29 =	sld [smem:$0x7DB];
	_ =	sdelay $0x2  }
0x25: {  	[sflag:s0] =	ssyncset.done @!p2 $0x0;
	p0 =	seq.s32 s29, $0x1  }
0x26: {  	[sflag:s0] =	ssyncadd.s32 @!p2 $0xFFFFFFC0;
	s0 =	simm.s32 @!p0 $0x3  }
0x27: {  	_ =	swait.ge @!p0 [sflag:s0], $0x40  }
0x28: {  	s30 =	sld [smem:$0x7DE];
	_ =	sdelay $0x1  }
0x29: {  	[sflag:s0] =	ssyncset.done @!p0 $0x0  }
0x2a: {  	[sflag:s0] =	ssyncadd.s32 @!p0 $0xFFFFFFC0;
	p0 =	seq.s32 s30, $0x1  }
0x2b: {  	s0 =	simm.s32 @!p0 $0x3  }
0x2c: {  	_ =	swait.ge @!p0 [sflag:s0], $0x40  }
0x2d: {  	[sflag:s0] =	ssyncset.done @!p0 $0x0  }
0x2e: {  	[sflag:s0] =	ssyncadd.s32 @!p0 $0xFFFFFFC0;
	s0 =	simm.s32 @!p4 $0x3  }
0x2f: {  	_ =	swait.ge @!p4 [sflag:s0], $0x40  }
0x30: {  	s31 =	sld [smem:$0x7DF];
	_ =	sdelay $0x2  }
0x31: {  	[sflag:s0] =	ssyncset.done @!p4 $0x0;
	p0 =	seq.s32 s31, $0x1  }
0x32: {  	[sflag:s0] =	ssyncadd.s32 @!p4 $0xFFFFFFC0;
	s0 =	simm.s32 @!p0 $0x3  }
0x33: {  	_ =	swait.ge @!p0 [sflag:s0], $0x40  }
0x34: {  	s6 =	simm.s32 $0x0;
	[sflag:s0] =	ssyncset.done @!p0 $0x0  }
0x35: {  	s8 =	simm.s32 $0xBA80;
	s9 =	simm.s32 $0x4000;
	[sflag:s0] =	ssyncadd.s32 @!p0 $0xFFFFFFC0  }
.LBB2_19:
0x36: {  	s0 =	rddreg [dreg:$0x1e];
	s1 =	simm.s32 $0xFB00;
	s31 =	simm.s32 $0x4  }
0x37: {  	[hbm4b:s0+s6] =	stream.linear.scatter [tilespmem:s1], [sflag:$0x4], $0x2000, $0x38;
	[tilespmem:$0x1DB00] =	vst v63  }
0x38: {  	_ =	swait.ge [sflag:s31], $0x2000  }
0x39: {  	[sflag:s31] =	ssyncset.done $0x0  }
0x3a: {  	s1 =	sld [smem:$0x7FD];
	[sflag:s31] =	ssyncadd.s32 $0xFFFFE000  }
.LBB2_20:
0x3b: {  	_ =	sdelay $0x1  }
0x3c: {  	s0 =	rddreg [dreg:$0x1f];
	s1 =	sadd.s32 $0x1, s1  }
0x3d: {  	p0 =	sne.s32 s1, s0  }
.Ltmp1:
0x3e: {  	_ = 	snop;
	(pc) =	sbr.rel @!p0 .LBB2_21-.Ltmp1, $1  }
0x3f: {  	_ =	sdelay $0x3  }
.LBB2_1:
0x40: {  	s0 =	rddreg [dreg:$0x1]  }
0x41: {  	[tilespmem:s6], [sflag:$0x1] =	stream.linear.gather [hbm4b:s0+s6], $0x4000, $0x38;
	[tilespmem:$0x1DB00] =	vst v63  }
0x42: {  	[smem:$0x7FD] =	sst s1;
	s1 =	simm.s32 $0x0;
	s0 =	simm.s32 $0x40  }
.LBB2_2:
0x43: {  	p0 =	sne.s32 s0, $0x1E900;
	[tilespmem:s1+$0x4000] =	vst v2;
	s1 =	smov.u32 s0;
	s0 =	sadd.s32 $0x40, s0  }
.Ltmp2:
0x44: {  	(pc) =	sbr.rel @p0 .LBB2_2-.Ltmp2, $2  }
0x45: {  	_ =	sdelay $0x2  }
0x46: {  	s1 =	sshra.s32 s1, $0x2  }
0x47: {  	[tilespmem:s1+$0x4000] =	vst v2;
	s0 =	simm.s32 $0x1  }
0x48: {  	_ =	swait.ge [sflag:s0], $0x4000  }
0x49: {  	[sflag:s0] =	ssyncset.done $0x0  }
0x4a: {  	s1 =	simm.s32 $0x0;
	[sflag:s0] =	ssyncadd.s32 $0xFFFFC000  }
0x4b: {  	v5 =	vld [tilespmem:s1+$0x0];
	_ =	sdelay $0x4  }
0x4c: {  	vm0 =	vge.s32 v5, v0;
	vm1 =	vlt.s32 v5, v1  }
0x4d: {  	vm0 =	vmand vm0, vm1  }
0x4e: {  	v6 =	vsel vm0, $0x1, v4  }
0x4f: {  	(xrf0) =	vadd.scan.msk.s32 $0xffff, v6;
	_ =	sdelay $0x2  }
0x50: {  	v6 =	vmov s1  }
0x51: {  	v6 =	vadd.s32 $0xFFFFFFFF, v6  }
0x52: {  	v6 =	vbroadcast v6, $0x0  }
0x53: {  	v7, _, _ =	vpop (xrf0)  }
0x54: {  	v5 =	vsub.s32 v5, v0;
	v6 =	vadd.s32 v7, v6;
	(v2sf) =	vpush v7, $0xF  }
0x55: {  	v5 =	vshll.u32 v5, $0xE  }
0x56: {  	v5 =	vnsel vm0, $0x0, v5  }
0x57: {  	v5 =	vor.u32 s1, v5  }
0x58: {  	v5 =	vor.u32 v3, v5  }
0x59: {  	s0 =	simm.s32 $0x10;
	[tilespmem:v6+s8+$0x0] =	vst.idx.msk vm0, v5  }
0x5a: {  	s2 =	simm.s32 $0x20;
	s3 =	simm.s32 $0x10;
	v5 =	vld [tilespmem:s0+$0x0]  }
.LBB2_4:
0x5b: {  	p0 =	sne.s32 s2, $0x3FF0;
	_ =	sdelay $0x3  }
0x5c: {  	vm0 =	vge.s32 v5, v0;
	vm1 =	vlt.s32 v5, v1;
	v5 =	vsub.s32 v5, v0  }
0x5d: {  	vm0 =	vmand vm0, vm1;
	v5 =	vshll.u32 v5, $0xE  }
0x5e: {  	v5 =	vnsel vm0, $0x0, v5;
	v6 =	vsel vm0, $0x1, v4  }
0x5f: {  	(xrf0) =	vadd.scan.msk.s32 $0xffff, v6  }
0x60: {  	s4 =	spop (v2sf)  }
0x61: {  	s1 =	sadd.s32 s1, s4  }
0x62: {  	v6 =	vmov s1  }
0x63: {  	v6 =	vadd.s32 $0xFFFFFFFF, v6  }
0x64: {  	v6 =	vbroadcast v6, $0x0  }
0x65: {  	v7, _, _ =	vpop (xrf0)  }
0x66: {  	v6 =	vadd.s32 v7, v6;
	(v2sf) =	vpush v7, $0xF;
	_ =	sdelay $0x1  }
.Ltmp3:
0x67: {  	(pc) =	sbr.rel @p0 .LBB2_4-.Ltmp3, $4  }
0x68: {  	v5 =	vor.u32 s0, v5;
	s0 =	smov.u32 s2  }
0x69: {  	v5 =	vor.u32 v3, v5  }
0x6a: {  	s3 =	sadd.s32 $0x10, s3;
	[tilespmem:v6+s8+$0x0] =	vst.idx.msk vm0, v5  }
0x6b: {  	s2 =	sadd.s32 $0x10, s2;
	v5 =	vld [tilespmem:s3+$0x0]  }
0x6c: {  	_ =	sdelay $0x3  }
0x6d: {  	vm0 =	vge.s32 v5, v0;
	vm1 =	vlt.s32 v5, v1  }
0x6e: {  	vm0 =	vmand vm0, vm1  }
0x6f: {  	v6 =	vsel vm0, $0x1, v4  }
0x70: {  	(xrf0) =	vadd.scan.msk.s32 $0xffff, v6;
	_ =	sdelay $0x5  }
0x71: {  	v6, _, _ =	vpop (xrf0)  }
0x72: {  	(v2sf) =	vpush v6, $0xF;
	_ =	sdelay $0xd  }
0x73: {  	s2 =	spop (v2sf)  }
0x74: {  	s1 =	sadd.s32 s1, s2;
	s30 =	spop (v2sf)  }
0x75: {  	v7 =	vmov s1;
	s1 =	sadd.s32 s1, s30  }
0x76: {  	s2 =	sadd.s32 $0xF, s1  }
0x77: {  	s3 =	sand.u32 $0xF, s2  }
0x78: {  	s31 =	sshra.s32 s2, $0x1F;
	p1 =	slt.s32 s2, $0x1;
	p0 =	sne.s32 s3, $0x0  }
0x79: {  	v5 =	vsub.s32 v5, v0;
	s3 =	sshrl.u32 s31, $0x1C;
	p0 =	por !p1, !p0  }
0x7a: {  	v5 =	vshll.u32 v5, $0xE;
	v7 =	vadd.s32 $0xFFFFFFFF, v7;
	s2 =	sadd.s32 s3, s2;
	s3 =	simm.s32 $0x1;
	p0 =	por !p0, !p0  }
0x7b: {  	v5 =	vnsel vm0, $0x0, v5;
	v7 =	vbroadcast v7, $0x0;
	s2 =	sshra.s32 s2, $0x4;
	s3 =	simm.s32 @!p0 $0x0  }
0x7c: {  	v5 =	vor.u32 s0, v5;
	s0 =	ssub.s32 s2, s3  }
0x7d: {  	v6 =	vadd.s32 v6, v7;
	p0 =	slt.s32 s0, $0x1  }
.Ltmp4:
0x7e: {  	_ = 	snop;
	(pc) =	sbr.rel @p0 .LBB2_8-.Ltmp4, $3  }
0x7f: {  	_ =	sdelay $0x1  }
0x80: {  	v5 =	vor.u32 v3, v5  }
0x81: {  	[tilespmem:v6+s8+$0x0] =	vst.idx.msk vm0, v5  }
0x82: {  	v5 =	vmov s1;
	s1 =	simm.s32 $0xBA80;
	s2 =	simm.s32 $0x0  }
.LBB2_7:
0x83: {  	v6 =	vld [tilespmem:s1+$0x0];
	_ =	sdelay $0x3  }
0x84: {  	v7 =	vor.u32 s2, v3  }
0x85: {  	vm0 =	vlt.s32 v7, v5;
	v7 =	vshrl.u32 v6, $0xE  }
0x86: {  	v7 =	vnsel vm0, $0x0, v7;
	_ =	sdelay $0x4  }
0x87: {  	[tilespmem:v7+s9+$0x0] =	vst.idx.msk vm0, v6  }
0x88: {  	v8 =	vld.idx.msk [tilespmem:v7+s9+$0x0], vm0;
	_ =	sdelay $0x4  }
0x89: {  	vm1 =	vgt.s32 v6, v8  }
0x8a: {  	vm1 =	vmand vm0, vm1;
	_ =	sdelay $0x5  }
0x8b: {  	[tilespmem:v7+s9+$0x0] =	vst.idx.msk vm1, v6  }
0x8c: {  	v50 =	vld.idx.msk [tilespmem:v7+s9+$0x0], vm0;
	_ =	sdelay $0x4  }
0x8d: {  	vm14 =	vgt.s32 v6, v50  }
0x8e: {  	vm1 =	vmand vm0, vm14;
	_ =	sdelay $0x5  }
0x8f: {  	[tilespmem:v7+s9+$0x0] =	vst.idx.msk vm1, v6  }
0x90: {  	v51 =	vld.idx.msk [tilespmem:v7+s9+$0x0], vm0;
	_ =	sdelay $0x4  }
0x91: {  	vm15 =	vgt.s32 v6, v51  }
0x92: {  	vm1 =	vmand vm0, vm15;
	_ =	sdelay $0x5  }
0x93: {  	[tilespmem:v7+s9+$0x0] =	vst.idx.msk vm1, v6  }
0x94: {  	v52 =	vld.idx.msk [tilespmem:v7+s9+$0x0], vm0;
	_ =	sdelay $0x4  }
0x95: {  	vm4 =	vgt.s32 v6, v52  }
0x96: {  	vm1 =	vmand vm0, vm4;
	_ =	sdelay $0x5  }
0x97: {  	[tilespmem:v7+s9+$0x0] =	vst.idx.msk vm1, v6  }
0x98: {  	v53 =	vld.idx.msk [tilespmem:v7+s9+$0x0], vm0;
	_ =	sdelay $0x4  }
0x99: {  	vm5 =	vgt.s32 v6, v53  }
0x9a: {  	vm1 =	vmand vm0, vm5;
	_ =	sdelay $0x5  }
0x9b: {  	[tilespmem:v7+s9+$0x0] =	vst.idx.msk vm1, v6  }
0x9c: {  	v54 =	vld.idx.msk [tilespmem:v7+s9+$0x0], vm0;
	_ =	sdelay $0x4  }
0x9d: {  	vm6 =	vgt.s32 v6, v54  }
0x9e: {  	vm1 =	vmand vm0, vm6;
	_ =	sdelay $0x5  }
0x9f: {  	[tilespmem:v7+s9+$0x0] =	vst.idx.msk vm1, v6  }
0xa0: {  	v55 =	vld.idx.msk [tilespmem:v7+s9+$0x0], vm0;
	_ =	sdelay $0x4  }
0xa1: {  	vm7 =	vgt.s32 v6, v55  }
0xa2: {  	vm1 =	vmand vm0, vm7;
	_ =	sdelay $0x5  }
0xa3: {  	[tilespmem:v7+s9+$0x0] =	vst.idx.msk vm1, v6  }
0xa4: {  	v56 =	vld.idx.msk [tilespmem:v7+s9+$0x0], vm0;
	_ =	sdelay $0x4  }
0xa5: {  	vm8 =	vgt.s32 v6, v56  }
0xa6: {  	vm1 =	vmand vm0, vm8;
	_ =	sdelay $0x5  }
0xa7: {  	[tilespmem:v7+s9+$0x0] =	vst.idx.msk vm1, v6  }
0xa8: {  	v57 =	vld.idx.msk [tilespmem:v7+s9+$0x0], vm0;
	_ =	sdelay $0x4  }
0xa9: {  	vm9 =	vgt.s32 v6, v57  }
0xaa: {  	vm1 =	vmand vm0, vm9;
	_ =	sdelay $0x5  }
0xab: {  	[tilespmem:v7+s9+$0x0] =	vst.idx.msk vm1, v6  }
0xac: {  	v58 =	vld.idx.msk [tilespmem:v7+s9+$0x0], vm0;
	_ =	sdelay $0x4  }
0xad: {  	vm10 =	vgt.s32 v6, v58  }
0xae: {  	vm1 =	vmand vm0, vm10;
	_ =	sdelay $0x5  }
0xaf: {  	[tilespmem:v7+s9+$0x0] =	vst.idx.msk vm1, v6  }
0xb0: {  	v59 =	vld.idx.msk [tilespmem:v7+s9+$0x0], vm0;
	_ =	sdelay $0x4  }
0xb1: {  	vm11 =	vgt.s32 v6, v59  }
0xb2: {  	vm1 =	vmand vm0, vm11;
	_ =	sdelay $0x5  }
0xb3: {  	[tilespmem:v7+s9+$0x0] =	vst.idx.msk vm1, v6  }
0xb4: {  	v60 =	vld.idx.msk [tilespmem:v7+s9+$0x0], vm0;
	_ =	sdelay $0x4  }
0xb5: {  	vm12 =	vgt.s32 v6, v60  }
0xb6: {  	vm1 =	vmand vm0, vm12;
	_ =	sdelay $0x5  }
0xb7: {  	[tilespmem:v7+s9+$0x0] =	vst.idx.msk vm1, v6  }
0xb8: {  	v61 =	vld.idx.msk [tilespmem:v7+s9+$0x0], vm0;
	_ =	sdelay $0x4  }
0xb9: {  	vm13 =	vgt.s32 v6, v61  }
0xba: {  	vm1 =	vmand vm0, vm13;
	_ =	sdelay $0x5  }
0xbb: {  	[tilespmem:v7+s9+$0x0] =	vst.idx.msk vm1, v6  }
0xbc: {  	v62 =	vld.idx.msk [tilespmem:v7+s9+$0x0], vm0;
	_ =	sdelay $0x4  }
0xbd: {  	vm14 =	vgt.s32 v6, v62  }
0xbe: {  	vm1 =	vmand vm0, vm14;
	_ =	sdelay $0x5  }
0xbf: {  	[tilespmem:v7+s9+$0x0] =	vst.idx.msk vm1, v6  }
0xc0: {  	v63 =	vld.idx.msk [tilespmem:v7+s9+$0x0], vm0;
	_ =	sdelay $0x4  }
0xc1: {  	vm15 =	vgt.s32 v6, v63  }
0xc2: {  	vm0 =	vmand vm0, vm15  }
0xc3: {  	p0 =	sne.s32 s0, $0x1  }
.Ltmp5:
0xc4: {  	_ = 	snop;
	(pc) =	sbr.rel @p0 .LBB2_7-.Ltmp5, $2  }
0xc5: {  	_ =	sdelay $0x2  }
0xc6: {  	s1 =	sadd.s32 $0x10, s1;
	s2 =	sadd.s32 $0x10, s2;
	s0 =	sadd.s32 $0xFFFFFFFF, s0;
	[tilespmem:v7+s9+$0x0] =	vst.idx.msk vm0, v6  }
.LBB2_8:
0xc7: {  	s5 =	simm.s32 $0x0;
	s0 =	rddreg [dreg:$0x19];
	s1 =	simm.s32 $0xFB00  }
0xc8: {  	[tilespmem:s1], [sflag:$0x1] =	stream.linear.gather [hbm4b:s0+s5], $0x3800, $0x38;
	[tilespmem:$0x1DB00] =	vst v63  }
.Ltmp6:
0xc9: {  	_ = 	snop;
	(pc) =	sbr.rel .LBB2_9-.Ltmp6, $4  }
0xca: {  	s28 =	rddreg [dreg:$0x1a];
	s29 =	simm.s32 $0x13300  }
0xcb: {  	[tilespmem:s29], [sflag:$0x1] =	stream.linear.gather [hbm4b:s28+s5], $0x3800, $0x38;
	[tilespmem:$0x1DB00] =	vst v63  }
0xcc: {  	s30 =	rddreg [dreg:$0x1b];
	s31 =	simm.s32 $0x16B00  }
0xcd: {  	[tilespmem:s31], [sflag:$0x1] =	stream.linear.gather [hbm4b:s30+s5], $0x3800, $0x38;
	[tilespmem:$0x1DB00] =	vst v63  }
.LBB2_12:
0xce: {  	[sflag:s3] =	ssyncadd.s32 @!p6 $0xFFFFFFC0  }
0xcf: {  	_ =	swait.ge @!p1 [sflag:s1], $0x40  }
0xd0: {  	s0 =	sld [smem:$0x7EE];
	_ =	sdelay $0x2  }
0xd1: {  	[sflag:s1] =	ssyncset.done @!p1 $0x0;
	p0 =	seq.s32 s0, $0x1  }
0xd2: {  	[sflag:s1] =	ssyncadd.s32 @!p1 $0xFFFFFFC0;
	s0 =	simm.s32 @!p0 $0x3  }
0xd3: {  	_ =	swait.ge @!p0 [sflag:s0], $0x40  }
0xd4: {  	s21 =	sld [smem:$0x7EF];
	_ =	sdelay $0x1  }
0xd5: {  	[sflag:s0] =	ssyncset.done @!p0 $0x0  }
0xd6: {  	[sflag:s0] =	ssyncadd.s32 @!p0 $0xFFFFFFC0;
	p0 =	seq.s32 s21, $0x1  }
0xd7: {  	s0 =	simm.s32 @!p0 $0x3  }
0xd8: {  	_ =	swait.ge @!p0 [sflag:s0], $0x40  }
0xd9: {  	s23 =	sld [smem:$0x7F1];
	_ =	sdelay $0x1  }
0xda: {  	[sflag:s0] =	ssyncset.done @!p0 $0x0  }
0xdb: {  	[sflag:s0] =	ssyncadd.s32 @!p0 $0xFFFFFFC0;
	p0 =	seq.s32 s23, $0x1  }
0xdc: {  	s0 =	simm.s32 @!p0 $0x3  }
0xdd: {  	_ =	swait.ge @!p0 [sflag:s0], $0x40  }
0xde: {  	s24 =	sld [smem:$0x7F0];
	_ =	sdelay $0x1  }
0xdf: {  	[sflag:s0] =	ssyncset.done @!p0 $0x0  }
0xe0: {  	[sflag:s0] =	ssyncadd.s32 @!p0 $0xFFFFFFC0;
	p0 =	seq.s32 s24, $0x1  }
0xe1: {  	s0 =	simm.s32 @!p0 $0x3  }
0xe2: {  	_ =	swait.ge @!p0 [sflag:s0], $0x40  }
0xe3: {  	s25 =	sld [smem:$0x7ED];
	_ =	sdelay $0x1  }
0xe4: {  	[sflag:s0] =	ssyncset.done @!p0 $0x0  }
0xe5: {  	[sflag:s0] =	ssyncadd.s32 @!p0 $0xFFFFFFC0;
	p0 =	seq.s32 s25, $0x1  }
0xe6: {  	s0 =	simm.s32 @!p0 $0x3  }
0xe7: {  	_ =	swait.ge @!p0 [sflag:s0], $0x40  }
0xe8: {  	[sflag:s0] =	ssyncset.done @!p0 $0x0  }
0xe9: {  	[sflag:s0] =	ssyncadd.s32 @!p0 $0xFFFFFFC0;
	s0 =	simm.s32 @!p5 $0x3  }
0xea: {  	_ =	swait.ge @!p5 [sflag:s0], $0x40  }
0xeb: {  	[sflag:s0] =	ssyncset.done @!p5 $0x0  }
0xec: {  	[sflag:s0] =	ssyncadd.s32 @!p5 $0xFFFFFFC0;
	s0 =	simm.s32 @!p3 $0x3  }
0xed: {  	_ =	swait.ge @!p3 [sflag:s0], $0x40  }
0xee: {  	s26 =	sld [smem:$0x7F4];
	_ =	sdelay $0x2  }
0xef: {  	[sflag:s0] =	ssyncset.done @!p3 $0x0;
	p0 =	seq.s32 s26, $0x1  }
0xf0: {  	[sflag:s0] =	ssyncadd.s32 @!p3 $0xFFFFFFC0;
	s0 =	simm.s32 @!p0 $0x3  }
0xf1: {  	_ =	swait.ge @!p0 [sflag:s0], $0x40  }
0xf2: {  	s28 =	sld [smem:$0x7F6];
	_ =	sdelay $0x1  }
0xf3: {  	[sflag:s0] =	ssyncset.done @!p0 $0x0  }
0xf4: {  	[sflag:s0] =	ssyncadd.s32 @!p0 $0xFFFFFFC0;
	p0 =	seq.s32 s28, $0x1  }
0xf5: {  	s0 =	simm.s32 @!p0 $0x3  }
0xf6: {  	_ =	swait.ge @!p0 [sflag:s0], $0x40  }
0xf7: {  	s29 =	sld [smem:$0x7F7];
	_ =	sdelay $0x1  }
0xf8: {  	[sflag:s0] =	ssyncset.done @!p0 $0x0  }
0xf9: {  	[sflag:s0] =	ssyncadd.s32 @!p0 $0xFFFFFFC0;
	p0 =	seq.s32 s29, $0x1  }
0xfa: {  	s0 =	simm.s32 @!p0 $0x3  }
0xfb: {  	_ =	swait.ge @!p0 [sflag:s0], $0x40  }
0xfc: {  	s30 =	sld [smem:$0x7F3];
	_ =	sdelay $0x2  }
0xfd: {  	[sflag:s0] =	ssyncset.done @!p0 $0x0;
	p2 =	seq.s32 s30, $0x1  }
0xfe: {  	[sflag:s0] =	ssyncadd.s32 @!p0 $0xFFFFFFC0;
	s0 =	simm.s32 @!p2 $0x3  }
0xff: {  	_ =	swait.ge @!p2 [sflag:s0], $0x40  }
0x100: {  	s31 =	sld [smem:$0x7F9];
	_ =	sdelay $0x2  }
0x101: {  	[sflag:s0] =	ssyncset.done @!p2 $0x0;
	p0 =	seq.s32 s31, $0x1  }
0x102: {  	[sflag:s0] =	ssyncadd.s32 @!p2 $0xFFFFFFC0;
	s0 =	simm.s32 @!p0 $0x3  }
0x103: {  	_ =	swait.ge @!p0 [sflag:s0], $0x40  }
0x104: {  	s5 =	sld [smem:$0x7EB]  }
0x105: {  	[sflag:s0] =	ssyncset.done @!p0 $0x0;
	s7 =	sld [smem:$0x7EA]  }
0x106: {  	s6 =	simm.s32 $0x0;
	s9 =	sld [smem:$0x7EC];
	[sflag:s0] =	ssyncadd.s32 @!p0 $0xFFFFFFC0  }
.LBB2_13:
0x107: {  	_ = 	snop  }
0x108: {  	s5 =	sadd.s32 $0x1, s5  }
0x109: {  	p0 =	sne.s32 s5, $0x117;
	s0 =	smul.u32 $0xE000, s9  }
.Ltmp7:
0x10a: {  	_ = 	snop;
	(pc) =	sbr.rel @!p0 .LBB2_14-.Ltmp7, $4  }
0x10b: {  	_ = 	snop  }
0x10c: {  	s1 =	rddreg [dreg:$0x17];
	s0 =	sshrl.u32 s0, $0x2  }
0x10d: {  	s1 =	sadd.s32 s1, s7;
	s0 =	sadd.s32 $0xFB00, s0  }
0x10e: {  	[hbm4b:s1+s6] =	stream.linear.scatter [tilespmem:s0], [sflag:$0x2], $0x3800, $0x38;
	[tilespmem:$0x1DB00] =	vst v63  }
.LBB2_9:
0x10f: {  	s0 =	simm.s32 $0x1  }
0x110: {  	_ =	swait.ge [sflag:s0], $0x3800  }
0x111: {  	p0 =	seq.s32 s5, $0x0;
	[sflag:s0] =	ssyncset.done $0x0  }
0x112: {  	[sflag:s0] =	ssyncadd.s32 $0xFFFFC800;
	s0 =	simm.s32 @!p0 $0x2  }
0x113: {  	p1 =	sgt.u32 @!p0 s5, $0x113;
	_ =	swait.ge @!p0 [sflag:s0], $0x3800  }
0x114: {  	p1 =	por p0, !p1;
	[sflag:s0] =	ssyncset.done @!p0 $0x0  }
0x115: {  	[sflag:s0] =	ssyncadd.s32 @!p0 $0xFFFFC800;
	s0 =	sadd.s32 @p1 $0xFFFFFFFF, s5  }
0x116: {  	s1 =	smul.u32 $0x70, s5;
	s0 =	sand.u32 @p1 $0x3, s0  }
0x117: {  	s2 =	rddreg [dreg:$0x18];
	s0 =	smul.u32 @p1 $0xE000, s0  }
0x118: {  	s2 =	sadd.s32 s2, s1  }
0x119: {  	s7 =	sshll.u32 s2, $0x4;
	s2 =	rddreg @p1 [dreg:$0x1c];
	s0 =	sshrl.u32 @p1 s0, $0x2  }
0x11a: {  	s2 =	sadd.s32 @p1 s7, s2;
	s0 =	sadd.s32 @p1 $0xFB00, s0  }
0x11b: {  	[tilespmem:s0], [sflag:$0x1] =	stream.linear.gather @p1 [hbm4b:s2+s6], $0x3800, $0x38;
	[tilespmem:$0x1DB00] =	vst v63  }
0x11c: {  	v5 =	vld [tilespmem:s1+$0x4000];
	_ =	sdelay $0x4  }
0x11d: {  	vm0 =	vgt.s32 v5, $0xFFFFFFFF  }
0x11e: {  	v6 =	vsel vm0, $0x1, v4  }
0x11f: {  	(xrf0) =	vadd.scan.msk.s32 $0xffff, v6;
	_ =	sdelay $0x5  }
0x120: {  	v6, _, _ =	vpop (xrf0)  }
0x121: {  	v7 =	vadd.s32 $0xFFFFFFFF, v6;
	_ =	sdelay $0x3  }
0x122: {  	s4 =	simm.s32 $0xFA80  }
0x123: {  	[tilespmem:v7+s4+$0x0] =	vst.idx.msk vm0, v5  }
0x124: {  	v5 =	vld [tilespmem:s1+$0x4010];
	_ =	sdelay $0x4  }
0x125: {  	vm10 =	vgt.s32 v5, $0xFFFFFFFF  }
0x126: {  	v8 =	vsel vm10, $0x1, v4  }
0x127: {  	(xrf0) =	vadd.scan.msk.s32 $0xffff, v8;
	_ =	sdelay $0x4  }
0x128: {  	v7 =	vbroadcast v7, $0xF  }
0x129: {  	(v2sf) =	vpush v6, $0xF;
	v6, _, _ =	vpop (xrf0)  }
0x12a: {  	v7 =	vadd.s32 v6, v7;
	(v2sf) =	vpush v6, $0xF;
	_ =	sdelay $0x4  }
0x12b: {  	[tilespmem:v7+s4+$0x0] =	vst.idx.msk vm10, v5  }
0x12c: {  	v5 =	vld [tilespmem:s1+$0x4020];
	_ =	sdelay $0x4  }
0x12d: {  	vm11 =	vgt.s32 v5, $0xFFFFFFFF  }
0x12e: {  	v6 =	vsel vm11, $0x1, v4  }
0x12f: {  	(xrf0) =	vadd.scan.msk.s32 $0xffff, v6  }
0x130: {  	s20 =	spop (v2sf)  }
0x131: {  	s21 =	spop (v2sf)  }
0x132: {  	s0 =	sadd.s32 s20, s21  }
0x133: {  	v6 =	vmov s0  }
0x134: {  	v6 =	vadd.s32 $0xFFFFFFFF, v6  }
0x135: {  	v7, _, _ =	vpop (xrf0);
	v6 =	vbroadcast v6, $0x0  }
0x136: {  	(v2sf) =	vpush v7, $0xF  }
0x137: {  	v6 =	vadd.s32 v7, v6;
	_ =	sdelay $0x4  }
0x138: {  	[tilespmem:v6+s4+$0x0] =	vst.idx.msk vm11, v5  }
0x139: {  	v5 =	vld [tilespmem:s1+$0x4030];
	_ =	sdelay $0x4  }
0x13a: {  	vm12 =	vgt.s32 v5, $0xFFFFFFFF  }
0x13b: {  	v6 =	vsel vm12, $0x1, v4  }
0x13c: {  	(xrf0) =	vadd.scan.msk.s32 $0xffff, v6  }
0x13d: {  	s23 =	spop (v2sf)  }
0x13e: {  	s0 =	sadd.s32 s0, s23  }
0x13f: {  	v6 =	vmov s0  }
0x140: {  	v6 =	vadd.s32 $0xFFFFFFFF, v6  }
0x141: {  	v6 =	vbroadcast v6, $0x0  }
0x142: {  	v7, _, _ =	vpop (xrf0)  }
0x143: {  	v6 =	vadd.s32 v7, v6;
	(v2sf) =	vpush v7, $0xF;
	_ =	sdelay $0x4  }
0x144: {  	[tilespmem:v6+s4+$0x0] =	vst.idx.msk vm12, v5  }
0x145: {  	v5 =	vld [tilespmem:s1+$0x4040];
	_ =	sdelay $0x4  }
0x146: {  	vm13 =	vgt.s32 v5, $0xFFFFFFFF  }
0x147: {  	v6 =	vsel vm13, $0x1, v4  }
0x148: {  	(xrf0) =	vadd.scan.msk.s32 $0xffff, v6;
	_ =	sdelay $0x1  }
0x149: {  	s24 =	spop (v2sf)  }
0x14a: {  	s0 =	sadd.s32 s0, s24  }
0x14b: {  	v6 =	vmov s0  }
0x14c: {  	v6 =	vadd.s32 $0xFFFFFFFF, v6  }
0x14d: {  	v7, _, _ =	vpop (xrf0);
	v6 =	vbroadcast v6, $0x0  }
0x14e: {  	(v2sf) =	vpush v7, $0xF  }
0x14f: {  	v6 =	vadd.s32 v7, v6;
	_ =	sdelay $0x4  }
0x150: {  	[tilespmem:v6+s4+$0x0] =	vst.idx.msk vm13, v5  }
0x151: {  	v5 =	vld [tilespmem:s1+$0x4050];
	_ =	sdelay $0x4  }
0x152: {  	vm14 =	vgt.s32 v5, $0xFFFFFFFF  }
0x153: {  	v6 =	vsel vm14, $0x1, v4  }
0x154: {  	(xrf0) =	vadd.scan.msk.s32 $0xffff, v6  }
0x155: {  	s25 =	spop (v2sf)  }
0x156: {  	s0 =	sadd.s32 s0, s25  }
0x157: {  	v6 =	vmov s0  }
0x158: {  	v6 =	vadd.s32 $0xFFFFFFFF, v6  }
0x159: {  	v6 =	vbroadcast v6, $0x0  }
0x15a: {  	v7, _, _ =	vpop (xrf0)  }
0x15b: {  	v6 =	vadd.s32 v7, v6;
	_ =	sdelay $0x4  }
0x15c: {  	[tilespmem:v6+s4+$0x0] =	vst.idx.msk vm14, v5  }
0x15d: {  	v5 =	vld [tilespmem:s1+$0x4060];
	_ =	sdelay $0x4  }
0x15e: {  	vm15 =	vgt.s32 v5, $0xFFFFFFFF  }
0x15f: {  	v6 =	vsel vm15, $0x1, v4  }
0x160: {  	(xrf0) =	vadd.scan.msk.s32 $0xffff, v6;
	_ =	sdelay $0x5  }
0x161: {  	(v2sf) =	vpush v7, $0xF;
	v6, _, _ =	vpop (xrf0)  }
0x162: {  	(v2sf) =	vpush v6, $0xF;
	_ =	sdelay $0xd  }
0x163: {  	s26 =	spop (v2sf)  }
0x164: {  	s0 =	sadd.s32 s0, s26;
	s28 =	spop (v2sf)  }
0x165: {  	s29 =	sadd.s32 s0, s28  }
0x166: {  	v7 =	vmov s0;
	s0 =	sadd.s32 $0xF, s29  }
0x167: {  	s30 =	sand.u32 $0xF, s0  }
0x168: {  	s3 =	sshra.s32 s0, $0x1F;
	p5 =	slt.s32 s0, $0x1;
	p6 =	sne.s32 s30, $0x0  }
0x169: {  	s31 =	sshrl.u32 s3, $0x1C;
	p0 =	por !p5, !p6  }
0x16a: {  	s2 =	simm.s32 $0x1;
	v7 =	vadd.s32 $0xFFFFFFFF, v7;
	s0 =	sadd.s32 s31, s0;
	p0 =	por !p0, !p0  }
0x16b: {  	v7 =	vbroadcast v7, $0x0;
	s0 =	sshra.s32 s0, $0x4;
	s2 =	simm.s32 @!p0 $0x0  }
0x16c: {  	s0 =	ssub.s32 s0, s2  }
0x16d: {  	v6 =	vadd.s32 v6, v7;
	p0 =	slt.s32 s0, $0x1  }
.Ltmp8:
0x16e: {  	_ = 	snop;
	(pc) =	sbr.rel @p0 .LBB2_13-.Ltmp8, $2  }
0x16f: {  	_ =	sdelay $0x2  }
0x170: {  	s9 =	sand.u32 $0x3, s5;
	[tilespmem:v6+s4+$0x0] =	vst.idx.msk vm15, v5  }
0x171: {  	s2 =	simm.s32 $0xFA80  }
0x172: {  	v7 =	vld [tilespmem:s2+$0x0];
	_ =	sdelay $0x2  }
0x173: {  	[smem:$0x7EA] =	sst s7;
	p1 =	sle.s32 s29, $0x9  }
0x174: {  	[smem:$0x7EB] =	sst s5;
	s2 =	simm.s32 @!p1 $0x0  }
0x175: {  	[smem:$0x7EC] =	sst s9;
	s2 =	simm.s32 @p1 $0x1;
	v6 =	vand.u32 $0x3FFF, v7  }
0x176: {  	p0 =	sle.s32 s29, $0x0;
	[smem:$0x7F5] =	sst s2;
	(v2sf) =	vpush @!p1 v6, $0x9  }
0x177: {  	p2 =	sle.s32 s29, $0x3;
	s16 =	sld [smem:$0x7F5];
	(v2sf) =	vpush @!p0 v6, $0x0  }
0x178: {  	p4 =	sle.s32 s29, $0x1;
	s2 =	simm.s32 @!p2 $0x0;
	s10 =	sld [smem:$0x7F5];
	(v2sf) =	vpush @!p2 v6, $0x3  }
0x179: {  	v5 =	vmov s1;
	p6 =	sle.s32 s29, $0x5;
	s2 =	simm.s32 @p2 $0x1;
	s28 =	sld [smem:$0x7F5];
	v7 =	vshrl.u32 v7, $0xE;
	(v2sf) =	vpush @!p4 v6, $0x1  }
0x17a: {  	[smem:$0x7FB] =	sst s2;
	s2 =	simm.s32 @!p0 $0x0;
	v7 =	vsub.s32 v7, v5;
	p2 =	sle.s32 s29, $0x2;
	(v2sf) =	vpush @!p6 v6, $0x5  }
0x17b: {  	s2 =	simm.s32 @p0 $0x1;
	s3 =	sld [smem:$0x7FB];
	s1 =	simm.s32 @!p2 $0x0;
	(v2sf) =	vpush @!p2 v7, $0x2  }
0x17c: {  	s24 =	sld [smem:$0x7FB];
	s1 =	simm.s32 @p2 $0x1;
	p2 =	sle.s32 s29, $0x8;
	(v2sf) =	vpush @!p0 v7, $0x0  }
0x17d: {  	p5 =	sle.s32 s29, $0x6;
	[smem:$0x7F8] =	sst s2;
	(v2sf) =	vpush @!p2 v7, $0x8  }
0x17e: {  	[smem:$0x7FC] =	sst s1;
	(v2sf) =	vpush @!p5 v7, $0x6  }
0x17f: {  	s15 =	sld [smem:$0x7FC];
	(v2sf) =	vpush @!p6 v7, $0x5  }
0x180: {  	p3 =	sle.s32 s29, $0x7;
	s1 =	simm.s32 @!p2 $0x0;
	s17 =	sld [smem:$0x7FC];
	(v2sf) =	vpush @!p4 v7, $0x1  }
0x181: {  	p1 =	sle.s32 s29, $0x4;
	s19 =	sld [smem:$0x7FC];
	s1 =	simm.s32 @p2 $0x1;
	(v2sf) =	vpush @!p3 v7, $0x7  }
0x182: {  	s30 =	smul.u32 $0x70, s9;
	s11 =	simm.s32 @!p4 $0x0;
	[smem:$0x7ED] =	sst s1;
	(v2sf) =	vpush @!p1 v7, $0x4  }
0x183: {  	s1 =	simm.s32 @!p3 $0x0;
	p2 =	seq.s32 s15, $0x1;
	s18 =	sld [smem:$0x7ED];
	(v2sf) =	vpush @!p5 v6, $0x6  }
0x184: {  	s1 =	simm.s32 @p3 $0x1;
	s31 =	sld [smem:$0x7ED];
	(v2sf) =	vpush @!p2 v6, $0x2;
	p2 =	seq.s32 s16, $0x1  }
0x185: {  	[smem:$0x7F0] =	sst s1;
	s2 =	spop @!p2 (v2sf);
	p2 =	sle.s32 s29, $0xE  }
0x186: {  	s12 =	simm.s32 @!p0 $0x0;
	s20 =	sld [smem:$0x7F0];
	s1 =	simm.s32 @!p2 $0x0  }
0x187: {  	s23 =	sld [smem:$0x7F0];
	(v2sf) =	vpush @!p2 v6, $0xE;
	s1 =	simm.s32 @p2 $0x1;
	p2 =	seq.s32 s3, $0x1  }
0x188: {  	[smem:$0x7F3] =	sst s1;
	s1 =	spop @!p0 (v2sf);
	(v2sf) =	vpush @!p3 v6, $0x7;
	p3 =	seq.s32 s17, $0x1  }
0x189: {  	s3 =	spop @!p2 (v2sf);
	(v2sf) =	vpush @!p2 v7, $0x3;
	p2 =	sle.s32 s29, $0xA;
	s1 =	sshll.u32 @!p0 s1, $0x3  }
0x18a: {  	s21 =	sld [smem:$0x7F3];
	s5 =	spop @!p4 (v2sf);
	s4 =	simm.s32 @!p2 $0x0  }
0x18b: {  	(v2sf) =	vpush @!p2 v6, $0xA;
	s1 =	sadd.s32 @!p0 s22, s1;
	s7 =	spop @!p6 (v2sf);
	s4 =	simm.s32 @p2 $0x1  }
0x18c: {  	(v2sf) =	vpush @!p2 v7, $0xA;
	p2 =	sle.s32 s29, $0xB;
	s5 =	sshll.u32 @!p4 s5, $0x3;
	[smem:$0x7F2] =	sst s4  }
0x18d: {  	s6 =	spop @!p3 (v2sf);
	s4 =	simm.s32 @!p2 $0x0;
	p3 =	seq.s32 s18, $0x1  }
0x18e: {  	s5 =	sadd.s32 @!p4 s22, s5;
	s18 =	sld [smem:$0x7FC];
	s8 =	spop @!p0 (v2sf)  }
0x18f: {  	(v2sf) =	vpush @!p2 v7, $0xB;
	s4 =	simm.s32 @p2 $0x1;
	p2 =	seq.s32 s10, $0x1;
	s25 =	sld [smem:$0x7F2]  }
0x190: {  	[smem:$0x7F4] =	sst s4;
	s4 =	spop @!p3 (v2sf);
	(v2sf) =	vpush @!p2 v7, $0x9;
	p2 =	seq.s32 s19, $0x1  }
0x191: {  	s8 =	sadd.s32 @!p0 s30, s8;
	s9 =	spop @!p5 (v2sf);
	s14 =	simm.s32 @!p2 $0x0  }
0x192: {  	p2 =	seq.s32 s20, $0x1;
	s17 =	sld [smem:$0x7F4];
	s8 =	sshll.u32 @!p0 s8, $0x9  }
0x193: {  	(v2sf) =	vpush @!p3 v6, $0x8;
	p3 =	seq.s32 s18, $0x1;
	s26 =	sld [smem:$0x7F4];
	s13 =	spop @!p6 (v2sf)  }
0x194: {  	s8 =	sshra.s32 @!p0 s8, $0x2;
	s6 =	sadd.s32 @!p3 s30, s6;
	s15 =	spop @!p4 (v2sf)  }
0x195: {  	s8 =	sadd.s32 @!p0 $0xFB00, s8;
	s6 =	sshll.u32 @!p3 s6, $0x9;
	s10 =	spop @!p2 (v2sf)  }
0x196: {  	[tilespmem:s8], [sflag:$0x3] =	stream.linear.gather @!p0 [hbm4b:s1+s12], $0x40, $0x38;
	[tilespmem:$0x1DB00] =	vst v63  }
0x197: {  	p2 =	seq.s32 s17, $0x1;
	s15 =	sadd.s32 @!p4 s30, s15;
	s1 =	simm.s32 @!p4 $0x0  }
0x198: {  	p0 =	seq.s32 s21, $0x1;
	s6 =	sshra.s32 @!p3 s6, $0x2;
	s16 =	spop @!p1 (v2sf);
	(v2sf) =	vpush @!p2 v6, $0xB  }
0x199: {  	s1 =	simm.s32 @p4 $0x1;
	s8 =	sshll.u32 @!p4 s15, $0x9;
	s17 =	spop @!p5 (v2sf);
	(v2sf) =	vpush @!p1 v6, $0x4  }
0x19a: {  	p2 =	seq.s32 s25, $0x1;
	s8 =	sshra.s32 @!p4 s8, $0x2;
	s18 =	spop @!p3 (v2sf)  }
0x19b: {  	[smem:$0x7FA] =	sst s1;
	s8 =	sadd.s32 @!p4 $0xFB00, s8;
	s1 =	spop @!p0 (v2sf)  }
0x19c: {  	[tilespmem:s8], [sflag:$0x3] =	stream.linear.gather @!p4 [hbm4b:s5+s11], $0x40, $0x38;
	[tilespmem:$0x1DB00] =	vst v63  }
0x19d: {  	p0 =	seq.s32 s23, $0x1;
	s11 =	sadd.s32 @!p3 $0xFB00, s6;
	s6 =	sshll.u32 @!p3 s18, $0x3  }
0x19e: {  	p4 =	seq.s32 s26, $0x1;
	s12 =	spop @!p0 (v2sf);
	p0 =	seq.s32 s24, $0x1  }
0x19f: {  	s18 =	sadd.s32 @!p3 s22, s6;
	s15 =	spop @!p0 (v2sf);
	s3 =	sshll.u32 @!p0 s3, $0x3  }
0x1a0: {  	[tilespmem:s11], [sflag:$0x3] =	stream.linear.gather @!p3 [hbm4b:s18+s14], $0x40, $0x38;
	[tilespmem:$0x1DB00] =	vst v63  }
0x1a1: {  	p3 =	seq.s32 s28, $0x1;
	s5 =	spop @!p2 (v2sf);
	s15 =	sadd.s32 @!p0 s30, s15  }
0x1a2: {  	s3 =	sadd.s32 @!p0 s22, s3;
	s8 =	spop @!p2 (v2sf);
	s15 =	sshll.u32 @!p0 s15, $0x9  }
0x1a3: {  	p2 =	seq.s32 s31, $0x1;
	s6 =	spop @!p4 (v2sf);
	s11 =	sshra.s32 @!p0 s15, $0x2  }
0x1a4: {  	s15 =	simm.s32 @!p0 $0x0;
	s11 =	sadd.s32 @!p0 $0xFB00, s11;
	s14 =	spop @!p3 (v2sf)  }
0x1a5: {  	[tilespmem:s11], [sflag:$0x3] =	stream.linear.gather @!p0 [hbm4b:s3+s15], $0x40, $0x38;
	[tilespmem:$0x1DB00] =	vst v63  }
0x1a6: {  	s18 =	spop @!p2 (v2sf)  }
0x1a7: {  	s19 =	simm.s32 @!p1 $0x0;
	s11 =	sadd.s32 @!p1 s30, s16;
	s3 =	spop @!p4 (v2sf)  }
0x1a8: {  	s19 =	simm.s32 @p1 $0x1;
	s11 =	sshll.u32 @!p1 s11, $0x9;
	s15 =	spop @!p1 (v2sf)  }
0x1a9: {  	[smem:$0x7EE] =	sst s19;
	s11 =	sshra.s32 @!p1 s11, $0x2;
	s15 =	sshll.u32 @!p1 s15, $0x3  }
0x1aa: {  	s16 =	simm.s32 @!p1 $0x0;
	s11 =	sadd.s32 @!p1 $0xFB00, s11;
	s15 =	sadd.s32 @!p1 s22, s15  }
0x1ab: {  	[tilespmem:s11], [sflag:$0x3] =	stream.linear.gather @!p1 [hbm4b:s15+s16], $0x40, $0x38;
	[tilespmem:$0x1DB00] =	vst v63  }
0x1ac: {  	s19 =	sld [smem:$0x7F0];
	s11 =	sadd.s32 @!p6 s30, s13  }
0x1ad: {  	s7 =	sshll.u32 @!p6 s7, $0x3;
	s21 =	sld [smem:$0x7F3];
	s11 =	sshll.u32 @!p6 s11, $0x9  }
0x1ae: {  	s7 =	sadd.s32 @!p6 s22, s7;
	s24 =	sld [smem:$0x7F5];
	s11 =	sshra.s32 @!p6 s11, $0x2  }
0x1af: {  	s4 =	sadd.s32 @!p2 s30, s4;
	s13 =	simm.s32 @!p6 $0x0;
	s11 =	sadd.s32 @!p6 $0xFB00, s11  }
0x1b0: {  	[tilespmem:s11], [sflag:$0x3] =	stream.linear.gather @!p6 [hbm4b:s7+s13], $0x40, $0x38;
	[tilespmem:$0x1DB00] =	vst v63  }
0x1b1: {  	s4 =	sshll.u32 @!p2 s4, $0x9;
	p3 =	seq.s32 s19, $0x1;
	s7 =	sadd.s32 @!p5 s30, s9  }
0x1b2: {  	s4 =	sshra.s32 @!p2 s4, $0x2;
	p0 =	sle.s32 s29, $0xC;
	s7 =	sshll.u32 @!p5 s7, $0x9  }
0x1b3: {  	s4 =	sadd.s32 @!p2 $0xFB00, s4;
	s9 =	sshll.u32 @!p5 s17, $0x3;
	s7 =	sshra.s32 @!p5 s7, $0x2  }
0x1b4: {  	s11 =	simm.s32 @!p5 $0x0;
	s9 =	sadd.s32 @!p5 s22, s9;
	s7 =	sadd.s32 @!p5 $0xFB00, s7  }
0x1b5: {  	[tilespmem:s7], [sflag:$0x3] =	stream.linear.gather @!p5 [hbm4b:s9+s11], $0x40, $0x38;
	[tilespmem:$0x1DB00] =	vst v63  }
0x1b6: {  	p4 =	seq.s32 s21, $0x1;
	s15 =	simm.s32 @!p6 $0x0;
	s7 =	sadd.s32 @!p3 s30, s10  }
0x1b7: {  	p1 =	sle.s32 s29, $0xD;
	s15 =	simm.s32 @p6 $0x1;
	s7 =	sshll.u32 @!p3 s7, $0x9  }
0x1b8: {  	s13 =	simm.s32 @!p5 $0x0;
	s9 =	sshll.u32 @!p3 s12, $0x3;
	s7 =	sshra.s32 @!p3 s7, $0x2  }
0x1b9: {  	(v2sf) =	vpush @!p4 v7, $0xE;
	s10 =	simm.s32 @!p3 $0x0;
	s9 =	sadd.s32 @!p3 s22, s9;
	s7 =	sadd.s32 @!p3 $0xFB00, s7  }
0x1ba: {  	(v2sf) =	vpush @!p0 v7, $0xC;
	[tilespmem:s7], [sflag:$0x3] =	stream.linear.gather @!p3 [hbm4b:s9+s10], $0x40, $0x38;
	[tilespmem:$0x1DB00] =	vst v63  }
0x1bb: {  	(v2sf) =	vpush @!p1 v7, $0xD;
	p6 =	sle.s32 s29, $0xF;
	s13 =	simm.s32 @p5 $0x1;
	s9 =	sshll.u32 @!p2 s18, $0x3  }
0x1bc: {  	p5 =	seq.s32 s24, $0x1;
	s7 =	simm.s32 @!p2 $0x0;
	s9 =	sadd.s32 @!p2 s22, s9  }
0x1bd: {  	(v2sf) =	vpush @!p6 v7, $0xF;
	[tilespmem:s4], [sflag:$0x3] =	stream.linear.gather @!p2 [hbm4b:s9+s7], $0x40, $0x38;
	[tilespmem:$0x1DB00] =	vst v63  }
0x1be: {  	s20 =	sld [smem:$0x7F2];
	(v2sf) =	vpush @!p0 v6, $0xC;
	s4 =	sadd.s32 @!p5 s30, s14  }
0x1bf: {  	s2 =	sshll.u32 @!p5 s2, $0x3;
	s4 =	sshll.u32 @!p5 s4, $0x9  }
0x1c0: {  	s23 =	sld [smem:$0x7F4];
	s2 =	sadd.s32 @!p5 s22, s2;
	s4 =	sshra.s32 @!p5 s4, $0x2  }
0x1c1: {  	p3 =	seq.s32 s20, $0x1;
	s7 =	simm.s32 @!p5 $0x0;
	s4 =	sadd.s32 @!p5 $0xFB00, s4  }
0x1c2: {  	[tilespmem:s4], [sflag:$0x3] =	stream.linear.gather @!p5 [hbm4b:s2+s7], $0x40, $0x38;
	[tilespmem:$0x1DB00] =	vst v63  }
0x1c3: {  	(v2sf) =	vpush @!p1 v6, $0xD;
	s2 =	sadd.s32 @!p3 s30, s8  }
0x1c4: {  	s25 =	sld [smem:$0x7F8];
	p2 =	seq.s32 s23, $0x1;
	s2 =	sshll.u32 @!p3 s2, $0x9  }
0x1c5: {  	s4 =	sshll.u32 @!p3 s5, $0x3;
	s5 =	sadd.s32 @!p2 s30, s6;
	s2 =	sshra.s32 @!p3 s2, $0x2  }
0x1c6: {  	s6 =	simm.s32 @!p3 $0x0;
	s4 =	sadd.s32 @!p3 s22, s4;
	s2 =	sadd.s32 @!p3 $0xFB00, s2  }
0x1c7: {  	[tilespmem:s2], [sflag:$0x3] =	stream.linear.gather @!p3 [hbm4b:s4+s6], $0x40, $0x38;
	[tilespmem:$0x1DB00] =	vst v63  }
0x1c8: {  	s3 =	sshll.u32 @!p2 s3, $0x3;
	s4 =	sshll.u32 @!p2 s5, $0x9;
	s5 =	spop @!p4 (v2sf)  }
0x1c9: {  	s3 =	sadd.s32 @!p2 s22, s3;
	s4 =	sshra.s32 @!p2 s4, $0x2;
	s6 =	spop @!p0 (v2sf)  }
0x1ca: {  	s2 =	simm.s32 @!p2 $0x0;
	s4 =	sadd.s32 @!p2 $0xFB00, s4;
	s7 =	spop @!p1 (v2sf)  }
0x1cb: {  	[tilespmem:s4], [sflag:$0x3] =	stream.linear.gather @!p2 [hbm4b:s3+s2], $0x40, $0x38;
	[tilespmem:$0x1DB00] =	vst v63  }
0x1cc: {  	s1 =	sshll.u32 @!p4 s1, $0x3;
	(v2sf) =	vpush @!p6 v6, $0xF;
	s2 =	sadd.s32 @!p0 s30, s6;
	s3 =	spop @!p6 (v2sf)  }
0x1cd: {  	s1 =	sadd.s32 @!p4 s22, s1;
	s2 =	sshll.u32 @!p0 s2, $0x9;
	s4 =	spop @!p0 (v2sf)  }
0x1ce: {  	[smem:$0x7EF] =	sst s15;
	s2 =	sshra.s32 @!p0 s2, $0x2;
	s4 =	sshll.u32 @!p0 s4, $0x3  }
0x1cf: {  	s6 =	simm.s32 @!p0 $0x0;
	s2 =	sadd.s32 @!p0 $0xFB00, s2;
	s4 =	sadd.s32 @!p0 s22, s4  }
0x1d0: {  	[tilespmem:s2], [sflag:$0x3] =	stream.linear.gather @!p0 [hbm4b:s4+s6], $0x40, $0x38;
	[tilespmem:$0x1DB00] =	vst v63  }
0x1d1: {  	[smem:$0x7F1] =	sst s13;
	s8 =	simm.s32 @!p0 $0x0;
	s2 =	sadd.s32 @!p1 s30, s7  }
0x1d2: {  	s8 =	simm.s32 @p0 $0x1;
	s4 =	spop @!p1 (v2sf);
	s2 =	sshll.u32 @!p1 s2, $0x9  }
0x1d3: {  	[smem:$0x7F6] =	sst s8;
	s4 =	sshll.u32 @!p1 s4, $0x3;
	s2 =	sshra.s32 @!p1 s2, $0x2  }
0x1d4: {  	s6 =	simm.s32 @!p1 $0x0;
	s4 =	sadd.s32 @!p1 s22, s4;
	s2 =	sadd.s32 @!p1 $0xFB00, s2  }
0x1d5: {  	[tilespmem:s2], [sflag:$0x3] =	stream.linear.gather @!p1 [hbm4b:s4+s6], $0x40, $0x38;
	[tilespmem:$0x1DB00] =	vst v63  }
0x1d6: {  	s3 =	sadd.s32 @!p6 s30, s3;
	s7 =	simm.s32 @!p1 $0x0;
	s2 =	sadd.s32 @!p4 s30, s5  }
0x1d7: {  	p0 =	seq.s32 s25, $0x1;
	s7 =	simm.s32 @p1 $0x1;
	s2 =	sshll.u32 @!p4 s2, $0x9  }
0x1d8: {  	[smem:$0x7F7] =	sst s7;
	s5 =	simm.s32 @!p6 $0x0;
	s2 =	sshra.s32 @!p4 s2, $0x2  }
0x1d9: {  	s4 =	simm.s32 @!p4 $0x0;
	s5 =	simm.s32 @p6 $0x1;
	s2 =	sadd.s32 @!p4 $0xFB00, s2  }
0x1da: {  	[tilespmem:s2], [sflag:$0x3] =	stream.linear.gather @!p4 [hbm4b:s1+s4], $0x40, $0x38;
	[tilespmem:$0x1DB00] =	vst v63  }
0x1db: {  	[smem:$0x7F9] =	sst s5;
	s1 =	sshll.u32 @!p6 s3, $0x9;
	s2 =	spop @!p6 (v2sf)  }
0x1dc: {  	s3 =	simm.s32 @!p6 $0x0;
	s1 =	sshra.s32 @!p6 s1, $0x2;
	s2 =	sshll.u32 @!p6 s2, $0x3  }
0x1dd: {  	s4 =	simm.s32 @!p0 $0x3;
	s1 =	sadd.s32 @!p6 $0xFB00, s1;
	s2 =	sadd.s32 @!p6 s22, s2  }
0x1de: {  	[tilespmem:s1], [sflag:$0x3] =	stream.linear.gather @!p6 [hbm4b:s2+s3], $0x40, $0x38;
	[tilespmem:$0x1DB00] =	vst v63  }
0x1df: {  	_ =	swait.ge @!p0 [sflag:s4], $0x40  }
0x1e0: {  	s26 =	sld [smem:$0x7FA];
	_ =	sdelay $0x1  }
0x1e1: {  	[sflag:s4] =	ssyncset.done @!p0 $0x0  }
0x1e2: {  	[sflag:s4] =	ssyncadd.s32 @!p0 $0xFFFFFFC0;
	p0 =	seq.s32 s26, $0x1  }
0x1e3: {  	s1 =	simm.s32 @!p0 $0x3  }
0x1e4: {  	_ =	swait.ge @!p0 [sflag:s1], $0x40  }
0x1e5: {  	s23 =	sadd.s32 $0xFFFFFFFF, s0;
	[sflag:s1] =	ssyncset.done @!p0 $0x0;
	s31 =	sld [smem:$0x7FC]  }
0x1e6: {  	[sflag:s1] =	ssyncadd.s32 @!p0 $0xFFFFFFC0;
	p0 =	sne.s32 s23, $0x0  }
.Ltmp9:
0x1e7: {  	s28 =	sld [smem:$0x7FB];
	(pc) =	sbr.rel @!p0 .LBB2_12-.Ltmp9, $4  }
0x1e8: {  	p6 =	seq.s32 s31, $0x1  }
0x1e9: {  	s3 =	simm.s32 @!p6 $0x3  }
0x1ea: {  	s0 =	simm.s32 $0xF;
	p1 =	seq.s32 s28, $0x1;
	_ =	swait.ge @!p6 [sflag:s3], $0x40  }
0x1eb: {  	s2 =	simm.s32 $0xFA90;
	s1 =	simm.s32 @!p1 $0x3;
	[sflag:s3] =	ssyncset.done @!p6 $0x0  }
.LBB2_11:
0x1ec: {  	s23 =	sadd.s32 $0xFFFFFFFF, s23  }
0x1ed: {  	p0 =	sne.s32 s23, $0x0  }
0x1ee: {  	[sflag:s3] =	ssyncadd.s32 @!p6 $0xFFFFFFC0;
	s3 =	simm.s32 @!p0 $0x0  }
0x1ef: {  	s3 =	simm.s32 @p0 $0x1  }
0x1f0: {  	[smem:$0x7E9] =	sst s3  }
0x1f1: {  	_ =	swait.ge @!p1 [sflag:s1], $0x40  }
0x1f2: {  	s3 =	sld [smem:$0x7EE];
	_ =	sdelay $0x2  }
0x1f3: {  	[sflag:s1] =	ssyncset.done @!p1 $0x0;
	p0 =	seq.s32 s3, $0x1  }
0x1f4: {  	[sflag:s1] =	ssyncadd.s32 @!p1 $0xFFFFFFC0;
	s1 =	simm.s32 @!p0 $0x3  }
0x1f5: {  	_ =	swait.ge @!p0 [sflag:s1], $0x40  }
0x1f6: {  	s4 =	sld [smem:$0x7EF];
	_ =	sdelay $0x1  }
0x1f7: {  	[sflag:s1] =	ssyncset.done @!p0 $0x0  }
0x1f8: {  	[sflag:s1] =	ssyncadd.s32 @!p0 $0xFFFFFFC0;
	p0 =	seq.s32 s4, $0x1  }
0x1f9: {  	s1 =	simm.s32 @!p0 $0x3  }
0x1fa: {  	_ =	swait.ge @!p0 [sflag:s1], $0x40  }
0x1fb: {  	s5 =	sld [smem:$0x7F1];
	_ =	sdelay $0x1  }
0x1fc: {  	[sflag:s1] =	ssyncset.done @!p0 $0x0  }
0x1fd: {  	[sflag:s1] =	ssyncadd.s32 @!p0 $0xFFFFFFC0;
	p0 =	seq.s32 s5, $0x1  }
0x1fe: {  	s1 =	simm.s32 @!p0 $0x3  }
0x1ff: {  	_ =	swait.ge @!p0 [sflag:s1], $0x40  }
0x200: {  	s6 =	sld [smem:$0x7F0];
	_ =	sdelay $0x1  }
0x201: {  	[sflag:s1] =	ssyncset.done @!p0 $0x0  }
0x202: {  	[sflag:s1] =	ssyncadd.s32 @!p0 $0xFFFFFFC0;
	p0 =	seq.s32 s6, $0x1  }
0x203: {  	s1 =	simm.s32 @!p0 $0x3  }
0x204: {  	_ =	swait.ge @!p0 [sflag:s1], $0x40  }
0x205: {  	s7 =	sld [smem:$0x7ED];
	_ =	sdelay $0x1  }
0x206: {  	[sflag:s1] =	ssyncset.done @!p0 $0x0  }
0x207: {  	[sflag:s1] =	ssyncadd.s32 @!p0 $0xFFFFFFC0;
	p0 =	seq.s32 s7, $0x1  }
0x208: {  	s1 =	simm.s32 @!p0 $0x3  }
0x209: {  	_ =	swait.ge @!p0 [sflag:s1], $0x40  }
0x20a: {  	[sflag:s1] =	ssyncset.done @!p0 $0x0  }
0x20b: {  	[sflag:s1] =	ssyncadd.s32 @!p0 $0xFFFFFFC0;
	s1 =	simm.s32 @!p5 $0x3  }
0x20c: {  	_ =	swait.ge @!p5 [sflag:s1], $0x40  }
0x20d: {  	[sflag:s1] =	ssyncset.done @!p5 $0x0  }
0x20e: {  	[sflag:s1] =	ssyncadd.s32 @!p5 $0xFFFFFFC0;
	s1 =	simm.s32 @!p3 $0x3  }
0x20f: {  	_ =	swait.ge @!p3 [sflag:s1], $0x40  }
0x210: {  	s8 =	sld [smem:$0x7F4];
	_ =	sdelay $0x2  }
0x211: {  	[sflag:s1] =	ssyncset.done @!p3 $0x0;
	p0 =	seq.s32 s8, $0x1  }
0x212: {  	[sflag:s1] =	ssyncadd.s32 @!p3 $0xFFFFFFC0;
	s1 =	simm.s32 @!p0 $0x3  }
0x213: {  	_ =	swait.ge @!p0 [sflag:s1], $0x40  }
0x214: {  	s9 =	sld [smem:$0x7F6];
	_ =	sdelay $0x2  }
0x215: {  	[sflag:s1] =	ssyncset.done @!p0 $0x0;
	p1 =	seq.s32 s9, $0x1  }
0x216: {  	[sflag:s1] =	ssyncadd.s32 @!p0 $0xFFFFFFC0;
	s1 =	simm.s32 @!p1 $0x3  }
0x217: {  	_ =	swait.ge @!p1 [sflag:s1], $0x40  }
0x218: {  	s0 =	sadd.s32 $0x10, s0;
	s10 =	sld [smem:$0x7F7]  }
0x219: {  	s5 =	sadd.s32 $0xFFFFFFF9, s0;
	[sflag:s1] =	ssyncset.done @!p1 $0x0  }
0x21a: {  	s11 =	sld [smem:$0x7F3];
	[sflag:s1] =	ssyncadd.s32 @!p1 $0xFFFFFFC0;
	p1 =	sge.s32 s5, s29  }
0x21b: {  	s7 =	sadd.s32 $0xFFFFFFF3, s0;
	s5 =	simm.s32 @!p1 $0x0;
	p0 =	seq.s32 s10, $0x1  }
0x21c: {  	s5 =	simm.s32 @p1 $0x1;
	p1 =	sge.s32 s7, s29;
	s3 =	simm.s32 @!p0 $0x3  }
0x21d: {  	p2 =	seq.s32 s11, $0x1;
	s7 =	simm.s32 @!p1 $0x0;
	_ =	swait.ge @!p0 [sflag:s3], $0x40  }
0x21e: {  	s7 =	simm.s32 @p1 $0x1;
	[smem:$0x7ED] =	sst s5;
	[sflag:s3] =	ssyncset.done @!p0 $0x0  }
0x21f: {  	s1 =	simm.s32 @!p2 $0x3;
	[smem:$0x7FC] =	sst s7;
	[sflag:s3] =	ssyncadd.s32 @!p0 $0xFFFFFFC0  }
0x220: {  	_ =	swait.ge @!p2 [sflag:s1], $0x40  }
0x221: {  	s14 =	sld [smem:$0x7F9];
	_ =	sdelay $0x1  }
0x222: {  	s15 =	sadd.s32 $0xFFFFFFF4, s0  }
0x223: {  	p3 =	sge.s32 s15, s29;
	[sflag:s1] =	ssyncset.done @!p2 $0x0;
	p0 =	seq.s32 s14, $0x1  }
0x224: {  	s3 =	simm.s32 @!p3 $0x0;
	[sflag:s1] =	ssyncadd.s32 @!p2 $0xFFFFFFC0;
	s1 =	simm.s32 @!p0 $0x3  }
0x225: {  	s12 =	sadd.s32 $0xFFFFFFF1, s0;
	s3 =	simm.s32 @p3 $0x1;
	_ =	swait.ge @!p0 [sflag:s1], $0x40  }
0x226: {  	s16 =	sadd.s32 $0xFFFFFFFE, s0;
	s17 =	sadd.s32 $0xFFFFFFFA, s0;
	[smem:$0x7FB] =	sst s3  }
0x227: {  	s18 =	sadd.s32 $0xFFFFFFF5, s0;
	p4 =	sge.s32 s17, s29;
	s24 =	sld [smem:$0x7FC]  }
0x228: {  	p5 =	sge.s32 s12, s29;
	[sflag:s1] =	ssyncset.done @!p0 $0x0;
	s25 =	sld [smem:$0x7ED]  }
0x229: {  	s12 =	sld [smem:$0x7ED];
	[sflag:s1] =	ssyncadd.s32 @!p0 $0xFFFFFFC0;
	s1 =	simm.s32 @!p4 $0x0  }
0x22a: {  	p0 =	sge.s32 s16, s29;
	s9 =	sld [smem:$0x7FB];
	s1 =	simm.s32 @p4 $0x1  }
0x22b: {  	s19 =	sadd.s32 $0xFFFFFFF6, s0;
	[smem:$0x7F5] =	sst s1;
	s1 =	simm.s32 @!p0 $0x0  }
0x22c: {  	v7 =	vld [tilespmem:s2+$0x0];
	s1 =	simm.s32 @p0 $0x1;
	p0 =	sge.s32 s18, s29;
	s7 =	sld [smem:$0x7F5]  }
0x22d: {  	s20 =	sadd.s32 $0xFFFFFFF8, s0;
	s18 =	sld [smem:$0x7F5];
	s3 =	simm.s32 @!p0 $0x0  }
0x22e: {  	[smem:$0x7F7] =	sst s1;
	s3 =	simm.s32 @p0 $0x1;
	p0 =	sge.s32 s19, s29  }
0x22f: {  	p2 =	sge.s32 s20, s29;
	[smem:$0x7EE] =	sst s3;
	s3 =	simm.s32 @!p0 $0x0  }
0x230: {  	[dreg:$0x5] =	wrdreg s3;
	s3 =	simm.s32 @!p2 $0x0  }
0x231: {  	s13 =	sadd.s32 $0xFFFFFFF2, s0;
	v6 =	vand.u32 $0x3FFF, v7;
	s31 =	sld [smem:$0x7EE];
	s3 =	simm.s32 @p2 $0x1  }
0x232: {  	s21 =	sadd.s32 $0xFFFFFFF7, s0;
	(v2sf) =	vpush @!p4 v6, $0x9;
	[smem:$0x7F0] =	sst s3;
	s3 =	simm.s32 @!p2 $0x0  }
0x233: {  	p1 =	sge.s32 s13, s29;
	s1 =	simm.s32 @!p3 $0x3;
	(v2sf) =	vpush @!p5 v6, $0x0;
	[dreg:$0x4] =	wrdreg s3  }
0x234: {  	(v2sf) =	vpush @!p3 v6, $0x3;
	p3 =	por p1, p1;
	s3 =	simm.s32 @!p0 $0x0;
	s26 =	sld [smem:$0x7F0]  }
0x235: {  	s5 =	simm.s32 @!p3 $0x0;
	s20 =	sld [smem:$0x7F0];
	s3 =	simm.s32 @p0 $0x1  }
0x236: {  	s6 =	sadd.s32 $0xFFFFFFFC, s0;
	v7 =	vshrl.u32 v7, $0xE;
	(v2sf) =	vpush @!p1 v6, $0x1;
	s5 =	simm.s32 @p3 $0x1;
	[smem:$0x7EF] =	sst s3  }
0x237: {  	v7 =	vsub.s32 v7, v5;
	p1 =	seq.s32 s24, $0x1;
	(v2sf) =	vpush @!p0 v6, $0x5;
	s3 =	simm.s32 @!p3 $0x0;
	[smem:$0x7E8] =	sst s5  }
0x238: {  	p6 =	sge.s32 s21, s29;
	p4 =	sge.s32 s6, s29;
	(v2sf) =	vpush @!p1 v7, $0x2;
	[dreg:$0xf] =	wrdreg s3  }
0x239: {  	p2 =	seq.s32 s25, $0x1;
	(v2sf) =	vpush @!p5 v7, $0x0;
	s3 =	simm.s32 @!p6 $0x0;
	s10 =	sld [smem:$0x7E8]  }
0x23a: {  	(v2sf) =	vpush @!p2 v7, $0x8;
	[dreg:$0x7] =	wrdreg s3;
	s3 =	simm.s32 @!p4 $0x0  }
0x23b: {  	s11 =	sld [smem:$0x7EF];
	s3 =	simm.s32 @p4 $0x1;
	(v2sf) =	vpush @!p6 v7, $0x6  }
0x23c: {  	[smem:$0x7F4] =	sst s3;
	s3 =	simm.s32 @!p6 $0x0;
	(v2sf) =	vpush @!p0 v7, $0x5  }
0x23d: {  	s3 =	simm.s32 @p6 $0x1;
	(v2sf) =	vpush @!p3 v7, $0x1;
	p3 =	seq.s32 s26, $0x1;
	s14 =	sld [smem:$0x7F4]  }
0x23e: {  	s4 =	sadd.s32 $0xFFFFFFFB, s0;
	p0 =	seq.s32 s31, $0x1;
	[smem:$0x7F1] =	sst s3;
	(v2sf) =	vpush @!p3 v7, $0x7  }
0x23f: {  	s28 =	sadd.s32 $0xFFFFFFFF, s0;
	(v2sf) =	vpush @!p0 v7, $0x4;
	p0 =	sge.s32 s4, s29;
	s13 =	sld [smem:$0x7F1]  }
0x240: {  	s26 =	sld [smem:$0x7F1];
	s4 =	simm.s32 @!p0 $0x0;
	(v2sf) =	vpush @!p6 v6, $0x6;
	p6 =	sge.s32 s28, s29  }
0x241: {  	s28 =	sld [smem:$0x7FC];
	s4 =	simm.s32 @p0 $0x1;
	s3 =	simm.s32 @!p6 $0x0  }
0x242: {  	p0 =	sge.s32 s0, s29;
	[smem:$0x7F2] =	sst s4;
	s3 =	simm.s32 @p6 $0x1  }
0x243: {  	s4 =	simm.s32 @!p1 $0x0;
	[smem:$0x7F3] =	sst s3;
	s3 =	simm.s32 @!p0 $0x0  }
0x244: {  	[dreg:$0x13] =	wrdreg s4;
	s3 =	simm.s32 @p0 $0x1;
	p0 =	seq.s32 s7, $0x1  }
0x245: {  	s8 =	sadd.s32 $0xFFFFFFFD, s0;
	[smem:$0x7F9] =	sst s3;
	s3 =	simm.s32 @!p0 $0x0  }
0x246: {  	(v2sf) =	vpush @!p1 v6, $0x2;
	s4 =	spop @!p0 (v2sf);
	p0 =	sge.s32 s8, s29;
	s8 =	sld [smem:$0x7F2]  }
0x247: {  	(v2sf) =	vpush @!p6 v6, $0xE;
	p6 =	seq.s32 s9, $0x1;
	s9 =	sld [smem:$0x7F3]  }
0x248: {  	s5 =	simm.s32 @!p5 $0x0;
	[dreg:$0x9] =	wrdreg s3  }
0x249: {  	s3 =	simm.s32 @!p4 $0x0;
	s6 =	spop @!p5 (v2sf);
	(v2sf) =	vpush @!p3 v6, $0x7;
	p3 =	por p5, p5  }
0x24a: {  	p4 =	seq.s32 s10, $0x1;
	[dreg:$0x6] =	wrdreg s3;
	s3 =	simm.s32 @!p2 $0x0  }
0x24b: {  	s6 =	sshll.u32 @!p5 s6, $0x3;
	[dreg:$0xd] =	wrdreg s3;
	s3 =	simm.s32 @!p0 $0x0  }
0x24c: {  	s10 =	sld [smem:$0x7FB];
	s6 =	sadd.s32 @!p5 s22, s6;
	s3 =	simm.s32 @p0 $0x1  }
0x24d: {  	p5 =	seq.s32 s11, $0x1;
	[smem:$0x7F6] =	sst s3;
	s3 =	spop @!p6 (v2sf)  }
0x24e: {  	p2 =	seq.s32 s8, $0x1;
	s3 =	sshll.u32 @!p6 s3, $0x3;
	s7 =	spop @!p4 (v2sf)  }
0x24f: {  	s7 =	sshll.u32 @!p4 s7, $0x3;
	s24 =	sadd.s32 @!p6 s22, s3;
	s3 =	spop @!p5 (v2sf)  }
0x250: {  	(v2sf) =	vpush @!p6 v7, $0x3;
	s11 =	sadd.s32 @!p4 s22, s7;
	s7 =	simm.s32 @!p0 $0x0;
	s3 =	sshll.u32 @!p5 s3, $0x3  }
0x251: {  	(v2sf) =	vpush @!p2 v6, $0xA;
	p0 =	seq.s32 s12, $0x1;
	[dreg:$0xb] =	wrdreg s7;
	s7 =	spop @!p1 (v2sf)  }
0x252: {  	(v2sf) =	vpush @!p2 v7, $0xA;
	s3 =	sadd.s32 @!p5 s22, s3;
	p2 =	seq.s32 s13, $0x1;
	s7 =	sadd.s32 @!p1 s30, s7  }
0x253: {  	s16 =	spop @!p3 (v2sf);
	[dreg:$0x15] =	wrdreg s3;
	s7 =	sshll.u32 @!p1 s7, $0x9  }
0x254: {  	s3 =	spop @!p0 (v2sf);
	s16 =	sadd.s32 @!p3 s30, s16;
	s7 =	sshra.s32 @!p1 s7, $0x2  }
0x255: {  	s3 =	sadd.s32 @!p0 s30, s3;
	s19 =	spop @!p2 (v2sf);
	p2 =	seq.s32 s18, $0x1  }
0x256: {  	s16 =	sshll.u32 @!p3 s16, $0x9;
	s15 =	sadd.s32 @!p1 $0xFB00, s7;
	s17 =	spop @!p5 (v2sf)  }
0x257: {  	s7 =	simm.s32 @!p6 $0x0;
	s3 =	sshll.u32 @!p0 s3, $0x9;
	s21 =	spop @!p4 (v2sf)  }
0x258: {  	p6 =	por p0, p0;
	p0 =	por p4, p4;
	s21 =	sadd.s32 @!p4 s30, s21  }
0x259: {  	p4 =	seq.s32 s20, $0x1;
	s20 =	sshll.u32 @!p0 s21, $0x9;
	s21 =	sld [smem:$0x7EE]  }
0x25a: {  	p1 =	seq.s32 s14, $0x1;
	s16 =	sshra.s32 @!p3 s16, $0x2;
	s17 =	sadd.s32 @!p5 s30, s17  }
0x25b: {  	s14 =	sld [smem:$0x7F2];
	(v2sf) =	vpush @!p1 v7, $0xB;
	s25 =	sshll.u32 @!p5 s17, $0x9;
	s17 =	spop @!p4 (v2sf)  }
0x25c: {  	(v2sf) =	vpush @!p2 v7, $0x9;
	p0 =	seq.s32 s28, $0x1;
	s25 =	sshra.s32 @!p5 s25, $0x2;
	p2 =	seq.s32 s21, $0x1  }
0x25d: {  	s21 =	sadd.s32 @!p4 s30, s17;
	s17 =	sshra.s32 @!p6 s3, $0x2;
	s3 =	simm.s32 @!p3 $0x0  }
0x25e: {  	(v2sf) =	vpush @!p6 v6, $0x8;
	p6 =	seq.s32 s26, $0x1;
	s31 =	spop @!p2 (v2sf);
	s3 =	simm.s32 @p3 $0x1  }
0x25f: {  	s19 =	sadd.s32 @!p6 s30, s19;
	s12 =	spop @!p6 (v2sf);
	[smem:$0x7E7] =	sst s3  }
0x260: {  	(v2sf) =	vpush @!p1 v6, $0xB;
	s3 =	sshll.u32 @!p4 s21, $0x9;
	p1 =	por p6, p6;
	p6 =	seq.s32 s14, $0x1  }
0x261: {  	s14 =	sld [smem:$0x7E8];
	s21 =	spop @!p0 (v2sf);
	s28 =	sshra.s32 @!p4 s3, $0x2  }
0x262: {  	(v2sf) =	vpush @!p2 v6, $0x4;
	p2 =	seq.s32 s9, $0x1;
	s9 =	sadd.s32 @!p3 $0xFB00, s16;
	s21 =	sshll.u32 @!p0 s21, $0x3  }
0x263: {  	s19 =	sshll.u32 @!p1 s19, $0x9;
	s26 =	spop @!p2 (v2sf);
	s3 =	sadd.s32 @!p0 s22, s21  }
0x264: {  	s13 =	spop @!p4 (v2sf);
	p0 =	seq.s32 s10, $0x1;
	s10 =	sld [smem:$0x7EE]  }
0x265: {  	s21 =	sadd.s32 @!p4 $0xFB00, s28;
	s28 =	spop @!p0 (v2sf);
	s13 =	sshll.u32 @!p4 s13, $0x3  }
0x266: {  	s18 =	sadd.s32 @!p0 s30, s28;
	s28 =	sadd.s32 @!p5 $0xFB00, s25;
	s8 =	spop @!p6 (v2sf)  }
0x267: {  	p5 =	seq.s32 s14, $0x1;
	s16 =	sshll.u32 @!p0 s18, $0x9;
	p3 =	seq.s32 s10, $0x1  }
0x268: {  	s18 =	spop @!p6 (v2sf);
	s16 =	sshra.s32 @!p0 s16, $0x2;
	s25 =	sadd.s32 @!p3 s30, s31  }
0x269: {  	s31 =	sadd.s32 @!p0 $0xFB00, s16;
	s10 =	sshll.u32 @!p3 s25, $0x9;
	s16 =	sshra.s32 @!p1 s19, $0x2  }
0x26a: {  	s19 =	sld [smem:$0x7F5];
	s25 =	sadd.s32 @!p1 $0xFB00, s16;
	s16 =	sadd.s32 @!p4 s22, s13  }
0x26b: {  	s13 =	sadd.s32 @!p6 s30, s18;
	s18 =	sshra.s32 @!p5 s20, $0x2;
	s20 =	sld [smem:$0x7F4]  }
0x26c: {  	_ = 	snop  }
0x26d: {  	s18 =	sadd.s32 @!p5 $0xFB00, s18;
	p5 =	seq.s32 s19, $0x1;
	s19 =	sld [smem:$0x7ED]  }
0x26e: {  	p4 =	seq.s32 s20, $0x1  }
0x26f: {  	s20 =	spop @!p4 (v2sf)  }
0x270: {  	s14 =	spop @!p5 (v2sf);
	p0 =	seq.s32 s19, $0x1  }
0x271: {  	(v2sf) =	vpush @!p2 v7, $0xE;
	s19 =	spop @!p0 (v2sf);
	[smem:$0x7E6] =	sst s0  }
0x272: {  	s0 =	sld [smem:$0x7F6];
	_ =	sdelay $0x2  }
0x273: {  	s26 =	sshll.u32 @!p2 s26, $0x3;
	p2 =	seq.s32 s0, $0x1;
	s0 =	sld [smem:$0x7E6]  }
0x274: {  	s12 =	sshll.u32 @!p1 s12, $0x3;
	s4 =	sshll.u32 @!p5 s4, $0x3  }
0x275: {  	s12 =	sadd.s32 @!p1 s22, s12;
	s4 =	sadd.s32 @!p5 s22, s4;
	s19 =	sshll.u32 @!p0 s19, $0x3  }
0x276: {  	s19 =	sadd.s32 @!p0 s22, s19;
	s22 =	spop @!p4 (v2sf);
	(v2sf) =	vpush @!p2 v7, $0xC;
	[smem:$0x7E6] =	sst s0  }
0x277: {  	s0 =	sld [smem:$0x7E7];
	_ =	sdelay $0x2  }
0x278: {  	s13 =	sshll.u32 @!p6 s13, $0x9;
	p0 =	seq.s32 s0, $0x1;
	s0 =	sld [smem:$0x7E6]  }
0x279: {  	[tilespmem:s9], [sflag:$0x3] =	stream.linear.gather @!p0 [hbm4b:s6+s5], $0x40, $0x38;
	[tilespmem:$0x1DB00] =	vst v63  }
0x27a: {  	s5 =	sshra.s32 @!p6 s13, $0x2;
	s13 =	sld [smem:$0x7F9]  }
0x27b: {  	s9 =	sld [smem:$0x7F7];
	_ =	sdelay $0x1  }
0x27c: {  	p0 =	seq.s32 s13, $0x1;
	s13 =	sld [smem:$0x7E8]  }
0x27d: {  	p1 =	seq.s32 s9, $0x1  }
0x27e: {  	s6 =	sshll.u32 @!p6 s8, $0x3;
	s8 =	spop @!p3 (v2sf);
	s9 =	rddreg [dreg:$0x2];
	(v2sf) =	vpush @!p1 v7, $0xD  }
0x27f: {  	s6 =	sadd.s32 @!p6 s9, s6;
	s9 =	rddreg [dreg:$0xf];
	(v2sf) =	vpush @!p0 v7, $0xF;
	p0 =	seq.s32 s13, $0x1  }
0x280: {  	[tilespmem:s18], [sflag:$0x3] =	stream.linear.gather @!p0 [hbm4b:s11+s9], $0x40, $0x38;
	[tilespmem:$0x1DB00] =	vst v63  }
0x281: {  	s8 =	sshll.u32 @!p3 s8, $0x3;
	s9 =	rddreg [dreg:$0x2]  }
0x282: {  	s8 =	sadd.s32 @!p3 s9, s8;
	s9 =	sadd.s32 @!p5 s30, s14;
	s14 =	sld [smem:$0x7FC]  }
0x283: {  	_ = 	snop  }
0x284: {  	s13 =	rddreg [dreg:$0x13]  }
0x285: {  	s18 =	sld [smem:$0x7F3];
	p0 =	seq.s32 s14, $0x1  }
0x286: {  	[tilespmem:s15], [sflag:$0x3] =	stream.linear.gather @!p0 [hbm4b:s3+s13], $0x40, $0x38;
	[tilespmem:$0x1DB00] =	vst v63  }
0x287: {  	s15 =	sld [smem:$0x7ED]  }
0x288: {  	s10 =	sshra.s32 @!p3 s10, $0x2;
	s11 =	sadd.s32 @!p4 s30, s20;
	s20 =	sld [smem:$0x7FB]  }
0x289: {  	s10 =	sadd.s32 @!p3 $0xFB00, s10;
	(v2sf) =	vpush @!p2 v6, $0xC;
	p2 =	seq.s32 s18, $0x1;
	s18 =	sld [smem:$0x7ED]  }
0x28a: {  	s11 =	sshll.u32 @!p4 s11, $0x9;
	s14 =	rddreg [dreg:$0x15];
	p0 =	seq.s32 s15, $0x1  }
0x28b: {  	s15 =	sld [smem:$0x7F6];
	s3 =	sadd.s32 @!p0 $0xFB00, s17;
	p0 =	seq.s32 s20, $0x1  }
0x28c: {  	[tilespmem:s31], [sflag:$0x3] =	stream.linear.gather @!p0 [hbm4b:s24+s7], $0x40, $0x38;
	[tilespmem:$0x1DB00] =	vst v63  }
0x28d: {  	s13 =	spop @!p2 (v2sf);
	s17 =	sld [smem:$0x7F1];
	s7 =	sshll.u32 @!p5 s9, $0x9  }
0x28e: {  	s9 =	sshra.s32 @!p4 s11, $0x2;
	s11 =	sadd.s32 @!p2 s30, s13;
	s13 =	simm.s32 @!p3 $0x0  }
0x28f: {  	[tilespmem:s10], [sflag:$0x3] =	stream.linear.gather @!p3 [hbm4b:s8+s13], $0x40, $0x38;
	[tilespmem:$0x1DB00] =	vst v63  }
0x290: {  	s11 =	sshll.u32 @!p2 s11, $0x9;
	s8 =	sshll.u32 @!p4 s22, $0x3;
	s22 =	rddreg [dreg:$0x2]  }
0x291: {  	s10 =	sshra.s32 @!p2 s11, $0x2;
	s11 =	sadd.s32 @!p2 s22, s26;
	s26 =	sld [smem:$0x7EF]  }
0x292: {  	s20 =	sld [smem:$0x7F2]  }
0x293: {  	s31 =	sld [smem:$0x7F0]  }
0x294: {  	s5 =	sadd.s32 @!p6 $0xFB00, s5;
	s13 =	rddreg [dreg:$0x5];
	p0 =	seq.s32 s26, $0x1  }
0x295: {  	[tilespmem:s28], [sflag:$0x3] =	stream.linear.gather @!p0 [hbm4b:s14+s13], $0x40, $0x38;
	[tilespmem:$0x1DB00] =	vst v63  }
0x296: {  	s7 =	sshra.s32 @!p5 s7, $0x2;
	s9 =	sadd.s32 @!p4 $0xFB00, s9;
	s14 =	sld [smem:$0x7F9]  }
0x297: {  	s7 =	sadd.s32 @!p5 $0xFB00, s7;
	p3 =	seq.s32 s31, $0x1;
	s8 =	sadd.s32 @!p4 s22, s8  }
0x298: {  	(v2sf) =	vpush @!p1 v6, $0xD;
	s10 =	sadd.s32 @!p2 $0xFB00, s10;
	p2 =	seq.s32 s17, $0x1;
	p0 =	seq.s32 s15, $0x1  }
0x299: {  	s13 =	spop @!p0 (v2sf);
	p6 =	seq.s32 s14, $0x1;
	s14 =	rddreg [dreg:$0x7]  }
0x29a: {  	[tilespmem:s25], [sflag:$0x3] =	stream.linear.gather @!p2 [hbm4b:s12+s14], $0x40, $0x38;
	[tilespmem:$0x1DB00] =	vst v63  }
0x29b: {  	s15 =	rddreg [dreg:$0xd];
	s12 =	sadd.s32 @!p0 s30, s13;
	s13 =	spop @!p1 (v2sf)  }
0x29c: {  	s14 =	rddreg [dreg:$0x4];
	p2 =	seq.s32 s18, $0x1;
	s12 =	sshll.u32 @!p0 s12, $0x9  }
0x29d: {  	(v2sf) =	vpush @!p6 v6, $0xF;
	[tilespmem:s21], [sflag:$0x3] =	stream.linear.gather @!p3 [hbm4b:s16+s14], $0x40, $0x38;
	[tilespmem:$0x1DB00] =	vst v63  }
0x29e: {  	s13 =	sadd.s32 @!p1 s30, s13;
	s14 =	spop @!p6 (v2sf);
	p3 =	seq.s32 s20, $0x1  }
0x29f: {  	[tilespmem:s3], [sflag:$0x3] =	stream.linear.gather @!p2 [hbm4b:s19+s15], $0x40, $0x38;
	[tilespmem:$0x1DB00] =	vst v63  }
0x2a0: {  	s21 =	sld [smem:$0x7E7];
	s3 =	sshra.s32 @!p0 s12, $0x2;
	s12 =	sshll.u32 @!p1 s13, $0x9  }
0x2a1: {  	s13 =	sadd.s32 @!p6 s30, s14;
	s14 =	rddreg [dreg:$0x9];
	s3 =	sadd.s32 @!p0 $0xFB00, s3  }
0x2a2: {  	[tilespmem:s7], [sflag:$0x3] =	stream.linear.gather @!p5 [hbm4b:s4+s14], $0x40, $0x38;
	[tilespmem:$0x1DB00] =	vst v63  }
0x2a3: {  	s4 =	simm.s32 @!p3 $0x0;
	s7 =	sshra.s32 @!p1 s12, $0x2;
	s12 =	spop @!p0 (v2sf)  }
0x2a4: {  	[tilespmem:s5], [sflag:$0x3] =	stream.linear.gather @!p3 [hbm4b:s6+s4], $0x40, $0x38;
	[tilespmem:$0x1DB00] =	vst v63  }
0x2a5: {  	s4 =	sshll.u32 @!p0 s12, $0x3;
	s5 =	sadd.s32 @!p1 $0xFB00, s7;
	s7 =	rddreg [dreg:$0x6]  }
0x2a6: {  	[tilespmem:s9], [sflag:$0x3] =	stream.linear.gather @!p4 [hbm4b:s8+s7], $0x40, $0x38;
	[tilespmem:$0x1DB00] =	vst v63  }
0x2a7: {  	s6 =	spop @!p1 (v2sf);
	s4 =	sadd.s32 @!p0 s22, s4;
	s8 =	rddreg [dreg:$0xb]  }
0x2a8: {  	[tilespmem:s3], [sflag:$0x3] =	stream.linear.gather @!p0 [hbm4b:s4+s8], $0x40, $0x38;
	[tilespmem:$0x1DB00] =	vst v63  }
0x2a9: {  	s19 =	sld [smem:$0x7F3];
	s7 =	sshll.u32 @!p6 s13, $0x9;
	s3 =	sshll.u32 @!p1 s6, $0x3  }
0x2aa: {  	s4 =	sshra.s32 @!p6 s7, $0x2;
	s7 =	simm.s32 @!p1 $0x0;
	s3 =	sadd.s32 @!p1 s22, s3  }
0x2ab: {  	[tilespmem:s5], [sflag:$0x3] =	stream.linear.gather @!p1 [hbm4b:s3+s7], $0x40, $0x38;
	[tilespmem:$0x1DB00] =	vst v63  }
0x2ac: {  	p2 =	seq.s32 s19, $0x1;
	p0 =	seq.s32 s21, $0x1;
	s6 =	spop @!p6 (v2sf)  }
0x2ad: {  	s3 =	simm.s32 @!p2 $0x0;
	s5 =	simm.s32 @!p6 $0x0;
	s6 =	sshll.u32 @!p6 s6, $0x3  }
0x2ae: {  	[tilespmem:s10], [sflag:$0x3] =	stream.linear.gather @!p2 [hbm4b:s11+s3], $0x40, $0x38;
	[tilespmem:$0x1DB00] =	vst v63  }
0x2af: {  	s3 =	sadd.s32 @!p6 $0xFB00, s4;
	s4 =	sadd.s32 @!p6 s22, s6;
	s6 =	simm.s32 @!p0 $0x3  }
0x2b0: {  	[tilespmem:s3], [sflag:$0x3] =	stream.linear.gather @!p6 [hbm4b:s4+s5], $0x40, $0x38;
	[tilespmem:$0x1DB00] =	vst v63  }
0x2b1: {  	_ =	swait.ge @!p0 [sflag:s6], $0x40  }
0x2b2: {  	s26 =	sld [smem:$0x7E8];
	_ =	sdelay $0x1  }
0x2b3: {  	[sflag:s6] =	ssyncset.done @!p0 $0x0  }
0x2b4: {  	s25 =	sld [smem:$0x7FC];
	[sflag:s6] =	ssyncadd.s32 @!p0 $0xFFFFFFC0;
	p0 =	seq.s32 s26, $0x1  }
0x2b5: {  	s3 =	simm.s32 @!p0 $0x3  }
0x2b6: {  	s24 =	sld [smem:$0x7FB];
	_ =	swait.ge @!p0 [sflag:s3], $0x40  }
0x2b7: {  	p6 =	seq.s32 s25, $0x1;
	[sflag:s3] =	ssyncset.done @!p0 $0x0  }
0x2b8: {  	[sflag:s3] =	ssyncadd.s32 @!p0 $0xFFFFFFC0;
	s3 =	simm.s32 @!p6 $0x3  }
0x2b9: {  	s28 =	sld [smem:$0x7F2];
	_ =	swait.ge @!p6 [sflag:s3], $0x40  }
0x2ba: {  	s31 =	sld [smem:$0x7E9];
	_ =	sdelay $0x2  }
0x2bb: {  	p0 =	seq.s32 s31, $0x1  }
.Ltmp10:
0x2bc: {  	_ = 	snop;
	(pc) =	sbr.rel @p0 .LBB2_11-.Ltmp10, $3  }
0x2bd: {  	_ =	sdelay $0x1  }
0x2be: {  	s2 =	sadd.s32 $0x10, s2  }
0x2bf: {  	p1 =	seq.s32 s24, $0x1;
	p3 =	seq.s32 s28, $0x1;
	[sflag:s3] =	ssyncset.done @!p6 $0x0  }
.Ltmp11:
0x2c0: {  	_ = 	snop;
	(pc) =	sbr.rel .LBB2_12-.Ltmp11, $1  }
0x2c1: {  	_ =	sdelay $0x3  }
.LBB2_14:
0x2c2: {  	s1 =	simm.s32 $0x2  }
0x2c3: {  	_ =	swait.ge [sflag:s1], $0x3800  }
0x2c4: {  	s0 =	rddreg [dreg:$0x16]  }
0x2c5: {  	p0 =	sne.s32 s0, $0x1F  }
.Ltmp12:
0x2c6: {  	_ = 	snop;
	(pc) =	sbr.rel @p0 .LBB2_20-.Ltmp12, $3  }
0x2c7: {  	_ =	sdelay $0x1  }
0x2c8: {  	s8 =	simm.s32 $0xBA80;
	[sflag:s1] =	ssyncset.done $0x0  }
0x2c9: {  	s9 =	simm.s32 $0x4000;
	[sflag:s1] =	ssyncadd.s32 $0xFFFFC800;
	s1 =	sld [smem:$0x7FD]  }
0x2ca: {  	s0 =	rddreg [dreg:$0x1d];
	s1 =	simm.s32 $0xFB00;
	s25 =	simm.s32 $0x4  }
0x2cb: {  	[tilespmem:s1], [sflag:$0x4] =	stream.linear.gather [hbm4b:s0+s6], $0x2000, $0x38;
	[tilespmem:$0x1DB00] =	vst v63  }
0x2cc: {  	_ =	swait.ge [sflag:s25], $0x2000  }
0x2cd: {  	[sflag:s25] =	ssyncset.done $0x0  }
0x2ce: {  	[sflag:s25] =	ssyncadd.s32 $0xFFFFE000  }
0x2cf: {  	v5 =	vld [tilespmem:$0xBA10];
	_ =	sdelay $0x4  }
0x2d0: {  	vm0 =	vgt.s32 v5, $0xFFFFFFFF  }
0x2d1: {  	v6 =	vsel vm0, $0x1, v4  }
0x2d2: {  	(xrf0) =	vadd.scan.msk.s32 $0xffff, v6;
	_ =	sdelay $0x5  }
0x2d3: {  	v6, _, _ =	vpop (xrf0)  }
0x2d4: {  	v7 =	vadd.s32 $0xFFFFFFFF, v6;
	_ =	sdelay $0x3  }
0x2d5: {  	s1 =	simm.s32 $0xFA80  }
0x2d6: {  	[tilespmem:v7+s1+$0x0] =	vst.idx.msk vm0, v5  }
0x2d7: {  	v5 =	vld [tilespmem:$0xBA20];
	_ =	sdelay $0x4  }
0x2d8: {  	vm13 =	vgt.s32 v5, $0xFFFFFFFF  }
0x2d9: {  	v8 =	vsel vm13, $0x1, v4  }
0x2da: {  	(xrf0) =	vadd.scan.msk.s32 $0xffff, v8;
	_ =	sdelay $0x5  }
0x2db: {  	(v2sf) =	vpush v6, $0xF;
	v7 =	vbroadcast v7, $0xF;
	v6, _, _ =	vpop (xrf0)  }
0x2dc: {  	(v2sf) =	vpush v6, $0xF  }
0x2dd: {  	v6 =	vadd.s32 v6, v7;
	_ =	sdelay $0x4  }
0x2de: {  	[tilespmem:v6+s1+$0x0] =	vst.idx.msk vm13, v5  }
0x2df: {  	v5 =	vld [tilespmem:$0xBA30];
	_ =	sdelay $0x4  }
0x2e0: {  	vm14 =	vgt.s32 v5, $0xFFFFFFFF  }
0x2e1: {  	v6 =	vsel vm14, $0x1, v4  }
0x2e2: {  	s26 =	spop (v2sf);
	(xrf0) =	vadd.scan.msk.s32 $0xffff, v6  }
0x2e3: {  	s2 =	spop (v2sf)  }
0x2e4: {  	s0 =	sadd.s32 s26, s2  }
0x2e5: {  	v6 =	vmov s0  }
0x2e6: {  	v6 =	vadd.s32 $0xFFFFFFFF, v6  }
0x2e7: {  	v6 =	vbroadcast v6, $0x0  }
0x2e8: {  	v7, _, _ =	vpop (xrf0)  }
0x2e9: {  	v6 =	vadd.s32 v7, v6;
	_ =	sdelay $0x4  }
0x2ea: {  	[tilespmem:v6+s1+$0x0] =	vst.idx.msk vm14, v5  }
0x2eb: {  	v5 =	vld [tilespmem:$0xBA40];
	_ =	sdelay $0x4  }
0x2ec: {  	vm15 =	vgt.s32 v5, $0xFFFFFFFF  }
0x2ed: {  	v6 =	vsel vm15, $0x1, v4  }
0x2ee: {  	(xrf0) =	vadd.scan.msk.s32 $0xffff, v6;
	_ =	sdelay $0x5  }
0x2ef: {  	(v2sf) =	vpush v7, $0xF;
	v6, _, _ =	vpop (xrf0)  }
0x2f0: {  	(v2sf) =	vpush v6, $0xF;
	_ =	sdelay $0xd  }
0x2f1: {  	s28 =	spop (v2sf)  }
0x2f2: {  	s0 =	sadd.s32 s0, s28;
	s29 =	spop (v2sf)  }
0x2f3: {  	s25 =	sadd.s32 s0, s29  }
0x2f4: {  	v7 =	vmov s0;
	s0 =	sadd.s32 $0xF, s25  }
0x2f5: {  	s30 =	sand.u32 $0xF, s0  }
0x2f6: {  	s31 =	sshra.s32 s0, $0x1F;
	p1 =	slt.s32 s0, $0x1;
	p0 =	sne.s32 s30, $0x0  }
0x2f7: {  	s2 =	sshrl.u32 s31, $0x1C;
	p0 =	por !p1, !p0  }
0x2f8: {  	v7 =	vadd.s32 $0xFFFFFFFF, v7;
	s0 =	sadd.s32 s2, s0;
	s2 =	simm.s32 $0x1;
	p0 =	por !p0, !p0  }
0x2f9: {  	v7 =	vbroadcast v7, $0x0;
	s0 =	sshra.s32 s0, $0x4;
	s2 =	simm.s32 @!p0 $0x0  }
0x2fa: {  	s0 =	ssub.s32 s0, s2  }
0x2fb: {  	v6 =	vadd.s32 v6, v7;
	p0 =	slt.s32 s0, $0x1  }
.Ltmp13:
0x2fc: {  	_ = 	snop;
	(pc) =	sbr.rel @p0 .LBB2_19-.Ltmp13, $2  }
0x2fd: {  	_ =	sdelay $0x2  }
0x2fe: {  	s26 =	simm.s32 $0xF;
	[tilespmem:v6+s1+$0x0] =	vst.idx.msk vm15, v5  }
0x2ff: {  	v6 =	vld [tilespmem:s1+$0x0];
	_ =	sdelay $0x3  }
0x300: {  	s2 =	sadd.s32 $0xFFFFFFFD, s26  }
0x301: {  	s3 =	sadd.s32 $0xFFFFFFF9, s26;
	p5 =	sge.s32 s2, s25;
	v5 =	vand.u32 $0x3FFF, v6  }
0x302: {  	s13 =	sadd.s32 $0xFFFFFFF7, s26;
	s14 =	sadd.s32 $0xFFFFFFFE, s26;
	p2 =	sge.s32 s3, s25;
	(v2sf) =	vpush @!p5 v5, $0xC  }
0x303: {  	s15 =	sadd.s32 $0xFFFFFFF6, s26;
	p6 =	sge.s32 s13, s25;
	s3 =	simm.s32 @!p5 $0x0;
	(v2sf) =	vpush @!p2 v5, $0x8  }
0x304: {  	s16 =	sadd.s32 $0xFFFFFFF4, s26;
	p0 =	sge.s32 s14, s25;
	s3 =	simm.s32 @p5 $0x1;
	(v2sf) =	vpush @!p6 v5, $0x6  }
0x305: {  	p1 =	sge.s32 s15, s25;
	[smem:$0x7DB] =	sst s3;
	s3 =	simm.s32 @!p0 $0x0;
	(v2sf) =	vpush @!p0 v5, $0xD  }
0x306: {  	s17 =	sadd.s32 $0xFFFFFFF8, s26;
	s3 =	simm.s32 @p0 $0x1;
	p0 =	sge.s32 s16, s25;
	(v2sf) =	vpush @!p1 v5, $0x5  }
0x307: {  	p4 =	sge.s32 s17, s25;
	s2 =	simm.s32 @!p2 $0x0;
	v6 =	vshrl.u32 v6, $0xE;
	(v2sf) =	vpush @!p0 v5, $0x3  }
0x308: {  	s2 =	simm.s32 @p2 $0x1;
	v6 =	vadd.s32 $0xFFFF85F0, v6;
	(v2sf) =	vpush @!p4 v5, $0x7  }
0x309: {  	s18 =	sadd.s32 $0xFFFFFFF3, s26;
	[smem:$0x7DA] =	sst s2;
	(v2sf) =	vpush @!p4 v6, $0x7  }
0x30a: {  	s19 =	sadd.s32 $0xFFFFFFF2, s26;
	s20 =	sadd.s32 $0xFFFFFFF5, s26;
	s23 =	sld [smem:$0x7DA];
	(v2sf) =	vpush @!p1 v6, $0x5  }
0x30b: {  	[smem:$0x7DE] =	sst s3;
	p2 =	sge.s32 s18, s25;
	s3 =	simm.s32 @!p0 $0x0;
	(v2sf) =	vpush @!p0 v6, $0x3  }
0x30c: {  	s2 =	simm.s32 @!p2 $0x0;
	s3 =	simm.s32 @p0 $0x1;
	p0 =	sge.s32 s19, s25;
	(v2sf) =	vpush @!p2 v5, $0x2  }
0x30d: {  	p3 =	sge.s32 s20, s25;
	s24 =	sld [smem:$0x7DE];
	s2 =	simm.s32 @p2 $0x1;
	(v2sf) =	vpush @!p0 v5, $0x1  }
0x30e: {  	[smem:$0x7E1] =	sst s2;
	s2 =	simm.s32 @!p3 $0x0;
	(v2sf) =	vpush @!p3 v5, $0x4  }
0x30f: {  	s2 =	simm.s32 @p3 $0x1;
	[smem:$0x7E2] =	sst s3;
	(v2sf) =	vpush @!p6 v6, $0x6  }
0x310: {  	s21 =	sadd.s32 $0xFFFFFFF1, s26;
	[smem:$0x7E3] =	sst s2;
	(v2sf) =	vpush @!p3 v6, $0x4  }
0x311: {  	p3 =	sge.s32 s21, s25;
	(v2sf) =	vpush @!p2 v6, $0x2;
	s2 =	spop @!p5 (v2sf);
	p5 =	seq.s32 s23, $0x1  }
0x312: {  	s5 =	simm.s32 @!p6 $0x0;
	s28 =	sld [smem:$0x7E2];
	(v2sf) =	vpush @!p3 v5, $0x0;
	s4 =	spop @!p5 (v2sf)  }
0x313: {  	s5 =	simm.s32 @p6 $0x1;
	p5 =	seq.s32 s24, $0x1;
	(v2sf) =	vpush @!p0 v6, $0x1;
	s3 =	spop @!p6 (v2sf)  }
0x314: {  	[smem:$0x7E5] =	sst s5;
	(v2sf) =	vpush @!p3 v6, $0x0;
	s5 =	spop @!p5 (v2sf)  }
0x315: {  	s6 =	simm.s32 @!p1 $0x0;
	p5 =	seq.s32 s28, $0x1;
	s8 =	spop @!p1 (v2sf)  }
0x316: {  	s6 =	simm.s32 @p1 $0x1;
	s9 =	spop @!p5 (v2sf)  }
0x317: {  	[smem:$0x7E4] =	sst s6;
	s6 =	spop @!p4 (v2sf)  }
0x318: {  	s7 =	spop @!p4 (v2sf)  }
0x319: {  	s14 =	sld [smem:$0x7E3];
	s10 =	spop @!p1 (v2sf)  }
0x31a: {  	s11 =	spop @!p5 (v2sf)  }
0x31b: {  	s12 =	spop @!p2 (v2sf)  }
0x31c: {  	p1 =	por p5, p5;
	p5 =	seq.s32 s14, $0x1;
	s13 =	spop @!p0 (v2sf)  }
0x31d: {  	s14 =	spop @!p5 (v2sf)  }
0x31e: {  	s15 =	spop @!p6 (v2sf)  }
0x31f: {  	s18 =	simm.s32 @!p3 $0x0;
	s16 =	spop @!p5 (v2sf)  }
0x320: {  	s18 =	simm.s32 @p3 $0x1;
	s17 =	spop @!p2 (v2sf)  }
0x321: {  	[smem:$0x7E0] =	sst s18;
	s18 =	spop @!p3 (v2sf)  }
0x322: {  	s19 =	spop @!p0 (v2sf)  }
0x323: {  	s20 =	spop @!p3 (v2sf)  }
0x324: {  	s29 =	sadd.s32 $0xFFFFFFFB, s26;
	s20 =	sshll.u32 @!p3 s20, $0x9  }
0x325: {  	s31 =	sld [smem:$0x7DA];
	s18 =	sshll.u32 @!p3 s18, $0x3;
	s20 =	sshra.s32 @!p3 s20, $0x2  }
0x326: {  	s21 =	simm.s32 @!p3 $0x0;
	s18 =	sadd.s32 @!p3 s22, s18;
	s20 =	sadd.s32 @!p3 $0xFB00, s20  }
0x327: {  	[tilespmem:s20], [sflag:$0x3] =	stream.linear.gather @!p3 [hbm4b:s18+s21], $0x40, $0x38;
	[tilespmem:$0x1DB00] =	vst v63  }
0x328: {  	s9 =	sshll.u32 @!p1 s9, $0x3;
	s11 =	sshll.u32 @!p1 s11, $0x9;
	s18 =	sshll.u32 @!p0 s19, $0x9  }
0x329: {  	s9 =	sadd.s32 @!p1 s22, s9;
	s13 =	sshll.u32 @!p0 s13, $0x3;
	s18 =	sshra.s32 @!p0 s18, $0x2  }
0x32a: {  	s13 =	sadd.s32 @!p0 s22, s13;
	s19 =	simm.s32 @!p0 $0x0;
	s18 =	sadd.s32 @!p0 $0xFB00, s18  }
0x32b: {  	[tilespmem:s18], [sflag:$0x3] =	stream.linear.gather @!p0 [hbm4b:s13+s19], $0x40, $0x38;
	[tilespmem:$0x1DB00] =	vst v63  }
0x32c: {  	s12 =	sshll.u32 @!p2 s12, $0x3;
	s11 =	sshra.s32 @!p1 s11, $0x2;
	s13 =	sshll.u32 @!p2 s17, $0x9  }
0x32d: {  	s12 =	sadd.s32 @!p2 s22, s12;
	s11 =	sadd.s32 @!p1 $0xFB00, s11;
	s13 =	sshra.s32 @!p2 s13, $0x2  }
0x32e: {  	p6 =	por p0, p0;
	s17 =	simm.s32 @!p2 $0x0;
	s13 =	sadd.s32 @!p2 $0xFB00, s13  }
0x32f: {  	[tilespmem:s13], [sflag:$0x3] =	stream.linear.gather @!p2 [hbm4b:s12+s17], $0x40, $0x38;
	[tilespmem:$0x1DB00] =	vst v63  }
0x330: {  	p3 =	seq.s32 s31, $0x1;
	s12 =	simm.s32 @!p1 $0x0;
	s13 =	sld [smem:$0x7E4]  }
0x331: {  	[tilespmem:s11], [sflag:$0x3] =	stream.linear.gather @!p1 [hbm4b:s9+s12], $0x40, $0x38;
	[tilespmem:$0x1DB00] =	vst v63  }
0x332: {  	p2 =	sge.s32 s29, s25;
	s9 =	sshll.u32 @!p5 s16, $0x9;
	s11 =	sshll.u32 @!p5 s14, $0x3  }
0x333: {  	(v2sf) =	vpush @!p2 v6, $0xA;
	s12 =	simm.s32 @!p5 $0x0;
	s9 =	sshra.s32 @!p5 s9, $0x2;
	p0 =	seq.s32 s13, $0x1  }
0x334: {  	(v2sf) =	vpush @!p2 v5, $0xA;
	s11 =	sadd.s32 @!p5 s22, s11;
	s9 =	sadd.s32 @!p5 $0xFB00, s9;
	s10 =	sshll.u32 @!p0 s10, $0x9  }
0x335: {  	(v2sf) =	vpush @!p3 v6, $0x8;
	[tilespmem:s9], [sflag:$0x3] =	stream.linear.gather @!p5 [hbm4b:s11+s12], $0x40, $0x38;
	[tilespmem:$0x1DB00] =	vst v63  }
0x336: {  	s14 =	sld [smem:$0x7E5];
	s8 =	sshll.u32 @!p0 s8, $0x3;
	s10 =	sshra.s32 @!p0 s10, $0x2  }
0x337: {  	s11 =	simm.s32 @!p0 $0x0;
	s8 =	sadd.s32 @!p0 s22, s8;
	s10 =	sadd.s32 @!p0 $0xFB00, s10  }
0x338: {  	[tilespmem:s10], [sflag:$0x3] =	stream.linear.gather @!p0 [hbm4b:s8+s11], $0x40, $0x38;
	[tilespmem:$0x1DB00] =	vst v63  }
0x339: {  	s12 =	sadd.s32 $0xFFFFFFFA, s26;
	p0 =	seq.s32 s14, $0x1  }
0x33a: {  	p1 =	sge.s32 s12, s25;
	s8 =	sshll.u32 @!p0 s15, $0x9  }
0x33b: {  	(v2sf) =	vpush @!p1 v6, $0x9;
	s3 =	sshll.u32 @!p0 s3, $0x3;
	s8 =	sshra.s32 @!p0 s8, $0x2  }
0x33c: {  	(v2sf) =	vpush @!p1 v5, $0x9;
	s9 =	simm.s32 @!p0 $0x0;
	s3 =	sadd.s32 @!p0 s22, s3;
	s8 =	sadd.s32 @!p0 $0xFB00, s8  }
0x33d: {  	[tilespmem:s8], [sflag:$0x3] =	stream.linear.gather @!p0 [hbm4b:s3+s9], $0x40, $0x38;
	[tilespmem:$0x1DB00] =	vst v63  }
0x33e: {  	s3 =	sshll.u32 @!p4 s7, $0x9  }
0x33f: {  	s6 =	sshll.u32 @!p4 s6, $0x3;
	s3 =	sshra.s32 @!p4 s3, $0x2  }
0x340: {  	s6 =	sadd.s32 @!p4 s22, s6;
	s7 =	simm.s32 @!p4 $0x0;
	s3 =	sadd.s32 @!p4 $0xFB00, s3  }
0x341: {  	[tilespmem:s3], [sflag:$0x3] =	stream.linear.gather @!p4 [hbm4b:s6+s7], $0x40, $0x38;
	[tilespmem:$0x1DB00] =	vst v63  }
0x342: {  	s8 =	spop @!p2 (v2sf)  }
0x343: {  	s16 =	sadd.s32 $0xFFFFFFFC, s26;
	s6 =	spop @!p2 (v2sf)  }
0x344: {  	p0 =	por p3, p3;
	s7 =	spop @!p3 (v2sf);
	p3 =	sge.s32 s16, s25  }
0x345: {  	(v2sf) =	vpush @!p3 v6, $0xB;
	s3 =	sshll.u32 @!p0 s7, $0x9  }
0x346: {  	s17 =	sld [smem:$0x7DB];
	s4 =	sshll.u32 @!p0 s4, $0x3;
	(v2sf) =	vpush @!p3 v5, $0xB;
	s3 =	sshra.s32 @!p0 s3, $0x2  }
0x347: {  	s4 =	sadd.s32 @!p0 s22, s4;
	s7 =	simm.s32 @!p0 $0x0;
	s3 =	sadd.s32 @!p0 $0xFB00, s3  }
0x348: {  	[tilespmem:s3], [sflag:$0x3] =	stream.linear.gather @!p0 [hbm4b:s4+s7], $0x40, $0x38;
	[tilespmem:$0x1DB00] =	vst v63  }
0x349: {  	p0 =	por p4, p4;
	p4 =	seq.s32 s17, $0x1  }
0x34a: {  	s18 =	sld [smem:$0x7DE];
	s19 =	sadd.s32 $0xFFFFFFFF, s26;
	s3 =	spop @!p1 (v2sf);
	(v2sf) =	vpush @!p4 v6, $0xC  }
0x34b: {  	s9 =	simm.s32 @!p1 $0x0;
	s3 =	sshll.u32 @!p1 s3, $0x9;
	s4 =	spop @!p1 (v2sf)  }
0x34c: {  	s9 =	simm.s32 @p1 $0x1;
	s3 =	sshra.s32 @!p1 s3, $0x2;
	s4 =	sshll.u32 @!p1 s4, $0x3  }
0x34d: {  	s7 =	simm.s32 @!p1 $0x0;
	s3 =	sadd.s32 @!p1 $0xFB00, s3;
	s4 =	sadd.s32 @!p1 s22, s4  }
0x34e: {  	[tilespmem:s3], [sflag:$0x3] =	stream.linear.gather @!p1 [hbm4b:s4+s7], $0x40, $0x38;
	[tilespmem:$0x1DB00] =	vst v63  }
0x34f: {  	s6 =	sshll.u32 @!p2 s6, $0x3;
	s3 =	sshll.u32 @!p2 s8, $0x9;
	p1 =	seq.s32 s18, $0x1  }
0x350: {  	s6 =	sadd.s32 @!p2 s22, s6;
	s7 =	simm.s32 @!p2 $0x0;
	s3 =	sshra.s32 @!p2 s3, $0x2;
	(v2sf) =	vpush @!p1 v6, $0xD  }
0x351: {  	s4 =	simm.s32 @!p2 $0x0;
	p1 =	sge.s32 s19, s25;
	s3 =	sadd.s32 @!p2 $0xFB00, s3  }
0x352: {  	[tilespmem:s3], [sflag:$0x3] =	stream.linear.gather @!p2 [hbm4b:s6+s7], $0x40, $0x38;
	[tilespmem:$0x1DB00] =	vst v63  }
0x353: {  	s4 =	simm.s32 @p2 $0x1;
	(v2sf) =	vpush @!p1 v6, $0xE;
	p2 =	por p3, p3  }
0x354: {  	p3 =	sge.s32 s26, s25;
	s3 =	spop @!p2 (v2sf)  }
0x355: {  	[smem:$0x7DD] =	sst s4;
	(v2sf) =	vpush @!p3 v6, $0xF;
	s3 =	sshll.u32 @!p2 s3, $0x9;
	s4 =	spop @!p2 (v2sf)  }
0x356: {  	(v2sf) =	vpush @!p1 v5, $0xE;
	s3 =	sshra.s32 @!p2 s3, $0x2;
	s4 =	sshll.u32 @!p2 s4, $0x3  }
0x357: {  	s6 =	simm.s32 @!p2 $0x0;
	s3 =	sadd.s32 @!p2 $0xFB00, s3;
	s4 =	sadd.s32 @!p2 s22, s4  }
0x358: {  	[tilespmem:s3], [sflag:$0x3] =	stream.linear.gather @!p2 [hbm4b:s4+s6], $0x40, $0x38;
	[tilespmem:$0x1DB00] =	vst v63  }
0x359: {  	s3 =	spop @!p4 (v2sf)  }
0x35a: {  	(v2sf) =	vpush @!p3 v5, $0xF;
	s3 =	sshll.u32 @!p4 s3, $0x9  }
0x35b: {  	s20 =	sld [smem:$0x7DE];
	s2 =	sshll.u32 @!p4 s2, $0x3;
	s3 =	sshra.s32 @!p4 s3, $0x2  }
0x35c: {  	s2 =	sadd.s32 @!p4 s22, s2;
	s4 =	simm.s32 @!p4 $0x0;
	s3 =	sadd.s32 @!p4 $0xFB00, s3  }
0x35d: {  	[tilespmem:s3], [sflag:$0x3] =	stream.linear.gather @!p4 [hbm4b:s2+s4], $0x40, $0x38;
	[tilespmem:$0x1DB00] =	vst v63  }
0x35e: {  	p4 =	seq.s32 s20, $0x1  }
0x35f: {  	s2 =	spop @!p4 (v2sf)  }
0x360: {  	s2 =	sshll.u32 @!p4 s2, $0x9  }
0x361: {  	s3 =	sshll.u32 @!p4 s5, $0x3;
	s4 =	simm.s32 @!p4 $0x0;
	s2 =	sshra.s32 @!p4 s2, $0x2  }
0x362: {  	s3 =	sadd.s32 @!p4 s22, s3;
	s5 =	spop @!p1 (v2sf);
	s2 =	sadd.s32 @!p4 $0xFB00, s2  }
0x363: {  	[tilespmem:s2], [sflag:$0x3] =	stream.linear.gather @!p4 [hbm4b:s3+s4], $0x40, $0x38;
	[tilespmem:$0x1DB00] =	vst v63  }
0x364: {  	s2 =	spop @!p3 (v2sf)  }
0x365: {  	s3 =	sshll.u32 @!p1 s5, $0x9;
	s4 =	spop @!p1 (v2sf)  }
0x366: {  	s5 =	simm.s32 @!p1 $0x0;
	s3 =	sshra.s32 @!p1 s3, $0x2;
	s4 =	sshll.u32 @!p1 s4, $0x3  }
0x367: {  	s2 =	sshll.u32 @!p3 s2, $0x9;
	s3 =	sadd.s32 @!p1 $0xFB00, s3;
	s4 =	sadd.s32 @!p1 s22, s4  }
0x368: {  	[tilespmem:s3], [sflag:$0x3] =	stream.linear.gather @!p1 [hbm4b:s4+s5], $0x40, $0x38;
	[tilespmem:$0x1DB00] =	vst v63  }
0x369: {  	s2 =	sshra.s32 @!p3 s2, $0x2;
	s3 =	spop @!p3 (v2sf)  }
0x36a: {  	s21 =	sld [smem:$0x7E0];
	s2 =	sadd.s32 @!p3 $0xFB00, s2;
	s3 =	sshll.u32 @!p3 s3, $0x3  }
0x36b: {  	s4 =	simm.s32 @!p3 $0x0;
	s5 =	simm.s32 @!p3 $0x0;
	s3 =	sadd.s32 @!p3 s22, s3  }
0x36c: {  	[tilespmem:s2], [sflag:$0x3] =	stream.linear.gather @!p3 [hbm4b:s3+s4], $0x40, $0x38;
	[tilespmem:$0x1DB00] =	vst v63  }
0x36d: {  	[smem:$0x7DC] =	sst s9;
	s5 =	simm.s32 @p3 $0x1;
	p3 =	seq.s32 s21, $0x1  }
0x36e: {  	[smem:$0x7DF] =	sst s5;
	s2 =	simm.s32 @!p3 $0x3  }
0x36f: {  	_ =	swait.ge @!p3 [sflag:s2], $0x40  }
0x370: {  	[sflag:s2] =	ssyncset.done @!p3 $0x0  }
0x371: {  	[sflag:s2] =	ssyncadd.s32 @!p3 $0xFFFFFFC0;
	s2 =	simm.s32 @!p6 $0x3  }
0x372: {  	_ =	swait.ge @!p6 [sflag:s2], $0x40  }
0x373: {  	s23 =	sld [smem:$0x7E1];
	_ =	sdelay $0x2  }
0x374: {  	[sflag:s2] =	ssyncset.done @!p6 $0x0;
	p3 =	seq.s32 s23, $0x1  }
0x375: {  	[sflag:s2] =	ssyncadd.s32 @!p6 $0xFFFFFFC0;
	s2 =	simm.s32 @!p3 $0x3  }
0x376: {  	_ =	swait.ge @!p3 [sflag:s2], $0x40  }
0x377: {  	s24 =	sld [smem:$0x7E2];
	_ =	sdelay $0x1  }
0x378: {  	[sflag:s2] =	ssyncset.done @!p3 $0x0  }
0x379: {  	[sflag:s2] =	ssyncadd.s32 @!p3 $0xFFFFFFC0;
	p3 =	seq.s32 s24, $0x1  }
0x37a: {  	s2 =	simm.s32 @!p3 $0x3  }
0x37b: {  	_ =	swait.ge @!p3 [sflag:s2], $0x40  }
0x37c: {  	s28 =	sld [smem:$0x7E3];
	_ =	sdelay $0x1  }
0x37d: {  	[sflag:s2] =	ssyncset.done @!p3 $0x0  }
0x37e: {  	[sflag:s2] =	ssyncadd.s32 @!p3 $0xFFFFFFC0;
	p3 =	seq.s32 s28, $0x1  }
0x37f: {  	s2 =	simm.s32 @!p3 $0x3  }
0x380: {  	_ =	swait.ge @!p3 [sflag:s2], $0x40  }
0x381: {  	s29 =	sld [smem:$0x7E4];
	_ =	sdelay $0x2  }
0x382: {  	p4 =	por p1, p1;
	[sflag:s2] =	ssyncset.done @!p3 $0x0;
	p1 =	seq.s32 s29, $0x1  }
0x383: {  	[sflag:s2] =	ssyncadd.s32 @!p3 $0xFFFFFFC0;
	s2 =	simm.s32 @!p1 $0x3  }
0x384: {  	_ =	swait.ge @!p1 [sflag:s2], $0x40  }
0x385: {  	s31 =	sld [smem:$0x7E5]  }
0x386: {  	s30 =	sadd.s32 $0xFFFFFFFF, s0;
	[sflag:s2] =	ssyncset.done @!p1 $0x0  }
0x387: {  	[sflag:s2] =	ssyncadd.s32 @!p1 $0xFFFFFFC0;
	p1 =	sne.s32 s30, $0x0  }
.Ltmp14:
0x388: {  	p3 =	seq.s32 s31, $0x1;
	(pc) =	sbr.rel @!p1 .LBB2_18-.Ltmp14, $4  }
0x389: {  	s2 =	simm.s32 @!p3 $0x3  }
0x38a: {  	_ =	swait.ge @!p3 [sflag:s2], $0x40  }
0x38b: {  	[sflag:s2] =	ssyncset.done @!p3 $0x0  }
0x38c: {  	s0 =	simm.s32 @!p0 $0x3;
	[sflag:s2] =	ssyncadd.s32 @!p3 $0xFFFFFFC0;
	s2 =	sadd.s32 $0x10, s1  }
.LBB2_17:
0x38d: {  	_ =	swait.ge @!p0 [sflag:s0], $0x40  }
0x38e: {  	s30 =	sadd.s32 $0xFFFFFFFF, s30;
	s9 =	sld [smem:$0x7DA]  }
0x38f: {  	p1 =	sne.s32 s30, $0x0  }
0x390: {  	[sflag:s0] =	ssyncset.done @!p0 $0x0;
	s1 =	simm.s32 @!p1 $0x0  }
0x391: {  	[sflag:s0] =	ssyncadd.s32 @!p0 $0xFFFFFFC0;
	s1 =	simm.s32 @p1 $0x1;
	p0 =	seq.s32 s9, $0x1  }
0x392: {  	[smem:$0x7D9] =	sst s1;
	s0 =	simm.s32 @!p0 $0x3  }
0x393: {  	_ =	swait.ge @!p0 [sflag:s0], $0x40  }
0x394: {  	s10 =	sld [smem:$0x7DC];
	_ =	sdelay $0x1  }
0x395: {  	[sflag:s0] =	ssyncset.done @!p0 $0x0  }
0x396: {  	[sflag:s0] =	ssyncadd.s32 @!p0 $0xFFFFFFC0;
	p0 =	seq.s32 s10, $0x1  }
0x397: {  	s0 =	simm.s32 @!p0 $0x3  }
0x398: {  	_ =	swait.ge @!p0 [sflag:s0], $0x40  }
0x399: {  	s11 =	sld [smem:$0x7DD];
	_ =	sdelay $0x1  }
0x39a: {  	[sflag:s0] =	ssyncset.done @!p0 $0x0  }
0x39b: {  	[sflag:s0] =	ssyncadd.s32 @!p0 $0xFFFFFFC0;
	p0 =	seq.s32 s11, $0x1  }
0x39c: {  	s0 =	simm.s32 @!p0 $0x3  }
0x39d: {  	_ =	swait.ge @!p0 [sflag:s0], $0x40  }
0x39e: {  	[sflag:s0] =	ssyncset.done @!p0 $0x0  }
0x39f: {  	[sflag:s0] =	ssyncadd.s32 @!p0 $0xFFFFFFC0;
	s0 =	simm.s32 @!p2 $0x3  }
0x3a0: {  	_ =	swait.ge @!p2 [sflag:s0], $0x40  }
0x3a1: {  	s12 =	sld [smem:$0x7DB];
	_ =	sdelay $0x2  }
0x3a2: {  	[sflag:s0] =	ssyncset.done @!p2 $0x0;
	p0 =	seq.s32 s12, $0x1  }
0x3a3: {  	[sflag:s0] =	ssyncadd.s32 @!p2 $0xFFFFFFC0;
	s0 =	simm.s32 @!p0 $0x3  }
0x3a4: {  	_ =	swait.ge @!p0 [sflag:s0], $0x40  }
0x3a5: {  	s13 =	sld [smem:$0x7DE];
	_ =	sdelay $0x1  }
0x3a6: {  	[sflag:s0] =	ssyncset.done @!p0 $0x0  }
0x3a7: {  	[sflag:s0] =	ssyncadd.s32 @!p0 $0xFFFFFFC0;
	p0 =	seq.s32 s13, $0x1  }
0x3a8: {  	s0 =	simm.s32 @!p0 $0x3  }
0x3a9: {  	_ =	swait.ge @!p0 [sflag:s0], $0x40  }
0x3aa: {  	[sflag:s0] =	ssyncset.done @!p0 $0x0  }
0x3ab: {  	[sflag:s0] =	ssyncadd.s32 @!p0 $0xFFFFFFC0;
	s0 =	simm.s32 @!p4 $0x3  }
0x3ac: {  	_ =	swait.ge @!p4 [sflag:s0], $0x40  }
0x3ad: {  	s14 =	sld [smem:$0x7DF];
	_ =	sdelay $0x1  }
0x3ae: {  	s26 =	sadd.s32 $0x10, s26  }
0x3af: {  	s3 =	sadd.s32 $0xFFFFFFFF, s26;
	[sflag:s0] =	ssyncset.done @!p4 $0x0;
	p0 =	seq.s32 s14, $0x1  }
0x3b0: {  	s4 =	sadd.s32 $0xFFFFFFF4, s26;
	[sflag:s0] =	ssyncadd.s32 @!p4 $0xFFFFFFC0;
	s0 =	simm.s32 @!p0 $0x3  }
0x3b1: {  	s6 =	sadd.s32 $0xFFFFFFF3, s26;
	s7 =	sadd.s32 $0xFFFFFFF9, s26;
	_ =	swait.ge @!p0 [sflag:s0], $0x40  }
0x3b2: {  	s17 =	sadd.s32 $0xFFFFFFF2, s26;
	p5 =	sge.s32 s7, s25;
	[sflag:s0] =	ssyncset.done @!p0 $0x0  }
0x3b3: {  	[sflag:s0] =	ssyncadd.s32 @!p0 $0xFFFFFFC0;
	p0 =	sge.s32 s6, s25;
	s6 =	simm.s32 @!p5 $0x0  }
0x3b4: {  	s18 =	sadd.s32 $0xFFFFFFF7, s26;
	s0 =	simm.s32 @!p0 $0x0;
	s6 =	simm.s32 @p5 $0x1  }
0x3b5: {  	s19 =	sadd.s32 $0xFFFFFFFD, s26;
	s0 =	simm.s32 @p0 $0x1;
	[smem:$0x7DA] =	sst s6  }
0x3b6: {  	s20 =	sadd.s32 $0xFFFFFFF1, s26;
	v6 =	vld [tilespmem:s2+$0x0];
	p0 =	sge.s32 s17, s25;
	[smem:$0x7D3] =	sst s0  }
0x3b7: {  	s21 =	sadd.s32 $0xFFFFFFF5, s26;
	s0 =	simm.s32 @!p0 $0x0;
	s7 =	sld [smem:$0x7DA]  }
0x3b8: {  	p1 =	sge.s32 s3, s25;
	s0 =	simm.s32 @p0 $0x1;
	s28 =	sld [smem:$0x7D3]  }
0x3b9: {  	p3 =	sge.s32 s19, s25;
	[smem:$0x7D2] =	sst s0;
	s0 =	simm.s32 @!p1 $0x0  }
0x3ba: {  	s13 =	sld [smem:$0x7D3];
	s0 =	simm.s32 @p1 $0x1;
	p1 =	sge.s32 s18, s25  }
0x3bb: {  	p4 =	sge.s32 s4, s25;
	v5 =	vand.u32 $0x3FFF, v6;
	[smem:$0x7D0] =	sst s0;
	s0 =	simm.s32 @!p1 $0x0  }
0x3bc: {  	p0 =	sge.s32 s20, s25;
	s29 =	sld [smem:$0x7D2];
	(v2sf) =	vpush @!p3 v5, $0xC;
	s0 =	simm.s32 @p1 $0x1  }
0x3bd: {  	(v2sf) =	vpush @!p5 v5, $0x8;
	p5 =	sge.s32 s21, s25;
	[smem:$0x7D8] =	sst s0;
	s0 =	simm.s32 @!p0 $0x0  }
0x3be: {  	s1 =	simm.s32 @!p5 $0x0;
	s0 =	simm.s32 @p0 $0x1;
	s4 =	sld [smem:$0x7D8]  }
0x3bf: {  	s15 =	sadd.s32 $0xFFFFFFFE, s26;
	s1 =	simm.s32 @p5 $0x1;
	[smem:$0x7D1] =	sst s0  }
0x3c0: {  	p0 =	sge.s32 s15, s25;
	[smem:$0x7D5] =	sst s1  }
0x3c1: {  	s5 =	sadd.s32 $0xFFFFFFF6, s26;
	s0 =	simm.s32 @!p0 $0x0;
	s6 =	sld [smem:$0x7D1]  }
0x3c2: {  	p2 =	sge.s32 s5, s25;
	s0 =	simm.s32 @p0 $0x1;
	s14 =	sld [smem:$0x7D5]  }
0x3c3: {  	s16 =	sadd.s32 $0xFFFFFFF8, s26;
	[smem:$0x7DE] =	sst s0;
	s0 =	simm.s32 @!p2 $0x0  }
0x3c4: {  	p6 =	sge.s32 s16, s25;
	s0 =	simm.s32 @p2 $0x1;
	s8 =	sld [smem:$0x7DE]  }
0x3c5: {  	[smem:$0x7D7] =	sst s0;
	s0 =	simm.s32 @!p6 $0x0  }
0x3c6: {  	(v2sf) =	vpush @!p1 v5, $0x6;
	s0 =	simm.s32 @p6 $0x1;
	s5 =	sld [smem:$0x7D7]  }
0x3c7: {  	(v2sf) =	vpush @!p0 v5, $0xD;
	[smem:$0x7D6] =	sst s0;
	s0 =	simm.s32 @!p4 $0x0  }
0x3c8: {  	s23 =	sadd.s32 $0xFFFFFFFB, s26;
	(v2sf) =	vpush @!p2 v5, $0x5;
	s0 =	simm.s32 @p4 $0x1;
	s12 =	sld [smem:$0x7D6]  }
0x3c9: {  	s24 =	sadd.s32 $0xFFFFFFFC, s26;
	v6 =	vshrl.u32 v6, $0xE;
	(v2sf) =	vpush @!p4 v5, $0x3;
	[smem:$0x7D4] =	sst s0;
	s0 =	simm.s32 @!p4 $0x0  }
0x3ca: {  	s31 =	sadd.s32 $0xFFFFFFFA, s26;
	v6 =	vadd.s32 $0xFFFF85F0, v6;
	(v2sf) =	vpush @!p6 v5, $0x7;
	[dreg:$0x11] =	wrdreg s0;
	s0 =	simm.s32 @!p5 $0x0  }
0x3cb: {  	p0 =	sge.s32 s23, s25;
	(v2sf) =	vpush @!p6 v6, $0x7;
	[dreg:$0x10] =	wrdreg s0;
	s0 =	simm.s32 @!p6 $0x0  }
0x3cc: {  	p1 =	seq.s32 s28, $0x1;
	(v2sf) =	vpush @!p2 v6, $0x5;
	[dreg:$0xc] =	wrdreg s0;
	s0 =	simm.s32 @!p0 $0x0  }
0x3cd: {  	(v2sf) =	vpush @!p4 v6, $0x3;
	s9 =	sld [smem:$0x7D4];
	s0 =	simm.s32 @p0 $0x1;
	p0 =	sge.s32 s24, s25  }
0x3ce: {  	(v2sf) =	vpush @!p1 v5, $0x2;
	p6 =	seq.s32 s29, $0x1;
	[smem:$0x7DD] =	sst s0;
	s1 =	simm.s32 @!p0 $0x0  }
0x3cf: {  	p2 =	seq.s32 s4, $0x1;
	(v2sf) =	vpush @!p6 v5, $0x1;
	s0 =	simm.s32 @!p0 $0x0;
	[dreg:$0x8] =	wrdreg s1  }
0x3d0: {  	(v2sf) =	vpush @!p5 v5, $0x4;
	s0 =	simm.s32 @p0 $0x1;
	p0 =	sge.s32 s31, s25;
	s11 =	sld [smem:$0x7DD]  }
0x3d1: {  	s3 =	simm.s32 @!p1 $0x0;
	(v2sf) =	vpush @!p2 v6, $0x6;
	[smem:$0x7CF] =	sst s0;
	s0 =	simm.s32 @!p0 $0x0  }
0x3d2: {  	p4 =	seq.s32 s6, $0x1;
	(v2sf) =	vpush @!p5 v6, $0x4;
	s19 =	sld [smem:$0x7DD];
	s0 =	simm.s32 @p0 $0x1  }
0x3d3: {  	(v2sf) =	vpush @!p1 v6, $0x2;
	p1 =	seq.s32 s5, $0x1;
	[smem:$0x7DC] =	sst s0;
	s0 =	simm.s32 @!p2 $0x0  }
0x3d4: {  	s1 =	simm.s32 @!p1 $0x0;
	[dreg:$0x12] =	wrdreg s0;
	s0 =	simm.s32 @!p3 $0x0  }
0x3d5: {  	s4 =	simm.s32 @!p4 $0x0;
	[dreg:$0x14] =	wrdreg s1;
	s0 =	simm.s32 @p3 $0x1  }
0x3d6: {  	s23 =	simm.s32 @!p6 $0x0;
	[smem:$0x7DB] =	sst s0;
	s0 =	simm.s32 @!p3 $0x0  }
0x3d7: {  	p0 =	seq.s32 s7, $0x1;
	[dreg:$0xa] =	wrdreg s0;
	s0 =	spop @!p3 (v2sf)  }
0x3d8: {  	p5 =	seq.s32 s11, $0x1;
	(v2sf) =	vpush @!p4 v5, $0x0;
	s0 =	sshll.u32 @!p3 s0, $0x3;
	s1 =	spop @!p0 (v2sf)  }
0x3d9: {  	(v2sf) =	vpush @!p6 v6, $0x1;
	p6 =	seq.s32 s13, $0x1;
	s1 =	sshll.u32 @!p0 s1, $0x3;
	s10 =	sadd.s32 @!p3 s22, s0  }
0x3da: {  	s21 =	spop @!p2 (v2sf);
	p3 =	por p0, p0;
	p2 =	sge.s32 s26, s25  }
0x3db: {  	s29 =	sadd.s32 @!p0 s22, s1;
	p0 =	seq.s32 s8, $0x1;
	s1 =	simm.s32 @!p2 $0x0  }
0x3dc: {  	s8 =	sld [smem:$0x7D2];
	s0 =	spop @!p0 (v2sf);
	s1 =	simm.s32 @p2 $0x1  }
0x3dd: {  	p2 =	seq.s32 s9, $0x1;
	s9 =	sld [smem:$0x7DC];
	s0 =	sshll.u32 @!p0 s0, $0x3  }
0x3de: {  	[smem:$0x7DF] =	sst s1;
	s17 =	spop @!p1 (v2sf);
	s1 =	simm.s32 @!p0 $0x0  }
0x3df: {  	s18 =	sadd.s32 @!p0 s22, s0;
	s0 =	spop @!p2 (v2sf);
	p0 =	seq.s32 s12, $0x1  }
0x3e0: {  	(v2sf) =	vpush @!p4 v6, $0x0;
	s5 =	simm.s32 @!p3 $0x0;
	[dreg:$0xe] =	wrdreg s1;
	s1 =	spop @!p0 (v2sf)  }
0x3e1: {  	(v2sf) =	vpush @!p5 v6, $0xA;
	s12 =	sld [smem:$0x7D2];
	s0 =	sshll.u32 @!p2 s0, $0x3;
	s6 =	spop @!p0 (v2sf)  }
0x3e2: {  	(v2sf) =	vpush @!p5 v5, $0xA;
	p5 =	seq.s32 s9, $0x1;
	s1 =	sshll.u32 @!p0 s1, $0x3;
	s6 =	sshll.u32 @!p0 s6, $0x9  }
0x3e3: {  	s24 =	sadd.s32 @!p0 s22, s1;
	s1 =	spop @!p1 (v2sf);
	(v2sf) =	vpush @!p3 v6, $0x8;
	p3 =	por p1, p1  }
0x3e4: {  	s1 =	sshll.u32 @!p1 s1, $0x9;
	s6 =	sshra.s32 @!p0 s6, $0x2;
	s7 =	spop @!p2 (v2sf)  }
0x3e5: {  	s11 =	sshra.s32 @!p1 s1, $0x2;
	s1 =	spop @!p6 (v2sf);
	p1 =	seq.s32 s8, $0x1  }
0x3e6: {  	p0 =	por p2, p2;
	s17 =	sshll.u32 @!p3 s17, $0x3;
	s15 =	spop @!p1 (v2sf)  }
0x3e7: {  	s7 =	sshll.u32 @!p2 s7, $0x9;
	s1 =	sshll.u32 @!p6 s1, $0x3;
	s16 =	sshll.u32 @!p1 s15, $0x3  }
0x3e8: {  	s15 =	sadd.s32 @!p6 s22, s1;
	s1 =	sadd.s32 @!p1 s22, s16;
	s16 =	sld [smem:$0x7D8]  }
0x3e9: {  	s31 =	sadd.s32 @!p0 s22, s0;
	s7 =	sshra.s32 @!p2 s7, $0x2;
	p2 =	seq.s32 s14, $0x1  }
0x3ea: {  	s14 =	sld [smem:$0x7CF];
	s20 =	spop @!p2 (v2sf);
	p1 =	por p2, p2  }
0x3eb: {  	s20 =	sshll.u32 @!p2 s20, $0x3;
	p2 =	seq.s32 s16, $0x1;
	s16 =	sadd.s32 @!p0 $0xFB00, s7  }
0x3ec: {  	s7 =	sadd.s32 @!p1 s22, s20;
	s8 =	spop @!p2 (v2sf);
	s21 =	sshll.u32 @!p2 s21, $0x3  }
0x3ed: {  	p0 =	por p1, p1;
	s20 =	spop @!p1 (v2sf);
	s21 =	sadd.s32 @!p2 s22, s21  }
0x3ee: {  	s0 =	sshll.u32 @!p1 s20, $0x9;
	s20 =	spop @!p6 (v2sf);
	p1 =	por p3, p3  }
0x3ef: {  	p3 =	por p4, p4;
	s20 =	sshll.u32 @!p6 s20, $0x9;
	s9 =	spop @!p4 (v2sf)  }
0x3f0: {  	(v2sf) =	vpush @!p5 v6, $0x9;
	s0 =	sshra.s32 @!p0 s0, $0x2;
	p4 =	por p0, p0;
	s17 =	sadd.s32 @!p1 s22, s17  }
0x3f1: {  	(v2sf) =	vpush @!p5 v5, $0x9;
	p6 =	seq.s32 s12, $0x1;
	p0 =	por p3, p3;
	p5 =	seq.s32 s19, $0x1  }
0x3f2: {  	s12 =	spop @!p6 (v2sf);
	s9 =	sshll.u32 @!p3 s9, $0x3;
	p2 =	por p0, p0  }
0x3f3: {  	s13 =	spop @!p3 (v2sf);
	p3 =	seq.s32 s14, $0x1;
	s12 =	sshll.u32 @!p6 s12, $0x9  }
0x3f4: {  	s9 =	sadd.s32 @!p0 s22, s9;
	s22 =	sld [smem:$0x7D3];
	s13 =	sshll.u32 @!p0 s13, $0x9  }
0x3f5: {  	(v2sf) =	vpush @!p3 v6, $0xB;
	s12 =	sshra.s32 @!p6 s12, $0x2;
	s14 =	spop @!p5 (v2sf);
	s13 =	sshra.s32 @!p0 s13, $0x2  }
0x3f6: {  	s19 =	spop @!p5 (v2sf);
	(v2sf) =	vpush @!p3 v5, $0xB;
	p3 =	por p6, p6;
	s12 =	sadd.s32 @!p6 $0xFB00, s12  }
0x3f7: {  	s13 =	sadd.s32 @!p0 $0xFB00, s13;
	p6 =	seq.s32 s22, $0x1;
	s22 =	sld [smem:$0x7DA]  }
0x3f8: {  	[tilespmem:s13], [sflag:$0x3] =	stream.linear.gather @!p2 [hbm4b:s9+s4], $0x40, $0x38;
	[tilespmem:$0x1DB00] =	vst v63  }
0x3f9: {  	s9 =	rddreg [dreg:$0x2]  }
0x3fa: {  	s28 =	sadd.s32 @!p4 $0xFB00, s0;
	s19 =	sshll.u32 @!p5 s19, $0x3;
	s13 =	sld [smem:$0x7DC]  }
0x3fb: {  	s9 =	sadd.s32 @!p5 s9, s19;
	s19 =	sld [smem:$0x7DF];
	p1 =	seq.s32 s22, $0x1  }
0x3fc: {  	[tilespmem:s12], [sflag:$0x3] =	stream.linear.gather @!p3 [hbm4b:s1+s23], $0x40, $0x38;
	[tilespmem:$0x1DB00] =	vst v63  }
0x3fd: {  	s0 =	sshra.s32 @!p6 s20, $0x2;
	s23 =	sld [smem:$0x7D0];
	s20 =	spop @!p1 (v2sf)  }
0x3fe: {  	s22 =	sadd.s32 @!p6 $0xFB00, s0;
	s0 =	sshll.u32 @!p1 s20, $0x9;
	s20 =	sld [smem:$0x7DB]  }
0x3ff: {  	s12 =	sld [smem:$0x7D7]  }
0x400: {  	p2 =	seq.s32 s13, $0x1;
	s13 =	rddreg [dreg:$0x10]  }
0x401: {  	s14 =	sshll.u32 @!p5 s14, $0x9;
	p0 =	seq.s32 s20, $0x1;
	s20 =	sld [smem:$0x7D8]  }
0x402: {  	[tilespmem:s22], [sflag:$0x3] =	stream.linear.gather @!p6 [hbm4b:s15+s3], $0x40, $0x38;
	[tilespmem:$0x1DB00] =	vst v63  }
0x403: {  	s14 =	sshra.s32 @!p5 s14, $0x2;
	s22 =	rddreg [dreg:$0x2]  }
0x404: {  	s15 =	sld [smem:$0x7D4];
	p4 =	seq.s32 s20, $0x1;
	s20 =	sshra.s32 @!p1 s0, $0x2  }
0x405: {  	s0 =	sadd.s32 @!p5 $0xFB00, s14;
	s14 =	sld [smem:$0x7DE];
	s8 =	sshll.u32 @!p4 s8, $0x9  }
0x406: {  	s4 =	sshra.s32 @!p4 s8, $0x2;
	s8 =	sadd.s32 @!p1 $0xFB00, s20;
	s20 =	sld [smem:$0x7CF]  }
0x407: {  	p1 =	seq.s32 s23, $0x1;
	s23 =	sld [smem:$0x7D5]  }
0x408: {  	p3 =	seq.s32 s19, $0x1;
	(v2sf) =	vpush @!p0 v6, $0xC;
	p0 =	seq.s32 s14, $0x1;
	s14 =	sld [smem:$0x7D6]  }
0x409: {  	s4 =	sadd.s32 @!p4 $0xFB00, s4;
	(v2sf) =	vpush @!p0 v6, $0xD;
	p0 =	seq.s32 s12, $0x1;
	s12 =	rddreg [dreg:$0x11]  }
0x40a: {  	s1 =	sadd.s32 @!p0 $0xFB00, s11;
	p0 =	seq.s32 s15, $0x1;
	s15 =	sld [smem:$0x7DE]  }
0x40b: {  	[tilespmem:s16], [sflag:$0x3] =	stream.linear.gather @!p0 [hbm4b:s31+s12], $0x40, $0x38;
	[tilespmem:$0x1DB00] =	vst v63  }
0x40c: {  	s11 =	spop @!p2 (v2sf);
	p4 =	seq.s32 s23, $0x1;
	s31 =	sld [smem:$0x7D8]  }
0x40d: {  	p6 =	seq.s32 s14, $0x1;
	p0 =	seq.s32 s20, $0x1;
	s14 =	sld [smem:$0x7DB]  }
0x40e: {  	s16 =	sld [smem:$0x7DA];
	s3 =	sadd.s32 @!p6 $0xFB00, s6;
	s6 =	sshll.u32 @!p2 s11, $0x9  }
0x40f: {  	(v2sf) =	vpush @!p1 v6, $0xE;
	[tilespmem:s28], [sflag:$0x3] =	stream.linear.gather @!p4 [hbm4b:s7+s13], $0x40, $0x38;
	[tilespmem:$0x1DB00] =	vst v63  }
0x410: {  	s11 =	spop @!p2 (v2sf);
	s6 =	sshra.s32 @!p2 s6, $0x2;
	s28 =	sld [smem:$0x7D7]  }
0x411: {  	s11 =	sshll.u32 @!p2 s11, $0x3;
	s12 =	spop @!p0 (v2sf);
	s13 =	rddreg [dreg:$0x12]  }
0x412: {  	(v2sf) =	vpush @!p3 v6, $0xF;
	p4 =	por p0, p0;
	s6 =	sadd.s32 @!p2 $0xFB00, s6;
	s7 =	sadd.s32 @!p2 s22, s11  }
0x413: {  	(v2sf) =	vpush @!p1 v5, $0xE;
	s11 =	sshll.u32 @!p0 s12, $0x9;
	s12 =	rddreg [dreg:$0x14];
	p1 =	seq.s32 s28, $0x1  }
0x414: {  	[tilespmem:s1], [sflag:$0x3] =	stream.linear.gather @!p1 [hbm4b:s17+s12], $0x40, $0x38;
	[tilespmem:$0x1DB00] =	vst v63  }
0x415: {  	s11 =	sshra.s32 @!p0 s11, $0x2;
	s1 =	simm.s32 @!p5 $0x0;
	p1 =	seq.s32 s31, $0x1  }
0x416: {  	[tilespmem:s4], [sflag:$0x3] =	stream.linear.gather @!p1 [hbm4b:s21+s13], $0x40, $0x38;
	[tilespmem:$0x1DB00] =	vst v63  }
0x417: {  	s12 =	spop @!p0 (v2sf);
	s17 =	sld [smem:$0x7D0];
	s4 =	sadd.s32 @!p0 $0xFB00, s11  }
0x418: {  	s11 =	sshll.u32 @!p0 s12, $0x3;
	p1 =	seq.s32 s14, $0x1;
	s13 =	rddreg [dreg:$0xc]  }
0x419: {  	[tilespmem:s3], [sflag:$0x3] =	stream.linear.gather @!p6 [hbm4b:s24+s13], $0x40, $0x38;
	[tilespmem:$0x1DB00] =	vst v63  }
0x41a: {  	s12 =	spop @!p1 (v2sf);
	s3 =	sadd.s32 @!p0 s22, s11;
	p6 =	por p1, p1  }
0x41b: {  	(v2sf) =	vpush @!p3 v5, $0xF;
	s11 =	sshll.u32 @!p1 s12, $0x9;
	p1 =	seq.s32 s15, $0x1;
	p0 =	seq.s32 s16, $0x1  }
0x41c: {  	[tilespmem:s8], [sflag:$0x3] =	stream.linear.gather @!p0 [hbm4b:s29+s5], $0x40, $0x38;
	[tilespmem:$0x1DB00] =	vst v63  }
0x41d: {  	s5 =	sshra.s32 @!p6 s11, $0x2;
	p0 =	seq.s32 s17, $0x1;
	s12 =	spop @!p1 (v2sf)  }
0x41e: {  	s8 =	sshll.u32 @!p1 s12, $0x9;
	s11 =	spop @!p0 (v2sf);
	s12 =	simm.s32 @!p2 $0x0  }
0x41f: {  	[tilespmem:s6], [sflag:$0x3] =	stream.linear.gather @!p2 [hbm4b:s7+s12], $0x40, $0x38;
	[tilespmem:$0x1DB00] =	vst v63  }
0x420: {  	s5 =	sadd.s32 @!p6 $0xFB00, s5;
	s6 =	sshra.s32 @!p1 s8, $0x2;
	s7 =	sshll.u32 @!p0 s11, $0x9  }
0x421: {  	[tilespmem:s0], [sflag:$0x3] =	stream.linear.gather @!p5 [hbm4b:s9+s1], $0x40, $0x38;
	[tilespmem:$0x1DB00] =	vst v63  }
0x422: {  	p2 =	por p3, p3;
	s0 =	sadd.s32 @!p1 $0xFB00, s6;
	s1 =	sshra.s32 @!p0 s7, $0x2  }
0x423: {  	s6 =	spop @!p3 (v2sf);
	s7 =	rddreg [dreg:$0x8];
	p5 =	por p4, p4  }
0x424: {  	[tilespmem:s4], [sflag:$0x3] =	stream.linear.gather @!p4 [hbm4b:s3+s7], $0x40, $0x38;
	[tilespmem:$0x1DB00] =	vst v63  }
0x425: {  	s1 =	sadd.s32 @!p0 $0xFB00, s1;
	s3 =	sshll.u32 @!p2 s6, $0x9;
	s6 =	rddreg [dreg:$0xa]  }
0x426: {  	[tilespmem:s5], [sflag:$0x3] =	stream.linear.gather @!p6 [hbm4b:s10+s6], $0x40, $0x38;
	[tilespmem:$0x1DB00] =	vst v63  }
0x427: {  	s4 =	spop @!p0 (v2sf);
	p4 =	por p0, p0;
	s6 =	rddreg [dreg:$0xe]  }
0x428: {  	[tilespmem:s0], [sflag:$0x3] =	stream.linear.gather @!p1 [hbm4b:s18+s6], $0x40, $0x38;
	[tilespmem:$0x1DB00] =	vst v63  }
0x429: {  	s4 =	sshll.u32 @!p0 s4, $0x3;
	s3 =	sshra.s32 @!p2 s3, $0x2;
	s18 =	sld [smem:$0x7D1]  }
0x42a: {  	s5 =	spop @!p2 (v2sf);
	s0 =	sadd.s32 @!p0 s22, s4;
	s4 =	simm.s32 @!p0 $0x0  }
0x42b: {  	[tilespmem:s1], [sflag:$0x3] =	stream.linear.gather @!p0 [hbm4b:s0+s4], $0x40, $0x38;
	[tilespmem:$0x1DB00] =	vst v63  }
0x42c: {  	s5 =	sshll.u32 @!p2 s5, $0x3;
	s0 =	sadd.s32 @!p2 $0xFB00, s3;
	p0 =	seq.s32 s18, $0x1  }
0x42d: {  	s1 =	sadd.s32 @!p2 s22, s5;
	s4 =	simm.s32 @!p2 $0x0;
	s3 =	simm.s32 @!p0 $0x3  }
0x42e: {  	[tilespmem:s0], [sflag:$0x3] =	stream.linear.gather @!p2 [hbm4b:s1+s4], $0x40, $0x38;
	[tilespmem:$0x1DB00] =	vst v63  }
0x42f: {  	_ =	swait.ge @!p0 [sflag:s3], $0x40  }
0x430: {  	s19 =	sld [smem:$0x7D2];
	_ =	sdelay $0x1  }
0x431: {  	[sflag:s3] =	ssyncset.done @!p0 $0x0  }
0x432: {  	[sflag:s3] =	ssyncadd.s32 @!p0 $0xFFFFFFC0;
	p0 =	seq.s32 s19, $0x1  }
0x433: {  	s0 =	simm.s32 @!p0 $0x3  }
0x434: {  	_ =	swait.ge @!p0 [sflag:s0], $0x40  }
0x435: {  	s20 =	sld [smem:$0x7D3];
	_ =	sdelay $0x1  }
0x436: {  	[sflag:s0] =	ssyncset.done @!p0 $0x0  }
0x437: {  	[sflag:s0] =	ssyncadd.s32 @!p0 $0xFFFFFFC0;
	p0 =	seq.s32 s20, $0x1  }
0x438: {  	s0 =	simm.s32 @!p0 $0x3  }
0x439: {  	_ =	swait.ge @!p0 [sflag:s0], $0x40  }
0x43a: {  	s21 =	sld [smem:$0x7D4];
	_ =	sdelay $0x1  }
0x43b: {  	[sflag:s0] =	ssyncset.done @!p0 $0x0  }
0x43c: {  	[sflag:s0] =	ssyncadd.s32 @!p0 $0xFFFFFFC0;
	p0 =	seq.s32 s21, $0x1  }
0x43d: {  	s0 =	simm.s32 @!p0 $0x3  }
0x43e: {  	_ =	swait.ge @!p0 [sflag:s0], $0x40  }
0x43f: {  	s23 =	sld [smem:$0x7D5];
	_ =	sdelay $0x1  }
0x440: {  	[sflag:s0] =	ssyncset.done @!p0 $0x0  }
0x441: {  	[sflag:s0] =	ssyncadd.s32 @!p0 $0xFFFFFFC0;
	p0 =	seq.s32 s23, $0x1  }
0x442: {  	s0 =	simm.s32 @!p0 $0x3  }
0x443: {  	_ =	swait.ge @!p0 [sflag:s0], $0x40  }
0x444: {  	s28 =	sld [smem:$0x7D7];
	_ =	sdelay $0x2  }
0x445: {  	[sflag:s0] =	ssyncset.done @!p0 $0x0;
	p1 =	seq.s32 s28, $0x1  }
0x446: {  	[sflag:s0] =	ssyncadd.s32 @!p0 $0xFFFFFFC0;
	s0 =	simm.s32 @!p1 $0x3  }
0x447: {  	s24 =	sld [smem:$0x7D6];
	_ =	swait.ge @!p1 [sflag:s0], $0x40  }
0x448: {  	s29 =	sld [smem:$0x7D8];
	_ =	sdelay $0x1  }
0x449: {  	[sflag:s0] =	ssyncset.done @!p1 $0x0  }
0x44a: {  	[sflag:s0] =	ssyncadd.s32 @!p1 $0xFFFFFFC0;
	p1 =	seq.s32 s29, $0x1  }
0x44b: {  	s0 =	simm.s32 @!p1 $0x3  }
0x44c: {  	_ =	swait.ge @!p1 [sflag:s0], $0x40  }
0x44d: {  	s31 =	sld [smem:$0x7D9];
	_ =	sdelay $0x1  }
0x44e: {  	[sflag:s0] =	ssyncset.done @!p1 $0x0  }
0x44f: {  	[sflag:s0] =	ssyncadd.s32 @!p1 $0xFFFFFFC0;
	p1 =	seq.s32 s31, $0x1  }
.Ltmp15:
0x450: {  	_ = 	snop;
	(pc) =	sbr.rel @p1 .LBB2_17-.Ltmp15, $3  }
0x451: {  	_ =	sdelay $0x1  }
0x452: {  	p0 =	seq.s32 s24, $0x1  }
0x453: {  	s2 =	sadd.s32 $0x10, s2;
	p2 =	por p5, p5;
	s0 =	simm.s32 @!p0 $0x3  }
.Ltmp16:
0x454: {  	_ = 	snop;
	(pc) =	sbr.rel .LBB2_18-.Ltmp16, $1  }
0x455: {  	_ =	sdelay $0x3  }
.LBB2_21:
0x456: {  	_ =	sfence.sel $0x180000  }
0x457: {  	[bflag:$0x0] =	sbarrier.arrive $0xFFFF  }
0x458: {  	_ =	strace $0x90000047  }
0x459: {  	s0 =	stileid.u32;
	[bflag:$0x2] =	sbarrier.arrive $0xFFFF  }
0x45a: {  	p0 =	sne.s32 s0, $0x0;
	s0 =	rddreg [dreg:$0x3]  }
0x45b: {  	s0 =	sadd.s32 @!p0 $0x100000, s0  }
0x45c: {  	[sflag:s0] =	ssyncadd.tile.s32 @!p0 $0x1;
	_ =	shalt  }
.Lfunc_end2:
_tile_overlayer_lowered:
.L_overlay_start_2:
0x45d: {  	(tag) =	ssettag $0x2  }
0x45e: {  	s0 =	rddreg [dreg:$0x0];
	s2 =	stileid.u32  }
0x45f: {  	s1 =	rddreg [dreg:$0x1];
	p0 =	sne.s32 s2, $0x0  }
0x460: {  	s3 =	rddreg [dreg:$0x2];
	[bflag:$0x3] =	sbarrier.arrive $0xFFFF;
	s2 =	simm.s32 @!p0 $0x1C04  }
0x461: {  	[timem:s3], [sflag:s2] =	dma.local @!p0 [hbm:s0], s1  }
0x462: {  	s0 =	simm.s32 @!p0 $0x4  }
0x463: {  	_ =	swait.ge @!p0 [sflag:s0], s1  }
0x464: {  	s1 =	ssub.s32 @!p0 $0x0, s1;
	[sflag:s0] =	ssyncset.done @!p0 $0x0  }
0x465: {  	[sflag:s0] =	ssyncadd.s32 @!p0 s1  }
0x466: {  	[bflag:$0x3] =	sbarrier.arrive $0xFFFF  }
0x467: {  	_ =	shalt  }

</sc_bundles>
